<compile_context>
chip_gen: v7x
topology: tpu7x:2x2x1
jax: 0.10.2.dev20260603
libtpu: 0.0.44.dev20260713+nightly
codegen_flags: <defaults>
</compile_context>

<pallas_src>
import functools

import jax
import jax.numpy as jnp
from jax import lax
from jax.experimental import pallas as pl
from jax.experimental.pallas import tpu as pltpu
from jax.experimental.pallas import tpu_sc as plsc

N = 10000
E = 320000
D = 128
H = 8
P = 16

NC = 2
NS = 16
CHUNK = 80
EDGES_PER_TILE = E // (NC * NS)
NUM_CHUNKS = EDGES_PER_TILE // CHUNK
ROWS_PER_TILE = 624
ROWS_TAIL = N - ROWS_PER_TILE * NS


def _mm_body(x_ref, ws_ref, wd_ref, hs_ref, hd_ref):
    xb = x_ref[...]
    hs_ref[...] = jnp.dot(xb, ws_ref[...], preferred_element_type=jnp.float32)
    hd_ref[...] = jnp.dot(xb, wd_ref[...], preferred_element_type=jnp.float32)


def _project(x, W_src, W_dst):
    blk = 400
    grid = N // blk
    return pl.pallas_call(
        _mm_body,
        grid=(grid,),
        in_specs=[
            pl.BlockSpec((blk, D), lambda i: (i, 0)),
            pl.BlockSpec((D, H * P), lambda i: (0, 0)),
            pl.BlockSpec((D, H * P), lambda i: (0, 0)),
        ],
        out_specs=[
            pl.BlockSpec((blk, H * P), lambda i: (i, 0)),
            pl.BlockSpec((blk, H * P), lambda i: (i, 0)),
        ],
        out_shape=[
            jax.ShapeDtypeStruct((N, H * P), jnp.float32),
            jax.ShapeDtypeStruct((N, H * P), jnp.float32),
        ],
    )(x, W_src, W_dst)


_GATHER_DN = lax.GatherDimensionNumbers(
    offset_dims=(), collapsed_slice_dims=(0,), start_index_map=(0,))


def _shuf(v, idx):
    return lax.gather(v, idx.reshape(16, 1), _GATHER_DN, (1,),
                      mode=lax.GatherScatterMode.PROMISE_IN_BOUNDS)
NPAD = 10240
TILE_ROWS = NPAD // NS
DPAD = NPAD // 8
DTILE = DPAD // NS
BQ = 40
NCH = EDGES_PER_TILE // BQ


def _sc_body(hs_hbm, hd_hbm, src_hbm, dst_hbm, attn_hbm,
             num_hbm, den_hbm,
             acc_num, acc_den,
             srcX, dstX, srcY, dstY, didx,
             hsX, hdX, hsY, hdY, dmsg, attn_vm,
             sgx1, sgx2, sgy1, sgy2):
    cid = lax.axis_index("c")
    sid = lax.axis_index("s")
    zero16 = jnp.zeros((16,), jnp.float32)
    lane = lax.iota(jnp.int32, 16)

    def _zrow(r, _):
        for c in range(H):
            hsX[r, pl.ds(16 * c, 16)] = zero16
            dmsg[r, pl.ds(16 * c, 16)] = zero16
        return None
    lax.fori_loop(0, BQ, _zrow, None)

    row0 = sid * TILE_ROWS
    for j in range(TILE_ROWS // BQ):
        pltpu.sync_copy(hsX, acc_num.at[pl.ds(row0 + j * BQ, BQ)])
    for j in range(DTILE // BQ):
        pltpu.sync_copy(dmsg, acc_den.at[pl.ds(sid * DTILE + j * BQ, BQ)])
    pltpu.sync_copy(attn_hbm, attn_vm)
    plsc.subcore_barrier()

    av = [attn_vm[h, :] for h in range(H)]
    base0 = cid * (E // NC) + sid * EDGES_PER_TILE

    def _idx_load(src_v, dst_v, c):
        b = base0 + c * BQ
        pltpu.sync_copy(src_hbm.at[pl.ds(b, BQ)], src_v)
        pltpu.sync_copy(dst_hbm.at[pl.ds(b, BQ)], dst_v)

    def _compute(hs_buf, hd_buf, dst_v):
        for o in (0, 16, 24):
            didx[pl.ds(o, 16)] = jnp.right_shift(dst_v[pl.ds(o, 16)], 3)

        def _edge(ep, _):
          for e in (2 * ep, 2 * ep + 1):
            dv = zero16
            svecs = []
            for h in range(H):
                s_ = hs_buf[e, pl.ds(16 * h, 16)]
                d_ = hd_buf[e, pl.ds(16 * h, 16)]
                svecs.append(s_)
                t = s_ + d_
                t = jnp.where(t > 0.0, t, t * jnp.float32(0.2))
                u = t * av[h]
                for dist in (8, 4, 2, 1):
                    u = u + _shuf(u, lane ^ dist)
                dv = jnp.where(lane == h, u, dv)
            wall = jnp.where(lane < H, jnp.exp(dv), 0.0)
            for h in range(H):
                wv = _shuf(wall, jnp.full((16,), h, jnp.int32))
                hs_buf[e, pl.ds(16 * h, 16)] = wv * svecs[h]
            off = jnp.minimum((e // 16) * 16, BQ - 16)
            dvec = dst_v[pl.ds(off, 16)]
            dsp = _shuf(dvec, jnp.full((16,), 0, jnp.int32) + (e - off))
            blk_f = jnp.bitwise_and(dsp, 7).astype(jnp.float32)
            one = jnp.float32(1.0)
            for c in range(8):
                d = blk_f - jnp.float32(c)
                m = jnp.maximum(one - d * d, 0.0)
                dmsg[e, pl.ds(16 * c, 16)] = wall * m
          return None
        lax.fori_loop(0, BQ // 2, _edge, None)
        pltpu.sync_copy(hs_buf, acc_num.at[dst_v], add=True)
        pltpu.sync_copy(dmsg, acc_den.at[didx], add=True)

    _idx_load(srcX, dstX, 0)
    pltpu.async_copy(hs_hbm.at[srcX], hsX, sgx1)
    pltpu.async_copy(hd_hbm.at[dstX], hdX, sgx2)

    def _pair(j, _):
        cy = 2 * j + 1
        cn = 2 * j + 2
        cn = jnp.where(cn >= NCH, 0, cn)
        _idx_load(srcY, dstY, cy)
        gy1 = pltpu.async_copy(hs_hbm.at[srcY], hsY, sgy1)
        gy2 = pltpu.async_copy(hd_hbm.at[dstY], hdY, sgy2)
        pltpu.make_async_copy(hs_hbm.at[srcX], hsX, sgx1).wait()
        pltpu.make_async_copy(hd_hbm.at[dstX], hdX, sgx2).wait()
        _compute(hsX, hdX, dstX)
        _idx_load(srcX, dstX, cn)
        pltpu.async_copy(hs_hbm.at[srcX], hsX, sgx1)
        pltpu.async_copy(hd_hbm.at[dstX], hdX, sgx2)
        gy1.wait()
        gy2.wait()
        _compute(hsY, hdY, dstY)
        return None

    lax.fori_loop(0, NCH // 2, _pair, None)
    pltpu.make_async_copy(hs_hbm.at[srcX], hsX, sgx1).wait()
    pltpu.make_async_copy(hd_hbm.at[dstX], hdX, sgx2).wait()
    plsc.subcore_barrier()

    pltpu.sync_copy(acc_num.at[pl.ds(row0, TILE_ROWS)],
                    num_hbm.at[cid, pl.ds(row0, TILE_ROWS)])
    pltpu.sync_copy(acc_den.at[pl.ds(sid * DTILE, DTILE)],
                    den_hbm.at[cid, pl.ds(sid * DTILE, DTILE)])


def _sc_edge(hs, hd, src, dst, attn):
    mesh = plsc.VectorSubcoreMesh(core_axis_name="c", subcore_axis_name="s")
    fn = pl.kernel(
        _sc_body,
        out_type=[
            jax.ShapeDtypeStruct((NC, NPAD, H * P), jnp.float32),
            jax.ShapeDtypeStruct((NC, DPAD, H * P), jnp.float32),
        ],
        mesh=mesh,
        scratch_types=[
            pltpu.VMEM_SHARED((NPAD, H * P), jnp.float32),
            pltpu.VMEM_SHARED((DPAD, H * P), jnp.float32),
            pltpu.VMEM((BQ,), jnp.int32),
            pltpu.VMEM((BQ,), jnp.int32),
            pltpu.VMEM((BQ,), jnp.int32),
            pltpu.VMEM((BQ,), jnp.int32),
            pltpu.VMEM((BQ,), jnp.int32),
            pltpu.VMEM((BQ, H * P), jnp.float32),
            pltpu.VMEM((BQ, H * P), jnp.float32),
            pltpu.VMEM((BQ, H * P), jnp.float32),
            pltpu.VMEM((BQ, H * P), jnp.float32),
            pltpu.VMEM((BQ, H * P), jnp.float32),
            pltpu.VMEM((H, 16), jnp.float32),
            pltpu.SemaphoreType.DMA,
            pltpu.SemaphoreType.DMA,
            pltpu.SemaphoreType.DMA,
            pltpu.SemaphoreType.DMA,
        ],
    )
    return fn(hs, hd, src, dst, attn)


def _comb_body(num_ref, den_ref, out_ref):
    num = num_ref[0] + num_ref[1]
    den = den_ref[0] + den_ref[1]
    row = lax.broadcasted_iota(jnp.int32, (16, H * P), 0)
    col = lax.broadcasted_iota(jnp.int32, (16, H * P), 1)
    expand = (col // P == row).astype(jnp.float32)
    den_full = jnp.dot(den, expand, preferred_element_type=jnp.float32)
    out_ref[...] = jnp.maximum(num / (den_full + 1e-16), 0.0)


def _combine(num_p, den_flat):
    blk = 400
    grid = N // blk
    return pl.pallas_call(
        _comb_body,
        grid=(grid,),
        in_specs=[
            pl.BlockSpec((NC, blk, H * P), lambda i: (0, i, 0)),
            pl.BlockSpec((NC, blk, 16), lambda i: (0, i, 0)),
        ],
        out_specs=pl.BlockSpec((blk, H * P), lambda i: (i, 0)),
        out_shape=jax.ShapeDtypeStruct((N, H * P), jnp.float32),
    )(num_p, den_flat)


@jax.jit
def kernel(x, edge_index, W_src, W_dst, attn):
    ei = edge_index.astype(jnp.int32)
    src = ei[0]
    dst = ei[1]
    hs, hd = _project(x, W_src, W_dst)
    num_p, den_p = _sc_edge(hs, hd, src, dst, attn)
    den_flat = den_p.reshape(NC, NPAD, 16)
    return _combine(num_p, den_flat)

# --- scband reference (transcript-rebuilt; emitter-appended) ---
"""Pipeline reference for scband-ms-gda-62440234549285 (READ-ONLY COPY).

The authoritative reference and input builder live on the scoring server;
editing this copy changes nothing except your own understanding.
"""

import jax, jax.numpy as jnp
import numpy as np

N = 10000
E = 320000
D = 128
H = 8
P = 16

def setup_inputs(seed: int = 0) -> dict:
    key = jax.random.key(seed)
    k1, k2, k3, k4, k5 = jax.random.split(key, 5)
    x = jax.random.normal(k1, (N, D), dtype=jnp.float32)
    edge_index = jax.random.randint(k2, (2, E), 0, N).astype(jnp.int64)
    W_src = jax.random.normal(k3, (D, H * P), dtype=jnp.float32) * 0.05
    W_dst = jax.random.normal(k4, (D, H * P), dtype=jnp.float32) * 0.05
    attn = jax.random.normal(k5, (H, P), dtype=jnp.float32) * 0.05
    return {"x": x, "edge_index": edge_index, "W_src": W_src, "W_dst": W_dst, "attn": attn}

def reference(x, edge_index, W_src, W_dst, attn):
    # GATv2-style multi-head message passing (core conv of MS_GDA's GNN)
    src = edge_index[0]
    dst = edge_index[1]
    h_src = (x @ W_src).reshape(N, H, P)
    h_dst = (x @ W_dst).reshape(N, H, P)
    # GATv2 attention: a^T LeakyReLU(W_src x_j + W_dst x_i)
    e = h_src[src] + h_dst[dst]                      # [E, H, P] (edge gather)
    e = jax.nn.leaky_relu(e, 0.2)
    logits = jnp.einsum('ehp,hp->eh', e, attn)       # [E, H]
    # segment softmax over incoming edges of each dst node
    m = jax.ops.segment_max(logits, dst, num_segments=N)   # [N, H]
    m = jnp.where(jnp.isfinite(m), m, 0.0)
    exp = jnp.exp(logits - m[dst])
    denom = jax.ops.segment_sum(exp, dst, num_segments=N)  # [N, H]
    alpha = exp / (denom[dst] + 1e-16)               # [E, H]
    msgs = alpha[:, :, None] * h_src[src]            # [E, H, P]
    out = jax.ops.segment_sum(msgs, dst, num_segments=N)   # [N, H, P] scatter-add
    out = jax.nn.relu(out)
    return out.reshape(N, H * P)

if __name__ == "__main__":
    import jax
    _d = setup_inputs()
    print(jax.jit(kernel)(*tuple(_d.values())))

</pallas_src>

<mosaic_0001>
#map = affine_map<(d0, d1) -> (0, 0)>
#map1 = affine_map<(d0, d1) -> (0)>
#map2 = affine_map<(d0, d1) -> (0, 0, 0)>
module attributes {stable_mosaic.version = 14 : i64} {
  func.func @_sc_body(%arg0: i32, %arg1: i32, %arg2: memref<10000x128xf32, #tpu.memory_space<hbm>>, %arg3: memref<10000x128xf32, #tpu.memory_space<hbm>>, %arg4: memref<320000xi32, #tpu.memory_space<hbm>>, %arg5: memref<320000xi32, #tpu.memory_space<hbm>>, %arg6: memref<8x16xf32, #tpu.memory_space<hbm>>, %arg7: memref<2x10240x128xf32, #tpu.memory_space<hbm>>, %arg8: memref<2x1280x128xf32, #tpu.memory_space<hbm>>, %arg9: memref<10240x128xf32, #tpu.memory_space<vmem_shared>>, %arg10: memref<1280x128xf32, #tpu.memory_space<vmem_shared>>, %arg11: memref<40xi32, #tpu.memory_space<vmem>>, %arg12: memref<40xi32, #tpu.memory_space<vmem>>, %arg13: memref<40xi32, #tpu.memory_space<vmem>>, %arg14: memref<40xi32, #tpu.memory_space<vmem>>, %arg15: memref<40xi32, #tpu.memory_space<vmem>>, %arg16: memref<40x128xf32, #tpu.memory_space<vmem>>, %arg17: memref<40x128xf32, #tpu.memory_space<vmem>>, %arg18: memref<40x128xf32, #tpu.memory_space<vmem>>, %arg19: memref<40x128xf32, #tpu.memory_space<vmem>>, %arg20: memref<40x128xf32, #tpu.memory_space<vmem>>, %arg21: memref<8x16xf32, #tpu.memory_space<vmem>>, %arg22: memref<!tpu.dma_semaphore, #tpu.memory_space<semaphore_mem>>, %arg23: memref<!tpu.dma_semaphore, #tpu.memory_space<semaphore_mem>>, %arg24: memref<!tpu.dma_semaphore, #tpu.memory_space<semaphore_mem>>, %arg25: memref<!tpu.dma_semaphore, #tpu.memory_space<semaphore_mem>>) attributes {dimension_semantics = [#tpu.dimension_semantics<core_parallel>, #tpu.dimension_semantics<subcore_parallel>], iteration_bounds = array<i64: 2, 16>, scalar_prefetch = 0 : i64, scratch_operands = 17 : i64, tpu.core_type = #tpu.core_type<sc_vector_subcore>, window_params = [{transform_indices = #map}, {transform_indices = #map}, {transform_indices = #map1}, {transform_indices = #map1}, {transform_indices = #map}, {transform_indices = #map2}, {transform_indices = #map2}]} {
    %broadcast_in_dim3A = arith.constant 0.000000e+00 : f32
    %broadcast_in_dim3A_0 = vector.broadcast %broadcast_in_dim3A : f32 to vector<16xf32>
    %iota3A = tpu.iota {dimensions = array<i32: 0>} : vector<16xi32>
    %scan3A = arith.constant 0 : i32
    %scan3A_1 = arith.constant 40 : i32
    %scan3A_2 = arith.addi %scan3A, %scan3A_1 : i32
    %scan3A_3 = arith.constant 1 : i32
    scf.for %scan3A_111 = %scan3A to %scan3A_2 step %scan3A_3  : i32 {
      %swap3A = arith.index_cast %scan3A_111 : i32 to index
      %swap3A_112 = arith.constant 0 : index
      %swap3A_113 = tpu.vector_load %arg16[%swap3A, %swap3A_112] {strides = array<i32>} : memref<40x128xf32, #tpu.memory_space<vmem>>, vector<1x16xf32>,
      %swap3A_114 = vector.shape_cast %swap3A_113 : vector<1x16xf32> to vector<16xf32>
      %swap3A_115 = vector.shape_cast %broadcast_in_dim3A_0 : vector<16xf32> to vector<1x16xf32>
      tpu.vector_store %arg16[%swap3A, %swap3A_112], %swap3A_115 {strides = array<i32>} : memref<40x128xf32, #tpu.memory_space<vmem>>, vector<1x16xf32>,
      %swap3A_116 = arith.index_cast %scan3A_111 : i32 to index
      %swap3A_117 = arith.constant 0 : index
      %swap3A_118 = tpu.vector_load %arg20[%swap3A_116, %swap3A_117] {strides = array<i32>} : memref<40x128xf32, #tpu.memory_space<vmem>>, vector<1x16xf32>,
      %swap3A_119 = vector.shape_cast %swap3A_118 : vector<1x16xf32> to vector<16xf32>
      %swap3A_120 = vector.shape_cast %broadcast_in_dim3A_0 : vector<16xf32> to vector<1x16xf32>
      tpu.vector_store %arg20[%swap3A_116, %swap3A_117], %swap3A_120 {strides = array<i32>} : memref<40x128xf32, #tpu.memory_space<vmem>>, vector<1x16xf32>,
      %swap3A_121 = arith.index_cast %scan3A_111 : i32 to index
      %swap3A_122 = arith.constant 16 : index
      %swap3A_123 = tpu.vector_load %arg16[%swap3A_121, %swap3A_122] {strides = array<i32>} : memref<40x128xf32, #tpu.memory_space<vmem>>, vector<1x16xf32>,
      %swap3A_124 = vector.shape_cast %swap3A_123 : vector<1x16xf32> to vector<16xf32>
      %swap3A_125 = vector.shape_cast %broadcast_in_dim3A_0 : vector<16xf32> to vector<1x16xf32>
      tpu.vector_store %arg16[%swap3A_121, %swap3A_122], %swap3A_125 {strides = array<i32>} : memref<40x128xf32, #tpu.memory_space<vmem>>, vector<1x16xf32>,
      %swap3A_126 = arith.index_cast %scan3A_111 : i32 to index
      %swap3A_127 = arith.constant 16 : index
      %swap3A_128 = tpu.vector_load %arg20[%swap3A_126, %swap3A_127] {strides = array<i32>} : memref<40x128xf32, #tpu.memory_space<vmem>>, vector<1x16xf32>,
      %swap3A_129 = vector.shape_cast %swap3A_128 : vector<1x16xf32> to vector<16xf32>
      %swap3A_130 = vector.shape_cast %broadcast_in_dim3A_0 : vector<16xf32> to vector<1x16xf32>
      tpu.vector_store %arg20[%swap3A_126, %swap3A_127], %swap3A_130 {strides = array<i32>} : memref<40x128xf32, #tpu.memory_space<vmem>>, vector<1x16xf32>,
      %swap3A_131 = arith.index_cast %scan3A_111 : i32 to index
      %swap3A_132 = arith.constant 32 : index
      %swap3A_133 = tpu.vector_load %arg16[%swap3A_131, %swap3A_132] {strides = array<i32>} : memref<40x128xf32, #tpu.memory_space<vmem>>, vector<1x16xf32>,
      %swap3A_134 = vector.shape_cast %swap3A_133 : vector<1x16xf32> to vector<16xf32>
      %swap3A_135 = vector.shape_cast %broadcast_in_dim3A_0 : vector<16xf32> to vector<1x16xf32>
      tpu.vector_store %arg16[%swap3A_131, %swap3A_132], %swap3A_135 {strides = array<i32>} : memref<40x128xf32, #tpu.memory_space<vmem>>, vector<1x16xf32>,
      %swap3A_136 = arith.index_cast %scan3A_111 : i32 to index
      %swap3A_137 = arith.constant 32 : index
      %swap3A_138 = tpu.vector_load %arg20[%swap3A_136, %swap3A_137] {strides = array<i32>} : memref<40x128xf32, #tpu.memory_space<vmem>>, vector<1x16xf32>,
      %swap3A_139 = vector.shape_cast %swap3A_138 : vector<1x16xf32> to vector<16xf32>
      %swap3A_140 = vector.shape_cast %broadcast_in_dim3A_0 : vector<16xf32> to vector<1x16xf32>
      tpu.vector_store %arg20[%swap3A_136, %swap3A_137], %swap3A_140 {strides = array<i32>} : memref<40x128xf32, #tpu.memory_space<vmem>>, vector<1x16xf32>,
      %swap3A_141 = arith.index_cast %scan3A_111 : i32 to index
      %swap3A_142 = arith.constant 48 : index
      %swap3A_143 = tpu.vector_load %arg16[%swap3A_141, %swap3A_142] {strides = array<i32>} : memref<40x128xf32, #tpu.memory_space<vmem>>, vector<1x16xf32>,
      %swap3A_144 = vector.shape_cast %swap3A_143 : vector<1x16xf32> to vector<16xf32>
      %swap3A_145 = vector.shape_cast %broadcast_in_dim3A_0 : vector<16xf32> to vector<1x16xf32>
      tpu.vector_store %arg16[%swap3A_141, %swap3A_142], %swap3A_145 {strides = array<i32>} : memref<40x128xf32, #tpu.memory_space<vmem>>, vector<1x16xf32>,
      %swap3A_146 = arith.index_cast %scan3A_111 : i32 to index
      %swap3A_147 = arith.constant 48 : index
      %swap3A_148 = tpu.vector_load %arg20[%swap3A_146, %swap3A_147] {strides = array<i32>} : memref<40x128xf32, #tpu.memory_space<vmem>>, vector<1x16xf32>,
      %swap3A_149 = vector.shape_cast %swap3A_148 : vector<1x16xf32> to vector<16xf32>
      %swap3A_150 = vector.shape_cast %broadcast_in_dim3A_0 : vector<16xf32> to vector<1x16xf32>
      tpu.vector_store %arg20[%swap3A_146, %swap3A_147], %swap3A_150 {strides = array<i32>} : memref<40x128xf32, #tpu.memory_space<vmem>>, vector<1x16xf32>,
      %swap3A_151 = arith.index_cast %scan3A_111 : i32 to index
      %swap3A_152 = arith.constant 64 : index
      %swap3A_153 = tpu.vector_load %arg16[%swap3A_151, %swap3A_152] {strides = array<i32>} : memref<40x128xf32, #tpu.memory_space<vmem>>, vector<1x16xf32>,
      %swap3A_154 = vector.shape_cast %swap3A_153 : vector<1x16xf32> to vector<16xf32>
      %swap3A_155 = vector.shape_cast %broadcast_in_dim3A_0 : vector<16xf32> to vector<1x16xf32>
      tpu.vector_store %arg16[%swap3A_151, %swap3A_152], %swap3A_155 {strides = array<i32>} : memref<40x128xf32, #tpu.memory_space<vmem>>, vector<1x16xf32>,
      %swap3A_156 = arith.index_cast %scan3A_111 : i32 to index
      %swap3A_157 = arith.constant 64 : index
      %swap3A_158 = tpu.vector_load %arg20[%swap3A_156, %swap3A_157] {strides = array<i32>} : memref<40x128xf32, #tpu.memory_space<vmem>>, vector<1x16xf32>,
      %swap3A_159 = vector.shape_cast %swap3A_158 : vector<1x16xf32> to vector<16xf32>
      %swap3A_160 = vector.shape_cast %broadcast_in_dim3A_0 : vector<16xf32> to vector<1x16xf32>
      tpu.vector_store %arg20[%swap3A_156, %swap3A_157], %swap3A_160 {strides = array<i32>} : memref<40x128xf32, #tpu.memory_space<vmem>>, vector<1x16xf32>,
      %swap3A_161 = arith.index_cast %scan3A_111 : i32 to index
      %swap3A_162 = arith.constant 80 : index
      %swap3A_163 = tpu.vector_load %arg16[%swap3A_161, %swap3A_162] {strides = array<i32>} : memref<40x128xf32, #tpu.memory_space<vmem>>, vector<1x16xf32>,
      %swap3A_164 = vector.shape_cast %swap3A_163 : vector<1x16xf32> to vector<16xf32>
      %swap3A_165 = vector.shape_cast %broadcast_in_dim3A_0 : vector<16xf32> to vector<1x16xf32>
      tpu.vector_store %arg16[%swap3A_161, %swap3A_162], %swap3A_165 {strides = array<i32>} : memref<40x128xf32, #tpu.memory_space<vmem>>, vector<1x16xf32>,
      %swap3A_166 = arith.index_cast %scan3A_111 : i32 to index
      %swap3A_167 = arith.constant 80 : index
      %swap3A_168 = tpu.vector_load %arg20[%swap3A_166, %swap3A_167] {strides = array<i32>} : memref<40x128xf32, #tpu.memory_space<vmem>>, vector<1x16xf32>,
      %swap3A_169 = vector.shape_cast %swap3A_168 : vector<1x16xf32> to vector<16xf32>
      %swap3A_170 = vector.shape_cast %broadcast_in_dim3A_0 : vector<16xf32> to vector<1x16xf32>
      tpu.vector_store %arg20[%swap3A_166, %swap3A_167], %swap3A_170 {strides = array<i32>} : memref<40x128xf32, #tpu.memory_space<vmem>>, vector<1x16xf32>,
      %swap3A_171 = arith.index_cast %scan3A_111 : i32 to index
      %swap3A_172 = arith.constant 96 : index
      %swap3A_173 = tpu.vector_load %arg16[%swap3A_171, %swap3A_172] {strides = array<i32>} : memref<40x128xf32, #tpu.memory_space<vmem>>, vector<1x16xf32>,
      %swap3A_174 = vector.shape_cast %swap3A_173 : vector<1x16xf32> to vector<16xf32>
      %swap3A_175 = vector.shape_cast %broadcast_in_dim3A_0 : vector<16xf32> to vector<1x16xf32>
      tpu.vector_store %arg16[%swap3A_171, %swap3A_172], %swap3A_175 {strides = array<i32>} : memref<40x128xf32, #tpu.memory_space<vmem>>, vector<1x16xf32>,
      %swap3A_176 = arith.index_cast %scan3A_111 : i32 to index
      %swap3A_177 = arith.constant 96 : index
      %swap3A_178 = tpu.vector_load %arg20[%swap3A_176, %swap3A_177] {strides = array<i32>} : memref<40x128xf32, #tpu.memory_space<vmem>>, vector<1x16xf32>,
      %swap3A_179 = vector.shape_cast %swap3A_178 : vector<1x16xf32> to vector<16xf32>
      %swap3A_180 = vector.shape_cast %broadcast_in_dim3A_0 : vector<16xf32> to vector<1x16xf32>
      tpu.vector_store %arg20[%swap3A_176, %swap3A_177], %swap3A_180 {strides = array<i32>} : memref<40x128xf32, #tpu.memory_space<vmem>>, vector<1x16xf32>,
      %swap3A_181 = arith.index_cast %scan3A_111 : i32 to index
      %swap3A_182 = arith.constant 112 : index
      %swap3A_183 = tpu.vector_load %arg16[%swap3A_181, %swap3A_182] {strides = array<i32>} : memref<40x128xf32, #tpu.memory_space<vmem>>, vector<1x16xf32>,
      %swap3A_184 = vector.shape_cast %swap3A_183 : vector<1x16xf32> to vector<16xf32>
      %swap3A_185 = vector.shape_cast %broadcast_in_dim3A_0 : vector<16xf32> to vector<1x16xf32>
      tpu.vector_store %arg16[%swap3A_181, %swap3A_182], %swap3A_185 {strides = array<i32>} : memref<40x128xf32, #tpu.memory_space<vmem>>, vector<1x16xf32>,
      %swap3A_186 = arith.index_cast %scan3A_111 : i32 to index
      %swap3A_187 = arith.constant 112 : index
      %swap3A_188 = tpu.vector_load %arg20[%swap3A_186, %swap3A_187] {strides = array<i32>} : memref<40x128xf32, #tpu.memory_space<vmem>>, vector<1x16xf32>,
      %swap3A_189 = vector.shape_cast %swap3A_188 : vector<1x16xf32> to vector<16xf32>
      %swap3A_190 = vector.shape_cast %broadcast_in_dim3A_0 : vector<16xf32> to vector<1x16xf32>
      tpu.vector_store %arg20[%swap3A_186, %swap3A_187], %swap3A_190 {strides = array<i32>} : memref<40x128xf32, #tpu.memory_space<vmem>>, vector<1x16xf32>,
    }
    %scan3A_4 = arith.constant 40 : i32
    %mul3A = arith.constant 640 : i32
    %mul3A_5 = arith.muli %arg1, %mul3A : i32
    %add3A = arith.constant 0 : i32
    %add3A_6 = arith.addi %mul3A_5, %add3A : i32
    "tpu.region"() ({
      %run_scoped3A = tpu.sem_alloc : memref<!tpu.dma_semaphore, #tpu.memory_space<semaphore_mem>>
      %dma_start3A_111 = arith.constant 0 : i32
      %dma_start3A_112 = tpu.memref_slice %arg9[%add3A_6, %dma_start3A_111] : memref<10240x128xf32, #tpu.memory_space<vmem_shared>> -> memref<40x128xf32, #tpu.memory_space<vmem_shared>>
      %dma_start3A_113 = arith.constant 0 : i32
      %dma_start3A_114 = tpu.memref_slice %arg9[%add3A_6, %dma_start3A_113] : memref<10240x128xf32, #tpu.memory_space<vmem_shared>> -> memref<40x128xf32, #tpu.memory_space<vmem_shared>>
      tpu.enqueue_dma source(%arg16 : memref<40x128xf32, #tpu.memory_space<vmem>>) target(%dma_start3A_114 : memref<40x128xf32, #tpu.memory_space<vmem_shared>>) target_semaphore(%run_scoped3A : memref<!tpu.dma_semaphore, #tpu.memory_space<semaphore_mem>>)
      %dma_wait3A_115 = arith.constant 0 : i32
      %dma_wait3A_116 = tpu.memref_slice %arg9[%add3A_6, %dma_wait3A_115] : memref<10240x128xf32, #tpu.memory_space<vmem_shared>> -> memref<40x128xf32, #tpu.memory_space<vmem_shared>>
      %dma_wait3A_117 = arith.constant 0 : i32
      %dma_wait3A_118 = tpu.memref_slice %arg9[%add3A_6, %dma_wait3A_117] : memref<10240x128xf32, #tpu.memory_space<vmem_shared>> -> memref<40x128xf32, #tpu.memory_space<vmem_shared>>
      tpu.wait_dma2 semaphore(%run_scoped3A : memref<!tpu.dma_semaphore, #tpu.memory_space<semaphore_mem>>) src(%arg16 : memref<40x128xf32, #tpu.memory_space<vmem>>) dst(%dma_wait3A_118 : memref<40x128xf32, #tpu.memory_space<vmem_shared>>)
      tpu.yield
    }) : () -> ()
    %add3A_7 = arith.constant 40 : i32
    %add3A_8 = arith.addi %mul3A_5, %add3A_7 : i32
    "tpu.region"() ({
      %run_scoped3A = tpu.sem_alloc : memref<!tpu.dma_semaphore, #tpu.memory_space<semaphore_mem>>
      %dma_start3A_111 = arith.constant 0 : i32
      %dma_start3A_112 = tpu.memref_slice %arg9[%add3A_8, %dma_start3A_111] : memref<10240x128xf32, #tpu.memory_space<vmem_shared>> -> memref<40x128xf32, #tpu.memory_space<vmem_shared>>
      %dma_start3A_113 = arith.constant 0 : i32
      %dma_start3A_114 = tpu.memref_slice %arg9[%add3A_8, %dma_start3A_113] : memref<10240x128xf32, #tpu.memory_space<vmem_shared>> -> memref<40x128xf32, #tpu.memory_space<vmem_shared>>
      tpu.enqueue_dma source(%arg16 : memref<40x128xf32, #tpu.memory_space<vmem>>) target(%dma_start3A_114 : memref<40x128xf32, #tpu.memory_space<vmem_shared>>) target_semaphore(%run_scoped3A : memref<!tpu.dma_semaphore, #tpu.memory_space<semaphore_mem>>)
      %dma_wait3A_115 = arith.constant 0 : i32
      %dma_wait3A_116 = tpu.memref_slice %arg9[%add3A_8, %dma_wait3A_115] : memref<10240x128xf32, #tpu.memory_space<vmem_shared>> -> memref<40x128xf32, #tpu.memory_space<vmem_shared>>
      %dma_wait3A_117 = arith.constant 0 : i32
      %dma_wait3A_118 = tpu.memref_slice %arg9[%add3A_8, %dma_wait3A_117] : memref<10240x128xf32, #tpu.memory_space<vmem_shared>> -> memref<40x128xf32, #tpu.memory_space<vmem_shared>>
      tpu.wait_dma2 semaphore(%run_scoped3A : memref<!tpu.dma_semaphore, #tpu.memory_space<semaphore_mem>>) src(%arg16 : memref<40x128xf32, #tpu.memory_space<vmem>>) dst(%dma_wait3A_118 : memref<40x128xf32, #tpu.memory_space<vmem_shared>>)
      tpu.yield
    }) : () -> ()
    %add3A_9 = arith.constant 80 : i32
    %add3A_10 = arith.addi %mul3A_5, %add3A_9 : i32
    "tpu.region"() ({
      %run_scoped3A = tpu.sem_alloc : memref<!tpu.dma_semaphore, #tpu.memory_space<semaphore_mem>>
      %dma_start3A_111 = arith.constant 0 : i32
      %dma_start3A_112 = tpu.memref_slice %arg9[%add3A_10, %dma_start3A_111] : memref<10240x128xf32, #tpu.memory_space<vmem_shared>> -> memref<40x128xf32, #tpu.memory_space<vmem_shared>>
      %dma_start3A_113 = arith.constant 0 : i32
      %dma_start3A_114 = tpu.memref_slice %arg9[%add3A_10, %dma_start3A_113] : memref<10240x128xf32, #tpu.memory_space<vmem_shared>> -> memref<40x128xf32, #tpu.memory_space<vmem_shared>>
      tpu.enqueue_dma source(%arg16 : memref<40x128xf32, #tpu.memory_space<vmem>>) target(%dma_start3A_114 : memref<40x128xf32, #tpu.memory_space<vmem_shared>>) target_semaphore(%run_scoped3A : memref<!tpu.dma_semaphore, #tpu.memory_space<semaphore_mem>>)
      %dma_wait3A_115 = arith.constant 0 : i32
      %dma_wait3A_116 = tpu.memref_slice %arg9[%add3A_10, %dma_wait3A_115] : memref<10240x128xf32, #tpu.memory_space<vmem_shared>> -> memref<40x128xf32, #tpu.memory_space<vmem_shared>>
      %dma_wait3A_117 = arith.constant 0 : i32
      %dma_wait3A_118 = tpu.memref_slice %arg9[%add3A_10, %dma_wait3A_117] : memref<10240x128xf32, #tpu.memory_space<vmem_shared>> -> memref<40x128xf32, #tpu.memory_space<vmem_shared>>
      tpu.wait_dma2 semaphore(%run_scoped3A : memref<!tpu.dma_semaphore, #tpu.memory_space<semaphore_mem>>) src(%arg16 : memref<40x128xf32, #tpu.memory_space<vmem>>) dst(%dma_wait3A_118 : memref<40x128xf32, #tpu.memory_space<vmem_shared>>)
      tpu.yield
    }) : () -> ()
    %add3A_11 = arith.constant 120 : i32
    %add3A_12 = arith.addi %mul3A_5, %add3A_11 : i32
    "tpu.region"() ({
      %run_scoped3A = tpu.sem_alloc : memref<!tpu.dma_semaphore, #tpu.memory_space<semaphore_mem>>
      %dma_start3A_111 = arith.constant 0 : i32
      %dma_start3A_112 = tpu.memref_slice %arg9[%add3A_12, %dma_start3A_111] : memref<10240x128xf32, #tpu.memory_space<vmem_shared>> -> memref<40x128xf32, #tpu.memory_space<vmem_shared>>
      %dma_start3A_113 = arith.constant 0 : i32
      %dma_start3A_114 = tpu.memref_slice %arg9[%add3A_12, %dma_start3A_113] : memref<10240x128xf32, #tpu.memory_space<vmem_shared>> -> memref<40x128xf32, #tpu.memory_space<vmem_shared>>
      tpu.enqueue_dma source(%arg16 : memref<40x128xf32, #tpu.memory_space<vmem>>) target(%dma_start3A_114 : memref<40x128xf32, #tpu.memory_space<vmem_shared>>) target_semaphore(%run_scoped3A : memref<!tpu.dma_semaphore, #tpu.memory_space<semaphore_mem>>)
      %dma_wait3A_115 = arith.constant 0 : i32
      %dma_wait3A_116 = tpu.memref_slice %arg9[%add3A_12, %dma_wait3A_115] : memref<10240x128xf32, #tpu.memory_space<vmem_shared>> -> memref<40x128xf32, #tpu.memory_space<vmem_shared>>
      %dma_wait3A_117 = arith.constant 0 : i32
      %dma_wait3A_118 = tpu.memref_slice %arg9[%add3A_12, %dma_wait3A_117] : memref<10240x128xf32, #tpu.memory_space<vmem_shared>> -> memref<40x128xf32, #tpu.memory_space<vmem_shared>>
      tpu.wait_dma2 semaphore(%run_scoped3A : memref<!tpu.dma_semaphore, #tpu.memory_space<semaphore_mem>>) src(%arg16 : memref<40x128xf32, #tpu.memory_space<vmem>>) dst(%dma_wait3A_118 : memref<40x128xf32, #tpu.memory_space<vmem_shared>>)
      tpu.yield
    }) : () -> ()
    %add3A_13 = arith.constant 160 : i32
    %add3A_14 = arith.addi %mul3A_5, %add3A_13 : i32
    "tpu.region"() ({
      %run_scoped3A = tpu.sem_alloc : memref<!tpu.dma_semaphore, #tpu.memory_space<semaphore_mem>>
      %dma_start3A_111 = arith.constant 0 : i32
      %dma_start3A_112 = tpu.memref_slice %arg9[%add3A_14, %dma_start3A_111] : memref<10240x128xf32, #tpu.memory_space<vmem_shared>> -> memref<40x128xf32, #tpu.memory_space<vmem_shared>>
      %dma_start3A_113 = arith.constant 0 : i32
      %dma_start3A_114 = tpu.memref_slice %arg9[%add3A_14, %dma_start3A_113] : memref<10240x128xf32, #tpu.memory_space<vmem_shared>> -> memref<40x128xf32, #tpu.memory_space<vmem_shared>>
      tpu.enqueue_dma source(%arg16 : memref<40x128xf32, #tpu.memory_space<vmem>>) target(%dma_start3A_114 : memref<40x128xf32, #tpu.memory_space<vmem_shared>>) target_semaphore(%run_scoped3A : memref<!tpu.dma_semaphore, #tpu.memory_space<semaphore_mem>>)
      %dma_wait3A_115 = arith.constant 0 : i32
      %dma_wait3A_116 = tpu.memref_slice %arg9[%add3A_14, %dma_wait3A_115] : memref<10240x128xf32, #tpu.memory_space<vmem_shared>> -> memref<40x128xf32, #tpu.memory_space<vmem_shared>>
      %dma_wait3A_117 = arith.constant 0 : i32
      %dma_wait3A_118 = tpu.memref_slice %arg9[%add3A_14, %dma_wait3A_117] : memref<10240x128xf32, #tpu.memory_space<vmem_shared>> -> memref<40x128xf32, #tpu.memory_space<vmem_shared>>
      tpu.wait_dma2 semaphore(%run_scoped3A : memref<!tpu.dma_semaphore, #tpu.memory_space<semaphore_mem>>) src(%arg16 : memref<40x128xf32, #tpu.memory_space<vmem>>) dst(%dma_wait3A_118 : memref<40x128xf32, #tpu.memory_space<vmem_shared>>)
      tpu.yield
    }) : () -> ()
    %add3A_15 = arith.constant 200 : i32
    %add3A_16 = arith.addi %mul3A_5, %add3A_15 : i32
    "tpu.region"() ({
      %run_scoped3A = tpu.sem_alloc : memref<!tpu.dma_semaphore, #tpu.memory_space<semaphore_mem>>
      %dma_start3A_111 = arith.constant 0 : i32
      %dma_start3A_112 = tpu.memref_slice %arg9[%add3A_16, %dma_start3A_111] : memref<10240x128xf32, #tpu.memory_space<vmem_shared>> -> memref<40x128xf32, #tpu.memory_space<vmem_shared>>
      %dma_start3A_113 = arith.constant 0 : i32
      %dma_start3A_114 = tpu.memref_slice %arg9[%add3A_16, %dma_start3A_113] : memref<10240x128xf32, #tpu.memory_space<vmem_shared>> -> memref<40x128xf32, #tpu.memory_space<vmem_shared>>
      tpu.enqueue_dma source(%arg16 : memref<40x128xf32, #tpu.memory_space<vmem>>) target(%dma_start3A_114 : memref<40x128xf32, #tpu.memory_space<vmem_shared>>) target_semaphore(%run_scoped3A : memref<!tpu.dma_semaphore, #tpu.memory_space<semaphore_mem>>)
      %dma_wait3A_115 = arith.constant 0 : i32
      %dma_wait3A_116 = tpu.memref_slice %arg9[%add3A_16, %dma_wait3A_115] : memref<10240x128xf32, #tpu.memory_space<vmem_shared>> -> memref<40x128xf32, #tpu.memory_space<vmem_shared>>
      %dma_wait3A_117 = arith.constant 0 : i32
      %dma_wait3A_118 = tpu.memref_slice %arg9[%add3A_16, %dma_wait3A_117] : memref<10240x128xf32, #tpu.memory_space<vmem_shared>> -> memref<40x128xf32, #tpu.memory_space<vmem_shared>>
      tpu.wait_dma2 semaphore(%run_scoped3A : memref<!tpu.dma_semaphore, #tpu.memory_space<semaphore_mem>>) src(%arg16 : memref<40x128xf32, #tpu.memory_space<vmem>>) dst(%dma_wait3A_118 : memref<40x128xf32, #tpu.memory_space<vmem_shared>>)
      tpu.yield
    }) : () -> ()
    %add3A_17 = arith.constant 240 : i32
    %add3A_18 = arith.addi %mul3A_5, %add3A_17 : i32
    "tpu.region"() ({
      %run_scoped3A = tpu.sem_alloc : memref<!tpu.dma_semaphore, #tpu.memory_space<semaphore_mem>>
      %dma_start3A_111 = arith.constant 0 : i32
      %dma_start3A_112 = tpu.memref_slice %arg9[%add3A_18, %dma_start3A_111] : memref<10240x128xf32, #tpu.memory_space<vmem_shared>> -> memref<40x128xf32, #tpu.memory_space<vmem_shared>>
      %dma_start3A_113 = arith.constant 0 : i32
      %dma_start3A_114 = tpu.memref_slice %arg9[%add3A_18, %dma_start3A_113] : memref<10240x128xf32, #tpu.memory_space<vmem_shared>> -> memref<40x128xf32, #tpu.memory_space<vmem_shared>>
      tpu.enqueue_dma source(%arg16 : memref<40x128xf32, #tpu.memory_space<vmem>>) target(%dma_start3A_114 : memref<40x128xf32, #tpu.memory_space<vmem_shared>>) target_semaphore(%run_scoped3A : memref<!tpu.dma_semaphore, #tpu.memory_space<semaphore_mem>>)
      %dma_wait3A_115 = arith.constant 0 : i32
      %dma_wait3A_116 = tpu.memref_slice %arg9[%add3A_18, %dma_wait3A_115] : memref<10240x128xf32, #tpu.memory_space<vmem_shared>> -> memref<40x128xf32, #tpu.memory_space<vmem_shared>>
      %dma_wait3A_117 = arith.constant 0 : i32
      %dma_wait3A_118 = tpu.memref_slice %arg9[%add3A_18, %dma_wait3A_117] : memref<10240x128xf32, #tpu.memory_space<vmem_shared>> -> memref<40x128xf32, #tpu.memory_space<vmem_shared>>
      tpu.wait_dma2 semaphore(%run_scoped3A : memref<!tpu.dma_semaphore, #tpu.memory_space<semaphore_mem>>) src(%arg16 : memref<40x128xf32, #tpu.memory_space<vmem>>) dst(%dma_wait3A_118 : memref<40x128xf32, #tpu.memory_space<vmem_shared>>)
      tpu.yield
    }) : () -> ()
    %add3A_19 = arith.constant 280 : i32
    %add3A_20 = arith.addi %mul3A_5, %add3A_19 : i32
    "tpu.region"() ({
      %run_scoped3A = tpu.sem_alloc : memref<!tpu.dma_semaphore, #tpu.memory_space<semaphore_mem>>
      %dma_start3A_111 = arith.constant 0 : i32
      %dma_start3A_112 = tpu.memref_slice %arg9[%add3A_20, %dma_start3A_111] : memref<10240x128xf32, #tpu.memory_space<vmem_shared>> -> memref<40x128xf32, #tpu.memory_space<vmem_shared>>
      %dma_start3A_113 = arith.constant 0 : i32
      %dma_start3A_114 = tpu.memref_slice %arg9[%add3A_20, %dma_start3A_113] : memref<10240x128xf32, #tpu.memory_space<vmem_shared>> -> memref<40x128xf32, #tpu.memory_space<vmem_shared>>
      tpu.enqueue_dma source(%arg16 : memref<40x128xf32, #tpu.memory_space<vmem>>) target(%dma_start3A_114 : memref<40x128xf32, #tpu.memory_space<vmem_shared>>) target_semaphore(%run_scoped3A : memref<!tpu.dma_semaphore, #tpu.memory_space<semaphore_mem>>)
      %dma_wait3A_115 = arith.constant 0 : i32
      %dma_wait3A_116 = tpu.memref_slice %arg9[%add3A_20, %dma_wait3A_115] : memref<10240x128xf32, #tpu.memory_space<vmem_shared>> -> memref<40x128xf32, #tpu.memory_space<vmem_shared>>
      %dma_wait3A_117 = arith.constant 0 : i32
      %dma_wait3A_118 = tpu.memref_slice %arg9[%add3A_20, %dma_wait3A_117] : memref<10240x128xf32, #tpu.memory_space<vmem_shared>> -> memref<40x128xf32, #tpu.memory_space<vmem_shared>>
      tpu.wait_dma2 semaphore(%run_scoped3A : memref<!tpu.dma_semaphore, #tpu.memory_space<semaphore_mem>>) src(%arg16 : memref<40x128xf32, #tpu.memory_space<vmem>>) dst(%dma_wait3A_118 : memref<40x128xf32, #tpu.memory_space<vmem_shared>>)
      tpu.yield
    }) : () -> ()
    %add3A_21 = arith.constant 320 : i32
    %add3A_22 = arith.addi %mul3A_5, %add3A_21 : i32
    "tpu.region"() ({
      %run_scoped3A = tpu.sem_alloc : memref<!tpu.dma_semaphore, #tpu.memory_space<semaphore_mem>>
      %dma_start3A_111 = arith.constant 0 : i32
      %dma_start3A_112 = tpu.memref_slice %arg9[%add3A_22, %dma_start3A_111] : memref<10240x128xf32, #tpu.memory_space<vmem_shared>> -> memref<40x128xf32, #tpu.memory_space<vmem_shared>>
      %dma_start3A_113 = arith.constant 0 : i32
      %dma_start3A_114 = tpu.memref_slice %arg9[%add3A_22, %dma_start3A_113] : memref<10240x128xf32, #tpu.memory_space<vmem_shared>> -> memref<40x128xf32, #tpu.memory_space<vmem_shared>>
      tpu.enqueue_dma source(%arg16 : memref<40x128xf32, #tpu.memory_space<vmem>>) target(%dma_start3A_114 : memref<40x128xf32, #tpu.memory_space<vmem_shared>>) target_semaphore(%run_scoped3A : memref<!tpu.dma_semaphore, #tpu.memory_space<semaphore_mem>>)
      %dma_wait3A_115 = arith.constant 0 : i32
      %dma_wait3A_116 = tpu.memref_slice %arg9[%add3A_22, %dma_wait3A_115] : memref<10240x128xf32, #tpu.memory_space<vmem_shared>> -> memref<40x128xf32, #tpu.memory_space<vmem_shared>>
      %dma_wait3A_117 = arith.constant 0 : i32
      %dma_wait3A_118 = tpu.memref_slice %arg9[%add3A_22, %dma_wait3A_117] : memref<10240x128xf32, #tpu.memory_space<vmem_shared>> -> memref<40x128xf32, #tpu.memory_space<vmem_shared>>
      tpu.wait_dma2 semaphore(%run_scoped3A : memref<!tpu.dma_semaphore, #tpu.memory_space<semaphore_mem>>) src(%arg16 : memref<40x128xf32, #tpu.memory_space<vmem>>) dst(%dma_wait3A_118 : memref<40x128xf32, #tpu.memory_space<vmem_shared>>)
      tpu.yield
    }) : () -> ()
    %add3A_23 = arith.constant 360 : i32
    %add3A_24 = arith.addi %mul3A_5, %add3A_23 : i32
    "tpu.region"() ({
      %run_scoped3A = tpu.sem_alloc : memref<!tpu.dma_semaphore, #tpu.memory_space<semaphore_mem>>
      %dma_start3A_111 = arith.constant 0 : i32
      %dma_start3A_112 = tpu.memref_slice %arg9[%add3A_24, %dma_start3A_111] : memref<10240x128xf32, #tpu.memory_space<vmem_shared>> -> memref<40x128xf32, #tpu.memory_space<vmem_shared>>
      %dma_start3A_113 = arith.constant 0 : i32
      %dma_start3A_114 = tpu.memref_slice %arg9[%add3A_24, %dma_start3A_113] : memref<10240x128xf32, #tpu.memory_space<vmem_shared>> -> memref<40x128xf32, #tpu.memory_space<vmem_shared>>
      tpu.enqueue_dma source(%arg16 : memref<40x128xf32, #tpu.memory_space<vmem>>) target(%dma_start3A_114 : memref<40x128xf32, #tpu.memory_space<vmem_shared>>) target_semaphore(%run_scoped3A : memref<!tpu.dma_semaphore, #tpu.memory_space<semaphore_mem>>)
      %dma_wait3A_115 = arith.constant 0 : i32
      %dma_wait3A_116 = tpu.memref_slice %arg9[%add3A_24, %dma_wait3A_115] : memref<10240x128xf32, #tpu.memory_space<vmem_shared>> -> memref<40x128xf32, #tpu.memory_space<vmem_shared>>
      %dma_wait3A_117 = arith.constant 0 : i32
      %dma_wait3A_118 = tpu.memref_slice %arg9[%add3A_24, %dma_wait3A_117] : memref<10240x128xf32, #tpu.memory_space<vmem_shared>> -> memref<40x128xf32, #tpu.memory_space<vmem_shared>>
      tpu.wait_dma2 semaphore(%run_scoped3A : memref<!tpu.dma_semaphore, #tpu.memory_space<semaphore_mem>>) src(%arg16 : memref<40x128xf32, #tpu.memory_space<vmem>>) dst(%dma_wait3A_118 : memref<40x128xf32, #tpu.memory_space<vmem_shared>>)
      tpu.yield
    }) : () -> ()
    %add3A_25 = arith.constant 400 : i32
    %add3A_26 = arith.addi %mul3A_5, %add3A_25 : i32
    "tpu.region"() ({
      %run_scoped3A = tpu.sem_alloc : memref<!tpu.dma_semaphore, #tpu.memory_space<semaphore_mem>>
      %dma_start3A_111 = arith.constant 0 : i32
      %dma_start3A_112 = tpu.memref_slice %arg9[%add3A_26, %dma_start3A_111] : memref<10240x128xf32, #tpu.memory_space<vmem_shared>> -> memref<40x128xf32, #tpu.memory_space<vmem_shared>>
      %dma_start3A_113 = arith.constant 0 : i32
      %dma_start3A_114 = tpu.memref_slice %arg9[%add3A_26, %dma_start3A_113] : memref<10240x128xf32, #tpu.memory_space<vmem_shared>> -> memref<40x128xf32, #tpu.memory_space<vmem_shared>>
      tpu.enqueue_dma source(%arg16 : memref<40x128xf32, #tpu.memory_space<vmem>>) target(%dma_start3A_114 : memref<40x128xf32, #tpu.memory_space<vmem_shared>>) target_semaphore(%run_scoped3A : memref<!tpu.dma_semaphore, #tpu.memory_space<semaphore_mem>>)
      %dma_wait3A_115 = arith.constant 0 : i32
      %dma_wait3A_116 = tpu.memref_slice %arg9[%add3A_26, %dma_wait3A_115] : memref<10240x128xf32, #tpu.memory_space<vmem_shared>> -> memref<40x128xf32, #tpu.memory_space<vmem_shared>>
      %dma_wait3A_117 = arith.constant 0 : i32
      %dma_wait3A_118 = tpu.memref_slice %arg9[%add3A_26, %dma_wait3A_117] : memref<10240x128xf32, #tpu.memory_space<vmem_shared>> -> memref<40x128xf32, #tpu.memory_space<vmem_shared>>
      tpu.wait_dma2 semaphore(%run_scoped3A : memref<!tpu.dma_semaphore, #tpu.memory_space<semaphore_mem>>) src(%arg16 : memref<40x128xf32, #tpu.memory_space<vmem>>) dst(%dma_wait3A_118 : memref<40x128xf32, #tpu.memory_space<vmem_shared>>)
      tpu.yield
    }) : () -> ()
    %add3A_27 = arith.constant 440 : i32
    %add3A_28 = arith.addi %mul3A_5, %add3A_27 : i32
    "tpu.region"() ({
      %run_scoped3A = tpu.sem_alloc : memref<!tpu.dma_semaphore, #tpu.memory_space<semaphore_mem>>
      %dma_start3A_111 = arith.constant 0 : i32
      %dma_start3A_112 = tpu.memref_slice %arg9[%add3A_28, %dma_start3A_111] : memref<10240x128xf32, #tpu.memory_space<vmem_shared>> -> memref<40x128xf32, #tpu.memory_space<vmem_shared>>
      %dma_start3A_113 = arith.constant 0 : i32
      %dma_start3A_114 = tpu.memref_slice %arg9[%add3A_28, %dma_start3A_113] : memref<10240x128xf32, #tpu.memory_space<vmem_shared>> -> memref<40x128xf32, #tpu.memory_space<vmem_shared>>
      tpu.enqueue_dma source(%arg16 : memref<40x128xf32, #tpu.memory_space<vmem>>) target(%dma_start3A_114 : memref<40x128xf32, #tpu.memory_space<vmem_shared>>) target_semaphore(%run_scoped3A : memref<!tpu.dma_semaphore, #tpu.memory_space<semaphore_mem>>)
      %dma_wait3A_115 = arith.constant 0 : i32
      %dma_wait3A_116 = tpu.memref_slice %arg9[%add3A_28, %dma_wait3A_115] : memref<10240x128xf32, #tpu.memory_space<vmem_shared>> -> memref<40x128xf32, #tpu.memory_space<vmem_shared>>
      %dma_wait3A_117 = arith.constant 0 : i32
      %dma_wait3A_118 = tpu.memref_slice %arg9[%add3A_28, %dma_wait3A_117] : memref<10240x128xf32, #tpu.memory_space<vmem_shared>> -> memref<40x128xf32, #tpu.memory_space<vmem_shared>>
      tpu.wait_dma2 semaphore(%run_scoped3A : memref<!tpu.dma_semaphore, #tpu.memory_space<semaphore_mem>>) src(%arg16 : memref<40x128xf32, #tpu.memory_space<vmem>>) dst(%dma_wait3A_118 : memref<40x128xf32, #tpu.memory_space<vmem_shared>>)
      tpu.yield
    }) : () -> ()
    %add3A_29 = arith.constant 480 : i32
    %add3A_30 = arith.addi %mul3A_5, %add3A_29 : i32
    "tpu.region"() ({
      %run_scoped3A = tpu.sem_alloc : memref<!tpu.dma_semaphore, #tpu.memory_space<semaphore_mem>>
      %dma_start3A_111 = arith.constant 0 : i32
      %dma_start3A_112 = tpu.memref_slice %arg9[%add3A_30, %dma_start3A_111] : memref<10240x128xf32, #tpu.memory_space<vmem_shared>> -> memref<40x128xf32, #tpu.memory_space<vmem_shared>>
      %dma_start3A_113 = arith.constant 0 : i32
      %dma_start3A_114 = tpu.memref_slice %arg9[%add3A_30, %dma_start3A_113] : memref<10240x128xf32, #tpu.memory_space<vmem_shared>> -> memref<40x128xf32, #tpu.memory_space<vmem_shared>>
      tpu.enqueue_dma source(%arg16 : memref<40x128xf32, #tpu.memory_space<vmem>>) target(%dma_start3A_114 : memref<40x128xf32, #tpu.memory_space<vmem_shared>>) target_semaphore(%run_scoped3A : memref<!tpu.dma_semaphore, #tpu.memory_space<semaphore_mem>>)
      %dma_wait3A_115 = arith.constant 0 : i32
      %dma_wait3A_116 = tpu.memref_slice %arg9[%add3A_30, %dma_wait3A_115] : memref<10240x128xf32, #tpu.memory_space<vmem_shared>> -> memref<40x128xf32, #tpu.memory_space<vmem_shared>>
      %dma_wait3A_117 = arith.constant 0 : i32
      %dma_wait3A_118 = tpu.memref_slice %arg9[%add3A_30, %dma_wait3A_117] : memref<10240x128xf32, #tpu.memory_space<vmem_shared>> -> memref<40x128xf32, #tpu.memory_space<vmem_shared>>
      tpu.wait_dma2 semaphore(%run_scoped3A : memref<!tpu.dma_semaphore, #tpu.memory_space<semaphore_mem>>) src(%arg16 : memref<40x128xf32, #tpu.memory_space<vmem>>) dst(%dma_wait3A_118 : memref<40x128xf32, #tpu.memory_space<vmem_shared>>)
      tpu.yield
    }) : () -> ()
    %add3A_31 = arith.constant 520 : i32
    %add3A_32 = arith.addi %mul3A_5, %add3A_31 : i32
    "tpu.region"() ({
      %run_scoped3A = tpu.sem_alloc : memref<!tpu.dma_semaphore, #tpu.memory_space<semaphore_mem>>
      %dma_start3A_111 = arith.constant 0 : i32
      %dma_start3A_112 = tpu.memref_slice %arg9[%add3A_32, %dma_start3A_111] : memref<10240x128xf32, #tpu.memory_space<vmem_shared>> -> memref<40x128xf32, #tpu.memory_space<vmem_shared>>
      %dma_start3A_113 = arith.constant 0 : i32
      %dma_start3A_114 = tpu.memref_slice %arg9[%add3A_32, %dma_start3A_113] : memref<10240x128xf32, #tpu.memory_space<vmem_shared>> -> memref<40x128xf32, #tpu.memory_space<vmem_shared>>
      tpu.enqueue_dma source(%arg16 : memref<40x128xf32, #tpu.memory_space<vmem>>) target(%dma_start3A_114 : memref<40x128xf32, #tpu.memory_space<vmem_shared>>) target_semaphore(%run_scoped3A : memref<!tpu.dma_semaphore, #tpu.memory_space<semaphore_mem>>)
      %dma_wait3A_115 = arith.constant 0 : i32
      %dma_wait3A_116 = tpu.memref_slice %arg9[%add3A_32, %dma_wait3A_115] : memref<10240x128xf32, #tpu.memory_space<vmem_shared>> -> memref<40x128xf32, #tpu.memory_space<vmem_shared>>
      %dma_wait3A_117 = arith.constant 0 : i32
      %dma_wait3A_118 = tpu.memref_slice %arg9[%add3A_32, %dma_wait3A_117] : memref<10240x128xf32, #tpu.memory_space<vmem_shared>> -> memref<40x128xf32, #tpu.memory_space<vmem_shared>>
      tpu.wait_dma2 semaphore(%run_scoped3A : memref<!tpu.dma_semaphore, #tpu.memory_space<semaphore_mem>>) src(%arg16 : memref<40x128xf32, #tpu.memory_space<vmem>>) dst(%dma_wait3A_118 : memref<40x128xf32, #tpu.memory_space<vmem_shared>>)
      tpu.yield
    }) : () -> ()
    %add3A_33 = arith.constant 560 : i32
    %add3A_34 = arith.addi %mul3A_5, %add3A_33 : i32
    "tpu.region"() ({
      %run_scoped3A = tpu.sem_alloc : memref<!tpu.dma_semaphore, #tpu.memory_space<semaphore_mem>>
      %dma_start3A_111 = arith.constant 0 : i32
      %dma_start3A_112 = tpu.memref_slice %arg9[%add3A_34, %dma_start3A_111] : memref<10240x128xf32, #tpu.memory_space<vmem_shared>> -> memref<40x128xf32, #tpu.memory_space<vmem_shared>>
      %dma_start3A_113 = arith.constant 0 : i32
      %dma_start3A_114 = tpu.memref_slice %arg9[%add3A_34, %dma_start3A_113] : memref<10240x128xf32, #tpu.memory_space<vmem_shared>> -> memref<40x128xf32, #tpu.memory_space<vmem_shared>>
      tpu.enqueue_dma source(%arg16 : memref<40x128xf32, #tpu.memory_space<vmem>>) target(%dma_start3A_114 : memref<40x128xf32, #tpu.memory_space<vmem_shared>>) target_semaphore(%run_scoped3A : memref<!tpu.dma_semaphore, #tpu.memory_space<semaphore_mem>>)
      %dma_wait3A_115 = arith.constant 0 : i32
      %dma_wait3A_116 = tpu.memref_slice %arg9[%add3A_34, %dma_wait3A_115] : memref<10240x128xf32, #tpu.memory_space<vmem_shared>> -> memref<40x128xf32, #tpu.memory_space<vmem_shared>>
      %dma_wait3A_117 = arith.constant 0 : i32
      %dma_wait3A_118 = tpu.memref_slice %arg9[%add3A_34, %dma_wait3A_117] : memref<10240x128xf32, #tpu.memory_space<vmem_shared>> -> memref<40x128xf32, #tpu.memory_space<vmem_shared>>
      tpu.wait_dma2 semaphore(%run_scoped3A : memref<!tpu.dma_semaphore, #tpu.memory_space<semaphore_mem>>) src(%arg16 : memref<40x128xf32, #tpu.memory_space<vmem>>) dst(%dma_wait3A_118 : memref<40x128xf32, #tpu.memory_space<vmem_shared>>)
      tpu.yield
    }) : () -> ()
    %add3A_35 = arith.constant 600 : i32
    %add3A_36 = arith.addi %mul3A_5, %add3A_35 : i32
    "tpu.region"() ({
      %run_scoped3A = tpu.sem_alloc : memref<!tpu.dma_semaphore, #tpu.memory_space<semaphore_mem>>
      %dma_start3A_111 = arith.constant 0 : i32
      %dma_start3A_112 = tpu.memref_slice %arg9[%add3A_36, %dma_start3A_111] : memref<10240x128xf32, #tpu.memory_space<vmem_shared>> -> memref<40x128xf32, #tpu.memory_space<vmem_shared>>
      %dma_start3A_113 = arith.constant 0 : i32
      %dma_start3A_114 = tpu.memref_slice %arg9[%add3A_36, %dma_start3A_113] : memref<10240x128xf32, #tpu.memory_space<vmem_shared>> -> memref<40x128xf32, #tpu.memory_space<vmem_shared>>
      tpu.enqueue_dma source(%arg16 : memref<40x128xf32, #tpu.memory_space<vmem>>) target(%dma_start3A_114 : memref<40x128xf32, #tpu.memory_space<vmem_shared>>) target_semaphore(%run_scoped3A : memref<!tpu.dma_semaphore, #tpu.memory_space<semaphore_mem>>)
      %dma_wait3A_115 = arith.constant 0 : i32
      %dma_wait3A_116 = tpu.memref_slice %arg9[%add3A_36, %dma_wait3A_115] : memref<10240x128xf32, #tpu.memory_space<vmem_shared>> -> memref<40x128xf32, #tpu.memory_space<vmem_shared>>
      %dma_wait3A_117 = arith.constant 0 : i32
      %dma_wait3A_118 = tpu.memref_slice %arg9[%add3A_36, %dma_wait3A_117] : memref<10240x128xf32, #tpu.memory_space<vmem_shared>> -> memref<40x128xf32, #tpu.memory_space<vmem_shared>>
      tpu.wait_dma2 semaphore(%run_scoped3A : memref<!tpu.dma_semaphore, #tpu.memory_space<semaphore_mem>>) src(%arg16 : memref<40x128xf32, #tpu.memory_space<vmem>>) dst(%dma_wait3A_118 : memref<40x128xf32, #tpu.memory_space<vmem_shared>>)
      tpu.yield
    }) : () -> ()
    %mul3A_37 = arith.constant 80 : i32
    %mul3A_38 = arith.muli %arg1, %mul3A_37 : i32
    %add3A_39 = arith.constant 0 : i32
    %add3A_40 = arith.addi %mul3A_38, %add3A_39 : i32
    "tpu.region"() ({
      %run_scoped3A = tpu.sem_alloc : memref<!tpu.dma_semaphore, #tpu.memory_space<semaphore_mem>>
      %dma_start3A_111 = arith.constant 0 : i32
      %dma_start3A_112 = tpu.memref_slice %arg10[%add3A_40, %dma_start3A_111] : memref<1280x128xf32, #tpu.memory_space<vmem_shared>> -> memref<40x128xf32, #tpu.memory_space<vmem_shared>>
      %dma_start3A_113 = arith.constant 0 : i32
      %dma_start3A_114 = tpu.memref_slice %arg10[%add3A_40, %dma_start3A_113] : memref<1280x128xf32, #tpu.memory_space<vmem_shared>> -> memref<40x128xf32, #tpu.memory_space<vmem_shared>>
      tpu.enqueue_dma source(%arg20 : memref<40x128xf32, #tpu.memory_space<vmem>>) target(%dma_start3A_114 : memref<40x128xf32, #tpu.memory_space<vmem_shared>>) target_semaphore(%run_scoped3A : memref<!tpu.dma_semaphore, #tpu.memory_space<semaphore_mem>>)
      %dma_wait3A_115 = arith.constant 0 : i32
      %dma_wait3A_116 = tpu.memref_slice %arg10[%add3A_40, %dma_wait3A_115] : memref<1280x128xf32, #tpu.memory_space<vmem_shared>> -> memref<40x128xf32, #tpu.memory_space<vmem_shared>>
      %dma_wait3A_117 = arith.constant 0 : i32
      %dma_wait3A_118 = tpu.memref_slice %arg10[%add3A_40, %dma_wait3A_117] : memref<1280x128xf32, #tpu.memory_space<vmem_shared>> -> memref<40x128xf32, #tpu.memory_space<vmem_shared>>
      tpu.wait_dma2 semaphore(%run_scoped3A : memref<!tpu.dma_semaphore, #tpu.memory_space<semaphore_mem>>) src(%arg20 : memref<40x128xf32, #tpu.memory_space<vmem>>) dst(%dma_wait3A_118 : memref<40x128xf32, #tpu.memory_space<vmem_shared>>)
      tpu.yield
    }) : () -> ()
    %mul3A_41 = arith.constant 80 : i32
    %mul3A_42 = arith.muli %arg1, %mul3A_41 : i32
    %add3A_43 = arith.constant 40 : i32
    %add3A_44 = arith.addi %mul3A_42, %add3A_43 : i32
    "tpu.region"() ({
      %run_scoped3A = tpu.sem_alloc : memref<!tpu.dma_semaphore, #tpu.memory_space<semaphore_mem>>
      %dma_start3A_111 = arith.constant 0 : i32
      %dma_start3A_112 = tpu.memref_slice %arg10[%add3A_44, %dma_start3A_111] : memref<1280x128xf32, #tpu.memory_space<vmem_shared>> -> memref<40x128xf32, #tpu.memory_space<vmem_shared>>
      %dma_start3A_113 = arith.constant 0 : i32
      %dma_start3A_114 = tpu.memref_slice %arg10[%add3A_44, %dma_start3A_113] : memref<1280x128xf32, #tpu.memory_space<vmem_shared>> -> memref<40x128xf32, #tpu.memory_space<vmem_shared>>
      tpu.enqueue_dma source(%arg20 : memref<40x128xf32, #tpu.memory_space<vmem>>) target(%dma_start3A_114 : memref<40x128xf32, #tpu.memory_space<vmem_shared>>) target_semaphore(%run_scoped3A : memref<!tpu.dma_semaphore, #tpu.memory_space<semaphore_mem>>)
      %dma_wait3A_115 = arith.constant 0 : i32
      %dma_wait3A_116 = tpu.memref_slice %arg10[%add3A_44, %dma_wait3A_115] : memref<1280x128xf32, #tpu.memory_space<vmem_shared>> -> memref<40x128xf32, #tpu.memory_space<vmem_shared>>
      %dma_wait3A_117 = arith.constant 0 : i32
      %dma_wait3A_118 = tpu.memref_slice %arg10[%add3A_44, %dma_wait3A_117] : memref<1280x128xf32, #tpu.memory_space<vmem_shared>> -> memref<40x128xf32, #tpu.memory_space<vmem_shared>>
      tpu.wait_dma2 semaphore(%run_scoped3A : memref<!tpu.dma_semaphore, #tpu.memory_space<semaphore_mem>>) src(%arg20 : memref<40x128xf32, #tpu.memory_space<vmem>>) dst(%dma_wait3A_118 : memref<40x128xf32, #tpu.memory_space<vmem_shared>>)
      tpu.yield
    }) : () -> ()
    "tpu.region"() ({
      %run_scoped3A = tpu.sem_alloc : memref<!tpu.dma_semaphore, #tpu.memory_space<semaphore_mem>>
      tpu.enqueue_dma source(%arg6 : memref<8x16xf32, #tpu.memory_space<hbm>>) target(%arg21 : memref<8x16xf32, #tpu.memory_space<vmem>>) target_semaphore(%run_scoped3A : memref<!tpu.dma_semaphore, #tpu.memory_space<semaphore_mem>>)
      tpu.wait_dma2 semaphore(%run_scoped3A : memref<!tpu.dma_semaphore, #tpu.memory_space<semaphore_mem>>) src(%arg6 : memref<8x16xf32, #tpu.memory_space<hbm>>) dst(%arg21 : memref<8x16xf32, #tpu.memory_space<vmem>>)
      tpu.yield
    }) : () -> ()
    %barrier3A = arith.constant 0 : index
    tpu.barrier barrier_id(%barrier3A)
    %get3A = arith.constant 0 : i32
    %get3A_45 = arith.index_cast %get3A : i32 to index
    %get3A_46 = arith.constant 0 : index
    %get3A_47 = tpu.vector_load %arg21[%get3A_45, %get3A_46] {strides = array<i32>} : memref<8x16xf32, #tpu.memory_space<vmem>>, vector<1x16xf32>,
    %get3A_48 = vector.shape_cast %get3A_47 : vector<1x16xf32> to vector<16xf32>
    %get3A_49 = arith.constant 1 : i32
    %get3A_50 = arith.index_cast %get3A_49 : i32 to index
    %get3A_51 = arith.constant 0 : index
    %get3A_52 = tpu.vector_load %arg21[%get3A_50, %get3A_51] {strides = array<i32>} : memref<8x16xf32, #tpu.memory_space<vmem>>, vector<1x16xf32>,
    %get3A_53 = vector.shape_cast %get3A_52 : vector<1x16xf32> to vector<16xf32>
    %get3A_54 = arith.constant 2 : i32
    %get3A_55 = arith.index_cast %get3A_54 : i32 to index
    %get3A_56 = arith.constant 0 : index
    %get3A_57 = tpu.vector_load %arg21[%get3A_55, %get3A_56] {strides = array<i32>} : memref<8x16xf32, #tpu.memory_space<vmem>>, vector<1x16xf32>,
    %get3A_58 = vector.shape_cast %get3A_57 : vector<1x16xf32> to vector<16xf32>
    %get3A_59 = arith.constant 3 : i32
    %get3A_60 = arith.index_cast %get3A_59 : i32 to index
    %get3A_61 = arith.constant 0 : index
    %get3A_62 = tpu.vector_load %arg21[%get3A_60, %get3A_61] {strides = array<i32>} : memref<8x16xf32, #tpu.memory_space<vmem>>, vector<1x16xf32>,
    %get3A_63 = vector.shape_cast %get3A_62 : vector<1x16xf32> to vector<16xf32>
    %get3A_64 = arith.constant 4 : i32
    %get3A_65 = arith.index_cast %get3A_64 : i32 to index
    %get3A_66 = arith.constant 0 : index
    %get3A_67 = tpu.vector_load %arg21[%get3A_65, %get3A_66] {strides = array<i32>} : memref<8x16xf32, #tpu.memory_space<vmem>>, vector<1x16xf32>,
    %get3A_68 = vector.shape_cast %get3A_67 : vector<1x16xf32> to vector<16xf32>
    %get3A_69 = arith.constant 5 : i32
    %get3A_70 = arith.index_cast %get3A_69 : i32 to index
    %get3A_71 = arith.constant 0 : index
    %get3A_72 = tpu.vector_load %arg21[%get3A_70, %get3A_71] {strides = array<i32>} : memref<8x16xf32, #tpu.memory_space<vmem>>, vector<1x16xf32>,
    %get3A_73 = vector.shape_cast %get3A_72 : vector<1x16xf32> to vector<16xf32>
    %get3A_74 = arith.constant 6 : i32
    %get3A_75 = arith.index_cast %get3A_74 : i32 to index
    %get3A_76 = arith.constant 0 : index
    %get3A_77 = tpu.vector_load %arg21[%get3A_75, %get3A_76] {strides = array<i32>} : memref<8x16xf32, #tpu.memory_space<vmem>>, vector<1x16xf32>,
    %get3A_78 = vector.shape_cast %get3A_77 : vector<1x16xf32> to vector<16xf32>
    %get3A_79 = arith.constant 7 : i32
    %get3A_80 = arith.index_cast %get3A_79 : i32 to index
    %get3A_81 = arith.constant 0 : index
    %get3A_82 = tpu.vector_load %arg21[%get3A_80, %get3A_81] {strides = array<i32>} : memref<8x16xf32, #tpu.memory_space<vmem>>, vector<1x16xf32>,
    %get3A_83 = vector.shape_cast %get3A_82 : vector<1x16xf32> to vector<16xf32>
    %mul3A_84 = arith.constant 160000 : i32
    %mul3A_85 = arith.muli %arg0, %mul3A_84 : i32
    %mul3A_86 = arith.constant 10000 : i32
    %mul3A_87 = arith.muli %arg1, %mul3A_86 : i32
    %add3A_88 = arith.addi %mul3A_85, %mul3A_87 : i32
    %add3A_89 = arith.constant 0 : i32
    %add3A_90 = arith.addi %add3A_88, %add3A_89 : i32
    "tpu.region"() ({
      %run_scoped3A = tpu.sem_alloc : memref<!tpu.dma_semaphore, #tpu.memory_space<semaphore_mem>>
      %dma_start3A_111 = tpu.memref_slice %arg4[%add3A_90] : memref<320000xi32, #tpu.memory_space<hbm>> -> memref<40xi32, #tpu.memory_space<hbm>>
      %dma_start3A_112 = tpu.memref_slice %arg4[%add3A_90] : memref<320000xi32, #tpu.memory_space<hbm>> -> memref<40xi32, #tpu.memory_space<hbm>>
      tpu.enqueue_dma source(%dma_start3A_112 : memref<40xi32, #tpu.memory_space<hbm>>) target(%arg11 : memref<40xi32, #tpu.memory_space<vmem>>) target_semaphore(%run_scoped3A : memref<!tpu.dma_semaphore, #tpu.memory_space<semaphore_mem>>)
      %dma_wait3A_113 = tpu.memref_slice %arg4[%add3A_90] : memref<320000xi32, #tpu.memory_space<hbm>> -> memref<40xi32, #tpu.memory_space<hbm>>
      %dma_wait3A_114 = tpu.memref_slice %arg4[%add3A_90] : memref<320000xi32, #tpu.memory_space<hbm>> -> memref<40xi32, #tpu.memory_space<hbm>>
      tpu.wait_dma2 semaphore(%run_scoped3A : memref<!tpu.dma_semaphore, #tpu.memory_space<semaphore_mem>>) src(%dma_wait3A_114 : memref<40xi32, #tpu.memory_space<hbm>>) dst(%arg11 : memref<40xi32, #tpu.memory_space<vmem>>)
      tpu.yield
    }) : () -> ()
    "tpu.region"() ({
      %run_scoped3A = tpu.sem_alloc : memref<!tpu.dma_semaphore, #tpu.memory_space<semaphore_mem>>
      %dma_start3A_111 = tpu.memref_slice %arg5[%add3A_90] : memref<320000xi32, #tpu.memory_space<hbm>> -> memref<40xi32, #tpu.memory_space<hbm>>
      %dma_start3A_112 = tpu.memref_slice %arg5[%add3A_90] : memref<320000xi32, #tpu.memory_space<hbm>> -> memref<40xi32, #tpu.memory_space<hbm>>
      tpu.enqueue_dma source(%dma_start3A_112 : memref<40xi32, #tpu.memory_space<hbm>>) target(%arg12 : memref<40xi32, #tpu.memory_space<vmem>>) target_semaphore(%run_scoped3A : memref<!tpu.dma_semaphore, #tpu.memory_space<semaphore_mem>>)
      %dma_wait3A_113 = tpu.memref_slice %arg5[%add3A_90] : memref<320000xi32, #tpu.memory_space<hbm>> -> memref<40xi32, #tpu.memory_space<hbm>>
      %dma_wait3A_114 = tpu.memref_slice %arg5[%add3A_90] : memref<320000xi32, #tpu.memory_space<hbm>> -> memref<40xi32, #tpu.memory_space<hbm>>
      tpu.wait_dma2 semaphore(%run_scoped3A : memref<!tpu.dma_semaphore, #tpu.memory_space<semaphore_mem>>) src(%dma_wait3A_114 : memref<40xi32, #tpu.memory_space<hbm>>) dst(%arg12 : memref<40xi32, #tpu.memory_space<vmem>>)
      tpu.yield
    }) : () -> ()
    %dma_start3A = arith.constant 0 : i32
    %dma_start3A_91 = arith.constant 0 : i32
    %dma_start3A_92 = tpu.memref_slice %arg2[%dma_start3A, %dma_start3A_91] : memref<10000x128xf32, #tpu.memory_space<hbm>> -> memref<10000x128xf32, #tpu.memory_space<hbm>>
    tpu.enqueue_indirect_dma source(%dma_start3A_92 : memref<10000x128xf32, #tpu.memory_space<hbm>>) target(%arg16 : memref<40x128xf32, #tpu.memory_space<vmem>>) offsets(%arg11 : memref<40xi32, #tpu.memory_space<vmem>>) semaphore(%arg22 : memref<!tpu.dma_semaphore, #tpu.memory_space<semaphore_mem>>)
    %dma_start3A_93 = arith.constant 0 : i32
    %dma_start3A_94 = arith.constant 0 : i32
    %dma_start3A_95 = tpu.memref_slice %arg3[%dma_start3A_93, %dma_start3A_94] : memref<10000x128xf32, #tpu.memory_space<hbm>> -> memref<10000x128xf32, #tpu.memory_space<hbm>>
    tpu.enqueue_indirect_dma source(%dma_start3A_95 : memref<10000x128xf32, #tpu.memory_space<hbm>>) target(%arg17 : memref<40x128xf32, #tpu.memory_space<vmem>>) offsets(%arg12 : memref<40xi32, #tpu.memory_space<vmem>>) semaphore(%arg23 : memref<!tpu.dma_semaphore, #tpu.memory_space<semaphore_mem>>)
    %scan3A_96 = arith.constant 0 : i32
    %scan3A_97 = arith.constant 125 : i32
    %scan3A_98 = arith.addi %scan3A_96, %scan3A_97 : i32
    %scan3A_99 = arith.constant 1 : i32
    scf.for %scan3A_111 = %scan3A_96 to %scan3A_98 step %scan3A_99  : i32 {
      %mul3A_112 = arith.constant 2 : i32
      %mul3A_113 = arith.muli %mul3A_112, %scan3A_111 : i32
      %add3A_114 = arith.constant 1 : i32
      %add3A_115 = arith.addi %mul3A_113, %add3A_114 : i32
      %mul3A_116 = arith.constant 2 : i32
      %mul3A_117 = arith.muli %mul3A_116, %scan3A_111 : i32
      %add3A_118 = arith.constant 2 : i32
      %add3A_119 = arith.addi %mul3A_117, %add3A_118 : i32
      %ge3A = arith.constant 250 : i32
      %ge3A_120 = arith.cmpi sge, %add3A_119, %ge3A : i32
      %jit3A = arith.constant 0 : i32
      %select_n3A = arith.select %ge3A_120, %jit3A, %add3A_119 : i32
      %mul3A_121 = arith.constant 40 : i32
      %mul3A_122 = arith.muli %add3A_115, %mul3A_121 : i32
      %add3A_123 = arith.addi %add3A_88, %mul3A_122 : i32
      "tpu.region"() ({
        %run_scoped3A = tpu.sem_alloc : memref<!tpu.dma_semaphore, #tpu.memory_space<semaphore_mem>>
        %dma_start3A_219 = tpu.memref_slice %arg4[%add3A_123] : memref<320000xi32, #tpu.memory_space<hbm>> -> memref<40xi32, #tpu.memory_space<hbm>>
        %dma_start3A_220 = tpu.memref_slice %arg4[%add3A_123] : memref<320000xi32, #tpu.memory_space<hbm>> -> memref<40xi32, #tpu.memory_space<hbm>>
        tpu.enqueue_dma source(%dma_start3A_220 : memref<40xi32, #tpu.memory_space<hbm>>) target(%arg13 : memref<40xi32, #tpu.memory_space<vmem>>) target_semaphore(%run_scoped3A : memref<!tpu.dma_semaphore, #tpu.memory_space<semaphore_mem>>)
        %dma_wait3A_221 = tpu.memref_slice %arg4[%add3A_123] : memref<320000xi32, #tpu.memory_space<hbm>> -> memref<40xi32, #tpu.memory_space<hbm>>
        %dma_wait3A_222 = tpu.memref_slice %arg4[%add3A_123] : memref<320000xi32, #tpu.memory_space<hbm>> -> memref<40xi32, #tpu.memory_space<hbm>>
        tpu.wait_dma2 semaphore(%run_scoped3A : memref<!tpu.dma_semaphore, #tpu.memory_space<semaphore_mem>>) src(%dma_wait3A_222 : memref<40xi32, #tpu.memory_space<hbm>>) dst(%arg13 : memref<40xi32, #tpu.memory_space<vmem>>)
        tpu.yield
      }) : () -> ()
      "tpu.region"() ({
        %run_scoped3A = tpu.sem_alloc : memref<!tpu.dma_semaphore, #tpu.memory_space<semaphore_mem>>
        %dma_start3A_219 = tpu.memref_slice %arg5[%add3A_123] : memref<320000xi32, #tpu.memory_space<hbm>> -> memref<40xi32, #tpu.memory_space<hbm>>
        %dma_start3A_220 = tpu.memref_slice %arg5[%add3A_123] : memref<320000xi32, #tpu.memory_space<hbm>> -> memref<40xi32, #tpu.memory_space<hbm>>
        tpu.enqueue_dma source(%dma_start3A_220 : memref<40xi32, #tpu.memory_space<hbm>>) target(%arg14 : memref<40xi32, #tpu.memory_space<vmem>>) target_semaphore(%run_scoped3A : memref<!tpu.dma_semaphore, #tpu.memory_space<semaphore_mem>>)
        %dma_wait3A_221 = tpu.memref_slice %arg5[%add3A_123] : memref<320000xi32, #tpu.memory_space<hbm>> -> memref<40xi32, #tpu.memory_space<hbm>>
        %dma_wait3A_222 = tpu.memref_slice %arg5[%add3A_123] : memref<320000xi32, #tpu.memory_space<hbm>> -> memref<40xi32, #tpu.memory_space<hbm>>
        tpu.wait_dma2 semaphore(%run_scoped3A : memref<!tpu.dma_semaphore, #tpu.memory_space<semaphore_mem>>) src(%dma_wait3A_222 : memref<40xi32, #tpu.memory_space<hbm>>) dst(%arg14 : memref<40xi32, #tpu.memory_space<vmem>>)
        tpu.yield
      }) : () -> ()
      %dma_start3A_124 = arith.constant 0 : i32
      %dma_start3A_125 = arith.constant 0 : i32
      %dma_start3A_126 = tpu.memref_slice %arg2[%dma_start3A_124, %dma_start3A_125] : memref<10000x128xf32, #tpu.memory_space<hbm>> -> memref<10000x128xf32, #tpu.memory_space<hbm>>
      tpu.enqueue_indirect_dma source(%dma_start3A_126 : memref<10000x128xf32, #tpu.memory_space<hbm>>) target(%arg18 : memref<40x128xf32, #tpu.memory_space<vmem>>) offsets(%arg13 : memref<40xi32, #tpu.memory_space<vmem>>) semaphore(%arg24 : memref<!tpu.dma_semaphore, #tpu.memory_space<semaphore_mem>>)
      %dma_start3A_127 = arith.constant 0 : i32
      %dma_start3A_128 = arith.constant 0 : i32
      %dma_start3A_129 = tpu.memref_slice %arg3[%dma_start3A_127, %dma_start3A_128] : memref<10000x128xf32, #tpu.memory_space<hbm>> -> memref<10000x128xf32, #tpu.memory_space<hbm>>
      tpu.enqueue_indirect_dma source(%dma_start3A_129 : memref<10000x128xf32, #tpu.memory_space<hbm>>) target(%arg19 : memref<40x128xf32, #tpu.memory_space<vmem>>) offsets(%arg14 : memref<40xi32, #tpu.memory_space<vmem>>) semaphore(%arg25 : memref<!tpu.dma_semaphore, #tpu.memory_space<semaphore_mem>>)
      %dma_wait3A_130 = arith.constant 0 : i32
      %dma_wait3A_131 = arith.constant 0 : i32
      %dma_wait3A_132 = tpu.memref_slice %arg2[%dma_wait3A_130, %dma_wait3A_131] : memref<10000x128xf32, #tpu.memory_space<hbm>> -> memref<10000x128xf32, #tpu.memory_space<hbm>>
      tpu.wait_indirect_dma semaphore(%arg22 : memref<!tpu.dma_semaphore, #tpu.memory_space<semaphore_mem>>) src(%dma_wait3A_132 : memref<10000x128xf32, #tpu.memory_space<hbm>>) dst(%arg16 : memref<40x128xf32, #tpu.memory_space<vmem>>)
      %dma_wait3A_133 = arith.constant 0 : i32
      %dma_wait3A_134 = arith.constant 0 : i32
      %dma_wait3A_135 = tpu.memref_slice %arg3[%dma_wait3A_133, %dma_wait3A_134] : memref<10000x128xf32, #tpu.memory_space<hbm>> -> memref<10000x128xf32, #tpu.memory_space<hbm>>
      tpu.wait_indirect_dma semaphore(%arg23 : memref<!tpu.dma_semaphore, #tpu.memory_space<semaphore_mem>>) src(%dma_wait3A_135 : memref<10000x128xf32, #tpu.memory_space<hbm>>) dst(%arg17 : memref<40x128xf32, #tpu.memory_space<vmem>>)
      %get3A_136 = arith.constant 0 : index
      %get3A_137 = tpu.vector_load %arg12[%get3A_136] {strides = array<i32>} : memref<40xi32, #tpu.memory_space<vmem>>, vector<16xi32>,
      %get3A_138 = vector.shape_cast %get3A_137 : vector<16xi32> to vector<16xi32>
      %shift_right_arithmetic3A = arith.constant 3 : i32
      %shift_right_arithmetic3A_139 = vector.broadcast %shift_right_arithmetic3A : i32 to vector<16xi32>
      %shift_right_arithmetic3A_140 = arith.shrsi %get3A_138, %shift_right_arithmetic3A_139 : vector<16xi32>
      %swap3A = arith.constant 0 : index
      %swap3A_141 = tpu.vector_load %arg15[%swap3A] {strides = array<i32>} : memref<40xi32, #tpu.memory_space<vmem>>, vector<16xi32>,
      %swap3A_142 = vector.shape_cast %swap3A_141 : vector<16xi32> to vector<16xi32>
      %swap3A_143 = vector.shape_cast %shift_right_arithmetic3A_140 : vector<16xi32> to vector<16xi32>
      tpu.vector_store %arg15[%swap3A], %swap3A_143 {strides = array<i32>} : memref<40xi32, #tpu.memory_space<vmem>>, vector<16xi32>,
      %get3A_144 = arith.constant 16 : index
      %get3A_145 = tpu.vector_load %arg12[%get3A_144] {strides = array<i32>} : memref<40xi32, #tpu.memory_space<vmem>>, vector<16xi32>,
      %get3A_146 = vector.shape_cast %get3A_145 : vector<16xi32> to vector<16xi32>
      %shift_right_arithmetic3A_147 = arith.constant 3 : i32
      %shift_right_arithmetic3A_148 = vector.broadcast %shift_right_arithmetic3A_147 : i32 to vector<16xi32>
      %shift_right_arithmetic3A_149 = arith.shrsi %get3A_146, %shift_right_arithmetic3A_148 : vector<16xi32>
      %swap3A_150 = arith.constant 16 : index
      %swap3A_151 = tpu.vector_load %arg15[%swap3A_150] {strides = array<i32>} : memref<40xi32, #tpu.memory_space<vmem>>, vector<16xi32>,
      %swap3A_152 = vector.shape_cast %swap3A_151 : vector<16xi32> to vector<16xi32>
      %swap3A_153 = vector.shape_cast %shift_right_arithmetic3A_149 : vector<16xi32> to vector<16xi32>
      tpu.vector_store %arg15[%swap3A_150], %swap3A_153 {strides = array<i32>} : memref<40xi32, #tpu.memory_space<vmem>>, vector<16xi32>,
      %get3A_154 = arith.constant 24 : index
      %get3A_155 = tpu.vector_load %arg12[%get3A_154] {strides = array<i32>} : memref<40xi32, #tpu.memory_space<vmem>>, vector<16xi32>,
      %get3A_156 = vector.shape_cast %get3A_155 : vector<16xi32> to vector<16xi32>
      %shift_right_arithmetic3A_157 = arith.constant 3 : i32
      %shift_right_arithmetic3A_158 = vector.broadcast %shift_right_arithmetic3A_157 : i32 to vector<16xi32>
      %shift_right_arithmetic3A_159 = arith.shrsi %get3A_156, %shift_right_arithmetic3A_158 : vector<16xi32>
      %swap3A_160 = arith.constant 24 : index
      %swap3A_161 = tpu.vector_load %arg15[%swap3A_160] {strides = array<i32>} : memref<40xi32, #tpu.memory_space<vmem>>, vector<16xi32>,
      %swap3A_162 = vector.shape_cast %swap3A_161 : vector<16xi32> to vector<16xi32>
      %swap3A_163 = vector.shape_cast %shift_right_arithmetic3A_159 : vector<16xi32> to vector<16xi32>
      tpu.vector_store %arg15[%swap3A_160], %swap3A_163 {strides = array<i32>} : memref<40xi32, #tpu.memory_space<vmem>>, vector<16xi32>,
      %scan3A_164 = arith.constant 0 : i32
      %scan3A_165 = arith.constant 20 : i32
      %scan3A_166 = arith.addi %scan3A_164, %scan3A_165 : i32
      %scan3A_167 = arith.constant 1 : i32
      scf.for %scan3A_219 = %scan3A_164 to %scan3A_166 step %scan3A_167  : i32 {
        %mul3A_220 = arith.constant 2 : i32
        %mul3A_221 = arith.muli %mul3A_220, %scan3A_219 : i32
        %mul3A_222 = arith.constant 2 : i32
        %mul3A_223 = arith.muli %mul3A_222, %scan3A_219 : i32
        %add3A_224 = arith.constant 1 : i32
        %add3A_225 = arith.addi %mul3A_223, %add3A_224 : i32
        %get3A_226 = arith.index_cast %mul3A_221 : i32 to index
        %get3A_227 = arith.constant 0 : index
        %get3A_228 = tpu.vector_load %arg16[%get3A_226, %get3A_227] {strides = array<i32>} : memref<40x128xf32, #tpu.memory_space<vmem>>, vector<1x16xf32>,
        %get3A_229 = vector.shape_cast %get3A_228 : vector<1x16xf32> to vector<16xf32>
        %get3A_230 = arith.index_cast %mul3A_221 : i32 to index
        %get3A_231 = arith.constant 0 : index
        %get3A_232 = tpu.vector_load %arg17[%get3A_230, %get3A_231] {strides = array<i32>} : memref<40x128xf32, #tpu.memory_space<vmem>>, vector<1x16xf32>,
        %get3A_233 = vector.shape_cast %get3A_232 : vector<1x16xf32> to vector<16xf32>
        %add3A_234 = arith.addf %get3A_229, %get3A_233 : vector<16xf32>
        %gt3A = arith.constant 0.000000e+00 : f32
        %gt3A_235 = vector.broadcast %gt3A : f32 to vector<16xf32>
        %gt3A_236 = arith.cmpf ogt, %add3A_234, %gt3A_235 : vector<16xf32>
        %mul3A_237 = arith.constant 2.000000e-01 : f32
        %mul3A_238 = vector.broadcast %mul3A_237 : f32 to vector<16xf32>
        %mul3A_239 = arith.mulf %add3A_234, %mul3A_238 : vector<16xf32>
        %select_n3A_240 = arith.select %gt3A_236, %add3A_234, %mul3A_239 : vector<16xi1>, vector<16xf32>
        %mul3A_241 = arith.mulf %select_n3A_240, %get3A_48 : vector<16xf32>
        %xor3A = arith.constant 8 : i32
        %xor3A_242 = vector.broadcast %xor3A : i32 to vector<16xi32>
        %xor3A_243 = arith.xori %iota3A, %xor3A_242 : vector<16xi32>
        %reshape3A = vector.shape_cast %xor3A_243 : vector<16xi32> to vector<16x1xi32>
        %gather3A = vector.shape_cast %reshape3A : vector<16x1xi32> to vector<16xi32>
        %gather3A_244 = tpu.dynamic_gather %mul3A_241[%gather3A] in [0] : vector<16xf32>, vector<16xi32> -> vector<16xf32>
        %add3A_245 = arith.addf %mul3A_241, %gather3A_244 : vector<16xf32>
        %xor3A_246 = arith.constant 4 : i32
        %xor3A_247 = vector.broadcast %xor3A_246 : i32 to vector<16xi32>
        %xor3A_248 = arith.xori %iota3A, %xor3A_247 : vector<16xi32>
        %reshape3A_249 = vector.shape_cast %xor3A_248 : vector<16xi32> to vector<16x1xi32>
        %gather3A_250 = vector.shape_cast %reshape3A_249 : vector<16x1xi32> to vector<16xi32>
        %gather3A_251 = tpu.dynamic_gather %add3A_245[%gather3A_250] in [0] : vector<16xf32>, vector<16xi32> -> vector<16xf32>
        %add3A_252 = arith.addf %add3A_245, %gather3A_251 : vector<16xf32>
        %xor3A_253 = arith.constant 2 : i32
        %xor3A_254 = vector.broadcast %xor3A_253 : i32 to vector<16xi32>
        %xor3A_255 = arith.xori %iota3A, %xor3A_254 : vector<16xi32>
        %reshape3A_256 = vector.shape_cast %xor3A_255 : vector<16xi32> to vector<16x1xi32>
        %gather3A_257 = vector.shape_cast %reshape3A_256 : vector<16x1xi32> to vector<16xi32>
        %gather3A_258 = tpu.dynamic_gather %add3A_252[%gather3A_257] in [0] : vector<16xf32>, vector<16xi32> -> vector<16xf32>
        %add3A_259 = arith.addf %add3A_252, %gather3A_258 : vector<16xf32>
        %xor3A_260 = arith.constant 1 : i32
        %xor3A_261 = vector.broadcast %xor3A_260 : i32 to vector<16xi32>
        %xor3A_262 = arith.xori %iota3A, %xor3A_261 : vector<16xi32>
        %reshape3A_263 = vector.shape_cast %xor3A_262 : vector<16xi32> to vector<16x1xi32>
        %gather3A_264 = vector.shape_cast %reshape3A_263 : vector<16x1xi32> to vector<16xi32>
        %gather3A_265 = tpu.dynamic_gather %add3A_259[%gather3A_264] in [0] : vector<16xf32>, vector<16xi32> -> vector<16xf32>
        %add3A_266 = arith.addf %add3A_259, %gather3A_265 : vector<16xf32>
        %eq3A = arith.constant 0 : i32
        %eq3A_267 = vector.broadcast %eq3A : i32 to vector<16xi32>
        %eq3A_268 = arith.cmpi eq, %iota3A, %eq3A_267 : vector<16xi32>
        %select_n3A_269 = arith.select %eq3A_268, %add3A_266, %broadcast_in_dim3A_0 : vector<16xi1>, vector<16xf32>
        %get3A_270 = arith.index_cast %mul3A_221 : i32 to index
        %get3A_271 = arith.constant 16 : index
        %get3A_272 = tpu.vector_load %arg16[%get3A_270, %get3A_271] {strides = array<i32>} : memref<40x128xf32, #tpu.memory_space<vmem>>, vector<1x16xf32>,
        %get3A_273 = vector.shape_cast %get3A_272 : vector<1x16xf32> to vector<16xf32>
        %get3A_274 = arith.index_cast %mul3A_221 : i32 to index
        %get3A_275 = arith.constant 16 : index
        %get3A_276 = tpu.vector_load %arg17[%get3A_274, %get3A_275] {strides = array<i32>} : memref<40x128xf32, #tpu.memory_space<vmem>>, vector<1x16xf32>,
        %get3A_277 = vector.shape_cast %get3A_276 : vector<1x16xf32> to vector<16xf32>
        %add3A_278 = arith.addf %get3A_273, %get3A_277 : vector<16xf32>
        %gt3A_279 = arith.constant 0.000000e+00 : f32
        %gt3A_280 = vector.broadcast %gt3A_279 : f32 to vector<16xf32>
        %gt3A_281 = arith.cmpf ogt, %add3A_278, %gt3A_280 : vector<16xf32>
        %mul3A_282 = arith.constant 2.000000e-01 : f32
        %mul3A_283 = vector.broadcast %mul3A_282 : f32 to vector<16xf32>
        %mul3A_284 = arith.mulf %add3A_278, %mul3A_283 : vector<16xf32>
        %select_n3A_285 = arith.select %gt3A_281, %add3A_278, %mul3A_284 : vector<16xi1>, vector<16xf32>
        %mul3A_286 = arith.mulf %select_n3A_285, %get3A_53 : vector<16xf32>
        %xor3A_287 = arith.constant 8 : i32
        %xor3A_288 = vector.broadcast %xor3A_287 : i32 to vector<16xi32>
        %xor3A_289 = arith.xori %iota3A, %xor3A_288 : vector<16xi32>
        %reshape3A_290 = vector.shape_cast %xor3A_289 : vector<16xi32> to vector<16x1xi32>
        %gather3A_291 = vector.shape_cast %reshape3A_290 : vector<16x1xi32> to vector<16xi32>
        %gather3A_292 = tpu.dynamic_gather %mul3A_286[%gather3A_291] in [0] : vector<16xf32>, vector<16xi32> -> vector<16xf32>
        %add3A_293 = arith.addf %mul3A_286, %gather3A_292 : vector<16xf32>
        %xor3A_294 = arith.constant 4 : i32
        %xor3A_295 = vector.broadcast %xor3A_294 : i32 to vector<16xi32>
        %xor3A_296 = arith.xori %iota3A, %xor3A_295 : vector<16xi32>
        %reshape3A_297 = vector.shape_cast %xor3A_296 : vector<16xi32> to vector<16x1xi32>
        %gather3A_298 = vector.shape_cast %reshape3A_297 : vector<16x1xi32> to vector<16xi32>
        %gather3A_299 = tpu.dynamic_gather %add3A_293[%gather3A_298] in [0] : vector<16xf32>, vector<16xi32> -> vector<16xf32>
        %add3A_300 = arith.addf %add3A_293, %gather3A_299 : vector<16xf32>
        %xor3A_301 = arith.constant 2 : i32
        %xor3A_302 = vector.broadcast %xor3A_301 : i32 to vector<16xi32>
        %xor3A_303 = arith.xori %iota3A, %xor3A_302 : vector<16xi32>
        %reshape3A_304 = vector.shape_cast %xor3A_303 : vector<16xi32> to vector<16x1xi32>
        %gather3A_305 = vector.shape_cast %reshape3A_304 : vector<16x1xi32> to vector<16xi32>
        %gather3A_306 = tpu.dynamic_gather %add3A_300[%gather3A_305] in [0] : vector<16xf32>, vector<16xi32> -> vector<16xf32>
        %add3A_307 = arith.addf %add3A_300, %gather3A_306 : vector<16xf32>
        %xor3A_308 = arith.constant 1 : i32
        %xor3A_309 = vector.broadcast %xor3A_308 : i32 to vector<16xi32>
        %xor3A_310 = arith.xori %iota3A, %xor3A_309 : vector<16xi32>
        %reshape3A_311 = vector.shape_cast %xor3A_310 : vector<16xi32> to vector<16x1xi32>
        %gather3A_312 = vector.shape_cast %reshape3A_311 : vector<16x1xi32> to vector<16xi32>
        %gather3A_313 = tpu.dynamic_gather %add3A_307[%gather3A_312] in [0] : vector<16xf32>, vector<16xi32> -> vector<16xf32>
        %add3A_314 = arith.addf %add3A_307, %gather3A_313 : vector<16xf32>
        %eq3A_315 = arith.constant 1 : i32
        %eq3A_316 = vector.broadcast %eq3A_315 : i32 to vector<16xi32>
        %eq3A_317 = arith.cmpi eq, %iota3A, %eq3A_316 : vector<16xi32>
        %select_n3A_318 = arith.select %eq3A_317, %add3A_314, %select_n3A_269 : vector<16xi1>, vector<16xf32>
        %get3A_319 = arith.index_cast %mul3A_221 : i32 to index
        %get3A_320 = arith.constant 32 : index
        %get3A_321 = tpu.vector_load %arg16[%get3A_319, %get3A_320] {strides = array<i32>} : memref<40x128xf32, #tpu.memory_space<vmem>>, vector<1x16xf32>,
        %get3A_322 = vector.shape_cast %get3A_321 : vector<1x16xf32> to vector<16xf32>
        %get3A_323 = arith.index_cast %mul3A_221 : i32 to index
        %get3A_324 = arith.constant 32 : index
        %get3A_325 = tpu.vector_load %arg17[%get3A_323, %get3A_324] {strides = array<i32>} : memref<40x128xf32, #tpu.memory_space<vmem>>, vector<1x16xf32>,
        %get3A_326 = vector.shape_cast %get3A_325 : vector<1x16xf32> to vector<16xf32>
        %add3A_327 = arith.addf %get3A_322, %get3A_326 : vector<16xf32>
        %gt3A_328 = arith.constant 0.000000e+00 : f32
        %gt3A_329 = vector.broadcast %gt3A_328 : f32 to vector<16xf32>
        %gt3A_330 = arith.cmpf ogt, %add3A_327, %gt3A_329 : vector<16xf32>
        %mul3A_331 = arith.constant 2.000000e-01 : f32
        %mul3A_332 = vector.broadcast %mul3A_331 : f32 to vector<16xf32>
        %mul3A_333 = arith.mulf %add3A_327, %mul3A_332 : vector<16xf32>
        %select_n3A_334 = arith.select %gt3A_330, %add3A_327, %mul3A_333 : vector<16xi1>, vector<16xf32>
        %mul3A_335 = arith.mulf %select_n3A_334, %get3A_58 : vector<16xf32>
        %xor3A_336 = arith.constant 8 : i32
        %xor3A_337 = vector.broadcast %xor3A_336 : i32 to vector<16xi32>
        %xor3A_338 = arith.xori %iota3A, %xor3A_337 : vector<16xi32>
        %reshape3A_339 = vector.shape_cast %xor3A_338 : vector<16xi32> to vector<16x1xi32>
        %gather3A_340 = vector.shape_cast %reshape3A_339 : vector<16x1xi32> to vector<16xi32>
        %gather3A_341 = tpu.dynamic_gather %mul3A_335[%gather3A_340] in [0] : vector<16xf32>, vector<16xi32> -> vector<16xf32>
        %add3A_342 = arith.addf %mul3A_335, %gather3A_341 : vector<16xf32>
        %xor3A_343 = arith.constant 4 : i32
        %xor3A_344 = vector.broadcast %xor3A_343 : i32 to vector<16xi32>
        %xor3A_345 = arith.xori %iota3A, %xor3A_344 : vector<16xi32>
        %reshape3A_346 = vector.shape_cast %xor3A_345 : vector<16xi32> to vector<16x1xi32>
        %gather3A_347 = vector.shape_cast %reshape3A_346 : vector<16x1xi32> to vector<16xi32>
        %gather3A_348 = tpu.dynamic_gather %add3A_342[%gather3A_347] in [0] : vector<16xf32>, vector<16xi32> -> vector<16xf32>
        %add3A_349 = arith.addf %add3A_342, %gather3A_348 : vector<16xf32>
        %xor3A_350 = arith.constant 2 : i32
        %xor3A_351 = vector.broadcast %xor3A_350 : i32 to vector<16xi32>
        %xor3A_352 = arith.xori %iota3A, %xor3A_351 : vector<16xi32>
        %reshape3A_353 = vector.shape_cast %xor3A_352 : vector<16xi32> to vector<16x1xi32>
        %gather3A_354 = vector.shape_cast %reshape3A_353 : vector<16x1xi32> to vector<16xi32>
        %gather3A_355 = tpu.dynamic_gather %add3A_349[%gather3A_354] in [0] : vector<16xf32>, vector<16xi32> -> vector<16xf32>
        %add3A_356 = arith.addf %add3A_349, %gather3A_355 : vector<16xf32>
        %xor3A_357 = arith.constant 1 : i32
        %xor3A_358 = vector.broadcast %xor3A_357 : i32 to vector<16xi32>
        %xor3A_359 = arith.xori %iota3A, %xor3A_358 : vector<16xi32>
        %reshape3A_360 = vector.shape_cast %xor3A_359 : vector<16xi32> to vector<16x1xi32>
        %gather3A_361 = vector.shape_cast %reshape3A_360 : vector<16x1xi32> to vector<16xi32>
        %gather3A_362 = tpu.dynamic_gather %add3A_356[%gather3A_361] in [0] : vector<16xf32>, vector<16xi32> -> vector<16xf32>
        %add3A_363 = arith.addf %add3A_356, %gather3A_362 : vector<16xf32>
        %eq3A_364 = arith.constant 2 : i32
        %eq3A_365 = vector.broadcast %eq3A_364 : i32 to vector<16xi32>
        %eq3A_366 = arith.cmpi eq, %iota3A, %eq3A_365 : vector<16xi32>
        %select_n3A_367 = arith.select %eq3A_366, %add3A_363, %select_n3A_318 : vector<16xi1>, vector<16xf32>
        %get3A_368 = arith.index_cast %mul3A_221 : i32 to index
        %get3A_369 = arith.constant 48 : index
        %get3A_370 = tpu.vector_load %arg16[%get3A_368, %get3A_369] {strides = array<i32>} : memref<40x128xf32, #tpu.memory_space<vmem>>, vector<1x16xf32>,
        %get3A_371 = vector.shape_cast %get3A_370 : vector<1x16xf32> to vector<16xf32>
        %get3A_372 = arith.index_cast %mul3A_221 : i32 to index
        %get3A_373 = arith.constant 48 : index
        %get3A_374 = tpu.vector_load %arg17[%get3A_372, %get3A_373] {strides = array<i32>} : memref<40x128xf32, #tpu.memory_space<vmem>>, vector<1x16xf32>,
        %get3A_375 = vector.shape_cast %get3A_374 : vector<1x16xf32> to vector<16xf32>
        %add3A_376 = arith.addf %get3A_371, %get3A_375 : vector<16xf32>
        %gt3A_377 = arith.constant 0.000000e+00 : f32
        %gt3A_378 = vector.broadcast %gt3A_377 : f32 to vector<16xf32>
        %gt3A_379 = arith.cmpf ogt, %add3A_376, %gt3A_378 : vector<16xf32>
        %mul3A_380 = arith.constant 2.000000e-01 : f32
        %mul3A_381 = vector.broadcast %mul3A_380 : f32 to vector<16xf32>
        %mul3A_382 = arith.mulf %add3A_376, %mul3A_381 : vector<16xf32>
        %select_n3A_383 = arith.select %gt3A_379, %add3A_376, %mul3A_382 : vector<16xi1>, vector<16xf32>
        %mul3A_384 = arith.mulf %select_n3A_383, %get3A_63 : vector<16xf32>
        %xor3A_385 = arith.constant 8 : i32
        %xor3A_386 = vector.broadcast %xor3A_385 : i32 to vector<16xi32>
        %xor3A_387 = arith.xori %iota3A, %xor3A_386 : vector<16xi32>
        %reshape3A_388 = vector.shape_cast %xor3A_387 : vector<16xi32> to vector<16x1xi32>
        %gather3A_389 = vector.shape_cast %reshape3A_388 : vector<16x1xi32> to vector<16xi32>
        %gather3A_390 = tpu.dynamic_gather %mul3A_384[%gather3A_389] in [0] : vector<16xf32>, vector<16xi32> -> vector<16xf32>
        %add3A_391 = arith.addf %mul3A_384, %gather3A_390 : vector<16xf32>
        %xor3A_392 = arith.constant 4 : i32
        %xor3A_393 = vector.broadcast %xor3A_392 : i32 to vector<16xi32>
        %xor3A_394 = arith.xori %iota3A, %xor3A_393 : vector<16xi32>
        %reshape3A_395 = vector.shape_cast %xor3A_394 : vector<16xi32> to vector<16x1xi32>
        %gather3A_396 = vector.shape_cast %reshape3A_395 : vector<16x1xi32> to vector<16xi32>
        %gather3A_397 = tpu.dynamic_gather %add3A_391[%gather3A_396] in [0] : vector<16xf32>, vector<16xi32> -> vector<16xf32>
        %add3A_398 = arith.addf %add3A_391, %gather3A_397 : vector<16xf32>
        %xor3A_399 = arith.constant 2 : i32
        %xor3A_400 = vector.broadcast %xor3A_399 : i32 to vector<16xi32>
        %xor3A_401 = arith.xori %iota3A, %xor3A_400 : vector<16xi32>
        %reshape3A_402 = vector.shape_cast %xor3A_401 : vector<16xi32> to vector<16x1xi32>
        %gather3A_403 = vector.shape_cast %reshape3A_402 : vector<16x1xi32> to vector<16xi32>
        %gather3A_404 = tpu.dynamic_gather %add3A_398[%gather3A_403] in [0] : vector<16xf32>, vector<16xi32> -> vector<16xf32>
        %add3A_405 = arith.addf %add3A_398, %gather3A_404 : vector<16xf32>
        %xor3A_406 = arith.constant 1 : i32
        %xor3A_407 = vector.broadcast %xor3A_406 : i32 to vector<16xi32>
        %xor3A_408 = arith.xori %iota3A, %xor3A_407 : vector<16xi32>
        %reshape3A_409 = vector.shape_cast %xor3A_408 : vector<16xi32> to vector<16x1xi32>
        %gather3A_410 = vector.shape_cast %reshape3A_409 : vector<16x1xi32> to vector<16xi32>
        %gather3A_411 = tpu.dynamic_gather %add3A_405[%gather3A_410] in [0] : vector<16xf32>, vector<16xi32> -> vector<16xf32>
        %add3A_412 = arith.addf %add3A_405, %gather3A_411 : vector<16xf32>
        %eq3A_413 = arith.constant 3 : i32
        %eq3A_414 = vector.broadcast %eq3A_413 : i32 to vector<16xi32>
        %eq3A_415 = arith.cmpi eq, %iota3A, %eq3A_414 : vector<16xi32>
        %select_n3A_416 = arith.select %eq3A_415, %add3A_412, %select_n3A_367 : vector<16xi1>, vector<16xf32>
        %get3A_417 = arith.index_cast %mul3A_221 : i32 to index
        %get3A_418 = arith.constant 64 : index
        %get3A_419 = tpu.vector_load %arg16[%get3A_417, %get3A_418] {strides = array<i32>} : memref<40x128xf32, #tpu.memory_space<vmem>>, vector<1x16xf32>,
        %get3A_420 = vector.shape_cast %get3A_419 : vector<1x16xf32> to vector<16xf32>
        %get3A_421 = arith.index_cast %mul3A_221 : i32 to index
        %get3A_422 = arith.constant 64 : index
        %get3A_423 = tpu.vector_load %arg17[%get3A_421, %get3A_422] {strides = array<i32>} : memref<40x128xf32, #tpu.memory_space<vmem>>, vector<1x16xf32>,
        %get3A_424 = vector.shape_cast %get3A_423 : vector<1x16xf32> to vector<16xf32>
        %add3A_425 = arith.addf %get3A_420, %get3A_424 : vector<16xf32>
        %gt3A_426 = arith.constant 0.000000e+00 : f32
        %gt3A_427 = vector.broadcast %gt3A_426 : f32 to vector<16xf32>
        %gt3A_428 = arith.cmpf ogt, %add3A_425, %gt3A_427 : vector<16xf32>
        %mul3A_429 = arith.constant 2.000000e-01 : f32
        %mul3A_430 = vector.broadcast %mul3A_429 : f32 to vector<16xf32>
        %mul3A_431 = arith.mulf %add3A_425, %mul3A_430 : vector<16xf32>
        %select_n3A_432 = arith.select %gt3A_428, %add3A_425, %mul3A_431 : vector<16xi1>, vector<16xf32>
        %mul3A_433 = arith.mulf %select_n3A_432, %get3A_68 : vector<16xf32>
        %xor3A_434 = arith.constant 8 : i32
        %xor3A_435 = vector.broadcast %xor3A_434 : i32 to vector<16xi32>
        %xor3A_436 = arith.xori %iota3A, %xor3A_435 : vector<16xi32>
        %reshape3A_437 = vector.shape_cast %xor3A_436 : vector<16xi32> to vector<16x1xi32>
        %gather3A_438 = vector.shape_cast %reshape3A_437 : vector<16x1xi32> to vector<16xi32>
        %gather3A_439 = tpu.dynamic_gather %mul3A_433[%gather3A_438] in [0] : vector<16xf32>, vector<16xi32> -> vector<16xf32>
        %add3A_440 = arith.addf %mul3A_433, %gather3A_439 : vector<16xf32>
        %xor3A_441 = arith.constant 4 : i32
        %xor3A_442 = vector.broadcast %xor3A_441 : i32 to vector<16xi32>
        %xor3A_443 = arith.xori %iota3A, %xor3A_442 : vector<16xi32>
        %reshape3A_444 = vector.shape_cast %xor3A_443 : vector<16xi32> to vector<16x1xi32>
        %gather3A_445 = vector.shape_cast %reshape3A_444 : vector<16x1xi32> to vector<16xi32>
        %gather3A_446 = tpu.dynamic_gather %add3A_440[%gather3A_445] in [0] : vector<16xf32>, vector<16xi32> -> vector<16xf32>
        %add3A_447 = arith.addf %add3A_440, %gather3A_446 : vector<16xf32>
        %xor3A_448 = arith.constant 2 : i32
        %xor3A_449 = vector.broadcast %xor3A_448 : i32 to vector<16xi32>
        %xor3A_450 = arith.xori %iota3A, %xor3A_449 : vector<16xi32>
        %reshape3A_451 = vector.shape_cast %xor3A_450 : vector<16xi32> to vector<16x1xi32>
        %gather3A_452 = vector.shape_cast %reshape3A_451 : vector<16x1xi32> to vector<16xi32>
        %gather3A_453 = tpu.dynamic_gather %add3A_447[%gather3A_452] in [0] : vector<16xf32>, vector<16xi32> -> vector<16xf32>
        %add3A_454 = arith.addf %add3A_447, %gather3A_453 : vector<16xf32>
        %xor3A_455 = arith.constant 1 : i32
        %xor3A_456 = vector.broadcast %xor3A_455 : i32 to vector<16xi32>
        %xor3A_457 = arith.xori %iota3A, %xor3A_456 : vector<16xi32>
        %reshape3A_458 = vector.shape_cast %xor3A_457 : vector<16xi32> to vector<16x1xi32>
        %gather3A_459 = vector.shape_cast %reshape3A_458 : vector<16x1xi32> to vector<16xi32>
        %gather3A_460 = tpu.dynamic_gather %add3A_454[%gather3A_459] in [0] : vector<16xf32>, vector<16xi32> -> vector<16xf32>
        %add3A_461 = arith.addf %add3A_454, %gather3A_460 : vector<16xf32>
        %eq3A_462 = arith.constant 4 : i32
        %eq3A_463 = vector.broadcast %eq3A_462 : i32 to vector<16xi32>
        %eq3A_464 = arith.cmpi eq, %iota3A, %eq3A_463 : vector<16xi32>
        %select_n3A_465 = arith.select %eq3A_464, %add3A_461, %select_n3A_416 : vector<16xi1>, vector<16xf32>
        %get3A_466 = arith.index_cast %mul3A_221 : i32 to index
        %get3A_467 = arith.constant 80 : index
        %get3A_468 = tpu.vector_load %arg16[%get3A_466, %get3A_467] {strides = array<i32>} : memref<40x128xf32, #tpu.memory_space<vmem>>, vector<1x16xf32>,
        %get3A_469 = vector.shape_cast %get3A_468 : vector<1x16xf32> to vector<16xf32>
        %get3A_470 = arith.index_cast %mul3A_221 : i32 to index
        %get3A_471 = arith.constant 80 : index
        %get3A_472 = tpu.vector_load %arg17[%get3A_470, %get3A_471] {strides = array<i32>} : memref<40x128xf32, #tpu.memory_space<vmem>>, vector<1x16xf32>,
        %get3A_473 = vector.shape_cast %get3A_472 : vector<1x16xf32> to vector<16xf32>
        %add3A_474 = arith.addf %get3A_469, %get3A_473 : vector<16xf32>
        %gt3A_475 = arith.constant 0.000000e+00 : f32
        %gt3A_476 = vector.broadcast %gt3A_475 : f32 to vector<16xf32>
        %gt3A_477 = arith.cmpf ogt, %add3A_474, %gt3A_476 : vector<16xf32>
        %mul3A_478 = arith.constant 2.000000e-01 : f32
        %mul3A_479 = vector.broadcast %mul3A_478 : f32 to vector<16xf32>
        %mul3A_480 = arith.mulf %add3A_474, %mul3A_479 : vector<16xf32>
        %select_n3A_481 = arith.select %gt3A_477, %add3A_474, %mul3A_480 : vector<16xi1>, vector<16xf32>
        %mul3A_482 = arith.mulf %select_n3A_481, %get3A_73 : vector<16xf32>
        %xor3A_483 = arith.constant 8 : i32
        %xor3A_484 = vector.broadcast %xor3A_483 : i32 to vector<16xi32>
        %xor3A_485 = arith.xori %iota3A, %xor3A_484 : vector<16xi32>
        %reshape3A_486 = vector.shape_cast %xor3A_485 : vector<16xi32> to vector<16x1xi32>
        %gather3A_487 = vector.shape_cast %reshape3A_486 : vector<16x1xi32> to vector<16xi32>
        %gather3A_488 = tpu.dynamic_gather %mul3A_482[%gather3A_487] in [0] : vector<16xf32>, vector<16xi32> -> vector<16xf32>
        %add3A_489 = arith.addf %mul3A_482, %gather3A_488 : vector<16xf32>
        %xor3A_490 = arith.constant 4 : i32
        %xor3A_491 = vector.broadcast %xor3A_490 : i32 to vector<16xi32>
        %xor3A_492 = arith.xori %iota3A, %xor3A_491 : vector<16xi32>
        %reshape3A_493 = vector.shape_cast %xor3A_492 : vector<16xi32> to vector<16x1xi32>
        %gather3A_494 = vector.shape_cast %reshape3A_493 : vector<16x1xi32> to vector<16xi32>
        %gather3A_495 = tpu.dynamic_gather %add3A_489[%gather3A_494] in [0] : vector<16xf32>, vector<16xi32> -> vector<16xf32>
        %add3A_496 = arith.addf %add3A_489, %gather3A_495 : vector<16xf32>
        %xor3A_497 = arith.constant 2 : i32
        %xor3A_498 = vector.broadcast %xor3A_497 : i32 to vector<16xi32>
        %xor3A_499 = arith.xori %iota3A, %xor3A_498 : vector<16xi32>
        %reshape3A_500 = vector.shape_cast %xor3A_499 : vector<16xi32> to vector<16x1xi32>
        %gather3A_501 = vector.shape_cast %reshape3A_500 : vector<16x1xi32> to vector<16xi32>
        %gather3A_502 = tpu.dynamic_gather %add3A_496[%gather3A_501] in [0] : vector<16xf32>, vector<16xi32> -> vector<16xf32>
        %add3A_503 = arith.addf %add3A_496, %gather3A_502 : vector<16xf32>
        %xor3A_504 = arith.constant 1 : i32
        %xor3A_505 = vector.broadcast %xor3A_504 : i32 to vector<16xi32>
        %xor3A_506 = arith.xori %iota3A, %xor3A_505 : vector<16xi32>
        %reshape3A_507 = vector.shape_cast %xor3A_506 : vector<16xi32> to vector<16x1xi32>
        %gather3A_508 = vector.shape_cast %reshape3A_507 : vector<16x1xi32> to vector<16xi32>
        %gather3A_509 = tpu.dynamic_gather %add3A_503[%gather3A_508] in [0] : vector<16xf32>, vector<16xi32> -> vector<16xf32>
        %add3A_510 = arith.addf %add3A_503, %gather3A_509 : vector<16xf32>
        %eq3A_511 = arith.constant 5 : i32
        %eq3A_512 = vector.broadcast %eq3A_511 : i32 to vector<16xi32>
        %eq3A_513 = arith.cmpi eq, %iota3A, %eq3A_512 : vector<16xi32>
        %select_n3A_514 = arith.select %eq3A_513, %add3A_510, %select_n3A_465 : vector<16xi1>, vector<16xf32>
        %get3A_515 = arith.index_cast %mul3A_221 : i32 to index
        %get3A_516 = arith.constant 96 : index
        %get3A_517 = tpu.vector_load %arg16[%get3A_515, %get3A_516] {strides = array<i32>} : memref<40x128xf32, #tpu.memory_space<vmem>>, vector<1x16xf32>,
        %get3A_518 = vector.shape_cast %get3A_517 : vector<1x16xf32> to vector<16xf32>
        %get3A_519 = arith.index_cast %mul3A_221 : i32 to index
        %get3A_520 = arith.constant 96 : index
        %get3A_521 = tpu.vector_load %arg17[%get3A_519, %get3A_520] {strides = array<i32>} : memref<40x128xf32, #tpu.memory_space<vmem>>, vector<1x16xf32>,
        %get3A_522 = vector.shape_cast %get3A_521 : vector<1x16xf32> to vector<16xf32>
        %add3A_523 = arith.addf %get3A_518, %get3A_522 : vector<16xf32>
        %gt3A_524 = arith.constant 0.000000e+00 : f32
        %gt3A_525 = vector.broadcast %gt3A_524 : f32 to vector<16xf32>
        %gt3A_526 = arith.cmpf ogt, %add3A_523, %gt3A_525 : vector<16xf32>
        %mul3A_527 = arith.constant 2.000000e-01 : f32
        %mul3A_528 = vector.broadcast %mul3A_527 : f32 to vector<16xf32>
        %mul3A_529 = arith.mulf %add3A_523, %mul3A_528 : vector<16xf32>
        %select_n3A_530 = arith.select %gt3A_526, %add3A_523, %mul3A_529 : vector<16xi1>, vector<16xf32>
        %mul3A_531 = arith.mulf %select_n3A_530, %get3A_78 : vector<16xf32>
        %xor3A_532 = arith.constant 8 : i32
        %xor3A_533 = vector.broadcast %xor3A_532 : i32 to vector<16xi32>
        %xor3A_534 = arith.xori %iota3A, %xor3A_533 : vector<16xi32>
        %reshape3A_535 = vector.shape_cast %xor3A_534 : vector<16xi32> to vector<16x1xi32>
        %gather3A_536 = vector.shape_cast %reshape3A_535 : vector<16x1xi32> to vector<16xi32>
        %gather3A_537 = tpu.dynamic_gather %mul3A_531[%gather3A_536] in [0] : vector<16xf32>, vector<16xi32> -> vector<16xf32>
        %add3A_538 = arith.addf %mul3A_531, %gather3A_537 : vector<16xf32>
        %xor3A_539 = arith.constant 4 : i32
        %xor3A_540 = vector.broadcast %xor3A_539 : i32 to vector<16xi32>
        %xor3A_541 = arith.xori %iota3A, %xor3A_540 : vector<16xi32>
        %reshape3A_542 = vector.shape_cast %xor3A_541 : vector<16xi32> to vector<16x1xi32>
        %gather3A_543 = vector.shape_cast %reshape3A_542 : vector<16x1xi32> to vector<16xi32>
        %gather3A_544 = tpu.dynamic_gather %add3A_538[%gather3A_543] in [0] : vector<16xf32>, vector<16xi32> -> vector<16xf32>
        %add3A_545 = arith.addf %add3A_538, %gather3A_544 : vector<16xf32>
        %xor3A_546 = arith.constant 2 : i32
        %xor3A_547 = vector.broadcast %xor3A_546 : i32 to vector<16xi32>
        %xor3A_548 = arith.xori %iota3A, %xor3A_547 : vector<16xi32>
        %reshape3A_549 = vector.shape_cast %xor3A_548 : vector<16xi32> to vector<16x1xi32>
        %gather3A_550 = vector.shape_cast %reshape3A_549 : vector<16x1xi32> to vector<16xi32>
        %gather3A_551 = tpu.dynamic_gather %add3A_545[%gather3A_550] in [0] : vector<16xf32>, vector<16xi32> -> vector<16xf32>
        %add3A_552 = arith.addf %add3A_545, %gather3A_551 : vector<16xf32>
        %xor3A_553 = arith.constant 1 : i32
        %xor3A_554 = vector.broadcast %xor3A_553 : i32 to vector<16xi32>
        %xor3A_555 = arith.xori %iota3A, %xor3A_554 : vector<16xi32>
        %reshape3A_556 = vector.shape_cast %xor3A_555 : vector<16xi32> to vector<16x1xi32>
        %gather3A_557 = vector.shape_cast %reshape3A_556 : vector<16x1xi32> to vector<16xi32>
        %gather3A_558 = tpu.dynamic_gather %add3A_552[%gather3A_557] in [0] : vector<16xf32>, vector<16xi32> -> vector<16xf32>
        %add3A_559 = arith.addf %add3A_552, %gather3A_558 : vector<16xf32>
        %eq3A_560 = arith.constant 6 : i32
        %eq3A_561 = vector.broadcast %eq3A_560 : i32 to vector<16xi32>
        %eq3A_562 = arith.cmpi eq, %iota3A, %eq3A_561 : vector<16xi32>
        %select_n3A_563 = arith.select %eq3A_562, %add3A_559, %select_n3A_514 : vector<16xi1>, vector<16xf32>
        %get3A_564 = arith.index_cast %mul3A_221 : i32 to index
        %get3A_565 = arith.constant 112 : index
        %get3A_566 = tpu.vector_load %arg16[%get3A_564, %get3A_565] {strides = array<i32>} : memref<40x128xf32, #tpu.memory_space<vmem>>, vector<1x16xf32>,
        %get3A_567 = vector.shape_cast %get3A_566 : vector<1x16xf32> to vector<16xf32>
        %get3A_568 = arith.index_cast %mul3A_221 : i32 to index
        %get3A_569 = arith.constant 112 : index
        %get3A_570 = tpu.vector_load %arg17[%get3A_568, %get3A_569] {strides = array<i32>} : memref<40x128xf32, #tpu.memory_space<vmem>>, vector<1x16xf32>,
        %get3A_571 = vector.shape_cast %get3A_570 : vector<1x16xf32> to vector<16xf32>
        %add3A_572 = arith.addf %get3A_567, %get3A_571 : vector<16xf32>
        %gt3A_573 = arith.constant 0.000000e+00 : f32
        %gt3A_574 = vector.broadcast %gt3A_573 : f32 to vector<16xf32>
        %gt3A_575 = arith.cmpf ogt, %add3A_572, %gt3A_574 : vector<16xf32>
        %mul3A_576 = arith.constant 2.000000e-01 : f32
        %mul3A_577 = vector.broadcast %mul3A_576 : f32 to vector<16xf32>
        %mul3A_578 = arith.mulf %add3A_572, %mul3A_577 : vector<16xf32>
        %select_n3A_579 = arith.select %gt3A_575, %add3A_572, %mul3A_578 : vector<16xi1>, vector<16xf32>
        %mul3A_580 = arith.mulf %select_n3A_579, %get3A_83 : vector<16xf32>
        %xor3A_581 = arith.constant 8 : i32
        %xor3A_582 = vector.broadcast %xor3A_581 : i32 to vector<16xi32>
        %xor3A_583 = arith.xori %iota3A, %xor3A_582 : vector<16xi32>
        %reshape3A_584 = vector.shape_cast %xor3A_583 : vector<16xi32> to vector<16x1xi32>
        %gather3A_585 = vector.shape_cast %reshape3A_584 : vector<16x1xi32> to vector<16xi32>
        %gather3A_586 = tpu.dynamic_gather %mul3A_580[%gather3A_585] in [0] : vector<16xf32>, vector<16xi32> -> vector<16xf32>
        %add3A_587 = arith.addf %mul3A_580, %gather3A_586 : vector<16xf32>
        %xor3A_588 = arith.constant 4 : i32
        %xor3A_589 = vector.broadcast %xor3A_588 : i32 to vector<16xi32>
        %xor3A_590 = arith.xori %iota3A, %xor3A_589 : vector<16xi32>
        %reshape3A_591 = vector.shape_cast %xor3A_590 : vector<16xi32> to vector<16x1xi32>
        %gather3A_592 = vector.shape_cast %reshape3A_591 : vector<16x1xi32> to vector<16xi32>
        %gather3A_593 = tpu.dynamic_gather %add3A_587[%gather3A_592] in [0] : vector<16xf32>, vector<16xi32> -> vector<16xf32>
        %add3A_594 = arith.addf %add3A_587, %gather3A_593 : vector<16xf32>
        %xor3A_595 = arith.constant 2 : i32
        %xor3A_596 = vector.broadcast %xor3A_595 : i32 to vector<16xi32>
        %xor3A_597 = arith.xori %iota3A, %xor3A_596 : vector<16xi32>
        %reshape3A_598 = vector.shape_cast %xor3A_597 : vector<16xi32> to vector<16x1xi32>
        %gather3A_599 = vector.shape_cast %reshape3A_598 : vector<16x1xi32> to vector<16xi32>
        %gather3A_600 = tpu.dynamic_gather %add3A_594[%gather3A_599] in [0] : vector<16xf32>, vector<16xi32> -> vector<16xf32>
        %add3A_601 = arith.addf %add3A_594, %gather3A_600 : vector<16xf32>
        %xor3A_602 = arith.constant 1 : i32
        %xor3A_603 = vector.broadcast %xor3A_602 : i32 to vector<16xi32>
        %xor3A_604 = arith.xori %iota3A, %xor3A_603 : vector<16xi32>
        %reshape3A_605 = vector.shape_cast %xor3A_604 : vector<16xi32> to vector<16x1xi32>
        %gather3A_606 = vector.shape_cast %reshape3A_605 : vector<16x1xi32> to vector<16xi32>
        %gather3A_607 = tpu.dynamic_gather %add3A_601[%gather3A_606] in [0] : vector<16xf32>, vector<16xi32> -> vector<16xf32>
        %add3A_608 = arith.addf %add3A_601, %gather3A_607 : vector<16xf32>
        %eq3A_609 = arith.constant 7 : i32
        %eq3A_610 = vector.broadcast %eq3A_609 : i32 to vector<16xi32>
        %eq3A_611 = arith.cmpi eq, %iota3A, %eq3A_610 : vector<16xi32>
        %select_n3A_612 = arith.select %eq3A_611, %add3A_608, %select_n3A_563 : vector<16xi1>, vector<16xf32>
        %lt3A = arith.constant 8 : i32
        %lt3A_613 = vector.broadcast %lt3A : i32 to vector<16xi32>
        %lt3A_614 = arith.cmpi slt, %iota3A, %lt3A_613 : vector<16xi32>
        %exp3A = math.exp %select_n3A_612 : vector<16xf32>
        %jit3A_615 = arith.constant 0.000000e+00 : f32
        %broadcast_in_dim3A_616 = vector.broadcast %jit3A_615 : f32 to vector<16xf32>
        %select_n3A_617 = arith.select %lt3A_614, %exp3A, %broadcast_in_dim3A_616 : vector<16xi1>, vector<16xf32>
        %broadcast_in_dim3A_618 = arith.constant 0 : i32
        %broadcast_in_dim3A_619 = vector.broadcast %broadcast_in_dim3A_618 : i32 to vector<16xi32>
        %reshape3A_620 = vector.shape_cast %broadcast_in_dim3A_619 : vector<16xi32> to vector<16x1xi32>
        %gather3A_621 = vector.shape_cast %reshape3A_620 : vector<16x1xi32> to vector<16xi32>
        %gather3A_622 = tpu.dynamic_gather %select_n3A_617[%gather3A_621] in [0] : vector<16xf32>, vector<16xi32> -> vector<16xf32>
        %mul3A_623 = arith.mulf %gather3A_622, %get3A_229 : vector<16xf32>
        %swap3A_624 = arith.index_cast %mul3A_221 : i32 to index
        %swap3A_625 = arith.constant 0 : index
        %swap3A_626 = tpu.vector_load %arg16[%swap3A_624, %swap3A_625] {strides = array<i32>} : memref<40x128xf32, #tpu.memory_space<vmem>>, vector<1x16xf32>,
        %swap3A_627 = vector.shape_cast %swap3A_626 : vector<1x16xf32> to vector<16xf32>
        %swap3A_628 = vector.shape_cast %mul3A_623 : vector<16xf32> to vector<1x16xf32>
        tpu.vector_store %arg16[%swap3A_624, %swap3A_625], %swap3A_628 {strides = array<i32>} : memref<40x128xf32, #tpu.memory_space<vmem>>, vector<1x16xf32>,
        %broadcast_in_dim3A_629 = arith.constant 1 : i32
        %broadcast_in_dim3A_630 = vector.broadcast %broadcast_in_dim3A_629 : i32 to vector<16xi32>
        %reshape3A_631 = vector.shape_cast %broadcast_in_dim3A_630 : vector<16xi32> to vector<16x1xi32>
        %gather3A_632 = vector.shape_cast %reshape3A_631 : vector<16x1xi32> to vector<16xi32>
        %gather3A_633 = tpu.dynamic_gather %select_n3A_617[%gather3A_632] in [0] : vector<16xf32>, vector<16xi32> -> vector<16xf32>
        %mul3A_634 = arith.mulf %gather3A_633, %get3A_273 : vector<16xf32>
        %swap3A_635 = arith.index_cast %mul3A_221 : i32 to index
        %swap3A_636 = arith.constant 16 : index
        %swap3A_637 = tpu.vector_load %arg16[%swap3A_635, %swap3A_636] {strides = array<i32>} : memref<40x128xf32, #tpu.memory_space<vmem>>, vector<1x16xf32>,
        %swap3A_638 = vector.shape_cast %swap3A_637 : vector<1x16xf32> to vector<16xf32>
        %swap3A_639 = vector.shape_cast %mul3A_634 : vector<16xf32> to vector<1x16xf32>
        tpu.vector_store %arg16[%swap3A_635, %swap3A_636], %swap3A_639 {strides = array<i32>} : memref<40x128xf32, #tpu.memory_space<vmem>>, vector<1x16xf32>,
        %broadcast_in_dim3A_640 = arith.constant 2 : i32
        %broadcast_in_dim3A_641 = vector.broadcast %broadcast_in_dim3A_640 : i32 to vector<16xi32>
        %reshape3A_642 = vector.shape_cast %broadcast_in_dim3A_641 : vector<16xi32> to vector<16x1xi32>
        %gather3A_643 = vector.shape_cast %reshape3A_642 : vector<16x1xi32> to vector<16xi32>
        %gather3A_644 = tpu.dynamic_gather %select_n3A_617[%gather3A_643] in [0] : vector<16xf32>, vector<16xi32> -> vector<16xf32>
        %mul3A_645 = arith.mulf %gather3A_644, %get3A_322 : vector<16xf32>
        %swap3A_646 = arith.index_cast %mul3A_221 : i32 to index
        %swap3A_647 = arith.constant 32 : index
        %swap3A_648 = tpu.vector_load %arg16[%swap3A_646, %swap3A_647] {strides = array<i32>} : memref<40x128xf32, #tpu.memory_space<vmem>>, vector<1x16xf32>,
        %swap3A_649 = vector.shape_cast %swap3A_648 : vector<1x16xf32> to vector<16xf32>
        %swap3A_650 = vector.shape_cast %mul3A_645 : vector<16xf32> to vector<1x16xf32>
        tpu.vector_store %arg16[%swap3A_646, %swap3A_647], %swap3A_650 {strides = array<i32>} : memref<40x128xf32, #tpu.memory_space<vmem>>, vector<1x16xf32>,
        %broadcast_in_dim3A_651 = arith.constant 3 : i32
        %broadcast_in_dim3A_652 = vector.broadcast %broadcast_in_dim3A_651 : i32 to vector<16xi32>
        %reshape3A_653 = vector.shape_cast %broadcast_in_dim3A_652 : vector<16xi32> to vector<16x1xi32>
        %gather3A_654 = vector.shape_cast %reshape3A_653 : vector<16x1xi32> to vector<16xi32>
        %gather3A_655 = tpu.dynamic_gather %select_n3A_617[%gather3A_654] in [0] : vector<16xf32>, vector<16xi32> -> vector<16xf32>
        %mul3A_656 = arith.mulf %gather3A_655, %get3A_371 : vector<16xf32>
        %swap3A_657 = arith.index_cast %mul3A_221 : i32 to index
        %swap3A_658 = arith.constant 48 : index
        %swap3A_659 = tpu.vector_load %arg16[%swap3A_657, %swap3A_658] {strides = array<i32>} : memref<40x128xf32, #tpu.memory_space<vmem>>, vector<1x16xf32>,
        %swap3A_660 = vector.shape_cast %swap3A_659 : vector<1x16xf32> to vector<16xf32>
        %swap3A_661 = vector.shape_cast %mul3A_656 : vector<16xf32> to vector<1x16xf32>
        tpu.vector_store %arg16[%swap3A_657, %swap3A_658], %swap3A_661 {strides = array<i32>} : memref<40x128xf32, #tpu.memory_space<vmem>>, vector<1x16xf32>,
        %broadcast_in_dim3A_662 = arith.constant 4 : i32
        %broadcast_in_dim3A_663 = vector.broadcast %broadcast_in_dim3A_662 : i32 to vector<16xi32>
        %reshape3A_664 = vector.shape_cast %broadcast_in_dim3A_663 : vector<16xi32> to vector<16x1xi32>
        %gather3A_665 = vector.shape_cast %reshape3A_664 : vector<16x1xi32> to vector<16xi32>
        %gather3A_666 = tpu.dynamic_gather %select_n3A_617[%gather3A_665] in [0] : vector<16xf32>, vector<16xi32> -> vector<16xf32>
        %mul3A_667 = arith.mulf %gather3A_666, %get3A_420 : vector<16xf32>
        %swap3A_668 = arith.index_cast %mul3A_221 : i32 to index
        %swap3A_669 = arith.constant 64 : index
        %swap3A_670 = tpu.vector_load %arg16[%swap3A_668, %swap3A_669] {strides = array<i32>} : memref<40x128xf32, #tpu.memory_space<vmem>>, vector<1x16xf32>,
        %swap3A_671 = vector.shape_cast %swap3A_670 : vector<1x16xf32> to vector<16xf32>
        %swap3A_672 = vector.shape_cast %mul3A_667 : vector<16xf32> to vector<1x16xf32>
        tpu.vector_store %arg16[%swap3A_668, %swap3A_669], %swap3A_672 {strides = array<i32>} : memref<40x128xf32, #tpu.memory_space<vmem>>, vector<1x16xf32>,
        %broadcast_in_dim3A_673 = arith.constant 5 : i32
        %broadcast_in_dim3A_674 = vector.broadcast %broadcast_in_dim3A_673 : i32 to vector<16xi32>
        %reshape3A_675 = vector.shape_cast %broadcast_in_dim3A_674 : vector<16xi32> to vector<16x1xi32>
        %gather3A_676 = vector.shape_cast %reshape3A_675 : vector<16x1xi32> to vector<16xi32>
        %gather3A_677 = tpu.dynamic_gather %select_n3A_617[%gather3A_676] in [0] : vector<16xf32>, vector<16xi32> -> vector<16xf32>
        %mul3A_678 = arith.mulf %gather3A_677, %get3A_469 : vector<16xf32>
        %swap3A_679 = arith.index_cast %mul3A_221 : i32 to index
        %swap3A_680 = arith.constant 80 : index
        %swap3A_681 = tpu.vector_load %arg16[%swap3A_679, %swap3A_680] {strides = array<i32>} : memref<40x128xf32, #tpu.memory_space<vmem>>, vector<1x16xf32>,
        %swap3A_682 = vector.shape_cast %swap3A_681 : vector<1x16xf32> to vector<16xf32>
        %swap3A_683 = vector.shape_cast %mul3A_678 : vector<16xf32> to vector<1x16xf32>
        tpu.vector_store %arg16[%swap3A_679, %swap3A_680], %swap3A_683 {strides = array<i32>} : memref<40x128xf32, #tpu.memory_space<vmem>>, vector<1x16xf32>,
        %broadcast_in_dim3A_684 = arith.constant 6 : i32
        %broadcast_in_dim3A_685 = vector.broadcast %broadcast_in_dim3A_684 : i32 to vector<16xi32>
        %reshape3A_686 = vector.shape_cast %broadcast_in_dim3A_685 : vector<16xi32> to vector<16x1xi32>
        %gather3A_687 = vector.shape_cast %reshape3A_686 : vector<16x1xi32> to vector<16xi32>
        %gather3A_688 = tpu.dynamic_gather %select_n3A_617[%gather3A_687] in [0] : vector<16xf32>, vector<16xi32> -> vector<16xf32>
        %mul3A_689 = arith.mulf %gather3A_688, %get3A_518 : vector<16xf32>
        %swap3A_690 = arith.index_cast %mul3A_221 : i32 to index
        %swap3A_691 = arith.constant 96 : index
        %swap3A_692 = tpu.vector_load %arg16[%swap3A_690, %swap3A_691] {strides = array<i32>} : memref<40x128xf32, #tpu.memory_space<vmem>>, vector<1x16xf32>,
        %swap3A_693 = vector.shape_cast %swap3A_692 : vector<1x16xf32> to vector<16xf32>
        %swap3A_694 = vector.shape_cast %mul3A_689 : vector<16xf32> to vector<1x16xf32>
        tpu.vector_store %arg16[%swap3A_690, %swap3A_691], %swap3A_694 {strides = array<i32>} : memref<40x128xf32, #tpu.memory_space<vmem>>, vector<1x16xf32>,
        %broadcast_in_dim3A_695 = arith.constant 7 : i32
        %broadcast_in_dim3A_696 = vector.broadcast %broadcast_in_dim3A_695 : i32 to vector<16xi32>
        %reshape3A_697 = vector.shape_cast %broadcast_in_dim3A_696 : vector<16xi32> to vector<16x1xi32>
        %gather3A_698 = vector.shape_cast %reshape3A_697 : vector<16x1xi32> to vector<16xi32>
        %gather3A_699 = tpu.dynamic_gather %select_n3A_617[%gather3A_698] in [0] : vector<16xf32>, vector<16xi32> -> vector<16xf32>
        %mul3A_700 = arith.mulf %gather3A_699, %get3A_567 : vector<16xf32>
        %swap3A_701 = arith.index_cast %mul3A_221 : i32 to index
        %swap3A_702 = arith.constant 112 : index
        %swap3A_703 = tpu.vector_load %arg16[%swap3A_701, %swap3A_702] {strides = array<i32>} : memref<40x128xf32, #tpu.memory_space<vmem>>, vector<1x16xf32>,
        %swap3A_704 = vector.shape_cast %swap3A_703 : vector<1x16xf32> to vector<16xf32>
        %swap3A_705 = vector.shape_cast %mul3A_700 : vector<16xf32> to vector<1x16xf32>
        tpu.vector_store %arg16[%swap3A_701, %swap3A_702], %swap3A_705 {strides = array<i32>} : memref<40x128xf32, #tpu.memory_space<vmem>>, vector<1x16xf32>,
        %jit3A_706 = arith.constant 16 : i32
        %div3A = arith.divsi %mul3A_221, %jit3A_706 : i32
        %sign3A = arith.constant 0 : i32
        %sign3A_707 = arith.cmpi sgt, %mul3A_221, %sign3A : i32
        %sign3A_708 = arith.extui %sign3A_707 : i1 to i32
        %sign3A_709 = arith.constant 0 : i32
        %sign3A_710 = arith.cmpi slt, %mul3A_221, %sign3A_709 : i32
        %sign3A_711 = arith.extui %sign3A_710 : i1 to i32
        %sign3A_712 = arith.subi %sign3A_708, %sign3A_711 : i32
        %sign3A_713 = arith.constant 0 : i32
        %sign3A_714 = arith.cmpi sgt, %jit3A_706, %sign3A_713 : i32
        %sign3A_715 = arith.extui %sign3A_714 : i1 to i32
        %sign3A_716 = arith.constant 0 : i32
        %sign3A_717 = arith.cmpi slt, %jit3A_706, %sign3A_716 : i32
        %sign3A_718 = arith.extui %sign3A_717 : i1 to i32
        %sign3A_719 = arith.subi %sign3A_715, %sign3A_718 : i32
        %ne3A = arith.cmpi ne, %sign3A_712, %sign3A_719 : i32
        %rem3A = arith.remsi %mul3A_221, %jit3A_706 : i32
        %ne3A_720 = arith.constant 0 : i32
        %ne3A_721 = arith.cmpi ne, %rem3A, %ne3A_720 : i32
        %and3A = arith.andi %ne3A, %ne3A_721 : i1
        %sub3A = arith.constant 1 : i32
        %sub3A_722 = arith.subi %div3A, %sub3A : i32
        %select_n3A_723 = arith.select %and3A, %sub3A_722, %div3A : i32
        %mul3A_724 = arith.constant 16 : i32
        %mul3A_725 = arith.muli %select_n3A_723, %mul3A_724 : i32
        %min3A = arith.constant 24 : i32
        %min3A_726 = arith.minsi %mul3A_725, %min3A : i32
        %get3A_727 = arith.index_cast %min3A_726 : i32 to index
        %get3A_728 = tpu.vector_load %arg12[%get3A_727] {strides = array<i32>} : memref<40xi32, #tpu.memory_space<vmem>>, vector<16xi32>,
        %get3A_729 = vector.shape_cast %get3A_728 : vector<16xi32> to vector<16xi32>
        %broadcast_in_dim3A_730 = arith.constant 0 : i32
        %broadcast_in_dim3A_731 = vector.broadcast %broadcast_in_dim3A_730 : i32 to vector<16xi32>
        %sub3A_732 = arith.subi %mul3A_221, %min3A_726 : i32
        %add3A_733 = vector.broadcast %sub3A_732 : i32 to vector<16xi32>
        %add3A_734 = arith.addi %broadcast_in_dim3A_731, %add3A_733 : vector<16xi32>
        %reshape3A_735 = vector.shape_cast %add3A_734 : vector<16xi32> to vector<16x1xi32>
        %gather3A_736 = vector.shape_cast %reshape3A_735 : vector<16x1xi32> to vector<16xi32>
        %gather3A_737 = tpu.dynamic_gather %get3A_729[%gather3A_736] in [0] : vector<16xi32>, vector<16xi32> -> vector<16xi32>
        %and3A_738 = arith.constant 7 : i32
        %and3A_739 = vector.broadcast %and3A_738 : i32 to vector<16xi32>
        %and3A_740 = arith.andi %gather3A_737, %and3A_739 : vector<16xi32>
        %convert_element_type3A = arith.sitofp %and3A_740 : vector<16xi32> to vector<16xf32>
        %sub3A_741 = arith.constant 0.000000e+00 : f32
        %sub3A_742 = vector.broadcast %sub3A_741 : f32 to vector<16xf32>
        %sub3A_743 = arith.subf %convert_element_type3A, %sub3A_742 : vector<16xf32>
        %mul3A_744 = arith.mulf %sub3A_743, %sub3A_743 : vector<16xf32>
        %sub3A_745 = arith.constant 1.000000e+00 : f32
        %sub3A_746 = vector.broadcast %sub3A_745 : f32 to vector<16xf32>
        %sub3A_747 = arith.subf %sub3A_746, %mul3A_744 : vector<16xf32>
        %max3A = arith.constant 0.000000e+00 : f32
        %max3A_748 = vector.broadcast %max3A : f32 to vector<16xf32>
        %max3A_749 = arith.maximumf %sub3A_747, %max3A_748 : vector<16xf32>
        %mul3A_750 = arith.mulf %select_n3A_617, %max3A_749 : vector<16xf32>
        %swap3A_751 = arith.index_cast %mul3A_221 : i32 to index
        %swap3A_752 = arith.constant 0 : index
        %swap3A_753 = tpu.vector_load %arg20[%swap3A_751, %swap3A_752] {strides = array<i32>} : memref<40x128xf32, #tpu.memory_space<vmem>>, vector<1x16xf32>,
        %swap3A_754 = vector.shape_cast %swap3A_753 : vector<1x16xf32> to vector<16xf32>
        %swap3A_755 = vector.shape_cast %mul3A_750 : vector<16xf32> to vector<1x16xf32>
        tpu.vector_store %arg20[%swap3A_751, %swap3A_752], %swap3A_755 {strides = array<i32>} : memref<40x128xf32, #tpu.memory_space<vmem>>, vector<1x16xf32>,
        %sub3A_756 = arith.constant 1.000000e+00 : f32
        %sub3A_757 = vector.broadcast %sub3A_756 : f32 to vector<16xf32>
        %sub3A_758 = arith.subf %convert_element_type3A, %sub3A_757 : vector<16xf32>
        %mul3A_759 = arith.mulf %sub3A_758, %sub3A_758 : vector<16xf32>
        %sub3A_760 = arith.constant 1.000000e+00 : f32
        %sub3A_761 = vector.broadcast %sub3A_760 : f32 to vector<16xf32>
        %sub3A_762 = arith.subf %sub3A_761, %mul3A_759 : vector<16xf32>
        %max3A_763 = arith.constant 0.000000e+00 : f32
        %max3A_764 = vector.broadcast %max3A_763 : f32 to vector<16xf32>
        %max3A_765 = arith.maximumf %sub3A_762, %max3A_764 : vector<16xf32>
        %mul3A_766 = arith.mulf %select_n3A_617, %max3A_765 : vector<16xf32>
        %swap3A_767 = arith.index_cast %mul3A_221 : i32 to index
        %swap3A_768 = arith.constant 16 : index
        %swap3A_769 = tpu.vector_load %arg20[%swap3A_767, %swap3A_768] {strides = array<i32>} : memref<40x128xf32, #tpu.memory_space<vmem>>, vector<1x16xf32>,
        %swap3A_770 = vector.shape_cast %swap3A_769 : vector<1x16xf32> to vector<16xf32>
        %swap3A_771 = vector.shape_cast %mul3A_766 : vector<16xf32> to vector<1x16xf32>
        tpu.vector_store %arg20[%swap3A_767, %swap3A_768], %swap3A_771 {strides = array<i32>} : memref<40x128xf32, #tpu.memory_space<vmem>>, vector<1x16xf32>,
        %sub3A_772 = arith.constant 2.000000e+00 : f32
        %sub3A_773 = vector.broadcast %sub3A_772 : f32 to vector<16xf32>
        %sub3A_774 = arith.subf %convert_element_type3A, %sub3A_773 : vector<16xf32>
        %mul3A_775 = arith.mulf %sub3A_774, %sub3A_774 : vector<16xf32>
        %sub3A_776 = arith.constant 1.000000e+00 : f32
        %sub3A_777 = vector.broadcast %sub3A_776 : f32 to vector<16xf32>
        %sub3A_778 = arith.subf %sub3A_777, %mul3A_775 : vector<16xf32>
        %max3A_779 = arith.constant 0.000000e+00 : f32
        %max3A_780 = vector.broadcast %max3A_779 : f32 to vector<16xf32>
        %max3A_781 = arith.maximumf %sub3A_778, %max3A_780 : vector<16xf32>
        %mul3A_782 = arith.mulf %select_n3A_617, %max3A_781 : vector<16xf32>
        %swap3A_783 = arith.index_cast %mul3A_221 : i32 to index
        %swap3A_784 = arith.constant 32 : index
        %swap3A_785 = tpu.vector_load %arg20[%swap3A_783, %swap3A_784] {strides = array<i32>} : memref<40x128xf32, #tpu.memory_space<vmem>>, vector<1x16xf32>,
        %swap3A_786 = vector.shape_cast %swap3A_785 : vector<1x16xf32> to vector<16xf32>
        %swap3A_787 = vector.shape_cast %mul3A_782 : vector<16xf32> to vector<1x16xf32>
        tpu.vector_store %arg20[%swap3A_783, %swap3A_784], %swap3A_787 {strides = array<i32>} : memref<40x128xf32, #tpu.memory_space<vmem>>, vector<1x16xf32>,
        %sub3A_788 = arith.constant 3.000000e+00 : f32
        %sub3A_789 = vector.broadcast %sub3A_788 : f32 to vector<16xf32>
        %sub3A_790 = arith.subf %convert_element_type3A, %sub3A_789 : vector<16xf32>
        %mul3A_791 = arith.mulf %sub3A_790, %sub3A_790 : vector<16xf32>
        %sub3A_792 = arith.constant 1.000000e+00 : f32
        %sub3A_793 = vector.broadcast %sub3A_792 : f32 to vector<16xf32>
        %sub3A_794 = arith.subf %sub3A_793, %mul3A_791 : vector<16xf32>
        %max3A_795 = arith.constant 0.000000e+00 : f32
        %max3A_796 = vector.broadcast %max3A_795 : f32 to vector<16xf32>
        %max3A_797 = arith.maximumf %sub3A_794, %max3A_796 : vector<16xf32>
        %mul3A_798 = arith.mulf %select_n3A_617, %max3A_797 : vector<16xf32>
        %swap3A_799 = arith.index_cast %mul3A_221 : i32 to index
        %swap3A_800 = arith.constant 48 : index
        %swap3A_801 = tpu.vector_load %arg20[%swap3A_799, %swap3A_800] {strides = array<i32>} : memref<40x128xf32, #tpu.memory_space<vmem>>, vector<1x16xf32>,
        %swap3A_802 = vector.shape_cast %swap3A_801 : vector<1x16xf32> to vector<16xf32>
        %swap3A_803 = vector.shape_cast %mul3A_798 : vector<16xf32> to vector<1x16xf32>
        tpu.vector_store %arg20[%swap3A_799, %swap3A_800], %swap3A_803 {strides = array<i32>} : memref<40x128xf32, #tpu.memory_space<vmem>>, vector<1x16xf32>,
        %sub3A_804 = arith.constant 4.000000e+00 : f32
        %sub3A_805 = vector.broadcast %sub3A_804 : f32 to vector<16xf32>
        %sub3A_806 = arith.subf %convert_element_type3A, %sub3A_805 : vector<16xf32>
        %mul3A_807 = arith.mulf %sub3A_806, %sub3A_806 : vector<16xf32>
        %sub3A_808 = arith.constant 1.000000e+00 : f32
        %sub3A_809 = vector.broadcast %sub3A_808 : f32 to vector<16xf32>
        %sub3A_810 = arith.subf %sub3A_809, %mul3A_807 : vector<16xf32>
        %max3A_811 = arith.constant 0.000000e+00 : f32
        %max3A_812 = vector.broadcast %max3A_811 : f32 to vector<16xf32>
        %max3A_813 = arith.maximumf %sub3A_810, %max3A_812 : vector<16xf32>
        %mul3A_814 = arith.mulf %select_n3A_617, %max3A_813 : vector<16xf32>
        %swap3A_815 = arith.index_cast %mul3A_221 : i32 to index
        %swap3A_816 = arith.constant 64 : index
        %swap3A_817 = tpu.vector_load %arg20[%swap3A_815, %swap3A_816] {strides = array<i32>} : memref<40x128xf32, #tpu.memory_space<vmem>>, vector<1x16xf32>,
        %swap3A_818 = vector.shape_cast %swap3A_817 : vector<1x16xf32> to vector<16xf32>
        %swap3A_819 = vector.shape_cast %mul3A_814 : vector<16xf32> to vector<1x16xf32>
        tpu.vector_store %arg20[%swap3A_815, %swap3A_816], %swap3A_819 {strides = array<i32>} : memref<40x128xf32, #tpu.memory_space<vmem>>, vector<1x16xf32>,
        %sub3A_820 = arith.constant 5.000000e+00 : f32
        %sub3A_821 = vector.broadcast %sub3A_820 : f32 to vector<16xf32>
        %sub3A_822 = arith.subf %convert_element_type3A, %sub3A_821 : vector<16xf32>
        %mul3A_823 = arith.mulf %sub3A_822, %sub3A_822 : vector<16xf32>
        %sub3A_824 = arith.constant 1.000000e+00 : f32
        %sub3A_825 = vector.broadcast %sub3A_824 : f32 to vector<16xf32>
        %sub3A_826 = arith.subf %sub3A_825, %mul3A_823 : vector<16xf32>
        %max3A_827 = arith.constant 0.000000e+00 : f32
        %max3A_828 = vector.broadcast %max3A_827 : f32 to vector<16xf32>
        %max3A_829 = arith.maximumf %sub3A_826, %max3A_828 : vector<16xf32>
        %mul3A_830 = arith.mulf %select_n3A_617, %max3A_829 : vector<16xf32>
        %swap3A_831 = arith.index_cast %mul3A_221 : i32 to index
        %swap3A_832 = arith.constant 80 : index
        %swap3A_833 = tpu.vector_load %arg20[%swap3A_831, %swap3A_832] {strides = array<i32>} : memref<40x128xf32, #tpu.memory_space<vmem>>, vector<1x16xf32>,
        %swap3A_834 = vector.shape_cast %swap3A_833 : vector<1x16xf32> to vector<16xf32>
        %swap3A_835 = vector.shape_cast %mul3A_830 : vector<16xf32> to vector<1x16xf32>
        tpu.vector_store %arg20[%swap3A_831, %swap3A_832], %swap3A_835 {strides = array<i32>} : memref<40x128xf32, #tpu.memory_space<vmem>>, vector<1x16xf32>,
        %sub3A_836 = arith.constant 6.000000e+00 : f32
        %sub3A_837 = vector.broadcast %sub3A_836 : f32 to vector<16xf32>
        %sub3A_838 = arith.subf %convert_element_type3A, %sub3A_837 : vector<16xf32>
        %mul3A_839 = arith.mulf %sub3A_838, %sub3A_838 : vector<16xf32>
        %sub3A_840 = arith.constant 1.000000e+00 : f32
        %sub3A_841 = vector.broadcast %sub3A_840 : f32 to vector<16xf32>
        %sub3A_842 = arith.subf %sub3A_841, %mul3A_839 : vector<16xf32>
        %max3A_843 = arith.constant 0.000000e+00 : f32
        %max3A_844 = vector.broadcast %max3A_843 : f32 to vector<16xf32>
        %max3A_845 = arith.maximumf %sub3A_842, %max3A_844 : vector<16xf32>
        %mul3A_846 = arith.mulf %select_n3A_617, %max3A_845 : vector<16xf32>
        %swap3A_847 = arith.index_cast %mul3A_221 : i32 to index
        %swap3A_848 = arith.constant 96 : index
        %swap3A_849 = tpu.vector_load %arg20[%swap3A_847, %swap3A_848] {strides = array<i32>} : memref<40x128xf32, #tpu.memory_space<vmem>>, vector<1x16xf32>,
        %swap3A_850 = vector.shape_cast %swap3A_849 : vector<1x16xf32> to vector<16xf32>
        %swap3A_851 = vector.shape_cast %mul3A_846 : vector<16xf32> to vector<1x16xf32>
        tpu.vector_store %arg20[%swap3A_847, %swap3A_848], %swap3A_851 {strides = array<i32>} : memref<40x128xf32, #tpu.memory_space<vmem>>, vector<1x16xf32>,
        %sub3A_852 = arith.constant 7.000000e+00 : f32
        %sub3A_853 = vector.broadcast %sub3A_852 : f32 to vector<16xf32>
        %sub3A_854 = arith.subf %convert_element_type3A, %sub3A_853 : vector<16xf32>
        %mul3A_855 = arith.mulf %sub3A_854, %sub3A_854 : vector<16xf32>
        %sub3A_856 = arith.constant 1.000000e+00 : f32
        %sub3A_857 = vector.broadcast %sub3A_856 : f32 to vector<16xf32>
        %sub3A_858 = arith.subf %sub3A_857, %mul3A_855 : vector<16xf32>
        %max3A_859 = arith.constant 0.000000e+00 : f32
        %max3A_860 = vector.broadcast %max3A_859 : f32 to vector<16xf32>
        %max3A_861 = arith.maximumf %sub3A_858, %max3A_860 : vector<16xf32>
        %mul3A_862 = arith.mulf %select_n3A_617, %max3A_861 : vector<16xf32>
        %swap3A_863 = arith.index_cast %mul3A_221 : i32 to index
        %swap3A_864 = arith.constant 112 : index
        %swap3A_865 = tpu.vector_load %arg20[%swap3A_863, %swap3A_864] {strides = array<i32>} : memref<40x128xf32, #tpu.memory_space<vmem>>, vector<1x16xf32>,
        %swap3A_866 = vector.shape_cast %swap3A_865 : vector<1x16xf32> to vector<16xf32>
        %swap3A_867 = vector.shape_cast %mul3A_862 : vector<16xf32> to vector<1x16xf32>
        tpu.vector_store %arg20[%swap3A_863, %swap3A_864], %swap3A_867 {strides = array<i32>} : memref<40x128xf32, #tpu.memory_space<vmem>>, vector<1x16xf32>,
        %get3A_868 = arith.index_cast %add3A_225 : i32 to index
        %get3A_869 = arith.constant 0 : index
        %get3A_870 = tpu.vector_load %arg16[%get3A_868, %get3A_869] {strides = array<i32>} : memref<40x128xf32, #tpu.memory_space<vmem>>, vector<1x16xf32>,
        %get3A_871 = vector.shape_cast %get3A_870 : vector<1x16xf32> to vector<16xf32>
        %get3A_872 = arith.index_cast %add3A_225 : i32 to index
        %get3A_873 = arith.constant 0 : index
        %get3A_874 = tpu.vector_load %arg17[%get3A_872, %get3A_873] {strides = array<i32>} : memref<40x128xf32, #tpu.memory_space<vmem>>, vector<1x16xf32>,
        %get3A_875 = vector.shape_cast %get3A_874 : vector<1x16xf32> to vector<16xf32>
        %add3A_876 = arith.addf %get3A_871, %get3A_875 : vector<16xf32>
        %gt3A_877 = arith.constant 0.000000e+00 : f32
        %gt3A_878 = vector.broadcast %gt3A_877 : f32 to vector<16xf32>
        %gt3A_879 = arith.cmpf ogt, %add3A_876, %gt3A_878 : vector<16xf32>
        %mul3A_880 = arith.constant 2.000000e-01 : f32
        %mul3A_881 = vector.broadcast %mul3A_880 : f32 to vector<16xf32>
        %mul3A_882 = arith.mulf %add3A_876, %mul3A_881 : vector<16xf32>
        %select_n3A_883 = arith.select %gt3A_879, %add3A_876, %mul3A_882 : vector<16xi1>, vector<16xf32>
        %mul3A_884 = arith.mulf %select_n3A_883, %get3A_48 : vector<16xf32>
        %xor3A_885 = arith.constant 8 : i32
        %xor3A_886 = vector.broadcast %xor3A_885 : i32 to vector<16xi32>
        %xor3A_887 = arith.xori %iota3A, %xor3A_886 : vector<16xi32>
        %reshape3A_888 = vector.shape_cast %xor3A_887 : vector<16xi32> to vector<16x1xi32>
        %gather3A_889 = vector.shape_cast %reshape3A_888 : vector<16x1xi32> to vector<16xi32>
        %gather3A_890 = tpu.dynamic_gather %mul3A_884[%gather3A_889] in [0] : vector<16xf32>, vector<16xi32> -> vector<16xf32>
        %add3A_891 = arith.addf %mul3A_884, %gather3A_890 : vector<16xf32>
        %xor3A_892 = arith.constant 4 : i32
        %xor3A_893 = vector.broadcast %xor3A_892 : i32 to vector<16xi32>
        %xor3A_894 = arith.xori %iota3A, %xor3A_893 : vector<16xi32>
        %reshape3A_895 = vector.shape_cast %xor3A_894 : vector<16xi32> to vector<16x1xi32>
        %gather3A_896 = vector.shape_cast %reshape3A_895 : vector<16x1xi32> to vector<16xi32>
        %gather3A_897 = tpu.dynamic_gather %add3A_891[%gather3A_896] in [0] : vector<16xf32>, vector<16xi32> -> vector<16xf32>
        %add3A_898 = arith.addf %add3A_891, %gather3A_897 : vector<16xf32>
        %xor3A_899 = arith.constant 2 : i32
        %xor3A_900 = vector.broadcast %xor3A_899 : i32 to vector<16xi32>
        %xor3A_901 = arith.xori %iota3A, %xor3A_900 : vector<16xi32>
        %reshape3A_902 = vector.shape_cast %xor3A_901 : vector<16xi32> to vector<16x1xi32>
        %gather3A_903 = vector.shape_cast %reshape3A_902 : vector<16x1xi32> to vector<16xi32>
        %gather3A_904 = tpu.dynamic_gather %add3A_898[%gather3A_903] in [0] : vector<16xf32>, vector<16xi32> -> vector<16xf32>
        %add3A_905 = arith.addf %add3A_898, %gather3A_904 : vector<16xf32>
        %xor3A_906 = arith.constant 1 : i32
        %xor3A_907 = vector.broadcast %xor3A_906 : i32 to vector<16xi32>
        %xor3A_908 = arith.xori %iota3A, %xor3A_907 : vector<16xi32>
        %reshape3A_909 = vector.shape_cast %xor3A_908 : vector<16xi32> to vector<16x1xi32>
        %gather3A_910 = vector.shape_cast %reshape3A_909 : vector<16x1xi32> to vector<16xi32>
        %gather3A_911 = tpu.dynamic_gather %add3A_905[%gather3A_910] in [0] : vector<16xf32>, vector<16xi32> -> vector<16xf32>
        %add3A_912 = arith.addf %add3A_905, %gather3A_911 : vector<16xf32>
        %eq3A_913 = arith.constant 0 : i32
        %eq3A_914 = vector.broadcast %eq3A_913 : i32 to vector<16xi32>
        %eq3A_915 = arith.cmpi eq, %iota3A, %eq3A_914 : vector<16xi32>
        %select_n3A_916 = arith.select %eq3A_915, %add3A_912, %broadcast_in_dim3A_0 : vector<16xi1>, vector<16xf32>
        %get3A_917 = arith.index_cast %add3A_225 : i32 to index
        %get3A_918 = arith.constant 16 : index
        %get3A_919 = tpu.vector_load %arg16[%get3A_917, %get3A_918] {strides = array<i32>} : memref<40x128xf32, #tpu.memory_space<vmem>>, vector<1x16xf32>,
        %get3A_920 = vector.shape_cast %get3A_919 : vector<1x16xf32> to vector<16xf32>
        %get3A_921 = arith.index_cast %add3A_225 : i32 to index
        %get3A_922 = arith.constant 16 : index
        %get3A_923 = tpu.vector_load %arg17[%get3A_921, %get3A_922] {strides = array<i32>} : memref<40x128xf32, #tpu.memory_space<vmem>>, vector<1x16xf32>,
        %get3A_924 = vector.shape_cast %get3A_923 : vector<1x16xf32> to vector<16xf32>
        %add3A_925 = arith.addf %get3A_920, %get3A_924 : vector<16xf32>
        %gt3A_926 = arith.constant 0.000000e+00 : f32
        %gt3A_927 = vector.broadcast %gt3A_926 : f32 to vector<16xf32>
        %gt3A_928 = arith.cmpf ogt, %add3A_925, %gt3A_927 : vector<16xf32>
        %mul3A_929 = arith.constant 2.000000e-01 : f32
        %mul3A_930 = vector.broadcast %mul3A_929 : f32 to vector<16xf32>
        %mul3A_931 = arith.mulf %add3A_925, %mul3A_930 : vector<16xf32>
        %select_n3A_932 = arith.select %gt3A_928, %add3A_925, %mul3A_931 : vector<16xi1>, vector<16xf32>
        %mul3A_933 = arith.mulf %select_n3A_932, %get3A_53 : vector<16xf32>
        %xor3A_934 = arith.constant 8 : i32
        %xor3A_935 = vector.broadcast %xor3A_934 : i32 to vector<16xi32>
        %xor3A_936 = arith.xori %iota3A, %xor3A_935 : vector<16xi32>
        %reshape3A_937 = vector.shape_cast %xor3A_936 : vector<16xi32> to vector<16x1xi32>
        %gather3A_938 = vector.shape_cast %reshape3A_937 : vector<16x1xi32> to vector<16xi32>
        %gather3A_939 = tpu.dynamic_gather %mul3A_933[%gather3A_938] in [0] : vector<16xf32>, vector<16xi32> -> vector<16xf32>
        %add3A_940 = arith.addf %mul3A_933, %gather3A_939 : vector<16xf32>
        %xor3A_941 = arith.constant 4 : i32
        %xor3A_942 = vector.broadcast %xor3A_941 : i32 to vector<16xi32>
        %xor3A_943 = arith.xori %iota3A, %xor3A_942 : vector<16xi32>
        %reshape3A_944 = vector.shape_cast %xor3A_943 : vector<16xi32> to vector<16x1xi32>
        %gather3A_945 = vector.shape_cast %reshape3A_944 : vector<16x1xi32> to vector<16xi32>
        %gather3A_946 = tpu.dynamic_gather %add3A_940[%gather3A_945] in [0] : vector<16xf32>, vector<16xi32> -> vector<16xf32>
        %add3A_947 = arith.addf %add3A_940, %gather3A_946 : vector<16xf32>
        %xor3A_948 = arith.constant 2 : i32
        %xor3A_949 = vector.broadcast %xor3A_948 : i32 to vector<16xi32>
        %xor3A_950 = arith.xori %iota3A, %xor3A_949 : vector<16xi32>
        %reshape3A_951 = vector.shape_cast %xor3A_950 : vector<16xi32> to vector<16x1xi32>
        %gather3A_952 = vector.shape_cast %reshape3A_951 : vector<16x1xi32> to vector<16xi32>
        %gather3A_953 = tpu.dynamic_gather %add3A_947[%gather3A_952] in [0] : vector<16xf32>, vector<16xi32> -> vector<16xf32>
        %add3A_954 = arith.addf %add3A_947, %gather3A_953 : vector<16xf32>
        %xor3A_955 = arith.constant 1 : i32
        %xor3A_956 = vector.broadcast %xor3A_955 : i32 to vector<16xi32>
        %xor3A_957 = arith.xori %iota3A, %xor3A_956 : vector<16xi32>
        %reshape3A_958 = vector.shape_cast %xor3A_957 : vector<16xi32> to vector<16x1xi32>
        %gather3A_959 = vector.shape_cast %reshape3A_958 : vector<16x1xi32> to vector<16xi32>
        %gather3A_960 = tpu.dynamic_gather %add3A_954[%gather3A_959] in [0] : vector<16xf32>, vector<16xi32> -> vector<16xf32>
        %add3A_961 = arith.addf %add3A_954, %gather3A_960 : vector<16xf32>
        %eq3A_962 = arith.constant 1 : i32
        %eq3A_963 = vector.broadcast %eq3A_962 : i32 to vector<16xi32>
        %eq3A_964 = arith.cmpi eq, %iota3A, %eq3A_963 : vector<16xi32>
        %select_n3A_965 = arith.select %eq3A_964, %add3A_961, %select_n3A_916 : vector<16xi1>, vector<16xf32>
        %get3A_966 = arith.index_cast %add3A_225 : i32 to index
        %get3A_967 = arith.constant 32 : index
        %get3A_968 = tpu.vector_load %arg16[%get3A_966, %get3A_967] {strides = array<i32>} : memref<40x128xf32, #tpu.memory_space<vmem>>, vector<1x16xf32>,
        %get3A_969 = vector.shape_cast %get3A_968 : vector<1x16xf32> to vector<16xf32>
        %get3A_970 = arith.index_cast %add3A_225 : i32 to index
        %get3A_971 = arith.constant 32 : index
        %get3A_972 = tpu.vector_load %arg17[%get3A_970, %get3A_971] {strides = array<i32>} : memref<40x128xf32, #tpu.memory_space<vmem>>, vector<1x16xf32>,
        %get3A_973 = vector.shape_cast %get3A_972 : vector<1x16xf32> to vector<16xf32>
        %add3A_974 = arith.addf %get3A_969, %get3A_973 : vector<16xf32>
        %gt3A_975 = arith.constant 0.000000e+00 : f32
        %gt3A_976 = vector.broadcast %gt3A_975 : f32 to vector<16xf32>
        %gt3A_977 = arith.cmpf ogt, %add3A_974, %gt3A_976 : vector<16xf32>
        %mul3A_978 = arith.constant 2.000000e-01 : f32
        %mul3A_979 = vector.broadcast %mul3A_978 : f32 to vector<16xf32>
        %mul3A_980 = arith.mulf %add3A_974, %mul3A_979 : vector<16xf32>
        %select_n3A_981 = arith.select %gt3A_977, %add3A_974, %mul3A_980 : vector<16xi1>, vector<16xf32>
        %mul3A_982 = arith.mulf %select_n3A_981, %get3A_58 : vector<16xf32>
        %xor3A_983 = arith.constant 8 : i32
        %xor3A_984 = vector.broadcast %xor3A_983 : i32 to vector<16xi32>
        %xor3A_985 = arith.xori %iota3A, %xor3A_984 : vector<16xi32>
        %reshape3A_986 = vector.shape_cast %xor3A_985 : vector<16xi32> to vector<16x1xi32>
        %gather3A_987 = vector.shape_cast %reshape3A_986 : vector<16x1xi32> to vector<16xi32>
        %gather3A_988 = tpu.dynamic_gather %mul3A_982[%gather3A_987] in [0] : vector<16xf32>, vector<16xi32> -> vector<16xf32>
        %add3A_989 = arith.addf %mul3A_982, %gather3A_988 : vector<16xf32>
        %xor3A_990 = arith.constant 4 : i32
        %xor3A_991 = vector.broadcast %xor3A_990 : i32 to vector<16xi32>
        %xor3A_992 = arith.xori %iota3A, %xor3A_991 : vector<16xi32>
        %reshape3A_993 = vector.shape_cast %xor3A_992 : vector<16xi32> to vector<16x1xi32>
        %gather3A_994 = vector.shape_cast %reshape3A_993 : vector<16x1xi32> to vector<16xi32>
        %gather3A_995 = tpu.dynamic_gather %add3A_989[%gather3A_994] in [0] : vector<16xf32>, vector<16xi32> -> vector<16xf32>
        %add3A_996 = arith.addf %add3A_989, %gather3A_995 : vector<16xf32>
        %xor3A_997 = arith.constant 2 : i32
        %xor3A_998 = vector.broadcast %xor3A_997 : i32 to vector<16xi32>
        %xor3A_999 = arith.xori %iota3A, %xor3A_998 : vector<16xi32>
        %reshape3A_1000 = vector.shape_cast %xor3A_999 : vector<16xi32> to vector<16x1xi32>
        %gather3A_1001 = vector.shape_cast %reshape3A_1000 : vector<16x1xi32> to vector<16xi32>
        %gather3A_1002 = tpu.dynamic_gather %add3A_996[%gather3A_1001] in [0] : vector<16xf32>, vector<16xi32> -> vector<16xf32>
        %add3A_1003 = arith.addf %add3A_996, %gather3A_1002 : vector<16xf32>
        %xor3A_1004 = arith.constant 1 : i32
        %xor3A_1005 = vector.broadcast %xor3A_1004 : i32 to vector<16xi32>
        %xor3A_1006 = arith.xori %iota3A, %xor3A_1005 : vector<16xi32>
        %reshape3A_1007 = vector.shape_cast %xor3A_1006 : vector<16xi32> to vector<16x1xi32>
        %gather3A_1008 = vector.shape_cast %reshape3A_1007 : vector<16x1xi32> to vector<16xi32>
        %gather3A_1009 = tpu.dynamic_gather %add3A_1003[%gather3A_1008] in [0] : vector<16xf32>, vector<16xi32> -> vector<16xf32>
        %add3A_1010 = arith.addf %add3A_1003, %gather3A_1009 : vector<16xf32>
        %eq3A_1011 = arith.constant 2 : i32
        %eq3A_1012 = vector.broadcast %eq3A_1011 : i32 to vector<16xi32>
        %eq3A_1013 = arith.cmpi eq, %iota3A, %eq3A_1012 : vector<16xi32>
        %select_n3A_1014 = arith.select %eq3A_1013, %add3A_1010, %select_n3A_965 : vector<16xi1>, vector<16xf32>
        %get3A_1015 = arith.index_cast %add3A_225 : i32 to index
        %get3A_1016 = arith.constant 48 : index
        %get3A_1017 = tpu.vector_load %arg16[%get3A_1015, %get3A_1016] {strides = array<i32>} : memref<40x128xf32, #tpu.memory_space<vmem>>, vector<1x16xf32>,
        %get3A_1018 = vector.shape_cast %get3A_1017 : vector<1x16xf32> to vector<16xf32>
        %get3A_1019 = arith.index_cast %add3A_225 : i32 to index
        %get3A_1020 = arith.constant 48 : index
        %get3A_1021 = tpu.vector_load %arg17[%get3A_1019, %get3A_1020] {strides = array<i32>} : memref<40x128xf32, #tpu.memory_space<vmem>>, vector<1x16xf32>,
        %get3A_1022 = vector.shape_cast %get3A_1021 : vector<1x16xf32> to vector<16xf32>
        %add3A_1023 = arith.addf %get3A_1018, %get3A_1022 : vector<16xf32>
        %gt3A_1024 = arith.constant 0.000000e+00 : f32
        %gt3A_1025 = vector.broadcast %gt3A_1024 : f32 to vector<16xf32>
        %gt3A_1026 = arith.cmpf ogt, %add3A_1023, %gt3A_1025 : vector<16xf32>
        %mul3A_1027 = arith.constant 2.000000e-01 : f32
        %mul3A_1028 = vector.broadcast %mul3A_1027 : f32 to vector<16xf32>
        %mul3A_1029 = arith.mulf %add3A_1023, %mul3A_1028 : vector<16xf32>
        %select_n3A_1030 = arith.select %gt3A_1026, %add3A_1023, %mul3A_1029 : vector<16xi1>, vector<16xf32>
        %mul3A_1031 = arith.mulf %select_n3A_1030, %get3A_63 : vector<16xf32>
        %xor3A_1032 = arith.constant 8 : i32
        %xor3A_1033 = vector.broadcast %xor3A_1032 : i32 to vector<16xi32>
        %xor3A_1034 = arith.xori %iota3A, %xor3A_1033 : vector<16xi32>
        %reshape3A_1035 = vector.shape_cast %xor3A_1034 : vector<16xi32> to vector<16x1xi32>
        %gather3A_1036 = vector.shape_cast %reshape3A_1035 : vector<16x1xi32> to vector<16xi32>
        %gather3A_1037 = tpu.dynamic_gather %mul3A_1031[%gather3A_1036] in [0] : vector<16xf32>, vector<16xi32> -> vector<16xf32>
        %add3A_1038 = arith.addf %mul3A_1031, %gather3A_1037 : vector<16xf32>
        %xor3A_1039 = arith.constant 4 : i32
        %xor3A_1040 = vector.broadcast %xor3A_1039 : i32 to vector<16xi32>
        %xor3A_1041 = arith.xori %iota3A, %xor3A_1040 : vector<16xi32>
        %reshape3A_1042 = vector.shape_cast %xor3A_1041 : vector<16xi32> to vector<16x1xi32>
        %gather3A_1043 = vector.shape_cast %reshape3A_1042 : vector<16x1xi32> to vector<16xi32>
        %gather3A_1044 = tpu.dynamic_gather %add3A_1038[%gather3A_1043] in [0] : vector<16xf32>, vector<16xi32> -> vector<16xf32>
        %add3A_1045 = arith.addf %add3A_1038, %gather3A_1044 : vector<16xf32>
        %xor3A_1046 = arith.constant 2 : i32
        %xor3A_1047 = vector.broadcast %xor3A_1046 : i32 to vector<16xi32>
        %xor3A_1048 = arith.xori %iota3A, %xor3A_1047 : vector<16xi32>
        %reshape3A_1049 = vector.shape_cast %xor3A_1048 : vector<16xi32> to vector<16x1xi32>
        %gather3A_1050 = vector.shape_cast %reshape3A_1049 : vector<16x1xi32> to vector<16xi32>
        %gather3A_1051 = tpu.dynamic_gather %add3A_1045[%gather3A_1050] in [0] : vector<16xf32>, vector<16xi32> -> vector<16xf32>
        %add3A_1052 = arith.addf %add3A_1045, %gather3A_1051 : vector<16xf32>
        %xor3A_1053 = arith.constant 1 : i32
        %xor3A_1054 = vector.broadcast %xor3A_1053 : i32 to vector<16xi32>
        %xor3A_1055 = arith.xori %iota3A, %xor3A_1054 : vector<16xi32>
        %reshape3A_1056 = vector.shape_cast %xor3A_1055 : vector<16xi32> to vector<16x1xi32>
        %gather3A_1057 = vector.shape_cast %reshape3A_1056 : vector<16x1xi32> to vector<16xi32>
        %gather3A_1058 = tpu.dynamic_gather %add3A_1052[%gather3A_1057] in [0] : vector<16xf32>, vector<16xi32> -> vector<16xf32>
        %add3A_1059 = arith.addf %add3A_1052, %gather3A_1058 : vector<16xf32>
        %eq3A_1060 = arith.constant 3 : i32
        %eq3A_1061 = vector.broadcast %eq3A_1060 : i32 to vector<16xi32>
        %eq3A_1062 = arith.cmpi eq, %iota3A, %eq3A_1061 : vector<16xi32>
        %select_n3A_1063 = arith.select %eq3A_1062, %add3A_1059, %select_n3A_1014 : vector<16xi1>, vector<16xf32>
        %get3A_1064 = arith.index_cast %add3A_225 : i32 to index
        %get3A_1065 = arith.constant 64 : index
        %get3A_1066 = tpu.vector_load %arg16[%get3A_1064, %get3A_1065] {strides = array<i32>} : memref<40x128xf32, #tpu.memory_space<vmem>>, vector<1x16xf32>,
        %get3A_1067 = vector.shape_cast %get3A_1066 : vector<1x16xf32> to vector<16xf32>
        %get3A_1068 = arith.index_cast %add3A_225 : i32 to index
        %get3A_1069 = arith.constant 64 : index
        %get3A_1070 = tpu.vector_load %arg17[%get3A_1068, %get3A_1069] {strides = array<i32>} : memref<40x128xf32, #tpu.memory_space<vmem>>, vector<1x16xf32>,
        %get3A_1071 = vector.shape_cast %get3A_1070 : vector<1x16xf32> to vector<16xf32>
        %add3A_1072 = arith.addf %get3A_1067, %get3A_1071 : vector<16xf32>
        %gt3A_1073 = arith.constant 0.000000e+00 : f32
        %gt3A_1074 = vector.broadcast %gt3A_1073 : f32 to vector<16xf32>
        %gt3A_1075 = arith.cmpf ogt, %add3A_1072, %gt3A_1074 : vector<16xf32>
        %mul3A_1076 = arith.constant 2.000000e-01 : f32
        %mul3A_1077 = vector.broadcast %mul3A_1076 : f32 to vector<16xf32>
        %mul3A_1078 = arith.mulf %add3A_1072, %mul3A_1077 : vector<16xf32>
        %select_n3A_1079 = arith.select %gt3A_1075, %add3A_1072, %mul3A_1078 : vector<16xi1>, vector<16xf32>
        %mul3A_1080 = arith.mulf %select_n3A_1079, %get3A_68 : vector<16xf32>
        %xor3A_1081 = arith.constant 8 : i32
        %xor3A_1082 = vector.broadcast %xor3A_1081 : i32 to vector<16xi32>
        %xor3A_1083 = arith.xori %iota3A, %xor3A_1082 : vector<16xi32>
        %reshape3A_1084 = vector.shape_cast %xor3A_1083 : vector<16xi32> to vector<16x1xi32>
        %gather3A_1085 = vector.shape_cast %reshape3A_1084 : vector<16x1xi32> to vector<16xi32>
        %gather3A_1086 = tpu.dynamic_gather %mul3A_1080[%gather3A_1085] in [0] : vector<16xf32>, vector<16xi32> -> vector<16xf32>
        %add3A_1087 = arith.addf %mul3A_1080, %gather3A_1086 : vector<16xf32>
        %xor3A_1088 = arith.constant 4 : i32
        %xor3A_1089 = vector.broadcast %xor3A_1088 : i32 to vector<16xi32>
        %xor3A_1090 = arith.xori %iota3A, %xor3A_1089 : vector<16xi32>
        %reshape3A_1091 = vector.shape_cast %xor3A_1090 : vector<16xi32> to vector<16x1xi32>
        %gather3A_1092 = vector.shape_cast %reshape3A_1091 : vector<16x1xi32> to vector<16xi32>
        %gather3A_1093 = tpu.dynamic_gather %add3A_1087[%gather3A_1092] in [0] : vector<16xf32>, vector<16xi32> -> vector<16xf32>
        %add3A_1094 = arith.addf %add3A_1087, %gather3A_1093 : vector<16xf32>
        %xor3A_1095 = arith.constant 2 : i32
        %xor3A_1096 = vector.broadcast %xor3A_1095 : i32 to vector<16xi32>
        %xor3A_1097 = arith.xori %iota3A, %xor3A_1096 : vector<16xi32>
        %reshape3A_1098 = vector.shape_cast %xor3A_1097 : vector<16xi32> to vector<16x1xi32>
        %gather3A_1099 = vector.shape_cast %reshape3A_1098 : vector<16x1xi32> to vector<16xi32>
        %gather3A_1100 = tpu.dynamic_gather %add3A_1094[%gather3A_1099] in [0] : vector<16xf32>, vector<16xi32> -> vector<16xf32>
        %add3A_1101 = arith.addf %add3A_1094, %gather3A_1100 : vector<16xf32>
        %xor3A_1102 = arith.constant 1 : i32
        %xor3A_1103 = vector.broadcast %xor3A_1102 : i32 to vector<16xi32>
        %xor3A_1104 = arith.xori %iota3A, %xor3A_1103 : vector<16xi32>
        %reshape3A_1105 = vector.shape_cast %xor3A_1104 : vector<16xi32> to vector<16x1xi32>
        %gather3A_1106 = vector.shape_cast %reshape3A_1105 : vector<16x1xi32> to vector<16xi32>
        %gather3A_1107 = tpu.dynamic_gather %add3A_1101[%gather3A_1106] in [0] : vector<16xf32>, vector<16xi32> -> vector<16xf32>
        %add3A_1108 = arith.addf %add3A_1101, %gather3A_1107 : vector<16xf32>
        %eq3A_1109 = arith.constant 4 : i32
        %eq3A_1110 = vector.broadcast %eq3A_1109 : i32 to vector<16xi32>
        %eq3A_1111 = arith.cmpi eq, %iota3A, %eq3A_1110 : vector<16xi32>
        %select_n3A_1112 = arith.select %eq3A_1111, %add3A_1108, %select_n3A_1063 : vector<16xi1>, vector<16xf32>
        %get3A_1113 = arith.index_cast %add3A_225 : i32 to index
        %get3A_1114 = arith.constant 80 : index
        %get3A_1115 = tpu.vector_load %arg16[%get3A_1113, %get3A_1114] {strides = array<i32>} : memref<40x128xf32, #tpu.memory_space<vmem>>, vector<1x16xf32>,
        %get3A_1116 = vector.shape_cast %get3A_1115 : vector<1x16xf32> to vector<16xf32>
        %get3A_1117 = arith.index_cast %add3A_225 : i32 to index
        %get3A_1118 = arith.constant 80 : index
        %get3A_1119 = tpu.vector_load %arg17[%get3A_1117, %get3A_1118] {strides = array<i32>} : memref<40x128xf32, #tpu.memory_space<vmem>>, vector<1x16xf32>,
        %get3A_1120 = vector.shape_cast %get3A_1119 : vector<1x16xf32> to vector<16xf32>
        %add3A_1121 = arith.addf %get3A_1116, %get3A_1120 : vector<16xf32>
        %gt3A_1122 = arith.constant 0.000000e+00 : f32
        %gt3A_1123 = vector.broadcast %gt3A_1122 : f32 to vector<16xf32>
        %gt3A_1124 = arith.cmpf ogt, %add3A_1121, %gt3A_1123 : vector<16xf32>
        %mul3A_1125 = arith.constant 2.000000e-01 : f32
        %mul3A_1126 = vector.broadcast %mul3A_1125 : f32 to vector<16xf32>
        %mul3A_1127 = arith.mulf %add3A_1121, %mul3A_1126 : vector<16xf32>
        %select_n3A_1128 = arith.select %gt3A_1124, %add3A_1121, %mul3A_1127 : vector<16xi1>, vector<16xf32>
        %mul3A_1129 = arith.mulf %select_n3A_1128, %get3A_73 : vector<16xf32>
        %xor3A_1130 = arith.constant 8 : i32
        %xor3A_1131 = vector.broadcast %xor3A_1130 : i32 to vector<16xi32>
        %xor3A_1132 = arith.xori %iota3A, %xor3A_1131 : vector<16xi32>
        %reshape3A_1133 = vector.shape_cast %xor3A_1132 : vector<16xi32> to vector<16x1xi32>
        %gather3A_1134 = vector.shape_cast %reshape3A_1133 : vector<16x1xi32> to vector<16xi32>
        %gather3A_1135 = tpu.dynamic_gather %mul3A_1129[%gather3A_1134] in [0] : vector<16xf32>, vector<16xi32> -> vector<16xf32>
        %add3A_1136 = arith.addf %mul3A_1129, %gather3A_1135 : vector<16xf32>
        %xor3A_1137 = arith.constant 4 : i32
        %xor3A_1138 = vector.broadcast %xor3A_1137 : i32 to vector<16xi32>
        %xor3A_1139 = arith.xori %iota3A, %xor3A_1138 : vector<16xi32>
        %reshape3A_1140 = vector.shape_cast %xor3A_1139 : vector<16xi32> to vector<16x1xi32>
        %gather3A_1141 = vector.shape_cast %reshape3A_1140 : vector<16x1xi32> to vector<16xi32>
        %gather3A_1142 = tpu.dynamic_gather %add3A_1136[%gather3A_1141] in [0] : vector<16xf32>, vector<16xi32> -> vector<16xf32>
        %add3A_1143 = arith.addf %add3A_1136, %gather3A_1142 : vector<16xf32>
        %xor3A_1144 = arith.constant 2 : i32
        %xor3A_1145 = vector.broadcast %xor3A_1144 : i32 to vector<16xi32>
        %xor3A_1146 = arith.xori %iota3A, %xor3A_1145 : vector<16xi32>
        %reshape3A_1147 = vector.shape_cast %xor3A_1146 : vector<16xi32> to vector<16x1xi32>
        %gather3A_1148 = vector.shape_cast %reshape3A_1147 : vector<16x1xi32> to vector<16xi32>
        %gather3A_1149 = tpu.dynamic_gather %add3A_1143[%gather3A_1148] in [0] : vector<16xf32>, vector<16xi32> -> vector<16xf32>
        %add3A_1150 = arith.addf %add3A_1143, %gather3A_1149 : vector<16xf32>
        %xor3A_1151 = arith.constant 1 : i32
        %xor3A_1152 = vector.broadcast %xor3A_1151 : i32 to vector<16xi32>
        %xor3A_1153 = arith.xori %iota3A, %xor3A_1152 : vector<16xi32>
        %reshape3A_1154 = vector.shape_cast %xor3A_1153 : vector<16xi32> to vector<16x1xi32>
        %gather3A_1155 = vector.shape_cast %reshape3A_1154 : vector<16x1xi32> to vector<16xi32>
        %gather3A_1156 = tpu.dynamic_gather %add3A_1150[%gather3A_1155] in [0] : vector<16xf32>, vector<16xi32> -> vector<16xf32>
        %add3A_1157 = arith.addf %add3A_1150, %gather3A_1156 : vector<16xf32>
        %eq3A_1158 = arith.constant 5 : i32
        %eq3A_1159 = vector.broadcast %eq3A_1158 : i32 to vector<16xi32>
        %eq3A_1160 = arith.cmpi eq, %iota3A, %eq3A_1159 : vector<16xi32>
        %select_n3A_1161 = arith.select %eq3A_1160, %add3A_1157, %select_n3A_1112 : vector<16xi1>, vector<16xf32>
        %get3A_1162 = arith.index_cast %add3A_225 : i32 to index
        %get3A_1163 = arith.constant 96 : index
        %get3A_1164 = tpu.vector_load %arg16[%get3A_1162, %get3A_1163] {strides = array<i32>} : memref<40x128xf32, #tpu.memory_space<vmem>>, vector<1x16xf32>,
        %get3A_1165 = vector.shape_cast %get3A_1164 : vector<1x16xf32> to vector<16xf32>
        %get3A_1166 = arith.index_cast %add3A_225 : i32 to index
        %get3A_1167 = arith.constant 96 : index
        %get3A_1168 = tpu.vector_load %arg17[%get3A_1166, %get3A_1167] {strides = array<i32>} : memref<40x128xf32, #tpu.memory_space<vmem>>, vector<1x16xf32>,
        %get3A_1169 = vector.shape_cast %get3A_1168 : vector<1x16xf32> to vector<16xf32>
        %add3A_1170 = arith.addf %get3A_1165, %get3A_1169 : vector<16xf32>
        %gt3A_1171 = arith.constant 0.000000e+00 : f32
        %gt3A_1172 = vector.broadcast %gt3A_1171 : f32 to vector<16xf32>
        %gt3A_1173 = arith.cmpf ogt, %add3A_1170, %gt3A_1172 : vector<16xf32>
        %mul3A_1174 = arith.constant 2.000000e-01 : f32
        %mul3A_1175 = vector.broadcast %mul3A_1174 : f32 to vector<16xf32>
        %mul3A_1176 = arith.mulf %add3A_1170, %mul3A_1175 : vector<16xf32>
        %select_n3A_1177 = arith.select %gt3A_1173, %add3A_1170, %mul3A_1176 : vector<16xi1>, vector<16xf32>
        %mul3A_1178 = arith.mulf %select_n3A_1177, %get3A_78 : vector<16xf32>
        %xor3A_1179 = arith.constant 8 : i32
        %xor3A_1180 = vector.broadcast %xor3A_1179 : i32 to vector<16xi32>
        %xor3A_1181 = arith.xori %iota3A, %xor3A_1180 : vector<16xi32>
        %reshape3A_1182 = vector.shape_cast %xor3A_1181 : vector<16xi32> to vector<16x1xi32>
        %gather3A_1183 = vector.shape_cast %reshape3A_1182 : vector<16x1xi32> to vector<16xi32>
        %gather3A_1184 = tpu.dynamic_gather %mul3A_1178[%gather3A_1183] in [0] : vector<16xf32>, vector<16xi32> -> vector<16xf32>
        %add3A_1185 = arith.addf %mul3A_1178, %gather3A_1184 : vector<16xf32>
        %xor3A_1186 = arith.constant 4 : i32
        %xor3A_1187 = vector.broadcast %xor3A_1186 : i32 to vector<16xi32>
        %xor3A_1188 = arith.xori %iota3A, %xor3A_1187 : vector<16xi32>
        %reshape3A_1189 = vector.shape_cast %xor3A_1188 : vector<16xi32> to vector<16x1xi32>
        %gather3A_1190 = vector.shape_cast %reshape3A_1189 : vector<16x1xi32> to vector<16xi32>
        %gather3A_1191 = tpu.dynamic_gather %add3A_1185[%gather3A_1190] in [0] : vector<16xf32>, vector<16xi32> -> vector<16xf32>
        %add3A_1192 = arith.addf %add3A_1185, %gather3A_1191 : vector<16xf32>
        %xor3A_1193 = arith.constant 2 : i32
        %xor3A_1194 = vector.broadcast %xor3A_1193 : i32 to vector<16xi32>
        %xor3A_1195 = arith.xori %iota3A, %xor3A_1194 : vector<16xi32>
        %reshape3A_1196 = vector.shape_cast %xor3A_1195 : vector<16xi32> to vector<16x1xi32>
        %gather3A_1197 = vector.shape_cast %reshape3A_1196 : vector<16x1xi32> to vector<16xi32>
        %gather3A_1198 = tpu.dynamic_gather %add3A_1192[%gather3A_1197] in [0] : vector<16xf32>, vector<16xi32> -> vector<16xf32>
        %add3A_1199 = arith.addf %add3A_1192, %gather3A_1198 : vector<16xf32>
        %xor3A_1200 = arith.constant 1 : i32
        %xor3A_1201 = vector.broadcast %xor3A_1200 : i32 to vector<16xi32>
        %xor3A_1202 = arith.xori %iota3A, %xor3A_1201 : vector<16xi32>
        %reshape3A_1203 = vector.shape_cast %xor3A_1202 : vector<16xi32> to vector<16x1xi32>
        %gather3A_1204 = vector.shape_cast %reshape3A_1203 : vector<16x1xi32> to vector<16xi32>
        %gather3A_1205 = tpu.dynamic_gather %add3A_1199[%gather3A_1204] in [0] : vector<16xf32>, vector<16xi32> -> vector<16xf32>
        %add3A_1206 = arith.addf %add3A_1199, %gather3A_1205 : vector<16xf32>
        %eq3A_1207 = arith.constant 6 : i32
        %eq3A_1208 = vector.broadcast %eq3A_1207 : i32 to vector<16xi32>
        %eq3A_1209 = arith.cmpi eq, %iota3A, %eq3A_1208 : vector<16xi32>
        %select_n3A_1210 = arith.select %eq3A_1209, %add3A_1206, %select_n3A_1161 : vector<16xi1>, vector<16xf32>
        %get3A_1211 = arith.index_cast %add3A_225 : i32 to index
        %get3A_1212 = arith.constant 112 : index
        %get3A_1213 = tpu.vector_load %arg16[%get3A_1211, %get3A_1212] {strides = array<i32>} : memref<40x128xf32, #tpu.memory_space<vmem>>, vector<1x16xf32>,
        %get3A_1214 = vector.shape_cast %get3A_1213 : vector<1x16xf32> to vector<16xf32>
        %get3A_1215 = arith.index_cast %add3A_225 : i32 to index
        %get3A_1216 = arith.constant 112 : index
        %get3A_1217 = tpu.vector_load %arg17[%get3A_1215, %get3A_1216] {strides = array<i32>} : memref<40x128xf32, #tpu.memory_space<vmem>>, vector<1x16xf32>,
        %get3A_1218 = vector.shape_cast %get3A_1217 : vector<1x16xf32> to vector<16xf32>
        %add3A_1219 = arith.addf %get3A_1214, %get3A_1218 : vector<16xf32>
        %gt3A_1220 = arith.constant 0.000000e+00 : f32
        %gt3A_1221 = vector.broadcast %gt3A_1220 : f32 to vector<16xf32>
        %gt3A_1222 = arith.cmpf ogt, %add3A_1219, %gt3A_1221 : vector<16xf32>
        %mul3A_1223 = arith.constant 2.000000e-01 : f32
        %mul3A_1224 = vector.broadcast %mul3A_1223 : f32 to vector<16xf32>
        %mul3A_1225 = arith.mulf %add3A_1219, %mul3A_1224 : vector<16xf32>
        %select_n3A_1226 = arith.select %gt3A_1222, %add3A_1219, %mul3A_1225 : vector<16xi1>, vector<16xf32>
        %mul3A_1227 = arith.mulf %select_n3A_1226, %get3A_83 : vector<16xf32>
        %xor3A_1228 = arith.constant 8 : i32
        %xor3A_1229 = vector.broadcast %xor3A_1228 : i32 to vector<16xi32>
        %xor3A_1230 = arith.xori %iota3A, %xor3A_1229 : vector<16xi32>
        %reshape3A_1231 = vector.shape_cast %xor3A_1230 : vector<16xi32> to vector<16x1xi32>
        %gather3A_1232 = vector.shape_cast %reshape3A_1231 : vector<16x1xi32> to vector<16xi32>
        %gather3A_1233 = tpu.dynamic_gather %mul3A_1227[%gather3A_1232] in [0] : vector<16xf32>, vector<16xi32> -> vector<16xf32>
        %add3A_1234 = arith.addf %mul3A_1227, %gather3A_1233 : vector<16xf32>
        %xor3A_1235 = arith.constant 4 : i32
        %xor3A_1236 = vector.broadcast %xor3A_1235 : i32 to vector<16xi32>
        %xor3A_1237 = arith.xori %iota3A, %xor3A_1236 : vector<16xi32>
        %reshape3A_1238 = vector.shape_cast %xor3A_1237 : vector<16xi32> to vector<16x1xi32>
        %gather3A_1239 = vector.shape_cast %reshape3A_1238 : vector<16x1xi32> to vector<16xi32>
        %gather3A_1240 = tpu.dynamic_gather %add3A_1234[%gather3A_1239] in [0] : vector<16xf32>, vector<16xi32> -> vector<16xf32>
        %add3A_1241 = arith.addf %add3A_1234, %gather3A_1240 : vector<16xf32>
        %xor3A_1242 = arith.constant 2 : i32
        %xor3A_1243 = vector.broadcast %xor3A_1242 : i32 to vector<16xi32>
        %xor3A_1244 = arith.xori %iota3A, %xor3A_1243 : vector<16xi32>
        %reshape3A_1245 = vector.shape_cast %xor3A_1244 : vector<16xi32> to vector<16x1xi32>
        %gather3A_1246 = vector.shape_cast %reshape3A_1245 : vector<16x1xi32> to vector<16xi32>
        %gather3A_1247 = tpu.dynamic_gather %add3A_1241[%gather3A_1246] in [0] : vector<16xf32>, vector<16xi32> -> vector<16xf32>
        %add3A_1248 = arith.addf %add3A_1241, %gather3A_1247 : vector<16xf32>
        %xor3A_1249 = arith.constant 1 : i32
        %xor3A_1250 = vector.broadcast %xor3A_1249 : i32 to vector<16xi32>
        %xor3A_1251 = arith.xori %iota3A, %xor3A_1250 : vector<16xi32>
        %reshape3A_1252 = vector.shape_cast %xor3A_1251 : vector<16xi32> to vector<16x1xi32>
        %gather3A_1253 = vector.shape_cast %reshape3A_1252 : vector<16x1xi32> to vector<16xi32>
        %gather3A_1254 = tpu.dynamic_gather %add3A_1248[%gather3A_1253] in [0] : vector<16xf32>, vector<16xi32> -> vector<16xf32>
        %add3A_1255 = arith.addf %add3A_1248, %gather3A_1254 : vector<16xf32>
        %eq3A_1256 = arith.constant 7 : i32
        %eq3A_1257 = vector.broadcast %eq3A_1256 : i32 to vector<16xi32>
        %eq3A_1258 = arith.cmpi eq, %iota3A, %eq3A_1257 : vector<16xi32>
        %select_n3A_1259 = arith.select %eq3A_1258, %add3A_1255, %select_n3A_1210 : vector<16xi1>, vector<16xf32>
        %lt3A_1260 = arith.constant 8 : i32
        %lt3A_1261 = vector.broadcast %lt3A_1260 : i32 to vector<16xi32>
        %lt3A_1262 = arith.cmpi slt, %iota3A, %lt3A_1261 : vector<16xi32>
        %exp3A_1263 = math.exp %select_n3A_1259 : vector<16xf32>
        %jit3A_1264 = arith.constant 0.000000e+00 : f32
        %broadcast_in_dim3A_1265 = vector.broadcast %jit3A_1264 : f32 to vector<16xf32>
        %select_n3A_1266 = arith.select %lt3A_1262, %exp3A_1263, %broadcast_in_dim3A_1265 : vector<16xi1>, vector<16xf32>
        %broadcast_in_dim3A_1267 = arith.constant 0 : i32
        %broadcast_in_dim3A_1268 = vector.broadcast %broadcast_in_dim3A_1267 : i32 to vector<16xi32>
        %reshape3A_1269 = vector.shape_cast %broadcast_in_dim3A_1268 : vector<16xi32> to vector<16x1xi32>
        %gather3A_1270 = vector.shape_cast %reshape3A_1269 : vector<16x1xi32> to vector<16xi32>
        %gather3A_1271 = tpu.dynamic_gather %select_n3A_1266[%gather3A_1270] in [0] : vector<16xf32>, vector<16xi32> -> vector<16xf32>
        %mul3A_1272 = arith.mulf %gather3A_1271, %get3A_871 : vector<16xf32>
        %swap3A_1273 = arith.index_cast %add3A_225 : i32 to index
        %swap3A_1274 = arith.constant 0 : index
        %swap3A_1275 = tpu.vector_load %arg16[%swap3A_1273, %swap3A_1274] {strides = array<i32>} : memref<40x128xf32, #tpu.memory_space<vmem>>, vector<1x16xf32>,
        %swap3A_1276 = vector.shape_cast %swap3A_1275 : vector<1x16xf32> to vector<16xf32>
        %swap3A_1277 = vector.shape_cast %mul3A_1272 : vector<16xf32> to vector<1x16xf32>
        tpu.vector_store %arg16[%swap3A_1273, %swap3A_1274], %swap3A_1277 {strides = array<i32>} : memref<40x128xf32, #tpu.memory_space<vmem>>, vector<1x16xf32>,
        %broadcast_in_dim3A_1278 = arith.constant 1 : i32
        %broadcast_in_dim3A_1279 = vector.broadcast %broadcast_in_dim3A_1278 : i32 to vector<16xi32>
        %reshape3A_1280 = vector.shape_cast %broadcast_in_dim3A_1279 : vector<16xi32> to vector<16x1xi32>
        %gather3A_1281 = vector.shape_cast %reshape3A_1280 : vector<16x1xi32> to vector<16xi32>
        %gather3A_1282 = tpu.dynamic_gather %select_n3A_1266[%gather3A_1281] in [0] : vector<16xf32>, vector<16xi32> -> vector<16xf32>
        %mul3A_1283 = arith.mulf %gather3A_1282, %get3A_920 : vector<16xf32>
        %swap3A_1284 = arith.index_cast %add3A_225 : i32 to index
        %swap3A_1285 = arith.constant 16 : index
        %swap3A_1286 = tpu.vector_load %arg16[%swap3A_1284, %swap3A_1285] {strides = array<i32>} : memref<40x128xf32, #tpu.memory_space<vmem>>, vector<1x16xf32>,
        %swap3A_1287 = vector.shape_cast %swap3A_1286 : vector<1x16xf32> to vector<16xf32>
        %swap3A_1288 = vector.shape_cast %mul3A_1283 : vector<16xf32> to vector<1x16xf32>
        tpu.vector_store %arg16[%swap3A_1284, %swap3A_1285], %swap3A_1288 {strides = array<i32>} : memref<40x128xf32, #tpu.memory_space<vmem>>, vector<1x16xf32>,
        %broadcast_in_dim3A_1289 = arith.constant 2 : i32
        %broadcast_in_dim3A_1290 = vector.broadcast %broadcast_in_dim3A_1289 : i32 to vector<16xi32>
        %reshape3A_1291 = vector.shape_cast %broadcast_in_dim3A_1290 : vector<16xi32> to vector<16x1xi32>
        %gather3A_1292 = vector.shape_cast %reshape3A_1291 : vector<16x1xi32> to vector<16xi32>
        %gather3A_1293 = tpu.dynamic_gather %select_n3A_1266[%gather3A_1292] in [0] : vector<16xf32>, vector<16xi32> -> vector<16xf32>
        %mul3A_1294 = arith.mulf %gather3A_1293, %get3A_969 : vector<16xf32>
        %swap3A_1295 = arith.index_cast %add3A_225 : i32 to index
        %swap3A_1296 = arith.constant 32 : index
        %swap3A_1297 = tpu.vector_load %arg16[%swap3A_1295, %swap3A_1296] {strides = array<i32>} : memref<40x128xf32, #tpu.memory_space<vmem>>, vector<1x16xf32>,
        %swap3A_1298 = vector.shape_cast %swap3A_1297 : vector<1x16xf32> to vector<16xf32>
        %swap3A_1299 = vector.shape_cast %mul3A_1294 : vector<16xf32> to vector<1x16xf32>
        tpu.vector_store %arg16[%swap3A_1295, %swap3A_1296], %swap3A_1299 {strides = array<i32>} : memref<40x128xf32, #tpu.memory_space<vmem>>, vector<1x16xf32>,
        %broadcast_in_dim3A_1300 = arith.constant 3 : i32
        %broadcast_in_dim3A_1301 = vector.broadcast %broadcast_in_dim3A_1300 : i32 to vector<16xi32>
        %reshape3A_1302 = vector.shape_cast %broadcast_in_dim3A_1301 : vector<16xi32> to vector<16x1xi32>
        %gather3A_1303 = vector.shape_cast %reshape3A_1302 : vector<16x1xi32> to vector<16xi32>
        %gather3A_1304 = tpu.dynamic_gather %select_n3A_1266[%gather3A_1303] in [0] : vector<16xf32>, vector<16xi32> -> vector<16xf32>
        %mul3A_1305 = arith.mulf %gather3A_1304, %get3A_1018 : vector<16xf32>
        %swap3A_1306 = arith.index_cast %add3A_225 : i32 to index
        %swap3A_1307 = arith.constant 48 : index
        %swap3A_1308 = tpu.vector_load %arg16[%swap3A_1306, %swap3A_1307] {strides = array<i32>} : memref<40x128xf32, #tpu.memory_space<vmem>>, vector<1x16xf32>,
        %swap3A_1309 = vector.shape_cast %swap3A_1308 : vector<1x16xf32> to vector<16xf32>
        %swap3A_1310 = vector.shape_cast %mul3A_1305 : vector<16xf32> to vector<1x16xf32>
        tpu.vector_store %arg16[%swap3A_1306, %swap3A_1307], %swap3A_1310 {strides = array<i32>} : memref<40x128xf32, #tpu.memory_space<vmem>>, vector<1x16xf32>,
        %broadcast_in_dim3A_1311 = arith.constant 4 : i32
        %broadcast_in_dim3A_1312 = vector.broadcast %broadcast_in_dim3A_1311 : i32 to vector<16xi32>
        %reshape3A_1313 = vector.shape_cast %broadcast_in_dim3A_1312 : vector<16xi32> to vector<16x1xi32>
        %gather3A_1314 = vector.shape_cast %reshape3A_1313 : vector<16x1xi32> to vector<16xi32>
        %gather3A_1315 = tpu.dynamic_gather %select_n3A_1266[%gather3A_1314] in [0] : vector<16xf32>, vector<16xi32> -> vector<16xf32>
        %mul3A_1316 = arith.mulf %gather3A_1315, %get3A_1067 : vector<16xf32>
        %swap3A_1317 = arith.index_cast %add3A_225 : i32 to index
        %swap3A_1318 = arith.constant 64 : index
        %swap3A_1319 = tpu.vector_load %arg16[%swap3A_1317, %swap3A_1318] {strides = array<i32>} : memref<40x128xf32, #tpu.memory_space<vmem>>, vector<1x16xf32>,
        %swap3A_1320 = vector.shape_cast %swap3A_1319 : vector<1x16xf32> to vector<16xf32>
        %swap3A_1321 = vector.shape_cast %mul3A_1316 : vector<16xf32> to vector<1x16xf32>
        tpu.vector_store %arg16[%swap3A_1317, %swap3A_1318], %swap3A_1321 {strides = array<i32>} : memref<40x128xf32, #tpu.memory_space<vmem>>, vector<1x16xf32>,
        %broadcast_in_dim3A_1322 = arith.constant 5 : i32
        %broadcast_in_dim3A_1323 = vector.broadcast %broadcast_in_dim3A_1322 : i32 to vector<16xi32>
        %reshape3A_1324 = vector.shape_cast %broadcast_in_dim3A_1323 : vector<16xi32> to vector<16x1xi32>
        %gather3A_1325 = vector.shape_cast %reshape3A_1324 : vector<16x1xi32> to vector<16xi32>
        %gather3A_1326 = tpu.dynamic_gather %select_n3A_1266[%gather3A_1325] in [0] : vector<16xf32>, vector<16xi32> -> vector<16xf32>
        %mul3A_1327 = arith.mulf %gather3A_1326, %get3A_1116 : vector<16xf32>
        %swap3A_1328 = arith.index_cast %add3A_225 : i32 to index
        %swap3A_1329 = arith.constant 80 : index
        %swap3A_1330 = tpu.vector_load %arg16[%swap3A_1328, %swap3A_1329] {strides = array<i32>} : memref<40x128xf32, #tpu.memory_space<vmem>>, vector<1x16xf32>,
        %swap3A_1331 = vector.shape_cast %swap3A_1330 : vector<1x16xf32> to vector<16xf32>
        %swap3A_1332 = vector.shape_cast %mul3A_1327 : vector<16xf32> to vector<1x16xf32>
        tpu.vector_store %arg16[%swap3A_1328, %swap3A_1329], %swap3A_1332 {strides = array<i32>} : memref<40x128xf32, #tpu.memory_space<vmem>>, vector<1x16xf32>,
        %broadcast_in_dim3A_1333 = arith.constant 6 : i32
        %broadcast_in_dim3A_1334 = vector.broadcast %broadcast_in_dim3A_1333 : i32 to vector<16xi32>
        %reshape3A_1335 = vector.shape_cast %broadcast_in_dim3A_1334 : vector<16xi32> to vector<16x1xi32>
        %gather3A_1336 = vector.shape_cast %reshape3A_1335 : vector<16x1xi32> to vector<16xi32>
        %gather3A_1337 = tpu.dynamic_gather %select_n3A_1266[%gather3A_1336] in [0] : vector<16xf32>, vector<16xi32> -> vector<16xf32>
        %mul3A_1338 = arith.mulf %gather3A_1337, %get3A_1165 : vector<16xf32>
        %swap3A_1339 = arith.index_cast %add3A_225 : i32 to index
        %swap3A_1340 = arith.constant 96 : index
        %swap3A_1341 = tpu.vector_load %arg16[%swap3A_1339, %swap3A_1340] {strides = array<i32>} : memref<40x128xf32, #tpu.memory_space<vmem>>, vector<1x16xf32>,
        %swap3A_1342 = vector.shape_cast %swap3A_1341 : vector<1x16xf32> to vector<16xf32>
        %swap3A_1343 = vector.shape_cast %mul3A_1338 : vector<16xf32> to vector<1x16xf32>
        tpu.vector_store %arg16[%swap3A_1339, %swap3A_1340], %swap3A_1343 {strides = array<i32>} : memref<40x128xf32, #tpu.memory_space<vmem>>, vector<1x16xf32>,
        %broadcast_in_dim3A_1344 = arith.constant 7 : i32
        %broadcast_in_dim3A_1345 = vector.broadcast %broadcast_in_dim3A_1344 : i32 to vector<16xi32>
        %reshape3A_1346 = vector.shape_cast %broadcast_in_dim3A_1345 : vector<16xi32> to vector<16x1xi32>
        %gather3A_1347 = vector.shape_cast %reshape3A_1346 : vector<16x1xi32> to vector<16xi32>
        %gather3A_1348 = tpu.dynamic_gather %select_n3A_1266[%gather3A_1347] in [0] : vector<16xf32>, vector<16xi32> -> vector<16xf32>
        %mul3A_1349 = arith.mulf %gather3A_1348, %get3A_1214 : vector<16xf32>
        %swap3A_1350 = arith.index_cast %add3A_225 : i32 to index
        %swap3A_1351 = arith.constant 112 : index
        %swap3A_1352 = tpu.vector_load %arg16[%swap3A_1350, %swap3A_1351] {strides = array<i32>} : memref<40x128xf32, #tpu.memory_space<vmem>>, vector<1x16xf32>,
        %swap3A_1353 = vector.shape_cast %swap3A_1352 : vector<1x16xf32> to vector<16xf32>
        %swap3A_1354 = vector.shape_cast %mul3A_1349 : vector<16xf32> to vector<1x16xf32>
        tpu.vector_store %arg16[%swap3A_1350, %swap3A_1351], %swap3A_1354 {strides = array<i32>} : memref<40x128xf32, #tpu.memory_space<vmem>>, vector<1x16xf32>,
        %jit3A_1355 = arith.constant 16 : i32
        %div3A_1356 = arith.divsi %add3A_225, %jit3A_1355 : i32
        %sign3A_1357 = arith.constant 0 : i32
        %sign3A_1358 = arith.cmpi sgt, %add3A_225, %sign3A_1357 : i32
        %sign3A_1359 = arith.extui %sign3A_1358 : i1 to i32
        %sign3A_1360 = arith.constant 0 : i32
        %sign3A_1361 = arith.cmpi slt, %add3A_225, %sign3A_1360 : i32
        %sign3A_1362 = arith.extui %sign3A_1361 : i1 to i32
        %sign3A_1363 = arith.subi %sign3A_1359, %sign3A_1362 : i32
        %sign3A_1364 = arith.constant 0 : i32
        %sign3A_1365 = arith.cmpi sgt, %jit3A_1355, %sign3A_1364 : i32
        %sign3A_1366 = arith.extui %sign3A_1365 : i1 to i32
        %sign3A_1367 = arith.constant 0 : i32
        %sign3A_1368 = arith.cmpi slt, %jit3A_1355, %sign3A_1367 : i32
        %sign3A_1369 = arith.extui %sign3A_1368 : i1 to i32
        %sign3A_1370 = arith.subi %sign3A_1366, %sign3A_1369 : i32
        %ne3A_1371 = arith.cmpi ne, %sign3A_1363, %sign3A_1370 : i32
        %rem3A_1372 = arith.remsi %add3A_225, %jit3A_1355 : i32
        %ne3A_1373 = arith.constant 0 : i32
        %ne3A_1374 = arith.cmpi ne, %rem3A_1372, %ne3A_1373 : i32
        %and3A_1375 = arith.andi %ne3A_1371, %ne3A_1374 : i1
        %sub3A_1376 = arith.constant 1 : i32
        %sub3A_1377 = arith.subi %div3A_1356, %sub3A_1376 : i32
        %select_n3A_1378 = arith.select %and3A_1375, %sub3A_1377, %div3A_1356 : i32
        %mul3A_1379 = arith.constant 16 : i32
        %mul3A_1380 = arith.muli %select_n3A_1378, %mul3A_1379 : i32
        %min3A_1381 = arith.constant 24 : i32
        %min3A_1382 = arith.minsi %mul3A_1380, %min3A_1381 : i32
        %get3A_1383 = arith.index_cast %min3A_1382 : i32 to index
        %get3A_1384 = tpu.vector_load %arg12[%get3A_1383] {strides = array<i32>} : memref<40xi32, #tpu.memory_space<vmem>>, vector<16xi32>,
        %get3A_1385 = vector.shape_cast %get3A_1384 : vector<16xi32> to vector<16xi32>
        %broadcast_in_dim3A_1386 = arith.constant 0 : i32
        %broadcast_in_dim3A_1387 = vector.broadcast %broadcast_in_dim3A_1386 : i32 to vector<16xi32>
        %sub3A_1388 = arith.subi %add3A_225, %min3A_1382 : i32
        %add3A_1389 = vector.broadcast %sub3A_1388 : i32 to vector<16xi32>
        %add3A_1390 = arith.addi %broadcast_in_dim3A_1387, %add3A_1389 : vector<16xi32>
        %reshape3A_1391 = vector.shape_cast %add3A_1390 : vector<16xi32> to vector<16x1xi32>
        %gather3A_1392 = vector.shape_cast %reshape3A_1391 : vector<16x1xi32> to vector<16xi32>
        %gather3A_1393 = tpu.dynamic_gather %get3A_1385[%gather3A_1392] in [0] : vector<16xi32>, vector<16xi32> -> vector<16xi32>
        %and3A_1394 = arith.constant 7 : i32
        %and3A_1395 = vector.broadcast %and3A_1394 : i32 to vector<16xi32>
        %and3A_1396 = arith.andi %gather3A_1393, %and3A_1395 : vector<16xi32>
        %convert_element_type3A_1397 = arith.sitofp %and3A_1396 : vector<16xi32> to vector<16xf32>
        %sub3A_1398 = arith.constant 0.000000e+00 : f32
        %sub3A_1399 = vector.broadcast %sub3A_1398 : f32 to vector<16xf32>
        %sub3A_1400 = arith.subf %convert_element_type3A_1397, %sub3A_1399 : vector<16xf32>
        %mul3A_1401 = arith.mulf %sub3A_1400, %sub3A_1400 : vector<16xf32>
        %sub3A_1402 = arith.constant 1.000000e+00 : f32
        %sub3A_1403 = vector.broadcast %sub3A_1402 : f32 to vector<16xf32>
        %sub3A_1404 = arith.subf %sub3A_1403, %mul3A_1401 : vector<16xf32>
        %max3A_1405 = arith.constant 0.000000e+00 : f32
        %max3A_1406 = vector.broadcast %max3A_1405 : f32 to vector<16xf32>
        %max3A_1407 = arith.maximumf %sub3A_1404, %max3A_1406 : vector<16xf32>
        %mul3A_1408 = arith.mulf %select_n3A_1266, %max3A_1407 : vector<16xf32>
        %swap3A_1409 = arith.index_cast %add3A_225 : i32 to index
        %swap3A_1410 = arith.constant 0 : index
        %swap3A_1411 = tpu.vector_load %arg20[%swap3A_1409, %swap3A_1410] {strides = array<i32>} : memref<40x128xf32, #tpu.memory_space<vmem>>, vector<1x16xf32>,
        %swap3A_1412 = vector.shape_cast %swap3A_1411 : vector<1x16xf32> to vector<16xf32>
        %swap3A_1413 = vector.shape_cast %mul3A_1408 : vector<16xf32> to vector<1x16xf32>
        tpu.vector_store %arg20[%swap3A_1409, %swap3A_1410], %swap3A_1413 {strides = array<i32>} : memref<40x128xf32, #tpu.memory_space<vmem>>, vector<1x16xf32>,
        %sub3A_1414 = arith.constant 1.000000e+00 : f32
        %sub3A_1415 = vector.broadcast %sub3A_1414 : f32 to vector<16xf32>
        %sub3A_1416 = arith.subf %convert_element_type3A_1397, %sub3A_1415 : vector<16xf32>
        %mul3A_1417 = arith.mulf %sub3A_1416, %sub3A_1416 : vector<16xf32>
        %sub3A_1418 = arith.constant 1.000000e+00 : f32
        %sub3A_1419 = vector.broadcast %sub3A_1418 : f32 to vector<16xf32>
        %sub3A_1420 = arith.subf %sub3A_1419, %mul3A_1417 : vector<16xf32>
        %max3A_1421 = arith.constant 0.000000e+00 : f32
        %max3A_1422 = vector.broadcast %max3A_1421 : f32 to vector<16xf32>
        %max3A_1423 = arith.maximumf %sub3A_1420, %max3A_1422 : vector<16xf32>
        %mul3A_1424 = arith.mulf %select_n3A_1266, %max3A_1423 : vector<16xf32>
        %swap3A_1425 = arith.index_cast %add3A_225 : i32 to index
        %swap3A_1426 = arith.constant 16 : index
        %swap3A_1427 = tpu.vector_load %arg20[%swap3A_1425, %swap3A_1426] {strides = array<i32>} : memref<40x128xf32, #tpu.memory_space<vmem>>, vector<1x16xf32>,
        %swap3A_1428 = vector.shape_cast %swap3A_1427 : vector<1x16xf32> to vector<16xf32>
        %swap3A_1429 = vector.shape_cast %mul3A_1424 : vector<16xf32> to vector<1x16xf32>
        tpu.vector_store %arg20[%swap3A_1425, %swap3A_1426], %swap3A_1429 {strides = array<i32>} : memref<40x128xf32, #tpu.memory_space<vmem>>, vector<1x16xf32>,
        %sub3A_1430 = arith.constant 2.000000e+00 : f32
        %sub3A_1431 = vector.broadcast %sub3A_1430 : f32 to vector<16xf32>
        %sub3A_1432 = arith.subf %convert_element_type3A_1397, %sub3A_1431 : vector<16xf32>
        %mul3A_1433 = arith.mulf %sub3A_1432, %sub3A_1432 : vector<16xf32>
        %sub3A_1434 = arith.constant 1.000000e+00 : f32
        %sub3A_1435 = vector.broadcast %sub3A_1434 : f32 to vector<16xf32>
        %sub3A_1436 = arith.subf %sub3A_1435, %mul3A_1433 : vector<16xf32>
        %max3A_1437 = arith.constant 0.000000e+00 : f32
        %max3A_1438 = vector.broadcast %max3A_1437 : f32 to vector<16xf32>
        %max3A_1439 = arith.maximumf %sub3A_1436, %max3A_1438 : vector<16xf32>
        %mul3A_1440 = arith.mulf %select_n3A_1266, %max3A_1439 : vector<16xf32>
        %swap3A_1441 = arith.index_cast %add3A_225 : i32 to index
        %swap3A_1442 = arith.constant 32 : index
        %swap3A_1443 = tpu.vector_load %arg20[%swap3A_1441, %swap3A_1442] {strides = array<i32>} : memref<40x128xf32, #tpu.memory_space<vmem>>, vector<1x16xf32>,
        %swap3A_1444 = vector.shape_cast %swap3A_1443 : vector<1x16xf32> to vector<16xf32>
        %swap3A_1445 = vector.shape_cast %mul3A_1440 : vector<16xf32> to vector<1x16xf32>
        tpu.vector_store %arg20[%swap3A_1441, %swap3A_1442], %swap3A_1445 {strides = array<i32>} : memref<40x128xf32, #tpu.memory_space<vmem>>, vector<1x16xf32>,
        %sub3A_1446 = arith.constant 3.000000e+00 : f32
        %sub3A_1447 = vector.broadcast %sub3A_1446 : f32 to vector<16xf32>
        %sub3A_1448 = arith.subf %convert_element_type3A_1397, %sub3A_1447 : vector<16xf32>
        %mul3A_1449 = arith.mulf %sub3A_1448, %sub3A_1448 : vector<16xf32>
        %sub3A_1450 = arith.constant 1.000000e+00 : f32
        %sub3A_1451 = vector.broadcast %sub3A_1450 : f32 to vector<16xf32>
        %sub3A_1452 = arith.subf %sub3A_1451, %mul3A_1449 : vector<16xf32>
        %max3A_1453 = arith.constant 0.000000e+00 : f32
        %max3A_1454 = vector.broadcast %max3A_1453 : f32 to vector<16xf32>
        %max3A_1455 = arith.maximumf %sub3A_1452, %max3A_1454 : vector<16xf32>
        %mul3A_1456 = arith.mulf %select_n3A_1266, %max3A_1455 : vector<16xf32>
        %swap3A_1457 = arith.index_cast %add3A_225 : i32 to index
        %swap3A_1458 = arith.constant 48 : index
        %swap3A_1459 = tpu.vector_load %arg20[%swap3A_1457, %swap3A_1458] {strides = array<i32>} : memref<40x128xf32, #tpu.memory_space<vmem>>, vector<1x16xf32>,
        %swap3A_1460 = vector.shape_cast %swap3A_1459 : vector<1x16xf32> to vector<16xf32>
        %swap3A_1461 = vector.shape_cast %mul3A_1456 : vector<16xf32> to vector<1x16xf32>
        tpu.vector_store %arg20[%swap3A_1457, %swap3A_1458], %swap3A_1461 {strides = array<i32>} : memref<40x128xf32, #tpu.memory_space<vmem>>, vector<1x16xf32>,
        %sub3A_1462 = arith.constant 4.000000e+00 : f32
        %sub3A_1463 = vector.broadcast %sub3A_1462 : f32 to vector<16xf32>
        %sub3A_1464 = arith.subf %convert_element_type3A_1397, %sub3A_1463 : vector<16xf32>
        %mul3A_1465 = arith.mulf %sub3A_1464, %sub3A_1464 : vector<16xf32>
        %sub3A_1466 = arith.constant 1.000000e+00 : f32
        %sub3A_1467 = vector.broadcast %sub3A_1466 : f32 to vector<16xf32>
        %sub3A_1468 = arith.subf %sub3A_1467, %mul3A_1465 : vector<16xf32>
        %max3A_1469 = arith.constant 0.000000e+00 : f32
        %max3A_1470 = vector.broadcast %max3A_1469 : f32 to vector<16xf32>
        %max3A_1471 = arith.maximumf %sub3A_1468, %max3A_1470 : vector<16xf32>
        %mul3A_1472 = arith.mulf %select_n3A_1266, %max3A_1471 : vector<16xf32>
        %swap3A_1473 = arith.index_cast %add3A_225 : i32 to index
        %swap3A_1474 = arith.constant 64 : index
        %swap3A_1475 = tpu.vector_load %arg20[%swap3A_1473, %swap3A_1474] {strides = array<i32>} : memref<40x128xf32, #tpu.memory_space<vmem>>, vector<1x16xf32>,
        %swap3A_1476 = vector.shape_cast %swap3A_1475 : vector<1x16xf32> to vector<16xf32>
        %swap3A_1477 = vector.shape_cast %mul3A_1472 : vector<16xf32> to vector<1x16xf32>
        tpu.vector_store %arg20[%swap3A_1473, %swap3A_1474], %swap3A_1477 {strides = array<i32>} : memref<40x128xf32, #tpu.memory_space<vmem>>, vector<1x16xf32>,
        %sub3A_1478 = arith.constant 5.000000e+00 : f32
        %sub3A_1479 = vector.broadcast %sub3A_1478 : f32 to vector<16xf32>
        %sub3A_1480 = arith.subf %convert_element_type3A_1397, %sub3A_1479 : vector<16xf32>
        %mul3A_1481 = arith.mulf %sub3A_1480, %sub3A_1480 : vector<16xf32>
        %sub3A_1482 = arith.constant 1.000000e+00 : f32
        %sub3A_1483 = vector.broadcast %sub3A_1482 : f32 to vector<16xf32>
        %sub3A_1484 = arith.subf %sub3A_1483, %mul3A_1481 : vector<16xf32>
        %max3A_1485 = arith.constant 0.000000e+00 : f32
        %max3A_1486 = vector.broadcast %max3A_1485 : f32 to vector<16xf32>
        %max3A_1487 = arith.maximumf %sub3A_1484, %max3A_1486 : vector<16xf32>
        %mul3A_1488 = arith.mulf %select_n3A_1266, %max3A_1487 : vector<16xf32>
        %swap3A_1489 = arith.index_cast %add3A_225 : i32 to index
        %swap3A_1490 = arith.constant 80 : index
        %swap3A_1491 = tpu.vector_load %arg20[%swap3A_1489, %swap3A_1490] {strides = array<i32>} : memref<40x128xf32, #tpu.memory_space<vmem>>, vector<1x16xf32>,
        %swap3A_1492 = vector.shape_cast %swap3A_1491 : vector<1x16xf32> to vector<16xf32>
        %swap3A_1493 = vector.shape_cast %mul3A_1488 : vector<16xf32> to vector<1x16xf32>
        tpu.vector_store %arg20[%swap3A_1489, %swap3A_1490], %swap3A_1493 {strides = array<i32>} : memref<40x128xf32, #tpu.memory_space<vmem>>, vector<1x16xf32>,
        %sub3A_1494 = arith.constant 6.000000e+00 : f32
        %sub3A_1495 = vector.broadcast %sub3A_1494 : f32 to vector<16xf32>
        %sub3A_1496 = arith.subf %convert_element_type3A_1397, %sub3A_1495 : vector<16xf32>
        %mul3A_1497 = arith.mulf %sub3A_1496, %sub3A_1496 : vector<16xf32>
        %sub3A_1498 = arith.constant 1.000000e+00 : f32
        %sub3A_1499 = vector.broadcast %sub3A_1498 : f32 to vector<16xf32>
        %sub3A_1500 = arith.subf %sub3A_1499, %mul3A_1497 : vector<16xf32>
        %max3A_1501 = arith.constant 0.000000e+00 : f32
        %max3A_1502 = vector.broadcast %max3A_1501 : f32 to vector<16xf32>
        %max3A_1503 = arith.maximumf %sub3A_1500, %max3A_1502 : vector<16xf32>
        %mul3A_1504 = arith.mulf %select_n3A_1266, %max3A_1503 : vector<16xf32>
        %swap3A_1505 = arith.index_cast %add3A_225 : i32 to index
        %swap3A_1506 = arith.constant 96 : index
        %swap3A_1507 = tpu.vector_load %arg20[%swap3A_1505, %swap3A_1506] {strides = array<i32>} : memref<40x128xf32, #tpu.memory_space<vmem>>, vector<1x16xf32>,
        %swap3A_1508 = vector.shape_cast %swap3A_1507 : vector<1x16xf32> to vector<16xf32>
        %swap3A_1509 = vector.shape_cast %mul3A_1504 : vector<16xf32> to vector<1x16xf32>
        tpu.vector_store %arg20[%swap3A_1505, %swap3A_1506], %swap3A_1509 {strides = array<i32>} : memref<40x128xf32, #tpu.memory_space<vmem>>, vector<1x16xf32>,
        %sub3A_1510 = arith.constant 7.000000e+00 : f32
        %sub3A_1511 = vector.broadcast %sub3A_1510 : f32 to vector<16xf32>
        %sub3A_1512 = arith.subf %convert_element_type3A_1397, %sub3A_1511 : vector<16xf32>
        %mul3A_1513 = arith.mulf %sub3A_1512, %sub3A_1512 : vector<16xf32>
        %sub3A_1514 = arith.constant 1.000000e+00 : f32
        %sub3A_1515 = vector.broadcast %sub3A_1514 : f32 to vector<16xf32>
        %sub3A_1516 = arith.subf %sub3A_1515, %mul3A_1513 : vector<16xf32>
        %max3A_1517 = arith.constant 0.000000e+00 : f32
        %max3A_1518 = vector.broadcast %max3A_1517 : f32 to vector<16xf32>
        %max3A_1519 = arith.maximumf %sub3A_1516, %max3A_1518 : vector<16xf32>
        %mul3A_1520 = arith.mulf %select_n3A_1266, %max3A_1519 : vector<16xf32>
        %swap3A_1521 = arith.index_cast %add3A_225 : i32 to index
        %swap3A_1522 = arith.constant 112 : index
        %swap3A_1523 = tpu.vector_load %arg20[%swap3A_1521, %swap3A_1522] {strides = array<i32>} : memref<40x128xf32, #tpu.memory_space<vmem>>, vector<1x16xf32>,
        %swap3A_1524 = vector.shape_cast %swap3A_1523 : vector<1x16xf32> to vector<16xf32>
        %swap3A_1525 = vector.shape_cast %mul3A_1520 : vector<16xf32> to vector<1x16xf32>
        tpu.vector_store %arg20[%swap3A_1521, %swap3A_1522], %swap3A_1525 {strides = array<i32>} : memref<40x128xf32, #tpu.memory_space<vmem>>, vector<1x16xf32>,
      }
      %scan3A_168 = arith.constant 20 : i32
      "tpu.region"() ({
        %run_scoped3A = tpu.sem_alloc : memref<!tpu.dma_semaphore, #tpu.memory_space<semaphore_mem>>
        %dma_start3A_219 = arith.constant 0 : i32
        %dma_start3A_220 = arith.constant 0 : i32
        %dma_start3A_221 = tpu.memref_slice %arg9[%dma_start3A_219, %dma_start3A_220] : memref<10240x128xf32, #tpu.memory_space<vmem_shared>> -> memref<10240x128xf32, #tpu.memory_space<vmem_shared>>
        tpu.enqueue_indirect_dma source(%arg16 : memref<40x128xf32, #tpu.memory_space<vmem>>) target(%dma_start3A_221 : memref<10240x128xf32, #tpu.memory_space<vmem_shared>>) offsets(%arg12 : memref<40xi32, #tpu.memory_space<vmem>>) semaphore(%run_scoped3A : memref<!tpu.dma_semaphore, #tpu.memory_space<semaphore_mem>>) {add = true}
        %dma_wait3A_222 = arith.constant 0 : i32
        %dma_wait3A_223 = arith.constant 0 : i32
        %dma_wait3A_224 = tpu.memref_slice %arg9[%dma_wait3A_222, %dma_wait3A_223] : memref<10240x128xf32, #tpu.memory_space<vmem_shared>> -> memref<10240x128xf32, #tpu.memory_space<vmem_shared>>
        tpu.wait_indirect_dma semaphore(%run_scoped3A : memref<!tpu.dma_semaphore, #tpu.memory_space<semaphore_mem>>) src(%arg16 : memref<40x128xf32, #tpu.memory_space<vmem>>) dst(%dma_wait3A_224 : memref<10240x128xf32, #tpu.memory_space<vmem_shared>>)
        tpu.yield
      }) : () -> ()
      "tpu.region"() ({
        %run_scoped3A = tpu.sem_alloc : memref<!tpu.dma_semaphore, #tpu.memory_space<semaphore_mem>>
        %dma_start3A_219 = arith.constant 0 : i32
        %dma_start3A_220 = arith.constant 0 : i32
        %dma_start3A_221 = tpu.memref_slice %arg10[%dma_start3A_219, %dma_start3A_220] : memref<1280x128xf32, #tpu.memory_space<vmem_shared>> -> memref<1280x128xf32, #tpu.memory_space<vmem_shared>>
        tpu.enqueue_indirect_dma source(%arg20 : memref<40x128xf32, #tpu.memory_space<vmem>>) target(%dma_start3A_221 : memref<1280x128xf32, #tpu.memory_space<vmem_shared>>) offsets(%arg15 : memref<40xi32, #tpu.memory_space<vmem>>) semaphore(%run_scoped3A : memref<!tpu.dma_semaphore, #tpu.memory_space<semaphore_mem>>) {add = true}
        %dma_wait3A_222 = arith.constant 0 : i32
        %dma_wait3A_223 = arith.constant 0 : i32
        %dma_wait3A_224 = tpu.memref_slice %arg10[%dma_wait3A_222, %dma_wait3A_223] : memref<1280x128xf32, #tpu.memory_space<vmem_shared>> -> memref<1280x128xf32, #tpu.memory_space<vmem_shared>>
        tpu.wait_indirect_dma semaphore(%run_scoped3A : memref<!tpu.dma_semaphore, #tpu.memory_space<semaphore_mem>>) src(%arg20 : memref<40x128xf32, #tpu.memory_space<vmem>>) dst(%dma_wait3A_224 : memref<1280x128xf32, #tpu.memory_space<vmem_shared>>)
        tpu.yield
      }) : () -> ()
      %mul3A_169 = arith.constant 40 : i32
      %mul3A_170 = arith.muli %select_n3A, %mul3A_169 : i32
      %add3A_171 = arith.addi %add3A_88, %mul3A_170 : i32
      "tpu.region"() ({
        %run_scoped3A = tpu.sem_alloc : memref<!tpu.dma_semaphore, #tpu.memory_space<semaphore_mem>>
        %dma_start3A_219 = tpu.memref_slice %arg4[%add3A_171] : memref<320000xi32, #tpu.memory_space<hbm>> -> memref<40xi32, #tpu.memory_space<hbm>>
        %dma_start3A_220 = tpu.memref_slice %arg4[%add3A_171] : memref<320000xi32, #tpu.memory_space<hbm>> -> memref<40xi32, #tpu.memory_space<hbm>>
        tpu.enqueue_dma source(%dma_start3A_220 : memref<40xi32, #tpu.memory_space<hbm>>) target(%arg11 : memref<40xi32, #tpu.memory_space<vmem>>) target_semaphore(%run_scoped3A : memref<!tpu.dma_semaphore, #tpu.memory_space<semaphore_mem>>)
        %dma_wait3A_221 = tpu.memref_slice %arg4[%add3A_171] : memref<320000xi32, #tpu.memory_space<hbm>> -> memref<40xi32, #tpu.memory_space<hbm>>
        %dma_wait3A_222 = tpu.memref_slice %arg4[%add3A_171] : memref<320000xi32, #tpu.memory_space<hbm>> -> memref<40xi32, #tpu.memory_space<hbm>>
        tpu.wait_dma2 semaphore(%run_scoped3A : memref<!tpu.dma_semaphore, #tpu.memory_space<semaphore_mem>>) src(%dma_wait3A_222 : memref<40xi32, #tpu.memory_space<hbm>>) dst(%arg11 : memref<40xi32, #tpu.memory_space<vmem>>)
        tpu.yield
      }) : () -> ()
      "tpu.region"() ({
        %run_scoped3A = tpu.sem_alloc : memref<!tpu.dma_semaphore, #tpu.memory_space<semaphore_mem>>
        %dma_start3A_219 = tpu.memref_slice %arg5[%add3A_171] : memref<320000xi32, #tpu.memory_space<hbm>> -> memref<40xi32, #tpu.memory_space<hbm>>
        %dma_start3A_220 = tpu.memref_slice %arg5[%add3A_171] : memref<320000xi32, #tpu.memory_space<hbm>> -> memref<40xi32, #tpu.memory_space<hbm>>
        tpu.enqueue_dma source(%dma_start3A_220 : memref<40xi32, #tpu.memory_space<hbm>>) target(%arg12 : memref<40xi32, #tpu.memory_space<vmem>>) target_semaphore(%run_scoped3A : memref<!tpu.dma_semaphore, #tpu.memory_space<semaphore_mem>>)
        %dma_wait3A_221 = tpu.memref_slice %arg5[%add3A_171] : memref<320000xi32, #tpu.memory_space<hbm>> -> memref<40xi32, #tpu.memory_space<hbm>>
        %dma_wait3A_222 = tpu.memref_slice %arg5[%add3A_171] : memref<320000xi32, #tpu.memory_space<hbm>> -> memref<40xi32, #tpu.memory_space<hbm>>
        tpu.wait_dma2 semaphore(%run_scoped3A : memref<!tpu.dma_semaphore, #tpu.memory_space<semaphore_mem>>) src(%dma_wait3A_222 : memref<40xi32, #tpu.memory_space<hbm>>) dst(%arg12 : memref<40xi32, #tpu.memory_space<vmem>>)
        tpu.yield
      }) : () -> ()
      %dma_start3A_172 = arith.constant 0 : i32
      %dma_start3A_173 = arith.constant 0 : i32
      %dma_start3A_174 = tpu.memref_slice %arg2[%dma_start3A_172, %dma_start3A_173] : memref<10000x128xf32, #tpu.memory_space<hbm>> -> memref<10000x128xf32, #tpu.memory_space<hbm>>
      tpu.enqueue_indirect_dma source(%dma_start3A_174 : memref<10000x128xf32, #tpu.memory_space<hbm>>) target(%arg16 : memref<40x128xf32, #tpu.memory_space<vmem>>) offsets(%arg11 : memref<40xi32, #tpu.memory_space<vmem>>) semaphore(%arg22 : memref<!tpu.dma_semaphore, #tpu.memory_space<semaphore_mem>>)
      %dma_start3A_175 = arith.constant 0 : i32
      %dma_start3A_176 = arith.constant 0 : i32
      %dma_start3A_177 = tpu.memref_slice %arg3[%dma_start3A_175, %dma_start3A_176] : memref<10000x128xf32, #tpu.memory_space<hbm>> -> memref<10000x128xf32, #tpu.memory_space<hbm>>
      tpu.enqueue_indirect_dma source(%dma_start3A_177 : memref<10000x128xf32, #tpu.memory_space<hbm>>) target(%arg17 : memref<40x128xf32, #tpu.memory_space<vmem>>) offsets(%arg12 : memref<40xi32, #tpu.memory_space<vmem>>) semaphore(%arg23 : memref<!tpu.dma_semaphore, #tpu.memory_space<semaphore_mem>>)
      %dma_wait3A_178 = arith.constant 0 : i32
      %dma_wait3A_179 = arith.constant 0 : i32
      %dma_wait3A_180 = tpu.memref_slice %arg2[%dma_wait3A_178, %dma_wait3A_179] : memref<10000x128xf32, #tpu.memory_space<hbm>> -> memref<10000x128xf32, #tpu.memory_space<hbm>>
      tpu.wait_indirect_dma semaphore(%arg24 : memref<!tpu.dma_semaphore, #tpu.memory_space<semaphore_mem>>) src(%dma_wait3A_180 : memref<10000x128xf32, #tpu.memory_space<hbm>>) dst(%arg18 : memref<40x128xf32, #tpu.memory_space<vmem>>)
      %dma_wait3A_181 = arith.constant 0 : i32
      %dma_wait3A_182 = arith.constant 0 : i32
      %dma_wait3A_183 = tpu.memref_slice %arg3[%dma_wait3A_181, %dma_wait3A_182] : memref<10000x128xf32, #tpu.memory_space<hbm>> -> memref<10000x128xf32, #tpu.memory_space<hbm>>
      tpu.wait_indirect_dma semaphore(%arg25 : memref<!tpu.dma_semaphore, #tpu.memory_space<semaphore_mem>>) src(%dma_wait3A_183 : memref<10000x128xf32, #tpu.memory_space<hbm>>) dst(%arg19 : memref<40x128xf32, #tpu.memory_space<vmem>>)
      %get3A_184 = arith.constant 0 : index
      %get3A_185 = tpu.vector_load %arg14[%get3A_184] {strides = array<i32>} : memref<40xi32, #tpu.memory_space<vmem>>, vector<16xi32>,
      %get3A_186 = vector.shape_cast %get3A_185 : vector<16xi32> to vector<16xi32>
      %shift_right_arithmetic3A_187 = arith.constant 3 : i32
      %shift_right_arithmetic3A_188 = vector.broadcast %shift_right_arithmetic3A_187 : i32 to vector<16xi32>
      %shift_right_arithmetic3A_189 = arith.shrsi %get3A_186, %shift_right_arithmetic3A_188 : vector<16xi32>
      %swap3A_190 = arith.constant 0 : index
      %swap3A_191 = tpu.vector_load %arg15[%swap3A_190] {strides = array<i32>} : memref<40xi32, #tpu.memory_space<vmem>>, vector<16xi32>,
      %swap3A_192 = vector.shape_cast %swap3A_191 : vector<16xi32> to vector<16xi32>
      %swap3A_193 = vector.shape_cast %shift_right_arithmetic3A_189 : vector<16xi32> to vector<16xi32>
      tpu.vector_store %arg15[%swap3A_190], %swap3A_193 {strides = array<i32>} : memref<40xi32, #tpu.memory_space<vmem>>, vector<16xi32>,
      %get3A_194 = arith.constant 16 : index
      %get3A_195 = tpu.vector_load %arg14[%get3A_194] {strides = array<i32>} : memref<40xi32, #tpu.memory_space<vmem>>, vector<16xi32>,
      %get3A_196 = vector.shape_cast %get3A_195 : vector<16xi32> to vector<16xi32>
      %shift_right_arithmetic3A_197 = arith.constant 3 : i32
      %shift_right_arithmetic3A_198 = vector.broadcast %shift_right_arithmetic3A_197 : i32 to vector<16xi32>
      %shift_right_arithmetic3A_199 = arith.shrsi %get3A_196, %shift_right_arithmetic3A_198 : vector<16xi32>
      %swap3A_200 = arith.constant 16 : index
      %swap3A_201 = tpu.vector_load %arg15[%swap3A_200] {strides = array<i32>} : memref<40xi32, #tpu.memory_space<vmem>>, vector<16xi32>,
      %swap3A_202 = vector.shape_cast %swap3A_201 : vector<16xi32> to vector<16xi32>
      %swap3A_203 = vector.shape_cast %shift_right_arithmetic3A_199 : vector<16xi32> to vector<16xi32>
      tpu.vector_store %arg15[%swap3A_200], %swap3A_203 {strides = array<i32>} : memref<40xi32, #tpu.memory_space<vmem>>, vector<16xi32>,
      %get3A_204 = arith.constant 24 : index
      %get3A_205 = tpu.vector_load %arg14[%get3A_204] {strides = array<i32>} : memref<40xi32, #tpu.memory_space<vmem>>, vector<16xi32>,
      %get3A_206 = vector.shape_cast %get3A_205 : vector<16xi32> to vector<16xi32>
      %shift_right_arithmetic3A_207 = arith.constant 3 : i32
      %shift_right_arithmetic3A_208 = vector.broadcast %shift_right_arithmetic3A_207 : i32 to vector<16xi32>
      %shift_right_arithmetic3A_209 = arith.shrsi %get3A_206, %shift_right_arithmetic3A_208 : vector<16xi32>
      %swap3A_210 = arith.constant 24 : index
      %swap3A_211 = tpu.vector_load %arg15[%swap3A_210] {strides = array<i32>} : memref<40xi32, #tpu.memory_space<vmem>>, vector<16xi32>,
      %swap3A_212 = vector.shape_cast %swap3A_211 : vector<16xi32> to vector<16xi32>
      %swap3A_213 = vector.shape_cast %shift_right_arithmetic3A_209 : vector<16xi32> to vector<16xi32>
      tpu.vector_store %arg15[%swap3A_210], %swap3A_213 {strides = array<i32>} : memref<40xi32, #tpu.memory_space<vmem>>, vector<16xi32>,
      %scan3A_214 = arith.constant 0 : i32
      %scan3A_215 = arith.constant 20 : i32
      %scan3A_216 = arith.addi %scan3A_214, %scan3A_215 : i32
      %scan3A_217 = arith.constant 1 : i32
      scf.for %scan3A_219 = %scan3A_214 to %scan3A_216 step %scan3A_217  : i32 {
        %mul3A_220 = arith.constant 2 : i32
        %mul3A_221 = arith.muli %mul3A_220, %scan3A_219 : i32
        %mul3A_222 = arith.constant 2 : i32
        %mul3A_223 = arith.muli %mul3A_222, %scan3A_219 : i32
        %add3A_224 = arith.constant 1 : i32
        %add3A_225 = arith.addi %mul3A_223, %add3A_224 : i32
        %get3A_226 = arith.index_cast %mul3A_221 : i32 to index
        %get3A_227 = arith.constant 0 : index
        %get3A_228 = tpu.vector_load %arg18[%get3A_226, %get3A_227] {strides = array<i32>} : memref<40x128xf32, #tpu.memory_space<vmem>>, vector<1x16xf32>,
        %get3A_229 = vector.shape_cast %get3A_228 : vector<1x16xf32> to vector<16xf32>
        %get3A_230 = arith.index_cast %mul3A_221 : i32 to index
        %get3A_231 = arith.constant 0 : index
        %get3A_232 = tpu.vector_load %arg19[%get3A_230, %get3A_231] {strides = array<i32>} : memref<40x128xf32, #tpu.memory_space<vmem>>, vector<1x16xf32>,
        %get3A_233 = vector.shape_cast %get3A_232 : vector<1x16xf32> to vector<16xf32>
        %add3A_234 = arith.addf %get3A_229, %get3A_233 : vector<16xf32>
        %gt3A = arith.constant 0.000000e+00 : f32
        %gt3A_235 = vector.broadcast %gt3A : f32 to vector<16xf32>
        %gt3A_236 = arith.cmpf ogt, %add3A_234, %gt3A_235 : vector<16xf32>
        %mul3A_237 = arith.constant 2.000000e-01 : f32
        %mul3A_238 = vector.broadcast %mul3A_237 : f32 to vector<16xf32>
        %mul3A_239 = arith.mulf %add3A_234, %mul3A_238 : vector<16xf32>
        %select_n3A_240 = arith.select %gt3A_236, %add3A_234, %mul3A_239 : vector<16xi1>, vector<16xf32>
        %mul3A_241 = arith.mulf %select_n3A_240, %get3A_48 : vector<16xf32>
        %xor3A = arith.constant 8 : i32
        %xor3A_242 = vector.broadcast %xor3A : i32 to vector<16xi32>
        %xor3A_243 = arith.xori %iota3A, %xor3A_242 : vector<16xi32>
        %reshape3A = vector.shape_cast %xor3A_243 : vector<16xi32> to vector<16x1xi32>
        %gather3A = vector.shape_cast %reshape3A : vector<16x1xi32> to vector<16xi32>
        %gather3A_244 = tpu.dynamic_gather %mul3A_241[%gather3A] in [0] : vector<16xf32>, vector<16xi32> -> vector<16xf32>
        %add3A_245 = arith.addf %mul3A_241, %gather3A_244 : vector<16xf32>
        %xor3A_246 = arith.constant 4 : i32
        %xor3A_247 = vector.broadcast %xor3A_246 : i32 to vector<16xi32>
        %xor3A_248 = arith.xori %iota3A, %xor3A_247 : vector<16xi32>
        %reshape3A_249 = vector.shape_cast %xor3A_248 : vector<16xi32> to vector<16x1xi32>
        %gather3A_250 = vector.shape_cast %reshape3A_249 : vector<16x1xi32> to vector<16xi32>
        %gather3A_251 = tpu.dynamic_gather %add3A_245[%gather3A_250] in [0] : vector<16xf32>, vector<16xi32> -> vector<16xf32>
        %add3A_252 = arith.addf %add3A_245, %gather3A_251 : vector<16xf32>
        %xor3A_253 = arith.constant 2 : i32
        %xor3A_254 = vector.broadcast %xor3A_253 : i32 to vector<16xi32>
        %xor3A_255 = arith.xori %iota3A, %xor3A_254 : vector<16xi32>
        %reshape3A_256 = vector.shape_cast %xor3A_255 : vector<16xi32> to vector<16x1xi32>
        %gather3A_257 = vector.shape_cast %reshape3A_256 : vector<16x1xi32> to vector<16xi32>
        %gather3A_258 = tpu.dynamic_gather %add3A_252[%gather3A_257] in [0] : vector<16xf32>, vector<16xi32> -> vector<16xf32>
        %add3A_259 = arith.addf %add3A_252, %gather3A_258 : vector<16xf32>
        %xor3A_260 = arith.constant 1 : i32
        %xor3A_261 = vector.broadcast %xor3A_260 : i32 to vector<16xi32>
        %xor3A_262 = arith.xori %iota3A, %xor3A_261 : vector<16xi32>
        %reshape3A_263 = vector.shape_cast %xor3A_262 : vector<16xi32> to vector<16x1xi32>
        %gather3A_264 = vector.shape_cast %reshape3A_263 : vector<16x1xi32> to vector<16xi32>
        %gather3A_265 = tpu.dynamic_gather %add3A_259[%gather3A_264] in [0] : vector<16xf32>, vector<16xi32> -> vector<16xf32>
        %add3A_266 = arith.addf %add3A_259, %gather3A_265 : vector<16xf32>
        %eq3A = arith.constant 0 : i32
        %eq3A_267 = vector.broadcast %eq3A : i32 to vector<16xi32>
        %eq3A_268 = arith.cmpi eq, %iota3A, %eq3A_267 : vector<16xi32>
        %select_n3A_269 = arith.select %eq3A_268, %add3A_266, %broadcast_in_dim3A_0 : vector<16xi1>, vector<16xf32>
        %get3A_270 = arith.index_cast %mul3A_221 : i32 to index
        %get3A_271 = arith.constant 16 : index
        %get3A_272 = tpu.vector_load %arg18[%get3A_270, %get3A_271] {strides = array<i32>} : memref<40x128xf32, #tpu.memory_space<vmem>>, vector<1x16xf32>,
        %get3A_273 = vector.shape_cast %get3A_272 : vector<1x16xf32> to vector<16xf32>
        %get3A_274 = arith.index_cast %mul3A_221 : i32 to index
        %get3A_275 = arith.constant 16 : index
        %get3A_276 = tpu.vector_load %arg19[%get3A_274, %get3A_275] {strides = array<i32>} : memref<40x128xf32, #tpu.memory_space<vmem>>, vector<1x16xf32>,
        %get3A_277 = vector.shape_cast %get3A_276 : vector<1x16xf32> to vector<16xf32>
        %add3A_278 = arith.addf %get3A_273, %get3A_277 : vector<16xf32>
        %gt3A_279 = arith.constant 0.000000e+00 : f32
        %gt3A_280 = vector.broadcast %gt3A_279 : f32 to vector<16xf32>
        %gt3A_281 = arith.cmpf ogt, %add3A_278, %gt3A_280 : vector<16xf32>
        %mul3A_282 = arith.constant 2.000000e-01 : f32
        %mul3A_283 = vector.broadcast %mul3A_282 : f32 to vector<16xf32>
        %mul3A_284 = arith.mulf %add3A_278, %mul3A_283 : vector<16xf32>
        %select_n3A_285 = arith.select %gt3A_281, %add3A_278, %mul3A_284 : vector<16xi1>, vector<16xf32>
        %mul3A_286 = arith.mulf %select_n3A_285, %get3A_53 : vector<16xf32>
        %xor3A_287 = arith.constant 8 : i32
        %xor3A_288 = vector.broadcast %xor3A_287 : i32 to vector<16xi32>
        %xor3A_289 = arith.xori %iota3A, %xor3A_288 : vector<16xi32>
        %reshape3A_290 = vector.shape_cast %xor3A_289 : vector<16xi32> to vector<16x1xi32>
        %gather3A_291 = vector.shape_cast %reshape3A_290 : vector<16x1xi32> to vector<16xi32>
        %gather3A_292 = tpu.dynamic_gather %mul3A_286[%gather3A_291] in [0] : vector<16xf32>, vector<16xi32> -> vector<16xf32>
        %add3A_293 = arith.addf %mul3A_286, %gather3A_292 : vector<16xf32>
        %xor3A_294 = arith.constant 4 : i32
        %xor3A_295 = vector.broadcast %xor3A_294 : i32 to vector<16xi32>
        %xor3A_296 = arith.xori %iota3A, %xor3A_295 : vector<16xi32>
        %reshape3A_297 = vector.shape_cast %xor3A_296 : vector<16xi32> to vector<16x1xi32>
        %gather3A_298 = vector.shape_cast %reshape3A_297 : vector<16x1xi32> to vector<16xi32>
        %gather3A_299 = tpu.dynamic_gather %add3A_293[%gather3A_298] in [0] : vector<16xf32>, vector<16xi32> -> vector<16xf32>
        %add3A_300 = arith.addf %add3A_293, %gather3A_299 : vector<16xf32>
        %xor3A_301 = arith.constant 2 : i32
        %xor3A_302 = vector.broadcast %xor3A_301 : i32 to vector<16xi32>
        %xor3A_303 = arith.xori %iota3A, %xor3A_302 : vector<16xi32>
        %reshape3A_304 = vector.shape_cast %xor3A_303 : vector<16xi32> to vector<16x1xi32>
        %gather3A_305 = vector.shape_cast %reshape3A_304 : vector<16x1xi32> to vector<16xi32>
        %gather3A_306 = tpu.dynamic_gather %add3A_300[%gather3A_305] in [0] : vector<16xf32>, vector<16xi32> -> vector<16xf32>
        %add3A_307 = arith.addf %add3A_300, %gather3A_306 : vector<16xf32>
        %xor3A_308 = arith.constant 1 : i32
        %xor3A_309 = vector.broadcast %xor3A_308 : i32 to vector<16xi32>
        %xor3A_310 = arith.xori %iota3A, %xor3A_309 : vector<16xi32>
        %reshape3A_311 = vector.shape_cast %xor3A_310 : vector<16xi32> to vector<16x1xi32>
        %gather3A_312 = vector.shape_cast %reshape3A_311 : vector<16x1xi32> to vector<16xi32>
        %gather3A_313 = tpu.dynamic_gather %add3A_307[%gather3A_312] in [0] : vector<16xf32>, vector<16xi32> -> vector<16xf32>
        %add3A_314 = arith.addf %add3A_307, %gather3A_313 : vector<16xf32>
        %eq3A_315 = arith.constant 1 : i32
        %eq3A_316 = vector.broadcast %eq3A_315 : i32 to vector<16xi32>
        %eq3A_317 = arith.cmpi eq, %iota3A, %eq3A_316 : vector<16xi32>
        %select_n3A_318 = arith.select %eq3A_317, %add3A_314, %select_n3A_269 : vector<16xi1>, vector<16xf32>
        %get3A_319 = arith.index_cast %mul3A_221 : i32 to index
        %get3A_320 = arith.constant 32 : index
        %get3A_321 = tpu.vector_load %arg18[%get3A_319, %get3A_320] {strides = array<i32>} : memref<40x128xf32, #tpu.memory_space<vmem>>, vector<1x16xf32>,
        %get3A_322 = vector.shape_cast %get3A_321 : vector<1x16xf32> to vector<16xf32>
        %get3A_323 = arith.index_cast %mul3A_221 : i32 to index
        %get3A_324 = arith.constant 32 : index
        %get3A_325 = tpu.vector_load %arg19[%get3A_323, %get3A_324] {strides = array<i32>} : memref<40x128xf32, #tpu.memory_space<vmem>>, vector<1x16xf32>,
        %get3A_326 = vector.shape_cast %get3A_325 : vector<1x16xf32> to vector<16xf32>
        %add3A_327 = arith.addf %get3A_322, %get3A_326 : vector<16xf32>
        %gt3A_328 = arith.constant 0.000000e+00 : f32
        %gt3A_329 = vector.broadcast %gt3A_328 : f32 to vector<16xf32>
        %gt3A_330 = arith.cmpf ogt, %add3A_327, %gt3A_329 : vector<16xf32>
        %mul3A_331 = arith.constant 2.000000e-01 : f32
        %mul3A_332 = vector.broadcast %mul3A_331 : f32 to vector<16xf32>
        %mul3A_333 = arith.mulf %add3A_327, %mul3A_332 : vector<16xf32>
        %select_n3A_334 = arith.select %gt3A_330, %add3A_327, %mul3A_333 : vector<16xi1>, vector<16xf32>
        %mul3A_335 = arith.mulf %select_n3A_334, %get3A_58 : vector<16xf32>
        %xor3A_336 = arith.constant 8 : i32
        %xor3A_337 = vector.broadcast %xor3A_336 : i32 to vector<16xi32>
        %xor3A_338 = arith.xori %iota3A, %xor3A_337 : vector<16xi32>
        %reshape3A_339 = vector.shape_cast %xor3A_338 : vector<16xi32> to vector<16x1xi32>
        %gather3A_340 = vector.shape_cast %reshape3A_339 : vector<16x1xi32> to vector<16xi32>
        %gather3A_341 = tpu.dynamic_gather %mul3A_335[%gather3A_340] in [0] : vector<16xf32>, vector<16xi32> -> vector<16xf32>
        %add3A_342 = arith.addf %mul3A_335, %gather3A_341 : vector<16xf32>
        %xor3A_343 = arith.constant 4 : i32
        %xor3A_344 = vector.broadcast %xor3A_343 : i32 to vector<16xi32>
        %xor3A_345 = arith.xori %iota3A, %xor3A_344 : vector<16xi32>
        %reshape3A_346 = vector.shape_cast %xor3A_345 : vector<16xi32> to vector<16x1xi32>
        %gather3A_347 = vector.shape_cast %reshape3A_346 : vector<16x1xi32> to vector<16xi32>
        %gather3A_348 = tpu.dynamic_gather %add3A_342[%gather3A_347] in [0] : vector<16xf32>, vector<16xi32> -> vector<16xf32>
        %add3A_349 = arith.addf %add3A_342, %gather3A_348 : vector<16xf32>
        %xor3A_350 = arith.constant 2 : i32
        %xor3A_351 = vector.broadcast %xor3A_350 : i32 to vector<16xi32>
        %xor3A_352 = arith.xori %iota3A, %xor3A_351 : vector<16xi32>
        %reshape3A_353 = vector.shape_cast %xor3A_352 : vector<16xi32> to vector<16x1xi32>
        %gather3A_354 = vector.shape_cast %reshape3A_353 : vector<16x1xi32> to vector<16xi32>
        %gather3A_355 = tpu.dynamic_gather %add3A_349[%gather3A_354] in [0] : vector<16xf32>, vector<16xi32> -> vector<16xf32>
        %add3A_356 = arith.addf %add3A_349, %gather3A_355 : vector<16xf32>
        %xor3A_357 = arith.constant 1 : i32
        %xor3A_358 = vector.broadcast %xor3A_357 : i32 to vector<16xi32>
        %xor3A_359 = arith.xori %iota3A, %xor3A_358 : vector<16xi32>
        %reshape3A_360 = vector.shape_cast %xor3A_359 : vector<16xi32> to vector<16x1xi32>
        %gather3A_361 = vector.shape_cast %reshape3A_360 : vector<16x1xi32> to vector<16xi32>
        %gather3A_362 = tpu.dynamic_gather %add3A_356[%gather3A_361] in [0] : vector<16xf32>, vector<16xi32> -> vector<16xf32>
        %add3A_363 = arith.addf %add3A_356, %gather3A_362 : vector<16xf32>
        %eq3A_364 = arith.constant 2 : i32
        %eq3A_365 = vector.broadcast %eq3A_364 : i32 to vector<16xi32>
        %eq3A_366 = arith.cmpi eq, %iota3A, %eq3A_365 : vector<16xi32>
        %select_n3A_367 = arith.select %eq3A_366, %add3A_363, %select_n3A_318 : vector<16xi1>, vector<16xf32>
        %get3A_368 = arith.index_cast %mul3A_221 : i32 to index
        %get3A_369 = arith.constant 48 : index
        %get3A_370 = tpu.vector_load %arg18[%get3A_368, %get3A_369] {strides = array<i32>} : memref<40x128xf32, #tpu.memory_space<vmem>>, vector<1x16xf32>,
        %get3A_371 = vector.shape_cast %get3A_370 : vector<1x16xf32> to vector<16xf32>
        %get3A_372 = arith.index_cast %mul3A_221 : i32 to index
        %get3A_373 = arith.constant 48 : index
        %get3A_374 = tpu.vector_load %arg19[%get3A_372, %get3A_373] {strides = array<i32>} : memref<40x128xf32, #tpu.memory_space<vmem>>, vector<1x16xf32>,
        %get3A_375 = vector.shape_cast %get3A_374 : vector<1x16xf32> to vector<16xf32>
        %add3A_376 = arith.addf %get3A_371, %get3A_375 : vector<16xf32>
        %gt3A_377 = arith.constant 0.000000e+00 : f32
        %gt3A_378 = vector.broadcast %gt3A_377 : f32 to vector<16xf32>
        %gt3A_379 = arith.cmpf ogt, %add3A_376, %gt3A_378 : vector<16xf32>
        %mul3A_380 = arith.constant 2.000000e-01 : f32
        %mul3A_381 = vector.broadcast %mul3A_380 : f32 to vector<16xf32>
        %mul3A_382 = arith.mulf %add3A_376, %mul3A_381 : vector<16xf32>
        %select_n3A_383 = arith.select %gt3A_379, %add3A_376, %mul3A_382 : vector<16xi1>, vector<16xf32>
        %mul3A_384 = arith.mulf %select_n3A_383, %get3A_63 : vector<16xf32>
        %xor3A_385 = arith.constant 8 : i32
        %xor3A_386 = vector.broadcast %xor3A_385 : i32 to vector<16xi32>
        %xor3A_387 = arith.xori %iota3A, %xor3A_386 : vector<16xi32>
        %reshape3A_388 = vector.shape_cast %xor3A_387 : vector<16xi32> to vector<16x1xi32>
        %gather3A_389 = vector.shape_cast %reshape3A_388 : vector<16x1xi32> to vector<16xi32>
        %gather3A_390 = tpu.dynamic_gather %mul3A_384[%gather3A_389] in [0] : vector<16xf32>, vector<16xi32> -> vector<16xf32>
        %add3A_391 = arith.addf %mul3A_384, %gather3A_390 : vector<16xf32>
        %xor3A_392 = arith.constant 4 : i32
        %xor3A_393 = vector.broadcast %xor3A_392 : i32 to vector<16xi32>
        %xor3A_394 = arith.xori %iota3A, %xor3A_393 : vector<16xi32>
        %reshape3A_395 = vector.shape_cast %xor3A_394 : vector<16xi32> to vector<16x1xi32>
        %gather3A_396 = vector.shape_cast %reshape3A_395 : vector<16x1xi32> to vector<16xi32>
        %gather3A_397 = tpu.dynamic_gather %add3A_391[%gather3A_396] in [0] : vector<16xf32>, vector<16xi32> -> vector<16xf32>
        %add3A_398 = arith.addf %add3A_391, %gather3A_397 : vector<16xf32>
        %xor3A_399 = arith.constant 2 : i32
        %xor3A_400 = vector.broadcast %xor3A_399 : i32 to vector<16xi32>
        %xor3A_401 = arith.xori %iota3A, %xor3A_400 : vector<16xi32>
        %reshape3A_402 = vector.shape_cast %xor3A_401 : vector<16xi32> to vector<16x1xi32>
        %gather3A_403 = vector.shape_cast %reshape3A_402 : vector<16x1xi32> to vector<16xi32>
        %gather3A_404 = tpu.dynamic_gather %add3A_398[%gather3A_403] in [0] : vector<16xf32>, vector<16xi32> -> vector<16xf32>
        %add3A_405 = arith.addf %add3A_398, %gather3A_404 : vector<16xf32>
        %xor3A_406 = arith.constant 1 : i32
        %xor3A_407 = vector.broadcast %xor3A_406 : i32 to vector<16xi32>
        %xor3A_408 = arith.xori %iota3A, %xor3A_407 : vector<16xi32>
        %reshape3A_409 = vector.shape_cast %xor3A_408 : vector<16xi32> to vector<16x1xi32>
        %gather3A_410 = vector.shape_cast %reshape3A_409 : vector<16x1xi32> to vector<16xi32>
        %gather3A_411 = tpu.dynamic_gather %add3A_405[%gather3A_410] in [0] : vector<16xf32>, vector<16xi32> -> vector<16xf32>
        %add3A_412 = arith.addf %add3A_405, %gather3A_411 : vector<16xf32>
        %eq3A_413 = arith.constant 3 : i32
        %eq3A_414 = vector.broadcast %eq3A_413 : i32 to vector<16xi32>
        %eq3A_415 = arith.cmpi eq, %iota3A, %eq3A_414 : vector<16xi32>
        %select_n3A_416 = arith.select %eq3A_415, %add3A_412, %select_n3A_367 : vector<16xi1>, vector<16xf32>
        %get3A_417 = arith.index_cast %mul3A_221 : i32 to index
        %get3A_418 = arith.constant 64 : index
        %get3A_419 = tpu.vector_load %arg18[%get3A_417, %get3A_418] {strides = array<i32>} : memref<40x128xf32, #tpu.memory_space<vmem>>, vector<1x16xf32>,
        %get3A_420 = vector.shape_cast %get3A_419 : vector<1x16xf32> to vector<16xf32>
        %get3A_421 = arith.index_cast %mul3A_221 : i32 to index
        %get3A_422 = arith.constant 64 : index
        %get3A_423 = tpu.vector_load %arg19[%get3A_421, %get3A_422] {strides = array<i32>} : memref<40x128xf32, #tpu.memory_space<vmem>>, vector<1x16xf32>,
        %get3A_424 = vector.shape_cast %get3A_423 : vector<1x16xf32> to vector<16xf32>
        %add3A_425 = arith.addf %get3A_420, %get3A_424 : vector<16xf32>
        %gt3A_426 = arith.constant 0.000000e+00 : f32
        %gt3A_427 = vector.broadcast %gt3A_426 : f32 to vector<16xf32>
        %gt3A_428 = arith.cmpf ogt, %add3A_425, %gt3A_427 : vector<16xf32>
        %mul3A_429 = arith.constant 2.000000e-01 : f32
        %mul3A_430 = vector.broadcast %mul3A_429 : f32 to vector<16xf32>
        %mul3A_431 = arith.mulf %add3A_425, %mul3A_430 : vector<16xf32>
        %select_n3A_432 = arith.select %gt3A_428, %add3A_425, %mul3A_431 : vector<16xi1>, vector<16xf32>
        %mul3A_433 = arith.mulf %select_n3A_432, %get3A_68 : vector<16xf32>
        %xor3A_434 = arith.constant 8 : i32
        %xor3A_435 = vector.broadcast %xor3A_434 : i32 to vector<16xi32>
        %xor3A_436 = arith.xori %iota3A, %xor3A_435 : vector<16xi32>
        %reshape3A_437 = vector.shape_cast %xor3A_436 : vector<16xi32> to vector<16x1xi32>
        %gather3A_438 = vector.shape_cast %reshape3A_437 : vector<16x1xi32> to vector<16xi32>
        %gather3A_439 = tpu.dynamic_gather %mul3A_433[%gather3A_438] in [0] : vector<16xf32>, vector<16xi32> -> vector<16xf32>
        %add3A_440 = arith.addf %mul3A_433, %gather3A_439 : vector<16xf32>
        %xor3A_441 = arith.constant 4 : i32
        %xor3A_442 = vector.broadcast %xor3A_441 : i32 to vector<16xi32>
        %xor3A_443 = arith.xori %iota3A, %xor3A_442 : vector<16xi32>
        %reshape3A_444 = vector.shape_cast %xor3A_443 : vector<16xi32> to vector<16x1xi32>
        %gather3A_445 = vector.shape_cast %reshape3A_444 : vector<16x1xi32> to vector<16xi32>
        %gather3A_446 = tpu.dynamic_gather %add3A_440[%gather3A_445] in [0] : vector<16xf32>, vector<16xi32> -> vector<16xf32>
        %add3A_447 = arith.addf %add3A_440, %gather3A_446 : vector<16xf32>
        %xor3A_448 = arith.constant 2 : i32
        %xor3A_449 = vector.broadcast %xor3A_448 : i32 to vector<16xi32>
        %xor3A_450 = arith.xori %iota3A, %xor3A_449 : vector<16xi32>
        %reshape3A_451 = vector.shape_cast %xor3A_450 : vector<16xi32> to vector<16x1xi32>
        %gather3A_452 = vector.shape_cast %reshape3A_451 : vector<16x1xi32> to vector<16xi32>
        %gather3A_453 = tpu.dynamic_gather %add3A_447[%gather3A_452] in [0] : vector<16xf32>, vector<16xi32> -> vector<16xf32>
        %add3A_454 = arith.addf %add3A_447, %gather3A_453 : vector<16xf32>
        %xor3A_455 = arith.constant 1 : i32
        %xor3A_456 = vector.broadcast %xor3A_455 : i32 to vector<16xi32>
        %xor3A_457 = arith.xori %iota3A, %xor3A_456 : vector<16xi32>
        %reshape3A_458 = vector.shape_cast %xor3A_457 : vector<16xi32> to vector<16x1xi32>
        %gather3A_459 = vector.shape_cast %reshape3A_458 : vector<16x1xi32> to vector<16xi32>
        %gather3A_460 = tpu.dynamic_gather %add3A_454[%gather3A_459] in [0] : vector<16xf32>, vector<16xi32> -> vector<16xf32>
        %add3A_461 = arith.addf %add3A_454, %gather3A_460 : vector<16xf32>
        %eq3A_462 = arith.constant 4 : i32
        %eq3A_463 = vector.broadcast %eq3A_462 : i32 to vector<16xi32>
        %eq3A_464 = arith.cmpi eq, %iota3A, %eq3A_463 : vector<16xi32>
        %select_n3A_465 = arith.select %eq3A_464, %add3A_461, %select_n3A_416 : vector<16xi1>, vector<16xf32>
        %get3A_466 = arith.index_cast %mul3A_221 : i32 to index
        %get3A_467 = arith.constant 80 : index
        %get3A_468 = tpu.vector_load %arg18[%get3A_466, %get3A_467] {strides = array<i32>} : memref<40x128xf32, #tpu.memory_space<vmem>>, vector<1x16xf32>,
        %get3A_469 = vector.shape_cast %get3A_468 : vector<1x16xf32> to vector<16xf32>
        %get3A_470 = arith.index_cast %mul3A_221 : i32 to index
        %get3A_471 = arith.constant 80 : index
        %get3A_472 = tpu.vector_load %arg19[%get3A_470, %get3A_471] {strides = array<i32>} : memref<40x128xf32, #tpu.memory_space<vmem>>, vector<1x16xf32>,
        %get3A_473 = vector.shape_cast %get3A_472 : vector<1x16xf32> to vector<16xf32>
        %add3A_474 = arith.addf %get3A_469, %get3A_473 : vector<16xf32>
        %gt3A_475 = arith.constant 0.000000e+00 : f32
        %gt3A_476 = vector.broadcast %gt3A_475 : f32 to vector<16xf32>
        %gt3A_477 = arith.cmpf ogt, %add3A_474, %gt3A_476 : vector<16xf32>
        %mul3A_478 = arith.constant 2.000000e-01 : f32
        %mul3A_479 = vector.broadcast %mul3A_478 : f32 to vector<16xf32>
        %mul3A_480 = arith.mulf %add3A_474, %mul3A_479 : vector<16xf32>
        %select_n3A_481 = arith.select %gt3A_477, %add3A_474, %mul3A_480 : vector<16xi1>, vector<16xf32>
        %mul3A_482 = arith.mulf %select_n3A_481, %get3A_73 : vector<16xf32>
        %xor3A_483 = arith.constant 8 : i32
        %xor3A_484 = vector.broadcast %xor3A_483 : i32 to vector<16xi32>
        %xor3A_485 = arith.xori %iota3A, %xor3A_484 : vector<16xi32>
        %reshape3A_486 = vector.shape_cast %xor3A_485 : vector<16xi32> to vector<16x1xi32>
        %gather3A_487 = vector.shape_cast %reshape3A_486 : vector<16x1xi32> to vector<16xi32>
        %gather3A_488 = tpu.dynamic_gather %mul3A_482[%gather3A_487] in [0] : vector<16xf32>, vector<16xi32> -> vector<16xf32>
        %add3A_489 = arith.addf %mul3A_482, %gather3A_488 : vector<16xf32>
        %xor3A_490 = arith.constant 4 : i32
        %xor3A_491 = vector.broadcast %xor3A_490 : i32 to vector<16xi32>
        %xor3A_492 = arith.xori %iota3A, %xor3A_491 : vector<16xi32>
        %reshape3A_493 = vector.shape_cast %xor3A_492 : vector<16xi32> to vector<16x1xi32>
        %gather3A_494 = vector.shape_cast %reshape3A_493 : vector<16x1xi32> to vector<16xi32>
        %gather3A_495 = tpu.dynamic_gather %add3A_489[%gather3A_494] in [0] : vector<16xf32>, vector<16xi32> -> vector<16xf32>
        %add3A_496 = arith.addf %add3A_489, %gather3A_495 : vector<16xf32>
        %xor3A_497 = arith.constant 2 : i32
        %xor3A_498 = vector.broadcast %xor3A_497 : i32 to vector<16xi32>
        %xor3A_499 = arith.xori %iota3A, %xor3A_498 : vector<16xi32>
        %reshape3A_500 = vector.shape_cast %xor3A_499 : vector<16xi32> to vector<16x1xi32>
        %gather3A_501 = vector.shape_cast %reshape3A_500 : vector<16x1xi32> to vector<16xi32>
        %gather3A_502 = tpu.dynamic_gather %add3A_496[%gather3A_501] in [0] : vector<16xf32>, vector<16xi32> -> vector<16xf32>
        %add3A_503 = arith.addf %add3A_496, %gather3A_502 : vector<16xf32>
        %xor3A_504 = arith.constant 1 : i32
        %xor3A_505 = vector.broadcast %xor3A_504 : i32 to vector<16xi32>
        %xor3A_506 = arith.xori %iota3A, %xor3A_505 : vector<16xi32>
        %reshape3A_507 = vector.shape_cast %xor3A_506 : vector<16xi32> to vector<16x1xi32>
        %gather3A_508 = vector.shape_cast %reshape3A_507 : vector<16x1xi32> to vector<16xi32>
        %gather3A_509 = tpu.dynamic_gather %add3A_503[%gather3A_508] in [0] : vector<16xf32>, vector<16xi32> -> vector<16xf32>
        %add3A_510 = arith.addf %add3A_503, %gather3A_509 : vector<16xf32>
        %eq3A_511 = arith.constant 5 : i32
        %eq3A_512 = vector.broadcast %eq3A_511 : i32 to vector<16xi32>
        %eq3A_513 = arith.cmpi eq, %iota3A, %eq3A_512 : vector<16xi32>
        %select_n3A_514 = arith.select %eq3A_513, %add3A_510, %select_n3A_465 : vector<16xi1>, vector<16xf32>
        %get3A_515 = arith.index_cast %mul3A_221 : i32 to index
        %get3A_516 = arith.constant 96 : index
        %get3A_517 = tpu.vector_load %arg18[%get3A_515, %get3A_516] {strides = array<i32>} : memref<40x128xf32, #tpu.memory_space<vmem>>, vector<1x16xf32>,
        %get3A_518 = vector.shape_cast %get3A_517 : vector<1x16xf32> to vector<16xf32>
        %get3A_519 = arith.index_cast %mul3A_221 : i32 to index
        %get3A_520 = arith.constant 96 : index
        %get3A_521 = tpu.vector_load %arg19[%get3A_519, %get3A_520] {strides = array<i32>} : memref<40x128xf32, #tpu.memory_space<vmem>>, vector<1x16xf32>,
        %get3A_522 = vector.shape_cast %get3A_521 : vector<1x16xf32> to vector<16xf32>
        %add3A_523 = arith.addf %get3A_518, %get3A_522 : vector<16xf32>
        %gt3A_524 = arith.constant 0.000000e+00 : f32
        %gt3A_525 = vector.broadcast %gt3A_524 : f32 to vector<16xf32>
        %gt3A_526 = arith.cmpf ogt, %add3A_523, %gt3A_525 : vector<16xf32>
        %mul3A_527 = arith.constant 2.000000e-01 : f32
        %mul3A_528 = vector.broadcast %mul3A_527 : f32 to vector<16xf32>
        %mul3A_529 = arith.mulf %add3A_523, %mul3A_528 : vector<16xf32>
        %select_n3A_530 = arith.select %gt3A_526, %add3A_523, %mul3A_529 : vector<16xi1>, vector<16xf32>
        %mul3A_531 = arith.mulf %select_n3A_530, %get3A_78 : vector<16xf32>
        %xor3A_532 = arith.constant 8 : i32
        %xor3A_533 = vector.broadcast %xor3A_532 : i32 to vector<16xi32>
        %xor3A_534 = arith.xori %iota3A, %xor3A_533 : vector<16xi32>
        %reshape3A_535 = vector.shape_cast %xor3A_534 : vector<16xi32> to vector<16x1xi32>
        %gather3A_536 = vector.shape_cast %reshape3A_535 : vector<16x1xi32> to vector<16xi32>
        %gather3A_537 = tpu.dynamic_gather %mul3A_531[%gather3A_536] in [0] : vector<16xf32>, vector<16xi32> -> vector<16xf32>
        %add3A_538 = arith.addf %mul3A_531, %gather3A_537 : vector<16xf32>
        %xor3A_539 = arith.constant 4 : i32
        %xor3A_540 = vector.broadcast %xor3A_539 : i32 to vector<16xi32>
        %xor3A_541 = arith.xori %iota3A, %xor3A_540 : vector<16xi32>
        %reshape3A_542 = vector.shape_cast %xor3A_541 : vector<16xi32> to vector<16x1xi32>
        %gather3A_543 = vector.shape_cast %reshape3A_542 : vector<16x1xi32> to vector<16xi32>
        %gather3A_544 = tpu.dynamic_gather %add3A_538[%gather3A_543] in [0] : vector<16xf32>, vector<16xi32> -> vector<16xf32>
        %add3A_545 = arith.addf %add3A_538, %gather3A_544 : vector<16xf32>
        %xor3A_546 = arith.constant 2 : i32
        %xor3A_547 = vector.broadcast %xor3A_546 : i32 to vector<16xi32>
        %xor3A_548 = arith.xori %iota3A, %xor3A_547 : vector<16xi32>
        %reshape3A_549 = vector.shape_cast %xor3A_548 : vector<16xi32> to vector<16x1xi32>
        %gather3A_550 = vector.shape_cast %reshape3A_549 : vector<16x1xi32> to vector<16xi32>
        %gather3A_551 = tpu.dynamic_gather %add3A_545[%gather3A_550] in [0] : vector<16xf32>, vector<16xi32> -> vector<16xf32>
        %add3A_552 = arith.addf %add3A_545, %gather3A_551 : vector<16xf32>
        %xor3A_553 = arith.constant 1 : i32
        %xor3A_554 = vector.broadcast %xor3A_553 : i32 to vector<16xi32>
        %xor3A_555 = arith.xori %iota3A, %xor3A_554 : vector<16xi32>
        %reshape3A_556 = vector.shape_cast %xor3A_555 : vector<16xi32> to vector<16x1xi32>
        %gather3A_557 = vector.shape_cast %reshape3A_556 : vector<16x1xi32> to vector<16xi32>
        %gather3A_558 = tpu.dynamic_gather %add3A_552[%gather3A_557] in [0] : vector<16xf32>, vector<16xi32> -> vector<16xf32>
        %add3A_559 = arith.addf %add3A_552, %gather3A_558 : vector<16xf32>
        %eq3A_560 = arith.constant 6 : i32
        %eq3A_561 = vector.broadcast %eq3A_560 : i32 to vector<16xi32>
        %eq3A_562 = arith.cmpi eq, %iota3A, %eq3A_561 : vector<16xi32>
        %select_n3A_563 = arith.select %eq3A_562, %add3A_559, %select_n3A_514 : vector<16xi1>, vector<16xf32>
        %get3A_564 = arith.index_cast %mul3A_221 : i32 to index
        %get3A_565 = arith.constant 112 : index
        %get3A_566 = tpu.vector_load %arg18[%get3A_564, %get3A_565] {strides = array<i32>} : memref<40x128xf32, #tpu.memory_space<vmem>>, vector<1x16xf32>,
        %get3A_567 = vector.shape_cast %get3A_566 : vector<1x16xf32> to vector<16xf32>
        %get3A_568 = arith.index_cast %mul3A_221 : i32 to index
        %get3A_569 = arith.constant 112 : index
        %get3A_570 = tpu.vector_load %arg19[%get3A_568, %get3A_569] {strides = array<i32>} : memref<40x128xf32, #tpu.memory_space<vmem>>, vector<1x16xf32>,
        %get3A_571 = vector.shape_cast %get3A_570 : vector<1x16xf32> to vector<16xf32>
        %add3A_572 = arith.addf %get3A_567, %get3A_571 : vector<16xf32>
        %gt3A_573 = arith.constant 0.000000e+00 : f32
        %gt3A_574 = vector.broadcast %gt3A_573 : f32 to vector<16xf32>
        %gt3A_575 = arith.cmpf ogt, %add3A_572, %gt3A_574 : vector<16xf32>
        %mul3A_576 = arith.constant 2.000000e-01 : f32
        %mul3A_577 = vector.broadcast %mul3A_576 : f32 to vector<16xf32>
        %mul3A_578 = arith.mulf %add3A_572, %mul3A_577 : vector<16xf32>
        %select_n3A_579 = arith.select %gt3A_575, %add3A_572, %mul3A_578 : vector<16xi1>, vector<16xf32>
        %mul3A_580 = arith.mulf %select_n3A_579, %get3A_83 : vector<16xf32>
        %xor3A_581 = arith.constant 8 : i32
        %xor3A_582 = vector.broadcast %xor3A_581 : i32 to vector<16xi32>
        %xor3A_583 = arith.xori %iota3A, %xor3A_582 : vector<16xi32>
        %reshape3A_584 = vector.shape_cast %xor3A_583 : vector<16xi32> to vector<16x1xi32>
        %gather3A_585 = vector.shape_cast %reshape3A_584 : vector<16x1xi32> to vector<16xi32>
        %gather3A_586 = tpu.dynamic_gather %mul3A_580[%gather3A_585] in [0] : vector<16xf32>, vector<16xi32> -> vector<16xf32>
        %add3A_587 = arith.addf %mul3A_580, %gather3A_586 : vector<16xf32>
        %xor3A_588 = arith.constant 4 : i32
        %xor3A_589 = vector.broadcast %xor3A_588 : i32 to vector<16xi32>
        %xor3A_590 = arith.xori %iota3A, %xor3A_589 : vector<16xi32>
        %reshape3A_591 = vector.shape_cast %xor3A_590 : vector<16xi32> to vector<16x1xi32>
        %gather3A_592 = vector.shape_cast %reshape3A_591 : vector<16x1xi32> to vector<16xi32>
        %gather3A_593 = tpu.dynamic_gather %add3A_587[%gather3A_592] in [0] : vector<16xf32>, vector<16xi32> -> vector<16xf32>
        %add3A_594 = arith.addf %add3A_587, %gather3A_593 : vector<16xf32>
        %xor3A_595 = arith.constant 2 : i32
        %xor3A_596 = vector.broadcast %xor3A_595 : i32 to vector<16xi32>
        %xor3A_597 = arith.xori %iota3A, %xor3A_596 : vector<16xi32>
        %reshape3A_598 = vector.shape_cast %xor3A_597 : vector<16xi32> to vector<16x1xi32>
        %gather3A_599 = vector.shape_cast %reshape3A_598 : vector<16x1xi32> to vector<16xi32>
        %gather3A_600 = tpu.dynamic_gather %add3A_594[%gather3A_599] in [0] : vector<16xf32>, vector<16xi32> -> vector<16xf32>
        %add3A_601 = arith.addf %add3A_594, %gather3A_600 : vector<16xf32>
        %xor3A_602 = arith.constant 1 : i32
        %xor3A_603 = vector.broadcast %xor3A_602 : i32 to vector<16xi32>
        %xor3A_604 = arith.xori %iota3A, %xor3A_603 : vector<16xi32>
        %reshape3A_605 = vector.shape_cast %xor3A_604 : vector<16xi32> to vector<16x1xi32>
        %gather3A_606 = vector.shape_cast %reshape3A_605 : vector<16x1xi32> to vector<16xi32>
        %gather3A_607 = tpu.dynamic_gather %add3A_601[%gather3A_606] in [0] : vector<16xf32>, vector<16xi32> -> vector<16xf32>
        %add3A_608 = arith.addf %add3A_601, %gather3A_607 : vector<16xf32>
        %eq3A_609 = arith.constant 7 : i32
        %eq3A_610 = vector.broadcast %eq3A_609 : i32 to vector<16xi32>
        %eq3A_611 = arith.cmpi eq, %iota3A, %eq3A_610 : vector<16xi32>
        %select_n3A_612 = arith.select %eq3A_611, %add3A_608, %select_n3A_563 : vector<16xi1>, vector<16xf32>
        %lt3A = arith.constant 8 : i32
        %lt3A_613 = vector.broadcast %lt3A : i32 to vector<16xi32>
        %lt3A_614 = arith.cmpi slt, %iota3A, %lt3A_613 : vector<16xi32>
        %exp3A = math.exp %select_n3A_612 : vector<16xf32>
        %jit3A_615 = arith.constant 0.000000e+00 : f32
        %broadcast_in_dim3A_616 = vector.broadcast %jit3A_615 : f32 to vector<16xf32>
        %select_n3A_617 = arith.select %lt3A_614, %exp3A, %broadcast_in_dim3A_616 : vector<16xi1>, vector<16xf32>
        %broadcast_in_dim3A_618 = arith.constant 0 : i32
        %broadcast_in_dim3A_619 = vector.broadcast %broadcast_in_dim3A_618 : i32 to vector<16xi32>
        %reshape3A_620 = vector.shape_cast %broadcast_in_dim3A_619 : vector<16xi32> to vector<16x1xi32>
        %gather3A_621 = vector.shape_cast %reshape3A_620 : vector<16x1xi32> to vector<16xi32>
        %gather3A_622 = tpu.dynamic_gather %select_n3A_617[%gather3A_621] in [0] : vector<16xf32>, vector<16xi32> -> vector<16xf32>
        %mul3A_623 = arith.mulf %gather3A_622, %get3A_229 : vector<16xf32>
        %swap3A_624 = arith.index_cast %mul3A_221 : i32 to index
        %swap3A_625 = arith.constant 0 : index
        %swap3A_626 = tpu.vector_load %arg18[%swap3A_624, %swap3A_625] {strides = array<i32>} : memref<40x128xf32, #tpu.memory_space<vmem>>, vector<1x16xf32>,
        %swap3A_627 = vector.shape_cast %swap3A_626 : vector<1x16xf32> to vector<16xf32>
        %swap3A_628 = vector.shape_cast %mul3A_623 : vector<16xf32> to vector<1x16xf32>
        tpu.vector_store %arg18[%swap3A_624, %swap3A_625], %swap3A_628 {strides = array<i32>} : memref<40x128xf32, #tpu.memory_space<vmem>>, vector<1x16xf32>,
        %broadcast_in_dim3A_629 = arith.constant 1 : i32
        %broadcast_in_dim3A_630 = vector.broadcast %broadcast_in_dim3A_629 : i32 to vector<16xi32>
        %reshape3A_631 = vector.shape_cast %broadcast_in_dim3A_630 : vector<16xi32> to vector<16x1xi32>
        %gather3A_632 = vector.shape_cast %reshape3A_631 : vector<16x1xi32> to vector<16xi32>
        %gather3A_633 = tpu.dynamic_gather %select_n3A_617[%gather3A_632] in [0] : vector<16xf32>, vector<16xi32> -> vector<16xf32>
        %mul3A_634 = arith.mulf %gather3A_633, %get3A_273 : vector<16xf32>
        %swap3A_635 = arith.index_cast %mul3A_221 : i32 to index
        %swap3A_636 = arith.constant 16 : index
        %swap3A_637 = tpu.vector_load %arg18[%swap3A_635, %swap3A_636] {strides = array<i32>} : memref<40x128xf32, #tpu.memory_space<vmem>>, vector<1x16xf32>,
        %swap3A_638 = vector.shape_cast %swap3A_637 : vector<1x16xf32> to vector<16xf32>
        %swap3A_639 = vector.shape_cast %mul3A_634 : vector<16xf32> to vector<1x16xf32>
        tpu.vector_store %arg18[%swap3A_635, %swap3A_636], %swap3A_639 {strides = array<i32>} : memref<40x128xf32, #tpu.memory_space<vmem>>, vector<1x16xf32>,
        %broadcast_in_dim3A_640 = arith.constant 2 : i32
        %broadcast_in_dim3A_641 = vector.broadcast %broadcast_in_dim3A_640 : i32 to vector<16xi32>
        %reshape3A_642 = vector.shape_cast %broadcast_in_dim3A_641 : vector<16xi32> to vector<16x1xi32>
        %gather3A_643 = vector.shape_cast %reshape3A_642 : vector<16x1xi32> to vector<16xi32>
        %gather3A_644 = tpu.dynamic_gather %select_n3A_617[%gather3A_643] in [0] : vector<16xf32>, vector<16xi32> -> vector<16xf32>
        %mul3A_645 = arith.mulf %gather3A_644, %get3A_322 : vector<16xf32>
        %swap3A_646 = arith.index_cast %mul3A_221 : i32 to index
        %swap3A_647 = arith.constant 32 : index
        %swap3A_648 = tpu.vector_load %arg18[%swap3A_646, %swap3A_647] {strides = array<i32>} : memref<40x128xf32, #tpu.memory_space<vmem>>, vector<1x16xf32>,
        %swap3A_649 = vector.shape_cast %swap3A_648 : vector<1x16xf32> to vector<16xf32>
        %swap3A_650 = vector.shape_cast %mul3A_645 : vector<16xf32> to vector<1x16xf32>
        tpu.vector_store %arg18[%swap3A_646, %swap3A_647], %swap3A_650 {strides = array<i32>} : memref<40x128xf32, #tpu.memory_space<vmem>>, vector<1x16xf32>,
        %broadcast_in_dim3A_651 = arith.constant 3 : i32
        %broadcast_in_dim3A_652 = vector.broadcast %broadcast_in_dim3A_651 : i32 to vector<16xi32>
        %reshape3A_653 = vector.shape_cast %broadcast_in_dim3A_652 : vector<16xi32> to vector<16x1xi32>
        %gather3A_654 = vector.shape_cast %reshape3A_653 : vector<16x1xi32> to vector<16xi32>
        %gather3A_655 = tpu.dynamic_gather %select_n3A_617[%gather3A_654] in [0] : vector<16xf32>, vector<16xi32> -> vector<16xf32>
        %mul3A_656 = arith.mulf %gather3A_655, %get3A_371 : vector<16xf32>
        %swap3A_657 = arith.index_cast %mul3A_221 : i32 to index
        %swap3A_658 = arith.constant 48 : index
        %swap3A_659 = tpu.vector_load %arg18[%swap3A_657, %swap3A_658] {strides = array<i32>} : memref<40x128xf32, #tpu.memory_space<vmem>>, vector<1x16xf32>,
        %swap3A_660 = vector.shape_cast %swap3A_659 : vector<1x16xf32> to vector<16xf32>
        %swap3A_661 = vector.shape_cast %mul3A_656 : vector<16xf32> to vector<1x16xf32>
        tpu.vector_store %arg18[%swap3A_657, %swap3A_658], %swap3A_661 {strides = array<i32>} : memref<40x128xf32, #tpu.memory_space<vmem>>, vector<1x16xf32>,
        %broadcast_in_dim3A_662 = arith.constant 4 : i32
        %broadcast_in_dim3A_663 = vector.broadcast %broadcast_in_dim3A_662 : i32 to vector<16xi32>
        %reshape3A_664 = vector.shape_cast %broadcast_in_dim3A_663 : vector<16xi32> to vector<16x1xi32>
        %gather3A_665 = vector.shape_cast %reshape3A_664 : vector<16x1xi32> to vector<16xi32>
        %gather3A_666 = tpu.dynamic_gather %select_n3A_617[%gather3A_665] in [0] : vector<16xf32>, vector<16xi32> -> vector<16xf32>
        %mul3A_667 = arith.mulf %gather3A_666, %get3A_420 : vector<16xf32>
        %swap3A_668 = arith.index_cast %mul3A_221 : i32 to index
        %swap3A_669 = arith.constant 64 : index
        %swap3A_670 = tpu.vector_load %arg18[%swap3A_668, %swap3A_669] {strides = array<i32>} : memref<40x128xf32, #tpu.memory_space<vmem>>, vector<1x16xf32>,
        %swap3A_671 = vector.shape_cast %swap3A_670 : vector<1x16xf32> to vector<16xf32>
        %swap3A_672 = vector.shape_cast %mul3A_667 : vector<16xf32> to vector<1x16xf32>
        tpu.vector_store %arg18[%swap3A_668, %swap3A_669], %swap3A_672 {strides = array<i32>} : memref<40x128xf32, #tpu.memory_space<vmem>>, vector<1x16xf32>,
        %broadcast_in_dim3A_673 = arith.constant 5 : i32
        %broadcast_in_dim3A_674 = vector.broadcast %broadcast_in_dim3A_673 : i32 to vector<16xi32>
        %reshape3A_675 = vector.shape_cast %broadcast_in_dim3A_674 : vector<16xi32> to vector<16x1xi32>
        %gather3A_676 = vector.shape_cast %reshape3A_675 : vector<16x1xi32> to vector<16xi32>
        %gather3A_677 = tpu.dynamic_gather %select_n3A_617[%gather3A_676] in [0] : vector<16xf32>, vector<16xi32> -> vector<16xf32>
        %mul3A_678 = arith.mulf %gather3A_677, %get3A_469 : vector<16xf32>
        %swap3A_679 = arith.index_cast %mul3A_221 : i32 to index
        %swap3A_680 = arith.constant 80 : index
        %swap3A_681 = tpu.vector_load %arg18[%swap3A_679, %swap3A_680] {strides = array<i32>} : memref<40x128xf32, #tpu.memory_space<vmem>>, vector<1x16xf32>,
        %swap3A_682 = vector.shape_cast %swap3A_681 : vector<1x16xf32> to vector<16xf32>
        %swap3A_683 = vector.shape_cast %mul3A_678 : vector<16xf32> to vector<1x16xf32>
        tpu.vector_store %arg18[%swap3A_679, %swap3A_680], %swap3A_683 {strides = array<i32>} : memref<40x128xf32, #tpu.memory_space<vmem>>, vector<1x16xf32>,
        %broadcast_in_dim3A_684 = arith.constant 6 : i32
        %broadcast_in_dim3A_685 = vector.broadcast %broadcast_in_dim3A_684 : i32 to vector<16xi32>
        %reshape3A_686 = vector.shape_cast %broadcast_in_dim3A_685 : vector<16xi32> to vector<16x1xi32>
        %gather3A_687 = vector.shape_cast %reshape3A_686 : vector<16x1xi32> to vector<16xi32>
        %gather3A_688 = tpu.dynamic_gather %select_n3A_617[%gather3A_687] in [0] : vector<16xf32>, vector<16xi32> -> vector<16xf32>
        %mul3A_689 = arith.mulf %gather3A_688, %get3A_518 : vector<16xf32>
        %swap3A_690 = arith.index_cast %mul3A_221 : i32 to index
        %swap3A_691 = arith.constant 96 : index
        %swap3A_692 = tpu.vector_load %arg18[%swap3A_690, %swap3A_691] {strides = array<i32>} : memref<40x128xf32, #tpu.memory_space<vmem>>, vector<1x16xf32>,
        %swap3A_693 = vector.shape_cast %swap3A_692 : vector<1x16xf32> to vector<16xf32>
        %swap3A_694 = vector.shape_cast %mul3A_689 : vector<16xf32> to vector<1x16xf32>
        tpu.vector_store %arg18[%swap3A_690, %swap3A_691], %swap3A_694 {strides = array<i32>} : memref<40x128xf32, #tpu.memory_space<vmem>>, vector<1x16xf32>,
        %broadcast_in_dim3A_695 = arith.constant 7 : i32
        %broadcast_in_dim3A_696 = vector.broadcast %broadcast_in_dim3A_695 : i32 to vector<16xi32>
        %reshape3A_697 = vector.shape_cast %broadcast_in_dim3A_696 : vector<16xi32> to vector<16x1xi32>
        %gather3A_698 = vector.shape_cast %reshape3A_697 : vector<16x1xi32> to vector<16xi32>
        %gather3A_699 = tpu.dynamic_gather %select_n3A_617[%gather3A_698] in [0] : vector<16xf32>, vector<16xi32> -> vector<16xf32>
        %mul3A_700 = arith.mulf %gather3A_699, %get3A_567 : vector<16xf32>
        %swap3A_701 = arith.index_cast %mul3A_221 : i32 to index
        %swap3A_702 = arith.constant 112 : index
        %swap3A_703 = tpu.vector_load %arg18[%swap3A_701, %swap3A_702] {strides = array<i32>} : memref<40x128xf32, #tpu.memory_space<vmem>>, vector<1x16xf32>,
        %swap3A_704 = vector.shape_cast %swap3A_703 : vector<1x16xf32> to vector<16xf32>
        %swap3A_705 = vector.shape_cast %mul3A_700 : vector<16xf32> to vector<1x16xf32>
        tpu.vector_store %arg18[%swap3A_701, %swap3A_702], %swap3A_705 {strides = array<i32>} : memref<40x128xf32, #tpu.memory_space<vmem>>, vector<1x16xf32>,
        %jit3A_706 = arith.constant 16 : i32
        %div3A = arith.divsi %mul3A_221, %jit3A_706 : i32
        %sign3A = arith.constant 0 : i32
        %sign3A_707 = arith.cmpi sgt, %mul3A_221, %sign3A : i32
        %sign3A_708 = arith.extui %sign3A_707 : i1 to i32
        %sign3A_709 = arith.constant 0 : i32
        %sign3A_710 = arith.cmpi slt, %mul3A_221, %sign3A_709 : i32
        %sign3A_711 = arith.extui %sign3A_710 : i1 to i32
        %sign3A_712 = arith.subi %sign3A_708, %sign3A_711 : i32
        %sign3A_713 = arith.constant 0 : i32
        %sign3A_714 = arith.cmpi sgt, %jit3A_706, %sign3A_713 : i32
        %sign3A_715 = arith.extui %sign3A_714 : i1 to i32
        %sign3A_716 = arith.constant 0 : i32
        %sign3A_717 = arith.cmpi slt, %jit3A_706, %sign3A_716 : i32
        %sign3A_718 = arith.extui %sign3A_717 : i1 to i32
        %sign3A_719 = arith.subi %sign3A_715, %sign3A_718 : i32
        %ne3A = arith.cmpi ne, %sign3A_712, %sign3A_719 : i32
        %rem3A = arith.remsi %mul3A_221, %jit3A_706 : i32
        %ne3A_720 = arith.constant 0 : i32
        %ne3A_721 = arith.cmpi ne, %rem3A, %ne3A_720 : i32
        %and3A = arith.andi %ne3A, %ne3A_721 : i1
        %sub3A = arith.constant 1 : i32
        %sub3A_722 = arith.subi %div3A, %sub3A : i32
        %select_n3A_723 = arith.select %and3A, %sub3A_722, %div3A : i32
        %mul3A_724 = arith.constant 16 : i32
        %mul3A_725 = arith.muli %select_n3A_723, %mul3A_724 : i32
        %min3A = arith.constant 24 : i32
        %min3A_726 = arith.minsi %mul3A_725, %min3A : i32
        %get3A_727 = arith.index_cast %min3A_726 : i32 to index
        %get3A_728 = tpu.vector_load %arg14[%get3A_727] {strides = array<i32>} : memref<40xi32, #tpu.memory_space<vmem>>, vector<16xi32>,
        %get3A_729 = vector.shape_cast %get3A_728 : vector<16xi32> to vector<16xi32>
        %broadcast_in_dim3A_730 = arith.constant 0 : i32
        %broadcast_in_dim3A_731 = vector.broadcast %broadcast_in_dim3A_730 : i32 to vector<16xi32>
        %sub3A_732 = arith.subi %mul3A_221, %min3A_726 : i32
        %add3A_733 = vector.broadcast %sub3A_732 : i32 to vector<16xi32>
        %add3A_734 = arith.addi %broadcast_in_dim3A_731, %add3A_733 : vector<16xi32>
        %reshape3A_735 = vector.shape_cast %add3A_734 : vector<16xi32> to vector<16x1xi32>
        %gather3A_736 = vector.shape_cast %reshape3A_735 : vector<16x1xi32> to vector<16xi32>
        %gather3A_737 = tpu.dynamic_gather %get3A_729[%gather3A_736] in [0] : vector<16xi32>, vector<16xi32> -> vector<16xi32>
        %and3A_738 = arith.constant 7 : i32
        %and3A_739 = vector.broadcast %and3A_738 : i32 to vector<16xi32>
        %and3A_740 = arith.andi %gather3A_737, %and3A_739 : vector<16xi32>
        %convert_element_type3A = arith.sitofp %and3A_740 : vector<16xi32> to vector<16xf32>
        %sub3A_741 = arith.constant 0.000000e+00 : f32
        %sub3A_742 = vector.broadcast %sub3A_741 : f32 to vector<16xf32>
        %sub3A_743 = arith.subf %convert_element_type3A, %sub3A_742 : vector<16xf32>
        %mul3A_744 = arith.mulf %sub3A_743, %sub3A_743 : vector<16xf32>
        %sub3A_745 = arith.constant 1.000000e+00 : f32
        %sub3A_746 = vector.broadcast %sub3A_745 : f32 to vector<16xf32>
        %sub3A_747 = arith.subf %sub3A_746, %mul3A_744 : vector<16xf32>
        %max3A = arith.constant 0.000000e+00 : f32
        %max3A_748 = vector.broadcast %max3A : f32 to vector<16xf32>
        %max3A_749 = arith.maximumf %sub3A_747, %max3A_748 : vector<16xf32>
        %mul3A_750 = arith.mulf %select_n3A_617, %max3A_749 : vector<16xf32>
        %swap3A_751 = arith.index_cast %mul3A_221 : i32 to index
        %swap3A_752 = arith.constant 0 : index
        %swap3A_753 = tpu.vector_load %arg20[%swap3A_751, %swap3A_752] {strides = array<i32>} : memref<40x128xf32, #tpu.memory_space<vmem>>, vector<1x16xf32>,
        %swap3A_754 = vector.shape_cast %swap3A_753 : vector<1x16xf32> to vector<16xf32>
        %swap3A_755 = vector.shape_cast %mul3A_750 : vector<16xf32> to vector<1x16xf32>
        tpu.vector_store %arg20[%swap3A_751, %swap3A_752], %swap3A_755 {strides = array<i32>} : memref<40x128xf32, #tpu.memory_space<vmem>>, vector<1x16xf32>,
        %sub3A_756 = arith.constant 1.000000e+00 : f32
        %sub3A_757 = vector.broadcast %sub3A_756 : f32 to vector<16xf32>
        %sub3A_758 = arith.subf %convert_element_type3A, %sub3A_757 : vector<16xf32>
        %mul3A_759 = arith.mulf %sub3A_758, %sub3A_758 : vector<16xf32>
        %sub3A_760 = arith.constant 1.000000e+00 : f32
        %sub3A_761 = vector.broadcast %sub3A_760 : f32 to vector<16xf32>
        %sub3A_762 = arith.subf %sub3A_761, %mul3A_759 : vector<16xf32>
        %max3A_763 = arith.constant 0.000000e+00 : f32
        %max3A_764 = vector.broadcast %max3A_763 : f32 to vector<16xf32>
        %max3A_765 = arith.maximumf %sub3A_762, %max3A_764 : vector<16xf32>
        %mul3A_766 = arith.mulf %select_n3A_617, %max3A_765 : vector<16xf32>
        %swap3A_767 = arith.index_cast %mul3A_221 : i32 to index
        %swap3A_768 = arith.constant 16 : index
        %swap3A_769 = tpu.vector_load %arg20[%swap3A_767, %swap3A_768] {strides = array<i32>} : memref<40x128xf32, #tpu.memory_space<vmem>>, vector<1x16xf32>,
        %swap3A_770 = vector.shape_cast %swap3A_769 : vector<1x16xf32> to vector<16xf32>
        %swap3A_771 = vector.shape_cast %mul3A_766 : vector<16xf32> to vector<1x16xf32>
        tpu.vector_store %arg20[%swap3A_767, %swap3A_768], %swap3A_771 {strides = array<i32>} : memref<40x128xf32, #tpu.memory_space<vmem>>, vector<1x16xf32>,
        %sub3A_772 = arith.constant 2.000000e+00 : f32
        %sub3A_773 = vector.broadcast %sub3A_772 : f32 to vector<16xf32>
        %sub3A_774 = arith.subf %convert_element_type3A, %sub3A_773 : vector<16xf32>
        %mul3A_775 = arith.mulf %sub3A_774, %sub3A_774 : vector<16xf32>
        %sub3A_776 = arith.constant 1.000000e+00 : f32
        %sub3A_777 = vector.broadcast %sub3A_776 : f32 to vector<16xf32>
        %sub3A_778 = arith.subf %sub3A_777, %mul3A_775 : vector<16xf32>
        %max3A_779 = arith.constant 0.000000e+00 : f32
        %max3A_780 = vector.broadcast %max3A_779 : f32 to vector<16xf32>
        %max3A_781 = arith.maximumf %sub3A_778, %max3A_780 : vector<16xf32>
        %mul3A_782 = arith.mulf %select_n3A_617, %max3A_781 : vector<16xf32>
        %swap3A_783 = arith.index_cast %mul3A_221 : i32 to index
        %swap3A_784 = arith.constant 32 : index
        %swap3A_785 = tpu.vector_load %arg20[%swap3A_783, %swap3A_784] {strides = array<i32>} : memref<40x128xf32, #tpu.memory_space<vmem>>, vector<1x16xf32>,
        %swap3A_786 = vector.shape_cast %swap3A_785 : vector<1x16xf32> to vector<16xf32>
        %swap3A_787 = vector.shape_cast %mul3A_782 : vector<16xf32> to vector<1x16xf32>
        tpu.vector_store %arg20[%swap3A_783, %swap3A_784], %swap3A_787 {strides = array<i32>} : memref<40x128xf32, #tpu.memory_space<vmem>>, vector<1x16xf32>,
        %sub3A_788 = arith.constant 3.000000e+00 : f32
        %sub3A_789 = vector.broadcast %sub3A_788 : f32 to vector<16xf32>
        %sub3A_790 = arith.subf %convert_element_type3A, %sub3A_789 : vector<16xf32>
        %mul3A_791 = arith.mulf %sub3A_790, %sub3A_790 : vector<16xf32>
        %sub3A_792 = arith.constant 1.000000e+00 : f32
        %sub3A_793 = vector.broadcast %sub3A_792 : f32 to vector<16xf32>
        %sub3A_794 = arith.subf %sub3A_793, %mul3A_791 : vector<16xf32>
        %max3A_795 = arith.constant 0.000000e+00 : f32
        %max3A_796 = vector.broadcast %max3A_795 : f32 to vector<16xf32>
        %max3A_797 = arith.maximumf %sub3A_794, %max3A_796 : vector<16xf32>
        %mul3A_798 = arith.mulf %select_n3A_617, %max3A_797 : vector<16xf32>
        %swap3A_799 = arith.index_cast %mul3A_221 : i32 to index
        %swap3A_800 = arith.constant 48 : index
        %swap3A_801 = tpu.vector_load %arg20[%swap3A_799, %swap3A_800] {strides = array<i32>} : memref<40x128xf32, #tpu.memory_space<vmem>>, vector<1x16xf32>,
        %swap3A_802 = vector.shape_cast %swap3A_801 : vector<1x16xf32> to vector<16xf32>
        %swap3A_803 = vector.shape_cast %mul3A_798 : vector<16xf32> to vector<1x16xf32>
        tpu.vector_store %arg20[%swap3A_799, %swap3A_800], %swap3A_803 {strides = array<i32>} : memref<40x128xf32, #tpu.memory_space<vmem>>, vector<1x16xf32>,
        %sub3A_804 = arith.constant 4.000000e+00 : f32
        %sub3A_805 = vector.broadcast %sub3A_804 : f32 to vector<16xf32>
        %sub3A_806 = arith.subf %convert_element_type3A, %sub3A_805 : vector<16xf32>
        %mul3A_807 = arith.mulf %sub3A_806, %sub3A_806 : vector<16xf32>
        %sub3A_808 = arith.constant 1.000000e+00 : f32
        %sub3A_809 = vector.broadcast %sub3A_808 : f32 to vector<16xf32>
        %sub3A_810 = arith.subf %sub3A_809, %mul3A_807 : vector<16xf32>
        %max3A_811 = arith.constant 0.000000e+00 : f32
        %max3A_812 = vector.broadcast %max3A_811 : f32 to vector<16xf32>
        %max3A_813 = arith.maximumf %sub3A_810, %max3A_812 : vector<16xf32>
        %mul3A_814 = arith.mulf %select_n3A_617, %max3A_813 : vector<16xf32>
        %swap3A_815 = arith.index_cast %mul3A_221 : i32 to index
        %swap3A_816 = arith.constant 64 : index
        %swap3A_817 = tpu.vector_load %arg20[%swap3A_815, %swap3A_816] {strides = array<i32>} : memref<40x128xf32, #tpu.memory_space<vmem>>, vector<1x16xf32>,
        %swap3A_818 = vector.shape_cast %swap3A_817 : vector<1x16xf32> to vector<16xf32>
        %swap3A_819 = vector.shape_cast %mul3A_814 : vector<16xf32> to vector<1x16xf32>
        tpu.vector_store %arg20[%swap3A_815, %swap3A_816], %swap3A_819 {strides = array<i32>} : memref<40x128xf32, #tpu.memory_space<vmem>>, vector<1x16xf32>,
        %sub3A_820 = arith.constant 5.000000e+00 : f32
        %sub3A_821 = vector.broadcast %sub3A_820 : f32 to vector<16xf32>
        %sub3A_822 = arith.subf %convert_element_type3A, %sub3A_821 : vector<16xf32>
        %mul3A_823 = arith.mulf %sub3A_822, %sub3A_822 : vector<16xf32>
        %sub3A_824 = arith.constant 1.000000e+00 : f32
        %sub3A_825 = vector.broadcast %sub3A_824 : f32 to vector<16xf32>
        %sub3A_826 = arith.subf %sub3A_825, %mul3A_823 : vector<16xf32>
        %max3A_827 = arith.constant 0.000000e+00 : f32
        %max3A_828 = vector.broadcast %max3A_827 : f32 to vector<16xf32>
        %max3A_829 = arith.maximumf %sub3A_826, %max3A_828 : vector<16xf32>
        %mul3A_830 = arith.mulf %select_n3A_617, %max3A_829 : vector<16xf32>
        %swap3A_831 = arith.index_cast %mul3A_221 : i32 to index
        %swap3A_832 = arith.constant 80 : index
        %swap3A_833 = tpu.vector_load %arg20[%swap3A_831, %swap3A_832] {strides = array<i32>} : memref<40x128xf32, #tpu.memory_space<vmem>>, vector<1x16xf32>,
        %swap3A_834 = vector.shape_cast %swap3A_833 : vector<1x16xf32> to vector<16xf32>
        %swap3A_835 = vector.shape_cast %mul3A_830 : vector<16xf32> to vector<1x16xf32>
        tpu.vector_store %arg20[%swap3A_831, %swap3A_832], %swap3A_835 {strides = array<i32>} : memref<40x128xf32, #tpu.memory_space<vmem>>, vector<1x16xf32>,
        %sub3A_836 = arith.constant 6.000000e+00 : f32
        %sub3A_837 = vector.broadcast %sub3A_836 : f32 to vector<16xf32>
        %sub3A_838 = arith.subf %convert_element_type3A, %sub3A_837 : vector<16xf32>
        %mul3A_839 = arith.mulf %sub3A_838, %sub3A_838 : vector<16xf32>
        %sub3A_840 = arith.constant 1.000000e+00 : f32
        %sub3A_841 = vector.broadcast %sub3A_840 : f32 to vector<16xf32>
        %sub3A_842 = arith.subf %sub3A_841, %mul3A_839 : vector<16xf32>
        %max3A_843 = arith.constant 0.000000e+00 : f32
        %max3A_844 = vector.broadcast %max3A_843 : f32 to vector<16xf32>
        %max3A_845 = arith.maximumf %sub3A_842, %max3A_844 : vector<16xf32>
        %mul3A_846 = arith.mulf %select_n3A_617, %max3A_845 : vector<16xf32>
        %swap3A_847 = arith.index_cast %mul3A_221 : i32 to index
        %swap3A_848 = arith.constant 96 : index
        %swap3A_849 = tpu.vector_load %arg20[%swap3A_847, %swap3A_848] {strides = array<i32>} : memref<40x128xf32, #tpu.memory_space<vmem>>, vector<1x16xf32>,
        %swap3A_850 = vector.shape_cast %swap3A_849 : vector<1x16xf32> to vector<16xf32>
        %swap3A_851 = vector.shape_cast %mul3A_846 : vector<16xf32> to vector<1x16xf32>
        tpu.vector_store %arg20[%swap3A_847, %swap3A_848], %swap3A_851 {strides = array<i32>} : memref<40x128xf32, #tpu.memory_space<vmem>>, vector<1x16xf32>,
        %sub3A_852 = arith.constant 7.000000e+00 : f32
        %sub3A_853 = vector.broadcast %sub3A_852 : f32 to vector<16xf32>
        %sub3A_854 = arith.subf %convert_element_type3A, %sub3A_853 : vector<16xf32>
        %mul3A_855 = arith.mulf %sub3A_854, %sub3A_854 : vector<16xf32>
        %sub3A_856 = arith.constant 1.000000e+00 : f32
        %sub3A_857 = vector.broadcast %sub3A_856 : f32 to vector<16xf32>
        %sub3A_858 = arith.subf %sub3A_857, %mul3A_855 : vector<16xf32>
        %max3A_859 = arith.constant 0.000000e+00 : f32
        %max3A_860 = vector.broadcast %max3A_859 : f32 to vector<16xf32>
        %max3A_861 = arith.maximumf %sub3A_858, %max3A_860 : vector<16xf32>
        %mul3A_862 = arith.mulf %select_n3A_617, %max3A_861 : vector<16xf32>
        %swap3A_863 = arith.index_cast %mul3A_221 : i32 to index
        %swap3A_864 = arith.constant 112 : index
        %swap3A_865 = tpu.vector_load %arg20[%swap3A_863, %swap3A_864] {strides = array<i32>} : memref<40x128xf32, #tpu.memory_space<vmem>>, vector<1x16xf32>,
        %swap3A_866 = vector.shape_cast %swap3A_865 : vector<1x16xf32> to vector<16xf32>
        %swap3A_867 = vector.shape_cast %mul3A_862 : vector<16xf32> to vector<1x16xf32>
        tpu.vector_store %arg20[%swap3A_863, %swap3A_864], %swap3A_867 {strides = array<i32>} : memref<40x128xf32, #tpu.memory_space<vmem>>, vector<1x16xf32>,
        %get3A_868 = arith.index_cast %add3A_225 : i32 to index
        %get3A_869 = arith.constant 0 : index
        %get3A_870 = tpu.vector_load %arg18[%get3A_868, %get3A_869] {strides = array<i32>} : memref<40x128xf32, #tpu.memory_space<vmem>>, vector<1x16xf32>,
        %get3A_871 = vector.shape_cast %get3A_870 : vector<1x16xf32> to vector<16xf32>
        %get3A_872 = arith.index_cast %add3A_225 : i32 to index
        %get3A_873 = arith.constant 0 : index
        %get3A_874 = tpu.vector_load %arg19[%get3A_872, %get3A_873] {strides = array<i32>} : memref<40x128xf32, #tpu.memory_space<vmem>>, vector<1x16xf32>,
        %get3A_875 = vector.shape_cast %get3A_874 : vector<1x16xf32> to vector<16xf32>
        %add3A_876 = arith.addf %get3A_871, %get3A_875 : vector<16xf32>
        %gt3A_877 = arith.constant 0.000000e+00 : f32
        %gt3A_878 = vector.broadcast %gt3A_877 : f32 to vector<16xf32>
        %gt3A_879 = arith.cmpf ogt, %add3A_876, %gt3A_878 : vector<16xf32>
        %mul3A_880 = arith.constant 2.000000e-01 : f32
        %mul3A_881 = vector.broadcast %mul3A_880 : f32 to vector<16xf32>
        %mul3A_882 = arith.mulf %add3A_876, %mul3A_881 : vector<16xf32>
        %select_n3A_883 = arith.select %gt3A_879, %add3A_876, %mul3A_882 : vector<16xi1>, vector<16xf32>
        %mul3A_884 = arith.mulf %select_n3A_883, %get3A_48 : vector<16xf32>
        %xor3A_885 = arith.constant 8 : i32
        %xor3A_886 = vector.broadcast %xor3A_885 : i32 to vector<16xi32>
        %xor3A_887 = arith.xori %iota3A, %xor3A_886 : vector<16xi32>
        %reshape3A_888 = vector.shape_cast %xor3A_887 : vector<16xi32> to vector<16x1xi32>
        %gather3A_889 = vector.shape_cast %reshape3A_888 : vector<16x1xi32> to vector<16xi32>
        %gather3A_890 = tpu.dynamic_gather %mul3A_884[%gather3A_889] in [0] : vector<16xf32>, vector<16xi32> -> vector<16xf32>
        %add3A_891 = arith.addf %mul3A_884, %gather3A_890 : vector<16xf32>
        %xor3A_892 = arith.constant 4 : i32
        %xor3A_893 = vector.broadcast %xor3A_892 : i32 to vector<16xi32>
        %xor3A_894 = arith.xori %iota3A, %xor3A_893 : vector<16xi32>
        %reshape3A_895 = vector.shape_cast %xor3A_894 : vector<16xi32> to vector<16x1xi32>
        %gather3A_896 = vector.shape_cast %reshape3A_895 : vector<16x1xi32> to vector<16xi32>
        %gather3A_897 = tpu.dynamic_gather %add3A_891[%gather3A_896] in [0] : vector<16xf32>, vector<16xi32> -> vector<16xf32>
        %add3A_898 = arith.addf %add3A_891, %gather3A_897 : vector<16xf32>
        %xor3A_899 = arith.constant 2 : i32
        %xor3A_900 = vector.broadcast %xor3A_899 : i32 to vector<16xi32>
        %xor3A_901 = arith.xori %iota3A, %xor3A_900 : vector<16xi32>
        %reshape3A_902 = vector.shape_cast %xor3A_901 : vector<16xi32> to vector<16x1xi32>
        %gather3A_903 = vector.shape_cast %reshape3A_902 : vector<16x1xi32> to vector<16xi32>
        %gather3A_904 = tpu.dynamic_gather %add3A_898[%gather3A_903] in [0] : vector<16xf32>, vector<16xi32> -> vector<16xf32>
        %add3A_905 = arith.addf %add3A_898, %gather3A_904 : vector<16xf32>
        %xor3A_906 = arith.constant 1 : i32
        %xor3A_907 = vector.broadcast %xor3A_906 : i32 to vector<16xi32>
        %xor3A_908 = arith.xori %iota3A, %xor3A_907 : vector<16xi32>
        %reshape3A_909 = vector.shape_cast %xor3A_908 : vector<16xi32> to vector<16x1xi32>
        %gather3A_910 = vector.shape_cast %reshape3A_909 : vector<16x1xi32> to vector<16xi32>
        %gather3A_911 = tpu.dynamic_gather %add3A_905[%gather3A_910] in [0] : vector<16xf32>, vector<16xi32> -> vector<16xf32>
        %add3A_912 = arith.addf %add3A_905, %gather3A_911 : vector<16xf32>
        %eq3A_913 = arith.constant 0 : i32
        %eq3A_914 = vector.broadcast %eq3A_913 : i32 to vector<16xi32>
        %eq3A_915 = arith.cmpi eq, %iota3A, %eq3A_914 : vector<16xi32>
        %select_n3A_916 = arith.select %eq3A_915, %add3A_912, %broadcast_in_dim3A_0 : vector<16xi1>, vector<16xf32>
        %get3A_917 = arith.index_cast %add3A_225 : i32 to index
        %get3A_918 = arith.constant 16 : index
        %get3A_919 = tpu.vector_load %arg18[%get3A_917, %get3A_918] {strides = array<i32>} : memref<40x128xf32, #tpu.memory_space<vmem>>, vector<1x16xf32>,
        %get3A_920 = vector.shape_cast %get3A_919 : vector<1x16xf32> to vector<16xf32>
        %get3A_921 = arith.index_cast %add3A_225 : i32 to index
        %get3A_922 = arith.constant 16 : index
        %get3A_923 = tpu.vector_load %arg19[%get3A_921, %get3A_922] {strides = array<i32>} : memref<40x128xf32, #tpu.memory_space<vmem>>, vector<1x16xf32>,
        %get3A_924 = vector.shape_cast %get3A_923 : vector<1x16xf32> to vector<16xf32>
        %add3A_925 = arith.addf %get3A_920, %get3A_924 : vector<16xf32>
        %gt3A_926 = arith.constant 0.000000e+00 : f32
        %gt3A_927 = vector.broadcast %gt3A_926 : f32 to vector<16xf32>
        %gt3A_928 = arith.cmpf ogt, %add3A_925, %gt3A_927 : vector<16xf32>
        %mul3A_929 = arith.constant 2.000000e-01 : f32
        %mul3A_930 = vector.broadcast %mul3A_929 : f32 to vector<16xf32>
        %mul3A_931 = arith.mulf %add3A_925, %mul3A_930 : vector<16xf32>
        %select_n3A_932 = arith.select %gt3A_928, %add3A_925, %mul3A_931 : vector<16xi1>, vector<16xf32>
        %mul3A_933 = arith.mulf %select_n3A_932, %get3A_53 : vector<16xf32>
        %xor3A_934 = arith.constant 8 : i32
        %xor3A_935 = vector.broadcast %xor3A_934 : i32 to vector<16xi32>
        %xor3A_936 = arith.xori %iota3A, %xor3A_935 : vector<16xi32>
        %reshape3A_937 = vector.shape_cast %xor3A_936 : vector<16xi32> to vector<16x1xi32>
        %gather3A_938 = vector.shape_cast %reshape3A_937 : vector<16x1xi32> to vector<16xi32>
        %gather3A_939 = tpu.dynamic_gather %mul3A_933[%gather3A_938] in [0] : vector<16xf32>, vector<16xi32> -> vector<16xf32>
        %add3A_940 = arith.addf %mul3A_933, %gather3A_939 : vector<16xf32>
        %xor3A_941 = arith.constant 4 : i32
        %xor3A_942 = vector.broadcast %xor3A_941 : i32 to vector<16xi32>
        %xor3A_943 = arith.xori %iota3A, %xor3A_942 : vector<16xi32>
        %reshape3A_944 = vector.shape_cast %xor3A_943 : vector<16xi32> to vector<16x1xi32>
        %gather3A_945 = vector.shape_cast %reshape3A_944 : vector<16x1xi32> to vector<16xi32>
        %gather3A_946 = tpu.dynamic_gather %add3A_940[%gather3A_945] in [0] : vector<16xf32>, vector<16xi32> -> vector<16xf32>
        %add3A_947 = arith.addf %add3A_940, %gather3A_946 : vector<16xf32>
        %xor3A_948 = arith.constant 2 : i32
        %xor3A_949 = vector.broadcast %xor3A_948 : i32 to vector<16xi32>
        %xor3A_950 = arith.xori %iota3A, %xor3A_949 : vector<16xi32>
        %reshape3A_951 = vector.shape_cast %xor3A_950 : vector<16xi32> to vector<16x1xi32>
        %gather3A_952 = vector.shape_cast %reshape3A_951 : vector<16x1xi32> to vector<16xi32>
        %gather3A_953 = tpu.dynamic_gather %add3A_947[%gather3A_952] in [0] : vector<16xf32>, vector<16xi32> -> vector<16xf32>
        %add3A_954 = arith.addf %add3A_947, %gather3A_953 : vector<16xf32>
        %xor3A_955 = arith.constant 1 : i32
        %xor3A_956 = vector.broadcast %xor3A_955 : i32 to vector<16xi32>
        %xor3A_957 = arith.xori %iota3A, %xor3A_956 : vector<16xi32>
        %reshape3A_958 = vector.shape_cast %xor3A_957 : vector<16xi32> to vector<16x1xi32>
        %gather3A_959 = vector.shape_cast %reshape3A_958 : vector<16x1xi32> to vector<16xi32>
        %gather3A_960 = tpu.dynamic_gather %add3A_954[%gather3A_959] in [0] : vector<16xf32>, vector<16xi32> -> vector<16xf32>
        %add3A_961 = arith.addf %add3A_954, %gather3A_960 : vector<16xf32>
        %eq3A_962 = arith.constant 1 : i32
        %eq3A_963 = vector.broadcast %eq3A_962 : i32 to vector<16xi32>
        %eq3A_964 = arith.cmpi eq, %iota3A, %eq3A_963 : vector<16xi32>
        %select_n3A_965 = arith.select %eq3A_964, %add3A_961, %select_n3A_916 : vector<16xi1>, vector<16xf32>
        %get3A_966 = arith.index_cast %add3A_225 : i32 to index
        %get3A_967 = arith.constant 32 : index
        %get3A_968 = tpu.vector_load %arg18[%get3A_966, %get3A_967] {strides = array<i32>} : memref<40x128xf32, #tpu.memory_space<vmem>>, vector<1x16xf32>,
        %get3A_969 = vector.shape_cast %get3A_968 : vector<1x16xf32> to vector<16xf32>
        %get3A_970 = arith.index_cast %add3A_225 : i32 to index
        %get3A_971 = arith.constant 32 : index
        %get3A_972 = tpu.vector_load %arg19[%get3A_970, %get3A_971] {strides = array<i32>} : memref<40x128xf32, #tpu.memory_space<vmem>>, vector<1x16xf32>,
        %get3A_973 = vector.shape_cast %get3A_972 : vector<1x16xf32> to vector<16xf32>
        %add3A_974 = arith.addf %get3A_969, %get3A_973 : vector<16xf32>
        %gt3A_975 = arith.constant 0.000000e+00 : f32
        %gt3A_976 = vector.broadcast %gt3A_975 : f32 to vector<16xf32>
        %gt3A_977 = arith.cmpf ogt, %add3A_974, %gt3A_976 : vector<16xf32>
        %mul3A_978 = arith.constant 2.000000e-01 : f32
        %mul3A_979 = vector.broadcast %mul3A_978 : f32 to vector<16xf32>
        %mul3A_980 = arith.mulf %add3A_974, %mul3A_979 : vector<16xf32>
        %select_n3A_981 = arith.select %gt3A_977, %add3A_974, %mul3A_980 : vector<16xi1>, vector<16xf32>
        %mul3A_982 = arith.mulf %select_n3A_981, %get3A_58 : vector<16xf32>
        %xor3A_983 = arith.constant 8 : i32
        %xor3A_984 = vector.broadcast %xor3A_983 : i32 to vector<16xi32>
        %xor3A_985 = arith.xori %iota3A, %xor3A_984 : vector<16xi32>
        %reshape3A_986 = vector.shape_cast %xor3A_985 : vector<16xi32> to vector<16x1xi32>
        %gather3A_987 = vector.shape_cast %reshape3A_986 : vector<16x1xi32> to vector<16xi32>
        %gather3A_988 = tpu.dynamic_gather %mul3A_982[%gather3A_987] in [0] : vector<16xf32>, vector<16xi32> -> vector<16xf32>
        %add3A_989 = arith.addf %mul3A_982, %gather3A_988 : vector<16xf32>
        %xor3A_990 = arith.constant 4 : i32
        %xor3A_991 = vector.broadcast %xor3A_990 : i32 to vector<16xi32>
        %xor3A_992 = arith.xori %iota3A, %xor3A_991 : vector<16xi32>
        %reshape3A_993 = vector.shape_cast %xor3A_992 : vector<16xi32> to vector<16x1xi32>
        %gather3A_994 = vector.shape_cast %reshape3A_993 : vector<16x1xi32> to vector<16xi32>
        %gather3A_995 = tpu.dynamic_gather %add3A_989[%gather3A_994] in [0] : vector<16xf32>, vector<16xi32> -> vector<16xf32>
        %add3A_996 = arith.addf %add3A_989, %gather3A_995 : vector<16xf32>
        %xor3A_997 = arith.constant 2 : i32
        %xor3A_998 = vector.broadcast %xor3A_997 : i32 to vector<16xi32>
        %xor3A_999 = arith.xori %iota3A, %xor3A_998 : vector<16xi32>
        %reshape3A_1000 = vector.shape_cast %xor3A_999 : vector<16xi32> to vector<16x1xi32>
        %gather3A_1001 = vector.shape_cast %reshape3A_1000 : vector<16x1xi32> to vector<16xi32>
        %gather3A_1002 = tpu.dynamic_gather %add3A_996[%gather3A_1001] in [0] : vector<16xf32>, vector<16xi32> -> vector<16xf32>
        %add3A_1003 = arith.addf %add3A_996, %gather3A_1002 : vector<16xf32>
        %xor3A_1004 = arith.constant 1 : i32
        %xor3A_1005 = vector.broadcast %xor3A_1004 : i32 to vector<16xi32>
        %xor3A_1006 = arith.xori %iota3A, %xor3A_1005 : vector<16xi32>
        %reshape3A_1007 = vector.shape_cast %xor3A_1006 : vector<16xi32> to vector<16x1xi32>
        %gather3A_1008 = vector.shape_cast %reshape3A_1007 : vector<16x1xi32> to vector<16xi32>
        %gather3A_1009 = tpu.dynamic_gather %add3A_1003[%gather3A_1008] in [0] : vector<16xf32>, vector<16xi32> -> vector<16xf32>
        %add3A_1010 = arith.addf %add3A_1003, %gather3A_1009 : vector<16xf32>
        %eq3A_1011 = arith.constant 2 : i32
        %eq3A_1012 = vector.broadcast %eq3A_1011 : i32 to vector<16xi32>
        %eq3A_1013 = arith.cmpi eq, %iota3A, %eq3A_1012 : vector<16xi32>
        %select_n3A_1014 = arith.select %eq3A_1013, %add3A_1010, %select_n3A_965 : vector<16xi1>, vector<16xf32>
        %get3A_1015 = arith.index_cast %add3A_225 : i32 to index
        %get3A_1016 = arith.constant 48 : index
        %get3A_1017 = tpu.vector_load %arg18[%get3A_1015, %get3A_1016] {strides = array<i32>} : memref<40x128xf32, #tpu.memory_space<vmem>>, vector<1x16xf32>,
        %get3A_1018 = vector.shape_cast %get3A_1017 : vector<1x16xf32> to vector<16xf32>
        %get3A_1019 = arith.index_cast %add3A_225 : i32 to index
        %get3A_1020 = arith.constant 48 : index
        %get3A_1021 = tpu.vector_load %arg19[%get3A_1019, %get3A_1020] {strides = array<i32>} : memref<40x128xf32, #tpu.memory_space<vmem>>, vector<1x16xf32>,
        %get3A_1022 = vector.shape_cast %get3A_1021 : vector<1x16xf32> to vector<16xf32>
        %add3A_1023 = arith.addf %get3A_1018, %get3A_1022 : vector<16xf32>
        %gt3A_1024 = arith.constant 0.000000e+00 : f32
        %gt3A_1025 = vector.broadcast %gt3A_1024 : f32 to vector<16xf32>
        %gt3A_1026 = arith.cmpf ogt, %add3A_1023, %gt3A_1025 : vector<16xf32>
        %mul3A_1027 = arith.constant 2.000000e-01 : f32
        %mul3A_1028 = vector.broadcast %mul3A_1027 : f32 to vector<16xf32>
        %mul3A_1029 = arith.mulf %add3A_1023, %mul3A_1028 : vector<16xf32>
        %select_n3A_1030 = arith.select %gt3A_1026, %add3A_1023, %mul3A_1029 : vector<16xi1>, vector<16xf32>
        %mul3A_1031 = arith.mulf %select_n3A_1030, %get3A_63 : vector<16xf32>
        %xor3A_1032 = arith.constant 8 : i32
        %xor3A_1033 = vector.broadcast %xor3A_1032 : i32 to vector<16xi32>
        %xor3A_1034 = arith.xori %iota3A, %xor3A_1033 : vector<16xi32>
        %reshape3A_1035 = vector.shape_cast %xor3A_1034 : vector<16xi32> to vector<16x1xi32>
        %gather3A_1036 = vector.shape_cast %reshape3A_1035 : vector<16x1xi32> to vector<16xi32>
        %gather3A_1037 = tpu.dynamic_gather %mul3A_1031[%gather3A_1036] in [0] : vector<16xf32>, vector<16xi32> -> vector<16xf32>
        %add3A_1038 = arith.addf %mul3A_1031, %gather3A_1037 : vector<16xf32>
        %xor3A_1039 = arith.constant 4 : i32
        %xor3A_1040 = vector.broadcast %xor3A_1039 : i32 to vector<16xi32>
        %xor3A_1041 = arith.xori %iota3A, %xor3A_1040 : vector<16xi32>
        %reshape3A_1042 = vector.shape_cast %xor3A_1041 : vector<16xi32> to vector<16x1xi32>
        %gather3A_1043 = vector.shape_cast %reshape3A_1042 : vector<16x1xi32> to vector<16xi32>
        %gather3A_1044 = tpu.dynamic_gather %add3A_1038[%gather3A_1043] in [0] : vector<16xf32>, vector<16xi32> -> vector<16xf32>
        %add3A_1045 = arith.addf %add3A_1038, %gather3A_1044 : vector<16xf32>
        %xor3A_1046 = arith.constant 2 : i32
        %xor3A_1047 = vector.broadcast %xor3A_1046 : i32 to vector<16xi32>
        %xor3A_1048 = arith.xori %iota3A, %xor3A_1047 : vector<16xi32>
        %reshape3A_1049 = vector.shape_cast %xor3A_1048 : vector<16xi32> to vector<16x1xi32>
        %gather3A_1050 = vector.shape_cast %reshape3A_1049 : vector<16x1xi32> to vector<16xi32>
        %gather3A_1051 = tpu.dynamic_gather %add3A_1045[%gather3A_1050] in [0] : vector<16xf32>, vector<16xi32> -> vector<16xf32>
        %add3A_1052 = arith.addf %add3A_1045, %gather3A_1051 : vector<16xf32>
        %xor3A_1053 = arith.constant 1 : i32
        %xor3A_1054 = vector.broadcast %xor3A_1053 : i32 to vector<16xi32>
        %xor3A_1055 = arith.xori %iota3A, %xor3A_1054 : vector<16xi32>
        %reshape3A_1056 = vector.shape_cast %xor3A_1055 : vector<16xi32> to vector<16x1xi32>
        %gather3A_1057 = vector.shape_cast %reshape3A_1056 : vector<16x1xi32> to vector<16xi32>
        %gather3A_1058 = tpu.dynamic_gather %add3A_1052[%gather3A_1057] in [0] : vector<16xf32>, vector<16xi32> -> vector<16xf32>
        %add3A_1059 = arith.addf %add3A_1052, %gather3A_1058 : vector<16xf32>
        %eq3A_1060 = arith.constant 3 : i32
        %eq3A_1061 = vector.broadcast %eq3A_1060 : i32 to vector<16xi32>
        %eq3A_1062 = arith.cmpi eq, %iota3A, %eq3A_1061 : vector<16xi32>
        %select_n3A_1063 = arith.select %eq3A_1062, %add3A_1059, %select_n3A_1014 : vector<16xi1>, vector<16xf32>
        %get3A_1064 = arith.index_cast %add3A_225 : i32 to index
        %get3A_1065 = arith.constant 64 : index
        %get3A_1066 = tpu.vector_load %arg18[%get3A_1064, %get3A_1065] {strides = array<i32>} : memref<40x128xf32, #tpu.memory_space<vmem>>, vector<1x16xf32>,
        %get3A_1067 = vector.shape_cast %get3A_1066 : vector<1x16xf32> to vector<16xf32>
        %get3A_1068 = arith.index_cast %add3A_225 : i32 to index
        %get3A_1069 = arith.constant 64 : index
        %get3A_1070 = tpu.vector_load %arg19[%get3A_1068, %get3A_1069] {strides = array<i32>} : memref<40x128xf32, #tpu.memory_space<vmem>>, vector<1x16xf32>,
        %get3A_1071 = vector.shape_cast %get3A_1070 : vector<1x16xf32> to vector<16xf32>
        %add3A_1072 = arith.addf %get3A_1067, %get3A_1071 : vector<16xf32>
        %gt3A_1073 = arith.constant 0.000000e+00 : f32
        %gt3A_1074 = vector.broadcast %gt3A_1073 : f32 to vector<16xf32>
        %gt3A_1075 = arith.cmpf ogt, %add3A_1072, %gt3A_1074 : vector<16xf32>
        %mul3A_1076 = arith.constant 2.000000e-01 : f32
        %mul3A_1077 = vector.broadcast %mul3A_1076 : f32 to vector<16xf32>
        %mul3A_1078 = arith.mulf %add3A_1072, %mul3A_1077 : vector<16xf32>
        %select_n3A_1079 = arith.select %gt3A_1075, %add3A_1072, %mul3A_1078 : vector<16xi1>, vector<16xf32>
        %mul3A_1080 = arith.mulf %select_n3A_1079, %get3A_68 : vector<16xf32>
        %xor3A_1081 = arith.constant 8 : i32
        %xor3A_1082 = vector.broadcast %xor3A_1081 : i32 to vector<16xi32>
        %xor3A_1083 = arith.xori %iota3A, %xor3A_1082 : vector<16xi32>
        %reshape3A_1084 = vector.shape_cast %xor3A_1083 : vector<16xi32> to vector<16x1xi32>
        %gather3A_1085 = vector.shape_cast %reshape3A_1084 : vector<16x1xi32> to vector<16xi32>
        %gather3A_1086 = tpu.dynamic_gather %mul3A_1080[%gather3A_1085] in [0] : vector<16xf32>, vector<16xi32> -> vector<16xf32>
        %add3A_1087 = arith.addf %mul3A_1080, %gather3A_1086 : vector<16xf32>
        %xor3A_1088 = arith.constant 4 : i32
        %xor3A_1089 = vector.broadcast %xor3A_1088 : i32 to vector<16xi32>
        %xor3A_1090 = arith.xori %iota3A, %xor3A_1089 : vector<16xi32>
        %reshape3A_1091 = vector.shape_cast %xor3A_1090 : vector<16xi32> to vector<16x1xi32>
        %gather3A_1092 = vector.shape_cast %reshape3A_1091 : vector<16x1xi32> to vector<16xi32>
        %gather3A_1093 = tpu.dynamic_gather %add3A_1087[%gather3A_1092] in [0] : vector<16xf32>, vector<16xi32> -> vector<16xf32>
        %add3A_1094 = arith.addf %add3A_1087, %gather3A_1093 : vector<16xf32>
        %xor3A_1095 = arith.constant 2 : i32
        %xor3A_1096 = vector.broadcast %xor3A_1095 : i32 to vector<16xi32>
        %xor3A_1097 = arith.xori %iota3A, %xor3A_1096 : vector<16xi32>
        %reshape3A_1098 = vector.shape_cast %xor3A_1097 : vector<16xi32> to vector<16x1xi32>
        %gather3A_1099 = vector.shape_cast %reshape3A_1098 : vector<16x1xi32> to vector<16xi32>
        %gather3A_1100 = tpu.dynamic_gather %add3A_1094[%gather3A_1099] in [0] : vector<16xf32>, vector<16xi32> -> vector<16xf32>
        %add3A_1101 = arith.addf %add3A_1094, %gather3A_1100 : vector<16xf32>
        %xor3A_1102 = arith.constant 1 : i32
        %xor3A_1103 = vector.broadcast %xor3A_1102 : i32 to vector<16xi32>
        %xor3A_1104 = arith.xori %iota3A, %xor3A_1103 : vector<16xi32>
        %reshape3A_1105 = vector.shape_cast %xor3A_1104 : vector<16xi32> to vector<16x1xi32>
        %gather3A_1106 = vector.shape_cast %reshape3A_1105 : vector<16x1xi32> to vector<16xi32>
        %gather3A_1107 = tpu.dynamic_gather %add3A_1101[%gather3A_1106] in [0] : vector<16xf32>, vector<16xi32> -> vector<16xf32>
        %add3A_1108 = arith.addf %add3A_1101, %gather3A_1107 : vector<16xf32>
        %eq3A_1109 = arith.constant 4 : i32
        %eq3A_1110 = vector.broadcast %eq3A_1109 : i32 to vector<16xi32>
        %eq3A_1111 = arith.cmpi eq, %iota3A, %eq3A_1110 : vector<16xi32>
        %select_n3A_1112 = arith.select %eq3A_1111, %add3A_1108, %select_n3A_1063 : vector<16xi1>, vector<16xf32>
        %get3A_1113 = arith.index_cast %add3A_225 : i32 to index
        %get3A_1114 = arith.constant 80 : index
        %get3A_1115 = tpu.vector_load %arg18[%get3A_1113, %get3A_1114] {strides = array<i32>} : memref<40x128xf32, #tpu.memory_space<vmem>>, vector<1x16xf32>,
        %get3A_1116 = vector.shape_cast %get3A_1115 : vector<1x16xf32> to vector<16xf32>
        %get3A_1117 = arith.index_cast %add3A_225 : i32 to index
        %get3A_1118 = arith.constant 80 : index
        %get3A_1119 = tpu.vector_load %arg19[%get3A_1117, %get3A_1118] {strides = array<i32>} : memref<40x128xf32, #tpu.memory_space<vmem>>, vector<1x16xf32>,
        %get3A_1120 = vector.shape_cast %get3A_1119 : vector<1x16xf32> to vector<16xf32>
        %add3A_1121 = arith.addf %get3A_1116, %get3A_1120 : vector<16xf32>
        %gt3A_1122 = arith.constant 0.000000e+00 : f32
        %gt3A_1123 = vector.broadcast %gt3A_1122 : f32 to vector<16xf32>
        %gt3A_1124 = arith.cmpf ogt, %add3A_1121, %gt3A_1123 : vector<16xf32>
        %mul3A_1125 = arith.constant 2.000000e-01 : f32
        %mul3A_1126 = vector.broadcast %mul3A_1125 : f32 to vector<16xf32>
        %mul3A_1127 = arith.mulf %add3A_1121, %mul3A_1126 : vector<16xf32>
        %select_n3A_1128 = arith.select %gt3A_1124, %add3A_1121, %mul3A_1127 : vector<16xi1>, vector<16xf32>
        %mul3A_1129 = arith.mulf %select_n3A_1128, %get3A_73 : vector<16xf32>
        %xor3A_1130 = arith.constant 8 : i32
        %xor3A_1131 = vector.broadcast %xor3A_1130 : i32 to vector<16xi32>
        %xor3A_1132 = arith.xori %iota3A, %xor3A_1131 : vector<16xi32>
        %reshape3A_1133 = vector.shape_cast %xor3A_1132 : vector<16xi32> to vector<16x1xi32>
        %gather3A_1134 = vector.shape_cast %reshape3A_1133 : vector<16x1xi32> to vector<16xi32>
        %gather3A_1135 = tpu.dynamic_gather %mul3A_1129[%gather3A_1134] in [0] : vector<16xf32>, vector<16xi32> -> vector<16xf32>
        %add3A_1136 = arith.addf %mul3A_1129, %gather3A_1135 : vector<16xf32>
        %xor3A_1137 = arith.constant 4 : i32
        %xor3A_1138 = vector.broadcast %xor3A_1137 : i32 to vector<16xi32>
        %xor3A_1139 = arith.xori %iota3A, %xor3A_1138 : vector<16xi32>
        %reshape3A_1140 = vector.shape_cast %xor3A_1139 : vector<16xi32> to vector<16x1xi32>
        %gather3A_1141 = vector.shape_cast %reshape3A_1140 : vector<16x1xi32> to vector<16xi32>
        %gather3A_1142 = tpu.dynamic_gather %add3A_1136[%gather3A_1141] in [0] : vector<16xf32>, vector<16xi32> -> vector<16xf32>
        %add3A_1143 = arith.addf %add3A_1136, %gather3A_1142 : vector<16xf32>
        %xor3A_1144 = arith.constant 2 : i32
        %xor3A_1145 = vector.broadcast %xor3A_1144 : i32 to vector<16xi32>
        %xor3A_1146 = arith.xori %iota3A, %xor3A_1145 : vector<16xi32>
        %reshape3A_1147 = vector.shape_cast %xor3A_1146 : vector<16xi32> to vector<16x1xi32>
        %gather3A_1148 = vector.shape_cast %reshape3A_1147 : vector<16x1xi32> to vector<16xi32>
        %gather3A_1149 = tpu.dynamic_gather %add3A_1143[%gather3A_1148] in [0] : vector<16xf32>, vector<16xi32> -> vector<16xf32>
        %add3A_1150 = arith.addf %add3A_1143, %gather3A_1149 : vector<16xf32>
        %xor3A_1151 = arith.constant 1 : i32
        %xor3A_1152 = vector.broadcast %xor3A_1151 : i32 to vector<16xi32>
        %xor3A_1153 = arith.xori %iota3A, %xor3A_1152 : vector<16xi32>
        %reshape3A_1154 = vector.shape_cast %xor3A_1153 : vector<16xi32> to vector<16x1xi32>
        %gather3A_1155 = vector.shape_cast %reshape3A_1154 : vector<16x1xi32> to vector<16xi32>
        %gather3A_1156 = tpu.dynamic_gather %add3A_1150[%gather3A_1155] in [0] : vector<16xf32>, vector<16xi32> -> vector<16xf32>
        %add3A_1157 = arith.addf %add3A_1150, %gather3A_1156 : vector<16xf32>
        %eq3A_1158 = arith.constant 5 : i32
        %eq3A_1159 = vector.broadcast %eq3A_1158 : i32 to vector<16xi32>
        %eq3A_1160 = arith.cmpi eq, %iota3A, %eq3A_1159 : vector<16xi32>
        %select_n3A_1161 = arith.select %eq3A_1160, %add3A_1157, %select_n3A_1112 : vector<16xi1>, vector<16xf32>
        %get3A_1162 = arith.index_cast %add3A_225 : i32 to index
        %get3A_1163 = arith.constant 96 : index
        %get3A_1164 = tpu.vector_load %arg18[%get3A_1162, %get3A_1163] {strides = array<i32>} : memref<40x128xf32, #tpu.memory_space<vmem>>, vector<1x16xf32>,
        %get3A_1165 = vector.shape_cast %get3A_1164 : vector<1x16xf32> to vector<16xf32>
        %get3A_1166 = arith.index_cast %add3A_225 : i32 to index
        %get3A_1167 = arith.constant 96 : index
        %get3A_1168 = tpu.vector_load %arg19[%get3A_1166, %get3A_1167] {strides = array<i32>} : memref<40x128xf32, #tpu.memory_space<vmem>>, vector<1x16xf32>,
        %get3A_1169 = vector.shape_cast %get3A_1168 : vector<1x16xf32> to vector<16xf32>
        %add3A_1170 = arith.addf %get3A_1165, %get3A_1169 : vector<16xf32>
        %gt3A_1171 = arith.constant 0.000000e+00 : f32
        %gt3A_1172 = vector.broadcast %gt3A_1171 : f32 to vector<16xf32>
        %gt3A_1173 = arith.cmpf ogt, %add3A_1170, %gt3A_1172 : vector<16xf32>
        %mul3A_1174 = arith.constant 2.000000e-01 : f32
        %mul3A_1175 = vector.broadcast %mul3A_1174 : f32 to vector<16xf32>
        %mul3A_1176 = arith.mulf %add3A_1170, %mul3A_1175 : vector<16xf32>
        %select_n3A_1177 = arith.select %gt3A_1173, %add3A_1170, %mul3A_1176 : vector<16xi1>, vector<16xf32>
        %mul3A_1178 = arith.mulf %select_n3A_1177, %get3A_78 : vector<16xf32>
        %xor3A_1179 = arith.constant 8 : i32
        %xor3A_1180 = vector.broadcast %xor3A_1179 : i32 to vector<16xi32>
        %xor3A_1181 = arith.xori %iota3A, %xor3A_1180 : vector<16xi32>
        %reshape3A_1182 = vector.shape_cast %xor3A_1181 : vector<16xi32> to vector<16x1xi32>
        %gather3A_1183 = vector.shape_cast %reshape3A_1182 : vector<16x1xi32> to vector<16xi32>
        %gather3A_1184 = tpu.dynamic_gather %mul3A_1178[%gather3A_1183] in [0] : vector<16xf32>, vector<16xi32> -> vector<16xf32>
        %add3A_1185 = arith.addf %mul3A_1178, %gather3A_1184 : vector<16xf32>
        %xor3A_1186 = arith.constant 4 : i32
        %xor3A_1187 = vector.broadcast %xor3A_1186 : i32 to vector<16xi32>
        %xor3A_1188 = arith.xori %iota3A, %xor3A_1187 : vector<16xi32>
        %reshape3A_1189 = vector.shape_cast %xor3A_1188 : vector<16xi32> to vector<16x1xi32>
        %gather3A_1190 = vector.shape_cast %reshape3A_1189 : vector<16x1xi32> to vector<16xi32>
        %gather3A_1191 = tpu.dynamic_gather %add3A_1185[%gather3A_1190] in [0] : vector<16xf32>, vector<16xi32> -> vector<16xf32>
        %add3A_1192 = arith.addf %add3A_1185, %gather3A_1191 : vector<16xf32>
        %xor3A_1193 = arith.constant 2 : i32
        %xor3A_1194 = vector.broadcast %xor3A_1193 : i32 to vector<16xi32>
        %xor3A_1195 = arith.xori %iota3A, %xor3A_1194 : vector<16xi32>
        %reshape3A_1196 = vector.shape_cast %xor3A_1195 : vector<16xi32> to vector<16x1xi32>
        %gather3A_1197 = vector.shape_cast %reshape3A_1196 : vector<16x1xi32> to vector<16xi32>
        %gather3A_1198 = tpu.dynamic_gather %add3A_1192[%gather3A_1197] in [0] : vector<16xf32>, vector<16xi32> -> vector<16xf32>
        %add3A_1199 = arith.addf %add3A_1192, %gather3A_1198 : vector<16xf32>
        %xor3A_1200 = arith.constant 1 : i32
        %xor3A_1201 = vector.broadcast %xor3A_1200 : i32 to vector<16xi32>
        %xor3A_1202 = arith.xori %iota3A, %xor3A_1201 : vector<16xi32>
        %reshape3A_1203 = vector.shape_cast %xor3A_1202 : vector<16xi32> to vector<16x1xi32>
        %gather3A_1204 = vector.shape_cast %reshape3A_1203 : vector<16x1xi32> to vector<16xi32>
        %gather3A_1205 = tpu.dynamic_gather %add3A_1199[%gather3A_1204] in [0] : vector<16xf32>, vector<16xi32> -> vector<16xf32>
        %add3A_1206 = arith.addf %add3A_1199, %gather3A_1205 : vector<16xf32>
        %eq3A_1207 = arith.constant 6 : i32
        %eq3A_1208 = vector.broadcast %eq3A_1207 : i32 to vector<16xi32>
        %eq3A_1209 = arith.cmpi eq, %iota3A, %eq3A_1208 : vector<16xi32>
        %select_n3A_1210 = arith.select %eq3A_1209, %add3A_1206, %select_n3A_1161 : vector<16xi1>, vector<16xf32>
        %get3A_1211 = arith.index_cast %add3A_225 : i32 to index
        %get3A_1212 = arith.constant 112 : index
        %get3A_1213 = tpu.vector_load %arg18[%get3A_1211, %get3A_1212] {strides = array<i32>} : memref<40x128xf32, #tpu.memory_space<vmem>>, vector<1x16xf32>,
        %get3A_1214 = vector.shape_cast %get3A_1213 : vector<1x16xf32> to vector<16xf32>
        %get3A_1215 = arith.index_cast %add3A_225 : i32 to index
        %get3A_1216 = arith.constant 112 : index
        %get3A_1217 = tpu.vector_load %arg19[%get3A_1215, %get3A_1216] {strides = array<i32>} : memref<40x128xf32, #tpu.memory_space<vmem>>, vector<1x16xf32>,
        %get3A_1218 = vector.shape_cast %get3A_1217 : vector<1x16xf32> to vector<16xf32>
        %add3A_1219 = arith.addf %get3A_1214, %get3A_1218 : vector<16xf32>
        %gt3A_1220 = arith.constant 0.000000e+00 : f32
        %gt3A_1221 = vector.broadcast %gt3A_1220 : f32 to vector<16xf32>
        %gt3A_1222 = arith.cmpf ogt, %add3A_1219, %gt3A_1221 : vector<16xf32>
        %mul3A_1223 = arith.constant 2.000000e-01 : f32
        %mul3A_1224 = vector.broadcast %mul3A_1223 : f32 to vector<16xf32>
        %mul3A_1225 = arith.mulf %add3A_1219, %mul3A_1224 : vector<16xf32>
        %select_n3A_1226 = arith.select %gt3A_1222, %add3A_1219, %mul3A_1225 : vector<16xi1>, vector<16xf32>
        %mul3A_1227 = arith.mulf %select_n3A_1226, %get3A_83 : vector<16xf32>
        %xor3A_1228 = arith.constant 8 : i32
        %xor3A_1229 = vector.broadcast %xor3A_1228 : i32 to vector<16xi32>
        %xor3A_1230 = arith.xori %iota3A, %xor3A_1229 : vector<16xi32>
        %reshape3A_1231 = vector.shape_cast %xor3A_1230 : vector<16xi32> to vector<16x1xi32>
        %gather3A_1232 = vector.shape_cast %reshape3A_1231 : vector<16x1xi32> to vector<16xi32>
        %gather3A_1233 = tpu.dynamic_gather %mul3A_1227[%gather3A_1232] in [0] : vector<16xf32>, vector<16xi32> -> vector<16xf32>
        %add3A_1234 = arith.addf %mul3A_1227, %gather3A_1233 : vector<16xf32>
        %xor3A_1235 = arith.constant 4 : i32
        %xor3A_1236 = vector.broadcast %xor3A_1235 : i32 to vector<16xi32>
        %xor3A_1237 = arith.xori %iota3A, %xor3A_1236 : vector<16xi32>
        %reshape3A_1238 = vector.shape_cast %xor3A_1237 : vector<16xi32> to vector<16x1xi32>
        %gather3A_1239 = vector.shape_cast %reshape3A_1238 : vector<16x1xi32> to vector<16xi32>
        %gather3A_1240 = tpu.dynamic_gather %add3A_1234[%gather3A_1239] in [0] : vector<16xf32>, vector<16xi32> -> vector<16xf32>
        %add3A_1241 = arith.addf %add3A_1234, %gather3A_1240 : vector<16xf32>
        %xor3A_1242 = arith.constant 2 : i32
        %xor3A_1243 = vector.broadcast %xor3A_1242 : i32 to vector<16xi32>
        %xor3A_1244 = arith.xori %iota3A, %xor3A_1243 : vector<16xi32>
        %reshape3A_1245 = vector.shape_cast %xor3A_1244 : vector<16xi32> to vector<16x1xi32>
        %gather3A_1246 = vector.shape_cast %reshape3A_1245 : vector<16x1xi32> to vector<16xi32>
        %gather3A_1247 = tpu.dynamic_gather %add3A_1241[%gather3A_1246] in [0] : vector<16xf32>, vector<16xi32> -> vector<16xf32>
        %add3A_1248 = arith.addf %add3A_1241, %gather3A_1247 : vector<16xf32>
        %xor3A_1249 = arith.constant 1 : i32
        %xor3A_1250 = vector.broadcast %xor3A_1249 : i32 to vector<16xi32>
        %xor3A_1251 = arith.xori %iota3A, %xor3A_1250 : vector<16xi32>
        %reshape3A_1252 = vector.shape_cast %xor3A_1251 : vector<16xi32> to vector<16x1xi32>
        %gather3A_1253 = vector.shape_cast %reshape3A_1252 : vector<16x1xi32> to vector<16xi32>
        %gather3A_1254 = tpu.dynamic_gather %add3A_1248[%gather3A_1253] in [0] : vector<16xf32>, vector<16xi32> -> vector<16xf32>
        %add3A_1255 = arith.addf %add3A_1248, %gather3A_1254 : vector<16xf32>
        %eq3A_1256 = arith.constant 7 : i32
        %eq3A_1257 = vector.broadcast %eq3A_1256 : i32 to vector<16xi32>
        %eq3A_1258 = arith.cmpi eq, %iota3A, %eq3A_1257 : vector<16xi32>
        %select_n3A_1259 = arith.select %eq3A_1258, %add3A_1255, %select_n3A_1210 : vector<16xi1>, vector<16xf32>
        %lt3A_1260 = arith.constant 8 : i32
        %lt3A_1261 = vector.broadcast %lt3A_1260 : i32 to vector<16xi32>
        %lt3A_1262 = arith.cmpi slt, %iota3A, %lt3A_1261 : vector<16xi32>
        %exp3A_1263 = math.exp %select_n3A_1259 : vector<16xf32>
        %jit3A_1264 = arith.constant 0.000000e+00 : f32
        %broadcast_in_dim3A_1265 = vector.broadcast %jit3A_1264 : f32 to vector<16xf32>
        %select_n3A_1266 = arith.select %lt3A_1262, %exp3A_1263, %broadcast_in_dim3A_1265 : vector<16xi1>, vector<16xf32>
        %broadcast_in_dim3A_1267 = arith.constant 0 : i32
        %broadcast_in_dim3A_1268 = vector.broadcast %broadcast_in_dim3A_1267 : i32 to vector<16xi32>
        %reshape3A_1269 = vector.shape_cast %broadcast_in_dim3A_1268 : vector<16xi32> to vector<16x1xi32>
        %gather3A_1270 = vector.shape_cast %reshape3A_1269 : vector<16x1xi32> to vector<16xi32>
        %gather3A_1271 = tpu.dynamic_gather %select_n3A_1266[%gather3A_1270] in [0] : vector<16xf32>, vector<16xi32> -> vector<16xf32>
        %mul3A_1272 = arith.mulf %gather3A_1271, %get3A_871 : vector<16xf32>
        %swap3A_1273 = arith.index_cast %add3A_225 : i32 to index
        %swap3A_1274 = arith.constant 0 : index
        %swap3A_1275 = tpu.vector_load %arg18[%swap3A_1273, %swap3A_1274] {strides = array<i32>} : memref<40x128xf32, #tpu.memory_space<vmem>>, vector<1x16xf32>,
        %swap3A_1276 = vector.shape_cast %swap3A_1275 : vector<1x16xf32> to vector<16xf32>
        %swap3A_1277 = vector.shape_cast %mul3A_1272 : vector<16xf32> to vector<1x16xf32>
        tpu.vector_store %arg18[%swap3A_1273, %swap3A_1274], %swap3A_1277 {strides = array<i32>} : memref<40x128xf32, #tpu.memory_space<vmem>>, vector<1x16xf32>,
        %broadcast_in_dim3A_1278 = arith.constant 1 : i32
        %broadcast_in_dim3A_1279 = vector.broadcast %broadcast_in_dim3A_1278 : i32 to vector<16xi32>
        %reshape3A_1280 = vector.shape_cast %broadcast_in_dim3A_1279 : vector<16xi32> to vector<16x1xi32>
        %gather3A_1281 = vector.shape_cast %reshape3A_1280 : vector<16x1xi32> to vector<16xi32>
        %gather3A_1282 = tpu.dynamic_gather %select_n3A_1266[%gather3A_1281] in [0] : vector<16xf32>, vector<16xi32> -> vector<16xf32>
        %mul3A_1283 = arith.mulf %gather3A_1282, %get3A_920 : vector<16xf32>
        %swap3A_1284 = arith.index_cast %add3A_225 : i32 to index
        %swap3A_1285 = arith.constant 16 : index
        %swap3A_1286 = tpu.vector_load %arg18[%swap3A_1284, %swap3A_1285] {strides = array<i32>} : memref<40x128xf32, #tpu.memory_space<vmem>>, vector<1x16xf32>,
        %swap3A_1287 = vector.shape_cast %swap3A_1286 : vector<1x16xf32> to vector<16xf32>
        %swap3A_1288 = vector.shape_cast %mul3A_1283 : vector<16xf32> to vector<1x16xf32>
        tpu.vector_store %arg18[%swap3A_1284, %swap3A_1285], %swap3A_1288 {strides = array<i32>} : memref<40x128xf32, #tpu.memory_space<vmem>>, vector<1x16xf32>,
        %broadcast_in_dim3A_1289 = arith.constant 2 : i32
        %broadcast_in_dim3A_1290 = vector.broadcast %broadcast_in_dim3A_1289 : i32 to vector<16xi32>
        %reshape3A_1291 = vector.shape_cast %broadcast_in_dim3A_1290 : vector<16xi32> to vector<16x1xi32>
        %gather3A_1292 = vector.shape_cast %reshape3A_1291 : vector<16x1xi32> to vector<16xi32>
        %gather3A_1293 = tpu.dynamic_gather %select_n3A_1266[%gather3A_1292] in [0] : vector<16xf32>, vector<16xi32> -> vector<16xf32>
        %mul3A_1294 = arith.mulf %gather3A_1293, %get3A_969 : vector<16xf32>
        %swap3A_1295 = arith.index_cast %add3A_225 : i32 to index
        %swap3A_1296 = arith.constant 32 : index
        %swap3A_1297 = tpu.vector_load %arg18[%swap3A_1295, %swap3A_1296] {strides = array<i32>} : memref<40x128xf32, #tpu.memory_space<vmem>>, vector<1x16xf32>,
        %swap3A_1298 = vector.shape_cast %swap3A_1297 : vector<1x16xf32> to vector<16xf32>
        %swap3A_1299 = vector.shape_cast %mul3A_1294 : vector<16xf32> to vector<1x16xf32>
        tpu.vector_store %arg18[%swap3A_1295, %swap3A_1296], %swap3A_1299 {strides = array<i32>} : memref<40x128xf32, #tpu.memory_space<vmem>>, vector<1x16xf32>,
        %broadcast_in_dim3A_1300 = arith.constant 3 : i32
        %broadcast_in_dim3A_1301 = vector.broadcast %broadcast_in_dim3A_1300 : i32 to vector<16xi32>
        %reshape3A_1302 = vector.shape_cast %broadcast_in_dim3A_1301 : vector<16xi32> to vector<16x1xi32>
        %gather3A_1303 = vector.shape_cast %reshape3A_1302 : vector<16x1xi32> to vector<16xi32>
        %gather3A_1304 = tpu.dynamic_gather %select_n3A_1266[%gather3A_1303] in [0] : vector<16xf32>, vector<16xi32> -> vector<16xf32>
        %mul3A_1305 = arith.mulf %gather3A_1304, %get3A_1018 : vector<16xf32>
        %swap3A_1306 = arith.index_cast %add3A_225 : i32 to index
        %swap3A_1307 = arith.constant 48 : index
        %swap3A_1308 = tpu.vector_load %arg18[%swap3A_1306, %swap3A_1307] {strides = array<i32>} : memref<40x128xf32, #tpu.memory_space<vmem>>, vector<1x16xf32>,
        %swap3A_1309 = vector.shape_cast %swap3A_1308 : vector<1x16xf32> to vector<16xf32>
        %swap3A_1310 = vector.shape_cast %mul3A_1305 : vector<16xf32> to vector<1x16xf32>
        tpu.vector_store %arg18[%swap3A_1306, %swap3A_1307], %swap3A_1310 {strides = array<i32>} : memref<40x128xf32, #tpu.memory_space<vmem>>, vector<1x16xf32>,
        %broadcast_in_dim3A_1311 = arith.constant 4 : i32
        %broadcast_in_dim3A_1312 = vector.broadcast %broadcast_in_dim3A_1311 : i32 to vector<16xi32>
        %reshape3A_1313 = vector.shape_cast %broadcast_in_dim3A_1312 : vector<16xi32> to vector<16x1xi32>
        %gather3A_1314 = vector.shape_cast %reshape3A_1313 : vector<16x1xi32> to vector<16xi32>
        %gather3A_1315 = tpu.dynamic_gather %select_n3A_1266[%gather3A_1314] in [0] : vector<16xf32>, vector<16xi32> -> vector<16xf32>
        %mul3A_1316 = arith.mulf %gather3A_1315, %get3A_1067 : vector<16xf32>
        %swap3A_1317 = arith.index_cast %add3A_225 : i32 to index
        %swap3A_1318 = arith.constant 64 : index
        %swap3A_1319 = tpu.vector_load %arg18[%swap3A_1317, %swap3A_1318] {strides = array<i32>} : memref<40x128xf32, #tpu.memory_space<vmem>>, vector<1x16xf32>,
        %swap3A_1320 = vector.shape_cast %swap3A_1319 : vector<1x16xf32> to vector<16xf32>
        %swap3A_1321 = vector.shape_cast %mul3A_1316 : vector<16xf32> to vector<1x16xf32>
        tpu.vector_store %arg18[%swap3A_1317, %swap3A_1318], %swap3A_1321 {strides = array<i32>} : memref<40x128xf32, #tpu.memory_space<vmem>>, vector<1x16xf32>,
        %broadcast_in_dim3A_1322 = arith.constant 5 : i32
        %broadcast_in_dim3A_1323 = vector.broadcast %broadcast_in_dim3A_1322 : i32 to vector<16xi32>
        %reshape3A_1324 = vector.shape_cast %broadcast_in_dim3A_1323 : vector<16xi32> to vector<16x1xi32>
        %gather3A_1325 = vector.shape_cast %reshape3A_1324 : vector<16x1xi32> to vector<16xi32>
        %gather3A_1326 = tpu.dynamic_gather %select_n3A_1266[%gather3A_1325] in [0] : vector<16xf32>, vector<16xi32> -> vector<16xf32>
        %mul3A_1327 = arith.mulf %gather3A_1326, %get3A_1116 : vector<16xf32>
        %swap3A_1328 = arith.index_cast %add3A_225 : i32 to index
        %swap3A_1329 = arith.constant 80 : index
        %swap3A_1330 = tpu.vector_load %arg18[%swap3A_1328, %swap3A_1329] {strides = array<i32>} : memref<40x128xf32, #tpu.memory_space<vmem>>, vector<1x16xf32>,
        %swap3A_1331 = vector.shape_cast %swap3A_1330 : vector<1x16xf32> to vector<16xf32>
        %swap3A_1332 = vector.shape_cast %mul3A_1327 : vector<16xf32> to vector<1x16xf32>
        tpu.vector_store %arg18[%swap3A_1328, %swap3A_1329], %swap3A_1332 {strides = array<i32>} : memref<40x128xf32, #tpu.memory_space<vmem>>, vector<1x16xf32>,
        %broadcast_in_dim3A_1333 = arith.constant 6 : i32
        %broadcast_in_dim3A_1334 = vector.broadcast %broadcast_in_dim3A_1333 : i32 to vector<16xi32>
        %reshape3A_1335 = vector.shape_cast %broadcast_in_dim3A_1334 : vector<16xi32> to vector<16x1xi32>
        %gather3A_1336 = vector.shape_cast %reshape3A_1335 : vector<16x1xi32> to vector<16xi32>
        %gather3A_1337 = tpu.dynamic_gather %select_n3A_1266[%gather3A_1336] in [0] : vector<16xf32>, vector<16xi32> -> vector<16xf32>
        %mul3A_1338 = arith.mulf %gather3A_1337, %get3A_1165 : vector<16xf32>
        %swap3A_1339 = arith.index_cast %add3A_225 : i32 to index
        %swap3A_1340 = arith.constant 96 : index
        %swap3A_1341 = tpu.vector_load %arg18[%swap3A_1339, %swap3A_1340] {strides = array<i32>} : memref<40x128xf32, #tpu.memory_space<vmem>>, vector<1x16xf32>,
        %swap3A_1342 = vector.shape_cast %swap3A_1341 : vector<1x16xf32> to vector<16xf32>
        %swap3A_1343 = vector.shape_cast %mul3A_1338 : vector<16xf32> to vector<1x16xf32>
        tpu.vector_store %arg18[%swap3A_1339, %swap3A_1340], %swap3A_1343 {strides = array<i32>} : memref<40x128xf32, #tpu.memory_space<vmem>>, vector<1x16xf32>,
        %broadcast_in_dim3A_1344 = arith.constant 7 : i32
        %broadcast_in_dim3A_1345 = vector.broadcast %broadcast_in_dim3A_1344 : i32 to vector<16xi32>
        %reshape3A_1346 = vector.shape_cast %broadcast_in_dim3A_1345 : vector<16xi32> to vector<16x1xi32>
        %gather3A_1347 = vector.shape_cast %reshape3A_1346 : vector<16x1xi32> to vector<16xi32>
        %gather3A_1348 = tpu.dynamic_gather %select_n3A_1266[%gather3A_1347] in [0] : vector<16xf32>, vector<16xi32> -> vector<16xf32>
        %mul3A_1349 = arith.mulf %gather3A_1348, %get3A_1214 : vector<16xf32>
        %swap3A_1350 = arith.index_cast %add3A_225 : i32 to index
        %swap3A_1351 = arith.constant 112 : index
        %swap3A_1352 = tpu.vector_load %arg18[%swap3A_1350, %swap3A_1351] {strides = array<i32>} : memref<40x128xf32, #tpu.memory_space<vmem>>, vector<1x16xf32>,
        %swap3A_1353 = vector.shape_cast %swap3A_1352 : vector<1x16xf32> to vector<16xf32>
        %swap3A_1354 = vector.shape_cast %mul3A_1349 : vector<16xf32> to vector<1x16xf32>
        tpu.vector_store %arg18[%swap3A_1350, %swap3A_1351], %swap3A_1354 {strides = array<i32>} : memref<40x128xf32, #tpu.memory_space<vmem>>, vector<1x16xf32>,
        %jit3A_1355 = arith.constant 16 : i32
        %div3A_1356 = arith.divsi %add3A_225, %jit3A_1355 : i32
        %sign3A_1357 = arith.constant 0 : i32
        %sign3A_1358 = arith.cmpi sgt, %add3A_225, %sign3A_1357 : i32
        %sign3A_1359 = arith.extui %sign3A_1358 : i1 to i32
        %sign3A_1360 = arith.constant 0 : i32
        %sign3A_1361 = arith.cmpi slt, %add3A_225, %sign3A_1360 : i32
        %sign3A_1362 = arith.extui %sign3A_1361 : i1 to i32
        %sign3A_1363 = arith.subi %sign3A_1359, %sign3A_1362 : i32
        %sign3A_1364 = arith.constant 0 : i32
        %sign3A_1365 = arith.cmpi sgt, %jit3A_1355, %sign3A_1364 : i32
        %sign3A_1366 = arith.extui %sign3A_1365 : i1 to i32
        %sign3A_1367 = arith.constant 0 : i32
        %sign3A_1368 = arith.cmpi slt, %jit3A_1355, %sign3A_1367 : i32
        %sign3A_1369 = arith.extui %sign3A_1368 : i1 to i32
        %sign3A_1370 = arith.subi %sign3A_1366, %sign3A_1369 : i32
        %ne3A_1371 = arith.cmpi ne, %sign3A_1363, %sign3A_1370 : i32
        %rem3A_1372 = arith.remsi %add3A_225, %jit3A_1355 : i32
        %ne3A_1373 = arith.constant 0 : i32
        %ne3A_1374 = arith.cmpi ne, %rem3A_1372, %ne3A_1373 : i32
        %and3A_1375 = arith.andi %ne3A_1371, %ne3A_1374 : i1
        %sub3A_1376 = arith.constant 1 : i32
        %sub3A_1377 = arith.subi %div3A_1356, %sub3A_1376 : i32
        %select_n3A_1378 = arith.select %and3A_1375, %sub3A_1377, %div3A_1356 : i32
        %mul3A_1379 = arith.constant 16 : i32
        %mul3A_1380 = arith.muli %select_n3A_1378, %mul3A_1379 : i32
        %min3A_1381 = arith.constant 24 : i32
        %min3A_1382 = arith.minsi %mul3A_1380, %min3A_1381 : i32
        %get3A_1383 = arith.index_cast %min3A_1382 : i32 to index
        %get3A_1384 = tpu.vector_load %arg14[%get3A_1383] {strides = array<i32>} : memref<40xi32, #tpu.memory_space<vmem>>, vector<16xi32>,
        %get3A_1385 = vector.shape_cast %get3A_1384 : vector<16xi32> to vector<16xi32>
        %broadcast_in_dim3A_1386 = arith.constant 0 : i32
        %broadcast_in_dim3A_1387 = vector.broadcast %broadcast_in_dim3A_1386 : i32 to vector<16xi32>
        %sub3A_1388 = arith.subi %add3A_225, %min3A_1382 : i32
        %add3A_1389 = vector.broadcast %sub3A_1388 : i32 to vector<16xi32>
        %add3A_1390 = arith.addi %broadcast_in_dim3A_1387, %add3A_1389 : vector<16xi32>
        %reshape3A_1391 = vector.shape_cast %add3A_1390 : vector<16xi32> to vector<16x1xi32>
        %gather3A_1392 = vector.shape_cast %reshape3A_1391 : vector<16x1xi32> to vector<16xi32>
        %gather3A_1393 = tpu.dynamic_gather %get3A_1385[%gather3A_1392] in [0] : vector<16xi32>, vector<16xi32> -> vector<16xi32>
        %and3A_1394 = arith.constant 7 : i32
        %and3A_1395 = vector.broadcast %and3A_1394 : i32 to vector<16xi32>
        %and3A_1396 = arith.andi %gather3A_1393, %and3A_1395 : vector<16xi32>
        %convert_element_type3A_1397 = arith.sitofp %and3A_1396 : vector<16xi32> to vector<16xf32>
        %sub3A_1398 = arith.constant 0.000000e+00 : f32
        %sub3A_1399 = vector.broadcast %sub3A_1398 : f32 to vector<16xf32>
        %sub3A_1400 = arith.subf %convert_element_type3A_1397, %sub3A_1399 : vector<16xf32>
        %mul3A_1401 = arith.mulf %sub3A_1400, %sub3A_1400 : vector<16xf32>
        %sub3A_1402 = arith.constant 1.000000e+00 : f32
        %sub3A_1403 = vector.broadcast %sub3A_1402 : f32 to vector<16xf32>
        %sub3A_1404 = arith.subf %sub3A_1403, %mul3A_1401 : vector<16xf32>
        %max3A_1405 = arith.constant 0.000000e+00 : f32
        %max3A_1406 = vector.broadcast %max3A_1405 : f32 to vector<16xf32>
        %max3A_1407 = arith.maximumf %sub3A_1404, %max3A_1406 : vector<16xf32>
        %mul3A_1408 = arith.mulf %select_n3A_1266, %max3A_1407 : vector<16xf32>
        %swap3A_1409 = arith.index_cast %add3A_225 : i32 to index
        %swap3A_1410 = arith.constant 0 : index
        %swap3A_1411 = tpu.vector_load %arg20[%swap3A_1409, %swap3A_1410] {strides = array<i32>} : memref<40x128xf32, #tpu.memory_space<vmem>>, vector<1x16xf32>,
        %swap3A_1412 = vector.shape_cast %swap3A_1411 : vector<1x16xf32> to vector<16xf32>
        %swap3A_1413 = vector.shape_cast %mul3A_1408 : vector<16xf32> to vector<1x16xf32>
        tpu.vector_store %arg20[%swap3A_1409, %swap3A_1410], %swap3A_1413 {strides = array<i32>} : memref<40x128xf32, #tpu.memory_space<vmem>>, vector<1x16xf32>,
        %sub3A_1414 = arith.constant 1.000000e+00 : f32
        %sub3A_1415 = vector.broadcast %sub3A_1414 : f32 to vector<16xf32>
        %sub3A_1416 = arith.subf %convert_element_type3A_1397, %sub3A_1415 : vector<16xf32>
        %mul3A_1417 = arith.mulf %sub3A_1416, %sub3A_1416 : vector<16xf32>
        %sub3A_1418 = arith.constant 1.000000e+00 : f32
        %sub3A_1419 = vector.broadcast %sub3A_1418 : f32 to vector<16xf32>
        %sub3A_1420 = arith.subf %sub3A_1419, %mul3A_1417 : vector<16xf32>
        %max3A_1421 = arith.constant 0.000000e+00 : f32
        %max3A_1422 = vector.broadcast %max3A_1421 : f32 to vector<16xf32>
        %max3A_1423 = arith.maximumf %sub3A_1420, %max3A_1422 : vector<16xf32>
        %mul3A_1424 = arith.mulf %select_n3A_1266, %max3A_1423 : vector<16xf32>
        %swap3A_1425 = arith.index_cast %add3A_225 : i32 to index
        %swap3A_1426 = arith.constant 16 : index
        %swap3A_1427 = tpu.vector_load %arg20[%swap3A_1425, %swap3A_1426] {strides = array<i32>} : memref<40x128xf32, #tpu.memory_space<vmem>>, vector<1x16xf32>,
        %swap3A_1428 = vector.shape_cast %swap3A_1427 : vector<1x16xf32> to vector<16xf32>
        %swap3A_1429 = vector.shape_cast %mul3A_1424 : vector<16xf32> to vector<1x16xf32>
        tpu.vector_store %arg20[%swap3A_1425, %swap3A_1426], %swap3A_1429 {strides = array<i32>} : memref<40x128xf32, #tpu.memory_space<vmem>>, vector<1x16xf32>,
        %sub3A_1430 = arith.constant 2.000000e+00 : f32
        %sub3A_1431 = vector.broadcast %sub3A_1430 : f32 to vector<16xf32>
        %sub3A_1432 = arith.subf %convert_element_type3A_1397, %sub3A_1431 : vector<16xf32>
        %mul3A_1433 = arith.mulf %sub3A_1432, %sub3A_1432 : vector<16xf32>
        %sub3A_1434 = arith.constant 1.000000e+00 : f32
        %sub3A_1435 = vector.broadcast %sub3A_1434 : f32 to vector<16xf32>
        %sub3A_1436 = arith.subf %sub3A_1435, %mul3A_1433 : vector<16xf32>
        %max3A_1437 = arith.constant 0.000000e+00 : f32
        %max3A_1438 = vector.broadcast %max3A_1437 : f32 to vector<16xf32>
        %max3A_1439 = arith.maximumf %sub3A_1436, %max3A_1438 : vector<16xf32>
        %mul3A_1440 = arith.mulf %select_n3A_1266, %max3A_1439 : vector<16xf32>
        %swap3A_1441 = arith.index_cast %add3A_225 : i32 to index
        %swap3A_1442 = arith.constant 32 : index
        %swap3A_1443 = tpu.vector_load %arg20[%swap3A_1441, %swap3A_1442] {strides = array<i32>} : memref<40x128xf32, #tpu.memory_space<vmem>>, vector<1x16xf32>,
        %swap3A_1444 = vector.shape_cast %swap3A_1443 : vector<1x16xf32> to vector<16xf32>
        %swap3A_1445 = vector.shape_cast %mul3A_1440 : vector<16xf32> to vector<1x16xf32>
        tpu.vector_store %arg20[%swap3A_1441, %swap3A_1442], %swap3A_1445 {strides = array<i32>} : memref<40x128xf32, #tpu.memory_space<vmem>>, vector<1x16xf32>,
        %sub3A_1446 = arith.constant 3.000000e+00 : f32
        %sub3A_1447 = vector.broadcast %sub3A_1446 : f32 to vector<16xf32>
        %sub3A_1448 = arith.subf %convert_element_type3A_1397, %sub3A_1447 : vector<16xf32>
        %mul3A_1449 = arith.mulf %sub3A_1448, %sub3A_1448 : vector<16xf32>
        %sub3A_1450 = arith.constant 1.000000e+00 : f32
        %sub3A_1451 = vector.broadcast %sub3A_1450 : f32 to vector<16xf32>
        %sub3A_1452 = arith.subf %sub3A_1451, %mul3A_1449 : vector<16xf32>
        %max3A_1453 = arith.constant 0.000000e+00 : f32
        %max3A_1454 = vector.broadcast %max3A_1453 : f32 to vector<16xf32>
        %max3A_1455 = arith.maximumf %sub3A_1452, %max3A_1454 : vector<16xf32>
        %mul3A_1456 = arith.mulf %select_n3A_1266, %max3A_1455 : vector<16xf32>
        %swap3A_1457 = arith.index_cast %add3A_225 : i32 to index
        %swap3A_1458 = arith.constant 48 : index
        %swap3A_1459 = tpu.vector_load %arg20[%swap3A_1457, %swap3A_1458] {strides = array<i32>} : memref<40x128xf32, #tpu.memory_space<vmem>>, vector<1x16xf32>,
        %swap3A_1460 = vector.shape_cast %swap3A_1459 : vector<1x16xf32> to vector<16xf32>
        %swap3A_1461 = vector.shape_cast %mul3A_1456 : vector<16xf32> to vector<1x16xf32>
        tpu.vector_store %arg20[%swap3A_1457, %swap3A_1458], %swap3A_1461 {strides = array<i32>} : memref<40x128xf32, #tpu.memory_space<vmem>>, vector<1x16xf32>,
        %sub3A_1462 = arith.constant 4.000000e+00 : f32
        %sub3A_1463 = vector.broadcast %sub3A_1462 : f32 to vector<16xf32>
        %sub3A_1464 = arith.subf %convert_element_type3A_1397, %sub3A_1463 : vector<16xf32>
        %mul3A_1465 = arith.mulf %sub3A_1464, %sub3A_1464 : vector<16xf32>
        %sub3A_1466 = arith.constant 1.000000e+00 : f32
        %sub3A_1467 = vector.broadcast %sub3A_1466 : f32 to vector<16xf32>
        %sub3A_1468 = arith.subf %sub3A_1467, %mul3A_1465 : vector<16xf32>
        %max3A_1469 = arith.constant 0.000000e+00 : f32
        %max3A_1470 = vector.broadcast %max3A_1469 : f32 to vector<16xf32>
        %max3A_1471 = arith.maximumf %sub3A_1468, %max3A_1470 : vector<16xf32>
        %mul3A_1472 = arith.mulf %select_n3A_1266, %max3A_1471 : vector<16xf32>
        %swap3A_1473 = arith.index_cast %add3A_225 : i32 to index
        %swap3A_1474 = arith.constant 64 : index
        %swap3A_1475 = tpu.vector_load %arg20[%swap3A_1473, %swap3A_1474] {strides = array<i32>} : memref<40x128xf32, #tpu.memory_space<vmem>>, vector<1x16xf32>,
        %swap3A_1476 = vector.shape_cast %swap3A_1475 : vector<1x16xf32> to vector<16xf32>
        %swap3A_1477 = vector.shape_cast %mul3A_1472 : vector<16xf32> to vector<1x16xf32>
        tpu.vector_store %arg20[%swap3A_1473, %swap3A_1474], %swap3A_1477 {strides = array<i32>} : memref<40x128xf32, #tpu.memory_space<vmem>>, vector<1x16xf32>,
        %sub3A_1478 = arith.constant 5.000000e+00 : f32
        %sub3A_1479 = vector.broadcast %sub3A_1478 : f32 to vector<16xf32>
        %sub3A_1480 = arith.subf %convert_element_type3A_1397, %sub3A_1479 : vector<16xf32>
        %mul3A_1481 = arith.mulf %sub3A_1480, %sub3A_1480 : vector<16xf32>
        %sub3A_1482 = arith.constant 1.000000e+00 : f32
        %sub3A_1483 = vector.broadcast %sub3A_1482 : f32 to vector<16xf32>
        %sub3A_1484 = arith.subf %sub3A_1483, %mul3A_1481 : vector<16xf32>
        %max3A_1485 = arith.constant 0.000000e+00 : f32
        %max3A_1486 = vector.broadcast %max3A_1485 : f32 to vector<16xf32>
        %max3A_1487 = arith.maximumf %sub3A_1484, %max3A_1486 : vector<16xf32>
        %mul3A_1488 = arith.mulf %select_n3A_1266, %max3A_1487 : vector<16xf32>
        %swap3A_1489 = arith.index_cast %add3A_225 : i32 to index
        %swap3A_1490 = arith.constant 80 : index
        %swap3A_1491 = tpu.vector_load %arg20[%swap3A_1489, %swap3A_1490] {strides = array<i32>} : memref<40x128xf32, #tpu.memory_space<vmem>>, vector<1x16xf32>,
        %swap3A_1492 = vector.shape_cast %swap3A_1491 : vector<1x16xf32> to vector<16xf32>
        %swap3A_1493 = vector.shape_cast %mul3A_1488 : vector<16xf32> to vector<1x16xf32>
        tpu.vector_store %arg20[%swap3A_1489, %swap3A_1490], %swap3A_1493 {strides = array<i32>} : memref<40x128xf32, #tpu.memory_space<vmem>>, vector<1x16xf32>,
        %sub3A_1494 = arith.constant 6.000000e+00 : f32
        %sub3A_1495 = vector.broadcast %sub3A_1494 : f32 to vector<16xf32>
        %sub3A_1496 = arith.subf %convert_element_type3A_1397, %sub3A_1495 : vector<16xf32>
        %mul3A_1497 = arith.mulf %sub3A_1496, %sub3A_1496 : vector<16xf32>
        %sub3A_1498 = arith.constant 1.000000e+00 : f32
        %sub3A_1499 = vector.broadcast %sub3A_1498 : f32 to vector<16xf32>
        %sub3A_1500 = arith.subf %sub3A_1499, %mul3A_1497 : vector<16xf32>
        %max3A_1501 = arith.constant 0.000000e+00 : f32
        %max3A_1502 = vector.broadcast %max3A_1501 : f32 to vector<16xf32>
        %max3A_1503 = arith.maximumf %sub3A_1500, %max3A_1502 : vector<16xf32>
        %mul3A_1504 = arith.mulf %select_n3A_1266, %max3A_1503 : vector<16xf32>
        %swap3A_1505 = arith.index_cast %add3A_225 : i32 to index
        %swap3A_1506 = arith.constant 96 : index
        %swap3A_1507 = tpu.vector_load %arg20[%swap3A_1505, %swap3A_1506] {strides = array<i32>} : memref<40x128xf32, #tpu.memory_space<vmem>>, vector<1x16xf32>,
        %swap3A_1508 = vector.shape_cast %swap3A_1507 : vector<1x16xf32> to vector<16xf32>
        %swap3A_1509 = vector.shape_cast %mul3A_1504 : vector<16xf32> to vector<1x16xf32>
        tpu.vector_store %arg20[%swap3A_1505, %swap3A_1506], %swap3A_1509 {strides = array<i32>} : memref<40x128xf32, #tpu.memory_space<vmem>>, vector<1x16xf32>,
        %sub3A_1510 = arith.constant 7.000000e+00 : f32
        %sub3A_1511 = vector.broadcast %sub3A_1510 : f32 to vector<16xf32>
        %sub3A_1512 = arith.subf %convert_element_type3A_1397, %sub3A_1511 : vector<16xf32>
        %mul3A_1513 = arith.mulf %sub3A_1512, %sub3A_1512 : vector<16xf32>
        %sub3A_1514 = arith.constant 1.000000e+00 : f32
        %sub3A_1515 = vector.broadcast %sub3A_1514 : f32 to vector<16xf32>
        %sub3A_1516 = arith.subf %sub3A_1515, %mul3A_1513 : vector<16xf32>
        %max3A_1517 = arith.constant 0.000000e+00 : f32
        %max3A_1518 = vector.broadcast %max3A_1517 : f32 to vector<16xf32>
        %max3A_1519 = arith.maximumf %sub3A_1516, %max3A_1518 : vector<16xf32>
        %mul3A_1520 = arith.mulf %select_n3A_1266, %max3A_1519 : vector<16xf32>
        %swap3A_1521 = arith.index_cast %add3A_225 : i32 to index
        %swap3A_1522 = arith.constant 112 : index
        %swap3A_1523 = tpu.vector_load %arg20[%swap3A_1521, %swap3A_1522] {strides = array<i32>} : memref<40x128xf32, #tpu.memory_space<vmem>>, vector<1x16xf32>,
        %swap3A_1524 = vector.shape_cast %swap3A_1523 : vector<1x16xf32> to vector<16xf32>
        %swap3A_1525 = vector.shape_cast %mul3A_1520 : vector<16xf32> to vector<1x16xf32>
        tpu.vector_store %arg20[%swap3A_1521, %swap3A_1522], %swap3A_1525 {strides = array<i32>} : memref<40x128xf32, #tpu.memory_space<vmem>>, vector<1x16xf32>,
      }
      %scan3A_218 = arith.constant 20 : i32
      "tpu.region"() ({
        %run_scoped3A = tpu.sem_alloc : memref<!tpu.dma_semaphore, #tpu.memory_space<semaphore_mem>>
        %dma_start3A_219 = arith.constant 0 : i32
        %dma_start3A_220 = arith.constant 0 : i32
        %dma_start3A_221 = tpu.memref_slice %arg9[%dma_start3A_219, %dma_start3A_220] : memref<10240x128xf32, #tpu.memory_space<vmem_shared>> -> memref<10240x128xf32, #tpu.memory_space<vmem_shared>>
        tpu.enqueue_indirect_dma source(%arg18 : memref<40x128xf32, #tpu.memory_space<vmem>>) target(%dma_start3A_221 : memref<10240x128xf32, #tpu.memory_space<vmem_shared>>) offsets(%arg14 : memref<40xi32, #tpu.memory_space<vmem>>) semaphore(%run_scoped3A : memref<!tpu.dma_semaphore, #tpu.memory_space<semaphore_mem>>) {add = true}
        %dma_wait3A_222 = arith.constant 0 : i32
        %dma_wait3A_223 = arith.constant 0 : i32
        %dma_wait3A_224 = tpu.memref_slice %arg9[%dma_wait3A_222, %dma_wait3A_223] : memref<10240x128xf32, #tpu.memory_space<vmem_shared>> -> memref<10240x128xf32, #tpu.memory_space<vmem_shared>>
        tpu.wait_indirect_dma semaphore(%run_scoped3A : memref<!tpu.dma_semaphore, #tpu.memory_space<semaphore_mem>>) src(%arg18 : memref<40x128xf32, #tpu.memory_space<vmem>>) dst(%dma_wait3A_224 : memref<10240x128xf32, #tpu.memory_space<vmem_shared>>)
        tpu.yield
      }) : () -> ()
      "tpu.region"() ({
        %run_scoped3A = tpu.sem_alloc : memref<!tpu.dma_semaphore, #tpu.memory_space<semaphore_mem>>
        %dma_start3A_219 = arith.constant 0 : i32
        %dma_start3A_220 = arith.constant 0 : i32
        %dma_start3A_221 = tpu.memref_slice %arg10[%dma_start3A_219, %dma_start3A_220] : memref<1280x128xf32, #tpu.memory_space<vmem_shared>> -> memref<1280x128xf32, #tpu.memory_space<vmem_shared>>
        tpu.enqueue_indirect_dma source(%arg20 : memref<40x128xf32, #tpu.memory_space<vmem>>) target(%dma_start3A_221 : memref<1280x128xf32, #tpu.memory_space<vmem_shared>>) offsets(%arg15 : memref<40xi32, #tpu.memory_space<vmem>>) semaphore(%run_scoped3A : memref<!tpu.dma_semaphore, #tpu.memory_space<semaphore_mem>>) {add = true}
        %dma_wait3A_222 = arith.constant 0 : i32
        %dma_wait3A_223 = arith.constant 0 : i32
        %dma_wait3A_224 = tpu.memref_slice %arg10[%dma_wait3A_222, %dma_wait3A_223] : memref<1280x128xf32, #tpu.memory_space<vmem_shared>> -> memref<1280x128xf32, #tpu.memory_space<vmem_shared>>
        tpu.wait_indirect_dma semaphore(%run_scoped3A : memref<!tpu.dma_semaphore, #tpu.memory_space<semaphore_mem>>) src(%arg20 : memref<40x128xf32, #tpu.memory_space<vmem>>) dst(%dma_wait3A_224 : memref<1280x128xf32, #tpu.memory_space<vmem_shared>>)
        tpu.yield
      }) : () -> ()
    }
    %scan3A_100 = arith.constant 125 : i32
    %dma_wait3A = arith.constant 0 : i32
    %dma_wait3A_101 = arith.constant 0 : i32
    %dma_wait3A_102 = tpu.memref_slice %arg2[%dma_wait3A, %dma_wait3A_101] : memref<10000x128xf32, #tpu.memory_space<hbm>> -> memref<10000x128xf32, #tpu.memory_space<hbm>>
    tpu.wait_indirect_dma semaphore(%arg22 : memref<!tpu.dma_semaphore, #tpu.memory_space<semaphore_mem>>) src(%dma_wait3A_102 : memref<10000x128xf32, #tpu.memory_space<hbm>>) dst(%arg16 : memref<40x128xf32, #tpu.memory_space<vmem>>)
    %dma_wait3A_103 = arith.constant 0 : i32
    %dma_wait3A_104 = arith.constant 0 : i32
    %dma_wait3A_105 = tpu.memref_slice %arg3[%dma_wait3A_103, %dma_wait3A_104] : memref<10000x128xf32, #tpu.memory_space<hbm>> -> memref<10000x128xf32, #tpu.memory_space<hbm>>
    tpu.wait_indirect_dma semaphore(%arg23 : memref<!tpu.dma_semaphore, #tpu.memory_space<semaphore_mem>>) src(%dma_wait3A_105 : memref<10000x128xf32, #tpu.memory_space<hbm>>) dst(%arg17 : memref<40x128xf32, #tpu.memory_space<vmem>>)
    %barrier3A_106 = arith.constant 0 : index
    tpu.barrier barrier_id(%barrier3A_106)
    "tpu.region"() ({
      %run_scoped3A = tpu.sem_alloc : memref<!tpu.dma_semaphore, #tpu.memory_space<semaphore_mem>>
      %dma_start3A_111 = arith.constant 0 : i32
      %dma_start3A_112 = tpu.memref_slice %arg7[%arg0, %mul3A_5, %dma_start3A_111] : memref<2x10240x128xf32, #tpu.memory_space<hbm>> -> memref<1x640x128xf32, #tpu.memory_space<hbm>>
      %dma_start3A_113 = tpu.memref_squeeze %dma_start3A_112 : memref<1x640x128xf32, #tpu.memory_space<hbm>> -> memref<640x128xf32, #tpu.memory_space<hbm>>
      %dma_start3A_114 = arith.constant 0 : i32
      %dma_start3A_115 = tpu.memref_slice %arg9[%mul3A_5, %dma_start3A_114] : memref<10240x128xf32, #tpu.memory_space<vmem_shared>> -> memref<640x128xf32, #tpu.memory_space<vmem_shared>>
      tpu.enqueue_dma source(%dma_start3A_115 : memref<640x128xf32, #tpu.memory_space<vmem_shared>>) target(%dma_start3A_113 : memref<640x128xf32, #tpu.memory_space<hbm>>) target_semaphore(%run_scoped3A : memref<!tpu.dma_semaphore, #tpu.memory_space<semaphore_mem>>)
      %dma_wait3A_116 = arith.constant 0 : i32
      %dma_wait3A_117 = tpu.memref_slice %arg7[%arg0, %mul3A_5, %dma_wait3A_116] : memref<2x10240x128xf32, #tpu.memory_space<hbm>> -> memref<1x640x128xf32, #tpu.memory_space<hbm>>
      %dma_wait3A_118 = tpu.memref_squeeze %dma_wait3A_117 : memref<1x640x128xf32, #tpu.memory_space<hbm>> -> memref<640x128xf32, #tpu.memory_space<hbm>>
      %dma_wait3A_119 = arith.constant 0 : i32
      %dma_wait3A_120 = tpu.memref_slice %arg9[%mul3A_5, %dma_wait3A_119] : memref<10240x128xf32, #tpu.memory_space<vmem_shared>> -> memref<640x128xf32, #tpu.memory_space<vmem_shared>>
      tpu.wait_dma2 semaphore(%run_scoped3A : memref<!tpu.dma_semaphore, #tpu.memory_space<semaphore_mem>>) src(%dma_wait3A_120 : memref<640x128xf32, #tpu.memory_space<vmem_shared>>) dst(%dma_wait3A_118 : memref<640x128xf32, #tpu.memory_space<hbm>>)
      tpu.yield
    }) : () -> ()
    %mul3A_107 = arith.constant 80 : i32
    %mul3A_108 = arith.muli %arg1, %mul3A_107 : i32
    %mul3A_109 = arith.constant 80 : i32
    %mul3A_110 = arith.muli %arg1, %mul3A_109 : i32
    "tpu.region"() ({
      %run_scoped3A = tpu.sem_alloc : memref<!tpu.dma_semaphore, #tpu.memory_space<semaphore_mem>>
      %dma_start3A_111 = arith.constant 0 : i32
      %dma_start3A_112 = tpu.memref_slice %arg8[%arg0, %mul3A_110, %dma_start3A_111] : memref<2x1280x128xf32, #tpu.memory_space<hbm>> -> memref<1x80x128xf32, #tpu.memory_space<hbm>>
      %dma_start3A_113 = tpu.memref_squeeze %dma_start3A_112 : memref<1x80x128xf32, #tpu.memory_space<hbm>> -> memref<80x128xf32, #tpu.memory_space<hbm>>
      %dma_start3A_114 = arith.constant 0 : i32
      %dma_start3A_115 = tpu.memref_slice %arg10[%mul3A_108, %dma_start3A_114] : memref<1280x128xf32, #tpu.memory_space<vmem_shared>> -> memref<80x128xf32, #tpu.memory_space<vmem_shared>>
      tpu.enqueue_dma source(%dma_start3A_115 : memref<80x128xf32, #tpu.memory_space<vmem_shared>>) target(%dma_start3A_113 : memref<80x128xf32, #tpu.memory_space<hbm>>) target_semaphore(%run_scoped3A : memref<!tpu.dma_semaphore, #tpu.memory_space<semaphore_mem>>)
      %dma_wait3A_116 = arith.constant 0 : i32
      %dma_wait3A_117 = tpu.memref_slice %arg8[%arg0, %mul3A_110, %dma_wait3A_116] : memref<2x1280x128xf32, #tpu.memory_space<hbm>> -> memref<1x80x128xf32, #tpu.memory_space<hbm>>
      %dma_wait3A_118 = tpu.memref_squeeze %dma_wait3A_117 : memref<1x80x128xf32, #tpu.memory_space<hbm>> -> memref<80x128xf32, #tpu.memory_space<hbm>>
      %dma_wait3A_119 = arith.constant 0 : i32
      %dma_wait3A_120 = tpu.memref_slice %arg10[%mul3A_108, %dma_wait3A_119] : memref<1280x128xf32, #tpu.memory_space<vmem_shared>> -> memref<80x128xf32, #tpu.memory_space<vmem_shared>>
      tpu.wait_dma2 semaphore(%run_scoped3A : memref<!tpu.dma_semaphore, #tpu.memory_space<semaphore_mem>>) src(%dma_wait3A_120 : memref<80x128xf32, #tpu.memory_space<vmem_shared>>) dst(%dma_wait3A_118 : memref<80x128xf32, #tpu.memory_space<hbm>>)
      tpu.yield
    }) : () -> ()
    return
  }
}

module attributes {stable_mosaic.version = 14 : i64} {
  func.func @_comb_body(%arg0: i32, %arg1: memref<2x400x128xf32, #tpu.memory_space<vmem>>, %arg2: memref<2x400x16xf32, #tpu.memory_space<vmem>>, %arg3: memref<400x128xf32, #tpu.memory_space<vmem>>) attributes {dimension_semantics = [#tpu.dimension_semantics<arbitrary>], iteration_bounds = array<i64: 25>, scalar_prefetch = 0 : i64, scratch_operands = 0 : i64, tpu.core_type = #tpu.core_type<tc>, window_params = [{transform_indices = @transform_0, window_bounds = array<i64: 2, 400, 128>}, {transform_indices = @transform_1, window_bounds = array<i64: 2, 400, 16>}, {transform_indices = @transform_2, window_bounds = array<i64: 400, 128>}]} {
    %get3A = arith.constant 0 : index
    %get3A_0 = arith.constant 0 : index
    %get3A_1 = arith.constant 0 : index
    %get3A_2 = vector.load %arg1[%get3A, %get3A_0, %get3A_1] : memref<2x400x128xf32, #tpu.memory_space<vmem>>, vector<1x400x128xf32>
    %get3A_3 = vector.shape_cast %get3A_2 : vector<1x400x128xf32> to vector<400x128xf32>
    %get3A_4 = arith.constant 1 : index
    %get3A_5 = arith.constant 0 : index
    %get3A_6 = arith.constant 0 : index
    %get3A_7 = vector.load %arg1[%get3A_4, %get3A_5, %get3A_6] : memref<2x400x128xf32, #tpu.memory_space<vmem>>, vector<1x400x128xf32>
    %get3A_8 = vector.shape_cast %get3A_7 : vector<1x400x128xf32> to vector<400x128xf32>
    %add3A = arith.addf %get3A_3, %get3A_8 : vector<400x128xf32>
    %get3A_9 = arith.constant 0 : index
    %get3A_10 = arith.constant 0 : index
    %get3A_11 = arith.constant 0 : index
    %get3A_12 = vector.load %arg2[%get3A_9, %get3A_10, %get3A_11] : memref<2x400x16xf32, #tpu.memory_space<vmem>>, vector<1x400x16xf32>
    %get3A_13 = vector.shape_cast %get3A_12 : vector<1x400x16xf32> to vector<400x16xf32>
    %get3A_14 = arith.constant 1 : index
    %get3A_15 = arith.constant 0 : index
    %get3A_16 = arith.constant 0 : index
    %get3A_17 = vector.load %arg2[%get3A_14, %get3A_15, %get3A_16] : memref<2x400x16xf32, #tpu.memory_space<vmem>>, vector<1x400x16xf32>
    %get3A_18 = vector.shape_cast %get3A_17 : vector<1x400x16xf32> to vector<400x16xf32>
    %add3A_19 = arith.addf %get3A_13, %get3A_18 : vector<400x16xf32>
    %iota3A = tpu.iota {dimensions = array<i32: 0>} : vector<16x128xi32>
    %iota3A_20 = tpu.iota {dimensions = array<i32: 1>} : vector<16x128xi32>
    %jit3A = arith.constant 16 : i32
    %div3A = vector.broadcast %jit3A : i32 to vector<16x128xi32>
    %div3A_21 = arith.divsi %iota3A_20, %div3A : vector<16x128xi32>
    %sign3A = arith.constant 0 : i32
    %sign3A_22 = vector.broadcast %sign3A : i32 to vector<16x128xi32>
    %sign3A_23 = arith.cmpi sgt, %iota3A_20, %sign3A_22 : vector<16x128xi32>
    %sign3A_24 = arith.extui %sign3A_23 : vector<16x128xi1> to vector<16x128xi32>
    %sign3A_25 = arith.constant 0 : i32
    %sign3A_26 = vector.broadcast %sign3A_25 : i32 to vector<16x128xi32>
    %sign3A_27 = arith.cmpi slt, %iota3A_20, %sign3A_26 : vector<16x128xi32>
    %sign3A_28 = arith.extui %sign3A_27 : vector<16x128xi1> to vector<16x128xi32>
    %sign3A_29 = arith.subi %sign3A_24, %sign3A_28 : vector<16x128xi32>
    %sign3A_30 = arith.constant 0 : i32
    %sign3A_31 = arith.cmpi sgt, %jit3A, %sign3A_30 : i32
    %sign3A_32 = arith.extui %sign3A_31 : i1 to i32
    %sign3A_33 = arith.constant 0 : i32
    %sign3A_34 = arith.cmpi slt, %jit3A, %sign3A_33 : i32
    %sign3A_35 = arith.extui %sign3A_34 : i1 to i32
    %sign3A_36 = arith.subi %sign3A_32, %sign3A_35 : i32
    %ne3A = vector.broadcast %sign3A_36 : i32 to vector<16x128xi32>
    %ne3A_37 = arith.cmpi ne, %sign3A_29, %ne3A : vector<16x128xi32>
    %rem3A = vector.broadcast %jit3A : i32 to vector<16x128xi32>
    %rem3A_38 = arith.remsi %iota3A_20, %rem3A : vector<16x128xi32>
    %ne3A_39 = arith.constant 0 : i32
    %ne3A_40 = vector.broadcast %ne3A_39 : i32 to vector<16x128xi32>
    %ne3A_41 = arith.cmpi ne, %rem3A_38, %ne3A_40 : vector<16x128xi32>
    %and3A = arith.andi %ne3A_37, %ne3A_41 : vector<16x128xi1>
    %sub3A = arith.constant 1 : i32
    %sub3A_42 = vector.broadcast %sub3A : i32 to vector<16x128xi32>
    %sub3A_43 = arith.subi %div3A_21, %sub3A_42 : vector<16x128xi32>
    %select_n3A = arith.select %and3A, %sub3A_43, %div3A_21 : vector<16x128xi1>, vector<16x128xi32>
    %eq3A = arith.cmpi eq, %select_n3A, %iota3A : vector<16x128xi32>
    %convert_element_type3A = arith.extui %eq3A : vector<16x128xi1> to vector<16x128xi32>
    %convert_element_type3A_44 = arith.sitofp %convert_element_type3A : vector<16x128xi32> to vector<16x128xf32>
    %dot_general3A = arith.constant dense<0.000000e+00> : vector<400x128xf32>
    %dot_general3A_45 = tpu.matmul %add3A_19, %convert_element_type3A_44, %dot_general3A {dimension_numbers = #tpu.dot_dimension_numbers<[1], [0], [0], [1], [0, 0, 1, 1], [], []>, transpose_lhs_hint = false} : vector<400x16xf32>, vector<16x128xf32>, vector<400x128xf32> -> vector<400x128xf32>
    %add3A_46 = arith.constant 1.000000e-16 : f32
    %add3A_47 = vector.broadcast %add3A_46 : f32 to vector<400x128xf32>
    %add3A_48 = arith.addf %dot_general3A_45, %add3A_47 : vector<400x128xf32>
    %div3A_49 = arith.divf %add3A, %add3A_48 : vector<400x128xf32>
    %max3A = arith.constant 0.000000e+00 : f32
    %max3A_50 = vector.broadcast %max3A : f32 to vector<400x128xf32>
    %max3A_51 = arith.maximumf %div3A_49, %max3A_50 : vector<400x128xf32>
    %swap3A = arith.constant 0 : index
    %swap3A_52 = arith.constant 0 : index
    %swap3A_53 = vector.load %arg3[%swap3A, %swap3A_52] : memref<400x128xf32, #tpu.memory_space<vmem>>, vector<400x128xf32>
    tpu.vector_store %arg3[%swap3A, %swap3A_52], %max3A_51 {strides = array<i32>} : memref<400x128xf32, #tpu.memory_space<vmem>>, vector<400x128xf32>,
    return
  }
  func.func @transform_0(%arg0: i32) -> (i32, i32, i32) {
    %c0_i32 = arith.constant 0 : i32
    %c0_i32_0 = arith.constant 0 : i32
    %c0_i32_1 = arith.constant 0 : i32
    return %c0_i32, %arg0, %c0_i32_0 : i32, i32, i32
  }
  func.func @transform_1(%arg0: i32) -> (i32, i32, i32) {
    %c0_i32 = arith.constant 0 : i32
    %c0_i32_0 = arith.constant 0 : i32
    %c0_i32_1 = arith.constant 0 : i32
    return %c0_i32, %arg0, %c0_i32_0 : i32, i32, i32
  }
  func.func @transform_2(%arg0: i32) -> (i32, i32) {
    %c0_i32 = arith.constant 0 : i32
    %c0_i32_0 = arith.constant 0 : i32
    return %arg0, %c0_i32 : i32, i32
  }
}

module attributes {stable_mosaic.version = 14 : i64} {
  func.func @_mm_body(%arg0: i32, %arg1: memref<400x128xf32, #tpu.memory_space<vmem>>, %arg2: memref<128x128xf32, #tpu.memory_space<vmem>>, %arg3: memref<128x128xf32, #tpu.memory_space<vmem>>, %arg4: memref<400x128xf32, #tpu.memory_space<vmem>>, %arg5: memref<400x128xf32, #tpu.memory_space<vmem>>) attributes {dimension_semantics = [#tpu.dimension_semantics<arbitrary>], iteration_bounds = array<i64: 25>, scalar_prefetch = 0 : i64, scratch_operands = 0 : i64, tpu.core_type = #tpu.core_type<tc>, window_params = [{transform_indices = @transform_0, window_bounds = array<i64: 400, 128>}, {pipeline_mode = #tpu.pipeline_mode<synchronous>, transform_indices = @transform_1, window_bounds = array<i64: 128, 128>}, {pipeline_mode = #tpu.pipeline_mode<synchronous>, transform_indices = @transform_2, window_bounds = array<i64: 128, 128>}, {transform_indices = @transform_3, window_bounds = array<i64: 400, 128>}, {transform_indices = @transform_4, window_bounds = array<i64: 400, 128>}]} {
    %get3A = arith.constant 0 : index
    %get3A_0 = arith.constant 0 : index
    %get3A_1 = vector.load %arg1[%get3A, %get3A_0] : memref<400x128xf32, #tpu.memory_space<vmem>>, vector<400x128xf32>
    %get3A_2 = arith.constant 0 : index
    %get3A_3 = arith.constant 0 : index
    %get3A_4 = vector.load %arg2[%get3A_2, %get3A_3] : memref<128x128xf32, #tpu.memory_space<vmem>>, vector<128x128xf32>
    %dot_general3A = arith.constant dense<0.000000e+00> : vector<400x128xf32>
    %dot_general3A_5 = tpu.matmul %get3A_1, %get3A_4, %dot_general3A {dimension_numbers = #tpu.dot_dimension_numbers<[1], [0], [0], [1], [0, 0, 1, 1], [], []>, transpose_lhs_hint = false} : vector<400x128xf32>, vector<128x128xf32>, vector<400x128xf32> -> vector<400x128xf32>
    %swap3A = arith.constant 0 : index
    %swap3A_6 = arith.constant 0 : index
    %swap3A_7 = vector.load %arg4[%swap3A, %swap3A_6] : memref<400x128xf32, #tpu.memory_space<vmem>>, vector<400x128xf32>
    tpu.vector_store %arg4[%swap3A, %swap3A_6], %dot_general3A_5 {strides = array<i32>} : memref<400x128xf32, #tpu.memory_space<vmem>>, vector<400x128xf32>,
    %get3A_8 = arith.constant 0 : index
    %get3A_9 = arith.constant 0 : index
    %get3A_10 = vector.load %arg3[%get3A_8, %get3A_9] : memref<128x128xf32, #tpu.memory_space<vmem>>, vector<128x128xf32>
    %dot_general3A_11 = arith.constant dense<0.000000e+00> : vector<400x128xf32>
    %dot_general3A_12 = tpu.matmul %get3A_1, %get3A_10, %dot_general3A_11 {dimension_numbers = #tpu.dot_dimension_numbers<[1], [0], [0], [1], [0, 0, 1, 1], [], []>, transpose_lhs_hint = false} : vector<400x128xf32>, vector<128x128xf32>, vector<400x128xf32> -> vector<400x128xf32>
    %swap3A_13 = arith.constant 0 : index
    %swap3A_14 = arith.constant 0 : index
    %swap3A_15 = vector.load %arg5[%swap3A_13, %swap3A_14] : memref<400x128xf32, #tpu.memory_space<vmem>>, vector<400x128xf32>
    tpu.vector_store %arg5[%swap3A_13, %swap3A_14], %dot_general3A_12 {strides = array<i32>} : memref<400x128xf32, #tpu.memory_space<vmem>>, vector<400x128xf32>,
    return
  }
  func.func @transform_0(%arg0: i32) -> (i32, i32) {
    %c0_i32 = arith.constant 0 : i32
    %c0_i32_0 = arith.constant 0 : i32
    return %arg0, %c0_i32 : i32, i32
  }
  func.func @transform_1(%arg0: i32) -> (i32, i32) {
    %c0_i32 = arith.constant 0 : i32
    %c0_i32_0 = arith.constant 0 : i32
    %c0_i32_1 = arith.constant 0 : i32
    return %c0_i32, %c0_i32_0 : i32, i32
  }
  func.func @transform_2(%arg0: i32) -> (i32, i32) {
    %c0_i32 = arith.constant 0 : i32
    %c0_i32_0 = arith.constant 0 : i32
    %c0_i32_1 = arith.constant 0 : i32
    return %c0_i32, %c0_i32_0 : i32, i32
  }
  func.func @transform_3(%arg0: i32) -> (i32, i32) {
    %c0_i32 = arith.constant 0 : i32
    %c0_i32_0 = arith.constant 0 : i32
    return %arg0, %c0_i32 : i32, i32
  }
  func.func @transform_4(%arg0: i32) -> (i32, i32) {
    %c0_i32 = arith.constant 0 : i32
    %c0_i32_0 = arith.constant 0 : i32
    return %arg0, %c0_i32 : i32, i32
  }
}

</mosaic_0001>

<sc_bundles>
// kernel: kernel.5.cloned.1.call-start
scs
__scs_entry_jumppad:
0x0: {  	(pc) =	sbr.rel $0x88, $3  }
0x1: {  	(tag) =	ssettag $0x0;
	lr =	simm.s32 $0x1  }
0x2: {  	[smem:$0x3F9C] =	sst lr;
	_ =	strace $0xD0000000  }
0x3: {  	_ = 	snop  }
0x4: {  	_ = 	snop  }
0x5: {  	_ = 	snop  }
0x6: {  	_ = 	snop  }
0x7: {  	_ = 	snop  }
__scs_overlays_trampoline_lowered:
0x8: {  	[smem:$0x3FAB] =	sst s0  }
0x9: {  	[smem:$0x3FAC] =	sst s1  }
0xa: {  	[smem:$0x3FAD] =	sst s2  }
0xb: {  	[smem:$0x3FAE] =	sst s3  }
0xc: {  	[smem:$0x3FAF] =	sst s4  }
0xd: {  	[smem:$0x3FB0] =	sst s5  }
0xe: {  	[smem:$0x3FB1] =	sst s6  }
0xf: {  	[smem:$0x3FB2] =	sst s7  }
0x10: {  	[smem:$0x3FB3] =	sst s8  }
0x11: {  	[smem:$0x3FB4] =	sst s9;
	s0 =	simm.s32 @!p0 $0x0  }
0x12: {  	s1 =	sld [smem:$0x3F9A];
	s0 =	simm.s32 @p0 $0x1  }
0x13: {  	[smem:$0x3FB5] =	sst s0;
	s0 =	simm.s32 @!p1 $0x0  }
0x14: {  	s2 =	sld [smem:$0x3F99];
	s0 =	simm.s32 @p1 $0x1  }
0x15: {  	[smem:$0x3FB6] =	sst s0;
	s0 =	simm.s32 @!p2 $0x0  }
0x16: {  	s3 =	sld [smem:$0x3FDB];
	s0 =	simm.s32 @p2 $0x1  }
0x17: {  	s4 =	simm.s32 $0x1BF5;
	[smem:$0x3FB8] =	sst s0  }
0x18: {  	s0 =	sld [smem:$0x3F9B];
	_ =	swait.ge [sflag:s4], $0x0  }
0x19: {  	s7 =	sld [smem:$0x3F9C]  }
0x1a: {  	s8 =	sadd.s32 $0xFFFFE003, lr  }
0x1b: {  	s9 =	sadd.s32 $0xFFFFFEF7, lr;
	s5 =	simm.s32 $0xFFFFFFFF;
	p2 =	slt.u32 s8, $0xFFFFF086  }
0x1c: {  	p1 =	slt.u32 s9, $0xF7A;
	s5 =	simm.s32 @!p2 $0x0  }
0x1d: {  	s5 =	simm.s32 @p1 $0x1;
	p0 =	seq.s32 s7, s2  }
0x1e: {  	s7 =	smul.u32 @!p0 $0xF7A, s2;
	p2 =	seq.s32 @!p0 s5, $0x0  }
0x1f: {  	s9 =	smul.u32 $0xF7A, s1;
	s8 =	simm.s32 @!p0 $0x1BF5;
	p2 =	por !p2, p0  }
0x20: {  	[sflag:s8] =	ssyncset.s32 @!p0 $0xFFFFF086;
	s6 =	sadd.s32 @!p0 s3, s7;
	s7 =	simm.s32 @!p0 $0x108  }
0x21: {  	s3 =	sadd.s32 s3, s9;
	s6 =	sadd.s32 @!p0 $0x88, s6;
	s7 =	simm.s32 @p2 $0x1082  }
0x22: {  	[simem:s7], [sflag:s8] =	dma.local @!p0 [hbm:s6], $0xF7A  }
0x23: {  	s9 =	sor.u32 $0xD0000000, s2;
	s6 =	simm.s32 $0x108;
	_ =	swait.ge @!p0 [sflag:s8], $0x0  }
0x24: {  	s3 =	sadd.s32 $0x88, s3;
	s6 =	simm.s32 @!p1 $0x1082;
	[sflag:s4] =	ssyncset.s32 $0xFFFFF086  }
0x25: {  	[simem:s6], [sflag:s4] =	dma.local [hbm:s3], $0xF7A  }
0x26: {  	[smem:$0x3F9C] =	sst s1;
	(tag) =	ssettag s2;
	_ =	strace s9  }
0x27: {  	s1 =	sld [smem:$0x3FAC]  }
0x28: {  	s2 =	sld [smem:$0x3FAD]  }
0x29: {  	s4 =	sld [smem:$0x3FAF]  }
0x2a: {  	p0 =	seq.s32 s5, $0x0;
	s5 =	sld [smem:$0x3FB0]  }
0x2b: {  	s6 =	sld [smem:$0x3FB1]  }
0x2c: {  	s7 =	sld [smem:$0x3FB2]  }
0x2d: {  	s3 =	simm.s32 $0x108;
	s8 =	sld [smem:$0x3FB3]  }
0x2e: {  	s3 =	simm.s32 @!p0 $0x1082;
	s9 =	sld [smem:$0x3FB4]  }
0x2f: {  	lr =	sadd.s32 s0, s3;
	s0 =	sld [smem:$0x3FAB]  }
0x30: {  	s3 =	sld [smem:$0x3FAE]  }
0x31: {  	[smem:$0x3FB7] =	sst s10  }
0x32: {  	s10 =	sld [smem:$0x3FB5];
	_ =	sdelay $0x3  }
0x33: {  	p0 =	seq.s32 s10, $0x1;
	s10 =	sld [smem:$0x3FB7];
	_ =	sdelay $0x3  }
0x34: {  	[smem:$0x3FB7] =	sst s10  }
0x35: {  	s10 =	sld [smem:$0x3FB6];
	_ =	sdelay $0x3  }
0x36: {  	p1 =	seq.s32 s10, $0x1;
	s10 =	sld [smem:$0x3FB7];
	_ =	sdelay $0x3  }
0x37: {  	[smem:$0x3FB7] =	sst s10  }
0x38: {  	s10 =	sld [smem:$0x3FB8]  }
0x39: {  	_ = 	snop;
	(pc) =	sbr.ind lr, $3  }
0x3a: {  	_ = 	snop  }
0x3b: {  	_ = 	snop  }
0x3c: {  	p2 =	seq.s32 s10, $0x1;
	s10 =	sld [smem:$0x3FB7]  }
0x3d: {  	_ =	shalt  }
0x3e: {  	_ =	shalt  }
0x3f: {  	_ =	shalt  }
0x40: {  	_ =	shalt  }
0x41: {  	_ =	shalt  }
0x42: {  	_ =	shalt  }
0x43: {  	_ =	shalt  }
0x44: {  	_ =	shalt  }
0x45: {  	_ =	shalt  }
0x46: {  	_ =	shalt  }
0x47: {  	_ =	shalt  }
0x48: {  	_ =	shalt  }
0x49: {  	_ =	shalt  }
0x4a: {  	_ =	shalt  }
0x4b: {  	_ =	shalt  }
0x4c: {  	_ =	shalt  }
0x4d: {  	_ =	shalt  }
0x4e: {  	_ =	shalt  }
0x4f: {  	_ =	shalt  }
0x50: {  	_ =	shalt  }
0x51: {  	_ =	shalt  }
0x52: {  	_ =	shalt  }
0x53: {  	_ =	shalt  }
0x54: {  	_ =	shalt  }
0x55: {  	_ =	shalt  }
0x56: {  	_ =	shalt  }
0x57: {  	_ =	shalt  }
0x58: {  	_ =	shalt  }
0x59: {  	_ =	shalt  }
0x5a: {  	_ =	shalt  }
0x5b: {  	_ =	shalt  }
0x5c: {  	_ =	shalt  }
0x5d: {  	_ =	shalt  }
0x5e: {  	_ =	shalt  }
0x5f: {  	_ =	shalt  }
0x60: {  	_ =	shalt  }
0x61: {  	_ =	shalt  }
0x62: {  	_ =	shalt  }
0x63: {  	_ =	shalt  }
0x64: {  	_ =	shalt  }
0x65: {  	_ =	shalt  }
0x66: {  	_ =	shalt  }
0x67: {  	_ =	shalt  }
0x68: {  	_ =	shalt  }
0x69: {  	_ =	shalt  }
0x6a: {  	_ =	shalt  }
0x6b: {  	_ =	shalt  }
0x6c: {  	_ =	shalt  }
0x6d: {  	_ =	shalt  }
0x6e: {  	_ =	shalt  }
0x6f: {  	_ =	shalt  }
0x70: {  	_ =	shalt  }
0x71: {  	_ =	shalt  }
0x72: {  	_ =	shalt  }
0x73: {  	_ =	shalt  }
0x74: {  	_ =	shalt  }
0x75: {  	_ =	shalt  }
0x76: {  	_ =	shalt  }
0x77: {  	_ =	shalt  }
0x78: {  	_ =	shalt  }
0x79: {  	_ =	shalt  }
0x7a: {  	_ =	shalt  }
0x7b: {  	_ =	shalt  }
0x7c: {  	_ =	shalt  }
0x7d: {  	_ =	shalt  }
0x7e: {  	_ =	shalt  }
0x7f: {  	_ =	shalt  }
0x80: {  	_ =	shalt  }
0x81: {  	_ =	shalt  }
0x82: {  	_ =	shalt  }
0x83: {  	_ =	shalt  }
0x84: {  	_ =	shalt  }
0x85: {  	_ =	shalt  }
0x86: {  	_ =	shalt  }
0x87: {  	_ =	shalt  }
.Lfunc_end0:
.L_simem_size_0:
called_computation_lowered:
.L_overlay_start_0:
0x88: {  	s2 =	sld [smem:$0x3FD9]  }
0x89: {  	s3 =	sld [smem:$0x3FFE];
	_ =	sdelay $0x1  }
0x8a: {  	s1 =	srdreg.scid  }
0x8b: {  	s0 =	sand.u32 $0x1, s1  }
0x8c: {  	s17 =	sshll.u32 s0, $0xA;
	s2 =	sadd.s32 s3, s2  }
0x8d: {  	s2 =	sadd.s32 s2, s17  }
0x8e: {  	[smem:$0x3FC3] =	sst s2  }
0x8f: {  	_ = 	snop  }
0x90: {  	s2 =	sld [smem:$0x3FC5]  }
0x91: {  	s18 =	sld [smem:$0x3FD0];
	(tm) =	ssettm $0x1  }
0x92: {  	s4 =	sld [smem:$0x3FFB];
	_ =	sdelay $0x3  }
0x93: {  	_ =	strace s4  }
0x94: {  	s4 =	sld [smem:$0x3FFC];
	_ =	sdelay $0x3  }
0x95: {  	_ =	strace s4  }
0x96: {  	s4 =	sld [smem:$0x3FFD];
	_ =	sdelay $0x3  }
0x97: {  	_ =	strace s4  }
0x98: {  	_ =	strace $0x8FFFFFFF  }
0x99: {  	s19 =	sld [smem:$0x3FDB];
	_ =	sdelay $0x1  }
0x9a: {  	s5 =	simm.s32 $_scs_section_size  }
0x9b: {  	s6 =	simm.s32 $_size__tile_overlayer_lowered;
	s7 =	simm.s32 $_tile_overlayer_lowered  }
0x9c: {  	s22 =	simm.s32 $0x1BFF;
	s21 =	sshll.u32 s7, $0x1;
	s4 =	sadd.s32 s5, s19  }
0x9d: {  	s8 =	simm.s32 $0x0;
	s20 =	sshll.u32 s6, $0x1;
	s6 =	sadd.s32 s21, s4  }
0x9e: {  	[timem:s8], [sflag:s22] =	dma.local [hbm:s6], s20  }
0x9f: {  	_ =	swait.ge [sflag:s22], s20  }
0xa0: {  	s5 =	ssub.s32 $0x0, s20;
	[sflag:s22] =	ssyncset.done $0x0  }
0xa1: {  	[sflag:s22] =	ssyncadd.s32 s5;
	_ =	sdelay $0x1  }
0xa2: {  	s23 =	simm.s32 $0x1B8B  }
0xa3: {  	_ =	swait.ge [sflag:s23], $0x1  }
0xa4: {  	[sflag:s23] =	ssyncset.done $0x0  }
0xa5: {  	s25 =	simm.s32 $0x1B8E;
	s24 =	sld [smem:$0x3FFE];
	[sflag:s23] =	ssyncadd.s32 $0xFFFFFFFF  }
0xa6: {  	s26 =	simm.s32 $execute0_lowered;
	[smem:$0x3FD2] =	sst s25  }
0xa7: {  	s6 =	sshll.u32 s26, $0x1;
	_ =	strace $0x80000046;
	[dreg:$0x1] =	wrdreg $0xFFFFFFFF  }
0xa8: {  	s28 =	simm.s32 $_size_execute0_lowered;
	s4 =	sadd.s32 s4, s6;
	[dreg:$0x0] =	wrdreg $0x0  }
0xa9: {  	s6 =	sshll.u32 s28, $0x1;
	[dreg:$0x2] =	wrdreg s4  }
0xaa: {  	[dreg:$0x3] =	wrdreg s6  }
0xab: {  	[dreg:$0x4] =	wrdreg $0xC0  }
0xac: {  	_ =	task [dreg:s8], $0x5FFFF  }
0xad: {  	[dreg:$0x1] =	wrdreg $0xFFFFFFFF  }
0xae: {  	[dreg:$0x0] =	wrdreg $0x60  }
0xaf: {  	[dreg:$0x2] =	wrdreg s18  }
0xb0: {  	[dreg:$0x3] =	wrdreg s24  }
0xb1: {  	[dreg:$0x4] =	wrdreg s2  }
0xb2: {  	[dreg:$0x5] =	wrdreg $0x0  }
0xb3: {  	[dreg:$0x6] =	wrdreg $0x140000  }
0xb4: {  	[dreg:$0x7] =	wrdreg $0x9  }
0xb5: {  	_ =	task.clear_ibuf [dreg:s8], $0x8FFFF;
	_ =	strace $0x90000046  }
0xb6: {  	s29 =	simm.s32 $0x9;
	_ =	strace $0x80000048  }
0xb7: {  	_ =	swait.ge [sflag:s29], $0x1  }
0xb8: {  	[sflag:s29] =	ssyncadd.s32 $0xFFFFFFFF  }
0xb9: {  	_ =	strace $0x90000048  }
0xba: {  	_ =	sfence  }
0xbb: {  	s30 =	sld [smem:$0x0];
	_ =	sdelay $0x2  }
0xbc: {  	s31 =	sshll.u32 s1, $0xD;
	s1 =	sshrl.u32 s1, $0x2  }
0xbd: {  	s3 =	sand.u32 $0x4000, s31;
	s1 =	sadd.s32 s1, s30  }
0xbe: {  	s0 =	sor.u32 s3, s0;
	s1 =	sshll.u32 s1, $0x11  }
0xbf: {  	s0 =	sor.u32 s1, s0  }
0xc0: {  	s0 =	sadd.s32 $0x8F2B, s0  }
0xc1: {  	[sflag:s0] =	ssyncadd.remote.s32 $0x1  }
0xc2: {  	_ =	sfence.sel $0xFFFF  }
0xc3: {  	[dreg:$0x0] =	wrdreg $0xFFFFFFFF;
	(pc) =	sbr.abs _section_cstart, $3  }
0xc4: {  	[dreg:$0x1] =	wrdreg $0xFFFFFFFF  }
0xc5: {  	_ =	task.clear_ibuf [dreg:s8], $0x2FFFF;
	_ =	strace $0x9FFFFFFF  }
0xc6: {  	(tm) =	ssettm $0x7FFFFFFF  }
0xc7: {  	_ =	shalt  }
tec
execute0_lowered:
.L_overlay_start_1:
0x0: {  	(tag) =	ssettag $0x1  }
0x1: {  	s0 =	rddreg [dreg:$0x0]  }
0x2: {  	s1 =	rddreg [dreg:$0x1]  }
0x3: {  	s4 =	rddreg [dreg:$0x3]  }
0x4: {  	s2 =	srdreg.scid;
	s12 =	stileid.u32  }
0x5: {  	s5 =	rddreg [dreg:$0x4];
	s6 =	smul.u32 $0x14000, s12  }
0x6: {  	s19 =	simm.s32 $0x0;
	s2 =	sand.u32 $0x1, s2;
	s25 =	smul.u32 $0x50000, s12  }
0x7: {  	[smem:$0x7FF] =	sst s19;
	s3 =	smul.u32 $0x140000, s2  }
0x8: {  	s7 =	sadd.s32 $0x14A00, s1;
	s11 =	smul.u32 $0x2800, s12;
	s8 =	sadd.s32 $0xAC00, s1  }
0x9: {  	s21 =	smul.u32 $0xA000, s12;
	s3 =	sadd.s32 s6, s3;
	s6 =	sshrl.u32 s25, $0x2  }
0xa: {  	s9 =	sadd.s32 $0xE00, s1;
	s10 =	smul.u32 $0x28000, s2;
	s20 =	sadd.s32 s6, s4  }
0xb: {  	_ =	strace $0x80000047;
	s14 =	sadd.s32 $0x1400, s20;
	[dreg:$0x7] =	wrdreg s20  }
0xc: {  	s26 =	ssub.s32 $0x2, s2;
	s15 =	sadd.s32 $0x2800, s20;
	[dreg:$0x8] =	wrdreg s14  }
0xd: {  	s13 =	sshrl.u32 s26, $0x1;
	s17 =	sadd.s32 $0x3C00, s20;
	[dreg:$0x9] =	wrdreg s15  }
0xe: {  	s10 =	sadd.s32 s11, s10;
	s18 =	sadd.s32 $0x5000, s20;
	[dreg:$0xa] =	wrdreg s17  }
0xf: {  	s25 =	sshrl.u32 s21, $0x2;
	s22 =	sadd.s32 $0x6400, s20;
	[dreg:$0xb] =	wrdreg s18  }
0x10: {  	s3 =	sshrl.u32 s3, $0x3;
	s23 =	sadd.s32 $0x7800, s20;
	[dreg:$0xc] =	wrdreg s22  }
0x11: {  	s10 =	sshrl.u32 s10, $0x3;
	s24 =	sadd.s32 $0x8C00, s20;
	[dreg:$0xd] =	wrdreg s23  }
0x12: {  	v0 =	vimm.s32 $0x76543210;
	v1 =	vimm.s32 $0xFEDCBA98;
	s6 =	ssub.s32 s26, s13;
	s26 =	sadd.s32 $0xA000, s20;
	[dreg:$0xe] =	wrdreg s24  }
0x13: {  	v2 =	vimm.s32 $0xBA98FEDC;
	v3 =	vimm.s32 $0x32107654;
	s3 =	sadd.s32 s3, s1;
	s21 =	sadd.s32 $0xF000, s20;
	[dreg:$0xf] =	wrdreg s26  }
0x14: {  	v4 =	vimm.s32 $0xDCFE98BA;
	v5 =	vimm.s32 $0x54761032;
	s1 =	sadd.s32 s10, s1;
	s13 =	sadd.s32 $0x45C00, s3;
	[dreg:$0x19] =	wrdreg s21  }
0x15: {  	v6 =	vimm.s32 $0xEFCDAB89;
	v7 =	vimm.s32 $0x67452301;
	s16 =	smul.u32 $0x2710, s12;
	s1 =	sadd.s32 $0x3BC00, s1;
	[dreg:$0x13] =	wrdreg s13  }
0x16: {  	vm0 =	vmmov $0x1;
	vm1 =	vcmask $0x320;
	vm2 =	vcmask $0x720;
	s2 =	smul.u32 $0x27100, s2;
	s14 =	smax.u32 s6, $0x1;
	[dreg:$0x14] =	wrdreg s1  }
0x17: {  	vm3 =	vcmask $0xB20;
	vm4 =	vcmask $0xF20;
	vm5 =	vcmask $0x1320;
	s28 =	simm.s32 $0x16A00;
	s15 =	sadd.s32 $0xB400, s20;
	[dreg:$0x15] =	wrdreg s14  }
0x18: {  	vm6 =	vcmask $0x1720;
	vm7 =	vcmask $0x1B20;
	vm8 =	vmmov $0xff;
	s17 =	sadd.s32 s16, s2;
	s16 =	sadd.s32 $0xC800, s20;
	[dreg:$0x16] =	wrdreg s15  }
0x19: {  	v9 =	vimm.s32 $0x4;
	v10 =	vimm.s32 $0x5;
	v11 =	vimm.s32 $0x6;
	s29 =	simm.s32 $0x3;
	s18 =	sadd.s32 $0xDC00, s20;
	[dreg:$0x17] =	wrdreg s16  }
0x1a: {  	v12 =	vimm.s32 $0x7;
	s30 =	simm.s32 $0x4;
	v0 =	vunpack.c.l.s4.s8 v0;
	v1 =	vunpack.c.l.s4.s8 v1;
	s22 =	sadd.s32 $0x10400, s20;
	[dreg:$0x18] =	wrdreg s18  }
0x1b: {  	s31 =	simm.s32 $0x0;
	v2 =	vunpack.c.l.s4.s8 v2;
	v3 =	vunpack.c.l.s4.s8 v3;
	v4 =	vunpack.c.l.s4.s8 v4;
	s23 =	sadd.s32 $0x11800, s20;
	[dreg:$0x1a] =	wrdreg s22  }
0x1c: {  	v5 =	vunpack.c.l.s4.s8 v5;
	v6 =	vunpack.c.l.s4.s8 v6;
	v7 =	vunpack.c.l.s4.s8 v7;
	s24 =	sadd.s32 s25, s5;
	s25 =	sadd.s32 $0x12C00, s20;
	[dreg:$0x1b] =	wrdreg s23  }
0x1d: {  	v2 =	vunpack.c.0.s8.s32 v2;
	v3 =	vunpack.c.0.s8.s32 v3;
	v4 =	vunpack.c.0.s8.s32 v4;
	s21 =	simm.s32 $0x16900;
	s10 =	sshrl.u32 s17, $0x3;
	[dreg:$0x1c] =	wrdreg s25  }
0x1e: {  	v5 =	vunpack.c.0.s8.s32 v5;
	v1 =	vunpack.c.0.s8.s32 v1;
	v6 =	vunpack.c.0.s8.s32 v6;
	s26 =	sadd.s32 $0x1400, s24;
	s13 =	simm.s32 $0x5;
	s14 =	simm.s32 $0x1BA80  }
0x1f: {  	v7 =	vunpack.c.0.s8.s32 v7;
	v8 =	vunpack.c.0.s8.s32 v0;
	v0 =	vimm.f32 $0.0e+00;
	s15 =	simm.s32 $0x16800;
	s16 =	simm.s32 $0x16880;
	s18 =	simm.s32 $0x28  }
0x20: {  	v2 =	vcombine.low v3, v2;
	v3 =	vcombine.low v5, v4;
	v1 =	vand.u32 $0xF, v1;
	s22 =	simm.s32 $0x16980;
	s23 =	simm.s32 $0x19280;
	[dreg:$0x10] =	wrdreg s24  }
0x21: {  	v4 =	vcombine.low v7, v6;
	v5 =	vimm.s32 $0x0;
	v6 =	vimm.s32 $0x1;
	s25 =	simm.s32 $0x1;
	s11 =	sadd.s32 s8, s10;
	[dreg:$0x1d] =	wrdreg s26  }
0x22: {  	v7 =	vimm.s32 $0x2;
	v1 =	vcombine.low v1, v8;
	v8 =	vimm.s32 $0x3;
	s12 =	sadd.s32 s9, s10;
	s26 =	simm.s32 $0x2;
	[dreg:$0x11] =	wrdreg s11  }
0x23: {  	v2 =	vand.u32 $0xF, v2;
	v3 =	vand.u32 $0xF, v3;
	v4 =	vand.u32 $0xF, v4;
	[dreg:$0x12] =	wrdreg s12;
	s11 =	sadd.s32 $0x28, s17;
	s12 =	simm.s32 $0x16A80  }
.LBB2_1:
0x24: {  	[dreg:$0x6] =	wrdreg s19;
	s1 =	simm.s32 $0x0;
	s2 =	simm.s32 $0x200  }
.LBB2_2:
0x25: {  	p0 =	sne.s32 s2, $0x4E00;
	[tilespmem:s1+$0x1BAF0] =	vst v0  }
0x26: {  	[tilespmem:s1+$0x16A80] =	vst v0  }
0x27: {  	[tilespmem:s1+$0x1BA80] =	vst v0  }
0x28: {  	[tilespmem:s1+$0x16A90] =	vst v0  }
0x29: {  	[tilespmem:s1+$0x1BA90] =	vst v0  }
0x2a: {  	[tilespmem:s1+$0x16AA0] =	vst v0  }
0x2b: {  	[tilespmem:s1+$0x1BAA0] =	vst v0  }
0x2c: {  	[tilespmem:s1+$0x16AB0] =	vst v0  }
0x2d: {  	[tilespmem:s1+$0x1BAB0] =	vst v0  }
0x2e: {  	[tilespmem:s1+$0x16AC0] =	vst v0  }
0x2f: {  	[tilespmem:s1+$0x1BAC0] =	vst v0  }
.Ltmp0:
0x30: {  	[tilespmem:s1+$0x16AD0] =	vst v0;
	(pc) =	sbr.rel @p0 .LBB2_2-.Ltmp0, $4  }
0x31: {  	[tilespmem:s1+$0x1BAD0] =	vst v0  }
0x32: {  	[tilespmem:s1+$0x16AE0] =	vst v0  }
0x33: {  	[tilespmem:s1+$0x1BAE0] =	vst v0  }
0x34: {  	[tilespmem:s1+$0x16AF0] =	vst v0;
	s1 =	sshra.s32 s2, $0x2;
	s2 =	sadd.s32 $0x200, s2  }
0x35: {  	[tilespmem:s1+$0x1BAF0] =	vst v0  }
0x36: {  	[tilespmem:s1+$0x16A80] =	vst v0  }
0x37: {  	[tilespmem:s1+$0x1BA80] =	vst v0  }
0x38: {  	[tilespmem:s1+$0x16A90] =	vst v0  }
0x39: {  	[tilespmem:s1+$0x1BA90] =	vst v0  }
0x3a: {  	[tilespmem:s1+$0x16AA0] =	vst v0  }
0x3b: {  	[tilespmem:s1+$0x1BAA0] =	vst v0  }
0x3c: {  	[tilespmem:s1+$0x16AB0] =	vst v0  }
0x3d: {  	[tilespmem:s1+$0x1BAB0] =	vst v0  }
0x3e: {  	[tilespmem:s1+$0x16AC0] =	vst v0  }
0x3f: {  	[tilespmem:s1+$0x1BAC0] =	vst v0  }
0x40: {  	[tilespmem:s1+$0x16AD0] =	vst v0  }
0x41: {  	[tilespmem:s1+$0x1BAD0] =	vst v0  }
0x42: {  	[tilespmem:s1+$0x16AE0] =	vst v0  }
0x43: {  	[tilespmem:s1+$0x1BAE0] =	vst v0  }
0x44: {  	[tilespmem:s1+$0x16AF0] =	vst v0  }
0x45: {  	[spmem:s20] =	stream.linear.scatter [tilespmem:s12], [sflag:$0x5], $0x1400, $0x38;
	[tilespmem:$0x1D280] =	vst v63  }
0x46: {  	_ =	swait.ge [sflag:s13], $0x1400  }
0x47: {  	[sflag:s13] =	ssyncset.done $0x0  }
0x48: {  	s20 =	rddreg [dreg:$0x8];
	[sflag:s13] =	ssyncadd.s32 $0xFFFFEC00  }
0x49: {  	[spmem:s20] =	stream.linear.scatter [tilespmem:s12], [sflag:$0x5], $0x1400, $0x38;
	[tilespmem:$0x1D280] =	vst v63  }
0x4a: {  	_ =	swait.ge [sflag:s13], $0x1400  }
0x4b: {  	[sflag:s13] =	ssyncset.done $0x0  }
0x4c: {  	s2 =	rddreg [dreg:$0x9];
	[sflag:s13] =	ssyncadd.s32 $0xFFFFEC00  }
0x4d: {  	[spmem:s2] =	stream.linear.scatter [tilespmem:s12], [sflag:$0x5], $0x1400, $0x38;
	[tilespmem:$0x1D280] =	vst v63  }
0x4e: {  	_ =	swait.ge [sflag:s13], $0x1400  }
0x4f: {  	[sflag:s13] =	ssyncset.done $0x0  }
0x50: {  	s3 =	rddreg [dreg:$0xa];
	[sflag:s13] =	ssyncadd.s32 $0xFFFFEC00  }
0x51: {  	[spmem:s3] =	stream.linear.scatter [tilespmem:s12], [sflag:$0x5], $0x1400, $0x38;
	[tilespmem:$0x1D280] =	vst v63  }
0x52: {  	_ =	swait.ge [sflag:s13], $0x1400  }
0x53: {  	[sflag:s13] =	ssyncset.done $0x0  }
0x54: {  	s6 =	rddreg [dreg:$0xb];
	[sflag:s13] =	ssyncadd.s32 $0xFFFFEC00  }
0x55: {  	[spmem:s6] =	stream.linear.scatter [tilespmem:s12], [sflag:$0x5], $0x1400, $0x38;
	[tilespmem:$0x1D280] =	vst v63  }
0x56: {  	_ =	swait.ge [sflag:s13], $0x1400  }
0x57: {  	[sflag:s13] =	ssyncset.done $0x0  }
0x58: {  	s10 =	rddreg [dreg:$0xc];
	[sflag:s13] =	ssyncadd.s32 $0xFFFFEC00  }
0x59: {  	[spmem:s10] =	stream.linear.scatter [tilespmem:s12], [sflag:$0x5], $0x1400, $0x38;
	[tilespmem:$0x1D280] =	vst v63  }
0x5a: {  	_ =	swait.ge [sflag:s13], $0x1400  }
0x5b: {  	[sflag:s13] =	ssyncset.done $0x0  }
0x5c: {  	s19 =	rddreg [dreg:$0xd];
	[sflag:s13] =	ssyncadd.s32 $0xFFFFEC00  }
0x5d: {  	[spmem:s19] =	stream.linear.scatter [tilespmem:s12], [sflag:$0x5], $0x1400, $0x38;
	[tilespmem:$0x1D280] =	vst v63  }
0x5e: {  	_ =	swait.ge [sflag:s13], $0x1400  }
0x5f: {  	[sflag:s13] =	ssyncset.done $0x0  }
0x60: {  	s20 =	rddreg [dreg:$0xe];
	[sflag:s13] =	ssyncadd.s32 $0xFFFFEC00  }
0x61: {  	[spmem:s20] =	stream.linear.scatter [tilespmem:s12], [sflag:$0x5], $0x1400, $0x38;
	[tilespmem:$0x1D280] =	vst v63  }
0x62: {  	_ =	swait.ge [sflag:s13], $0x1400  }
0x63: {  	[sflag:s13] =	ssyncset.done $0x0  }
0x64: {  	s2 =	rddreg [dreg:$0xf];
	[sflag:s13] =	ssyncadd.s32 $0xFFFFEC00  }
0x65: {  	[spmem:s2] =	stream.linear.scatter [tilespmem:s12], [sflag:$0x5], $0x1400, $0x38;
	[tilespmem:$0x1D280] =	vst v63  }
0x66: {  	_ =	swait.ge [sflag:s13], $0x1400  }
0x67: {  	[sflag:s13] =	ssyncset.done $0x0  }
0x68: {  	s3 =	rddreg [dreg:$0x16];
	[sflag:s13] =	ssyncadd.s32 $0xFFFFEC00  }
0x69: {  	[spmem:s3] =	stream.linear.scatter [tilespmem:s12], [sflag:$0x5], $0x1400, $0x38;
	[tilespmem:$0x1D280] =	vst v63  }
0x6a: {  	_ =	swait.ge [sflag:s13], $0x1400  }
0x6b: {  	[sflag:s13] =	ssyncset.done $0x0  }
0x6c: {  	s6 =	rddreg [dreg:$0x17];
	[sflag:s13] =	ssyncadd.s32 $0xFFFFEC00  }
0x6d: {  	[spmem:s6] =	stream.linear.scatter [tilespmem:s12], [sflag:$0x5], $0x1400, $0x38;
	[tilespmem:$0x1D280] =	vst v63  }
0x6e: {  	_ =	swait.ge [sflag:s13], $0x1400  }
0x6f: {  	[sflag:s13] =	ssyncset.done $0x0  }
0x70: {  	s10 =	rddreg [dreg:$0x18];
	[sflag:s13] =	ssyncadd.s32 $0xFFFFEC00  }
0x71: {  	[spmem:s10] =	stream.linear.scatter [tilespmem:s12], [sflag:$0x5], $0x1400, $0x38;
	[tilespmem:$0x1D280] =	vst v63  }
0x72: {  	_ =	swait.ge [sflag:s13], $0x1400  }
0x73: {  	[sflag:s13] =	ssyncset.done $0x0  }
0x74: {  	s19 =	rddreg [dreg:$0x19];
	[sflag:s13] =	ssyncadd.s32 $0xFFFFEC00  }
0x75: {  	[spmem:s19] =	stream.linear.scatter [tilespmem:s12], [sflag:$0x5], $0x1400, $0x38;
	[tilespmem:$0x1D280] =	vst v63  }
0x76: {  	_ =	swait.ge [sflag:s13], $0x1400  }
0x77: {  	[sflag:s13] =	ssyncset.done $0x0  }
0x78: {  	s20 =	rddreg [dreg:$0x1a];
	[sflag:s13] =	ssyncadd.s32 $0xFFFFEC00  }
0x79: {  	[spmem:s20] =	stream.linear.scatter [tilespmem:s12], [sflag:$0x5], $0x1400, $0x38;
	[tilespmem:$0x1D280] =	vst v63  }
0x7a: {  	_ =	swait.ge [sflag:s13], $0x1400  }
0x7b: {  	[sflag:s13] =	ssyncset.done $0x0  }
0x7c: {  	s2 =	rddreg [dreg:$0x1b];
	[sflag:s13] =	ssyncadd.s32 $0xFFFFEC00  }
0x7d: {  	[spmem:s2] =	stream.linear.scatter [tilespmem:s12], [sflag:$0x5], $0x1400, $0x38;
	[tilespmem:$0x1D280] =	vst v63  }
0x7e: {  	_ =	swait.ge [sflag:s13], $0x1400  }
0x7f: {  	[sflag:s13] =	ssyncset.done $0x0  }
0x80: {  	s3 =	rddreg [dreg:$0x1c];
	[sflag:s13] =	ssyncadd.s32 $0xFFFFEC00  }
0x81: {  	[spmem:s3] =	stream.linear.scatter [tilespmem:s12], [sflag:$0x5], $0x1400, $0x38;
	[tilespmem:$0x1D280] =	vst v63  }
0x82: {  	_ =	swait.ge [sflag:s13], $0x1400  }
0x83: {  	[sflag:s13] =	ssyncset.done $0x0  }
0x84: {  	[sflag:s13] =	ssyncadd.s32 $0xFFFFEC00  }
0x85: {  	[spmem:s24] =	stream.linear.scatter [tilespmem:s14], [sflag:$0x5], $0x1400, $0x38;
	[tilespmem:$0x1D280] =	vst v63  }
0x86: {  	_ =	swait.ge [sflag:s13], $0x1400  }
0x87: {  	[sflag:s13] =	ssyncset.done $0x0  }
0x88: {  	s6 =	rddreg [dreg:$0x1d];
	[sflag:s13] =	ssyncadd.s32 $0xFFFFEC00  }
0x89: {  	[spmem:s6] =	stream.linear.scatter [tilespmem:s14], [sflag:$0x5], $0x1400, $0x38;
	[tilespmem:$0x1D280] =	vst v63  }
0x8a: {  	_ =	swait.ge [sflag:s13], $0x1400  }
0x8b: {  	[sflag:s13] =	ssyncset.done $0x0  }
0x8c: {  	[sflag:s13] =	ssyncadd.s32 $0xFFFFEC00  }
0x8d: {  	s2 =	simm.s32 $0x1CE80;
	s10 =	rddreg [dreg:$0x2]  }
0x8e: {  	[tilespmem:s2], [sflag:$0x5] =	stream.linear.gather [hbm4b:s10+s31], $0x400, $0x38;
	[tilespmem:$0x1D280] =	vst v63  }
0x8f: {  	_ =	swait.ge [sflag:s13], $0x400  }
0x90: {  	[sflag:s13] =	ssyncset.done $0x0  }
0x91: {  	[sflag:s13] =	ssyncadd.s32 $0xFFFFFC00  }
0x92: {  	[bflag:$0x0] =	sbarrier.arrive $0xFFFF  }
0x93: {  	v13 =	vld [tilespmem:$0x1CE80]  }
0x94: {  	v14 =	vld [tilespmem:$0x1CF00]  }
0x95: {  	v15 =	vld [tilespmem:$0x1CF80]  }
0x96: {  	v16 =	vld [tilespmem:$0x1D000]  }
0x97: {  	v17 =	vld [tilespmem:$0x1D080]  }
0x98: {  	v18 =	vld [tilespmem:$0x1D100]  }
0x99: {  	v19 =	vld [tilespmem:$0x1D180];
	s19 =	rddreg [dreg:$0x11]  }
0x9a: {  	v20 =	vld [tilespmem:$0x1D200];
	[tilespmem:s15], [sflag:$0x5] =	stream.linear.gather [hbm4b:s19+s31], $0x28, $0x38  }
0x9b: {  	_ =	swait.ge [sflag:s13], $0x28  }
0x9c: {  	[sflag:s13] =	ssyncset.done $0x0  }
0x9d: {  	s20 =	rddreg [dreg:$0x12];
	[sflag:s13] =	ssyncadd.s32 $0xFFFFFFD8  }
0x9e: {  	[tilespmem:s16], [sflag:$0x5] =	stream.linear.gather [hbm4b:s20+s31], $0x28, $0x38;
	[tilespmem:$0x1D280] =	vst v63  }
0x9f: {  	_ =	swait.ge [sflag:s13], $0x28  }
0xa0: {  	[sflag:s13] =	ssyncset.done $0x0  }
0xa1: {  	[sflag:s13] =	ssyncadd.s32 $0xFFFFFFD8  }
0xa2: {  	[tilespmem:s12], [sflag:$0x1] =	stream.indirect.gather [hbm4b:s0+s18], $0x80, s15, s18, $0xb8;
	[tilespmem:$0x1D280] =	vst v63  }
0xa3: {  	s24 =	simm.s32 $0x17E80;
	s2 =	simm.s32 $0x0  }
0xa4: {  	[tilespmem:s24], [sflag:$0x2] =	stream.indirect.gather [hbm4b:s7+s18], $0x80, s16, s18, $0xb8;
	[tilespmem:$0x1D280] =	vst v63  }
.LBB2_4:
0xa5: {  	s1 =	smul.u32 $0x50, s2;
	_ =	sdelay $0x1  }
0xa6: {  	s3 =	sadd.s32 s1, s11  }
0xa7: {  	s3 =	sshrl.u32 s3, $0x3  }
0xa8: {  	s6 =	sadd.s32 s8, s3  }
0xa9: {  	[tilespmem:s21], [sflag:$0x5] =	stream.linear.gather [hbm4b:s6+s31], $0x28, $0x38;
	[tilespmem:$0x1D280] =	vst v63  }
0xaa: {  	_ =	swait.ge [sflag:s13], $0x28  }
0xab: {  	[sflag:s13] =	ssyncset.done $0x0  }
0xac: {  	s3 =	sadd.s32 s9, s3;
	[sflag:s13] =	ssyncadd.s32 $0xFFFFFFD8  }
0xad: {  	[tilespmem:s22], [sflag:$0x5] =	stream.linear.gather [hbm4b:s3+s31], $0x28, $0x38;
	[tilespmem:$0x1D280] =	vst v63  }
0xae: {  	_ =	swait.ge [sflag:s13], $0x28  }
0xaf: {  	[sflag:s13] =	ssyncset.done $0x0  }
0xb0: {  	[sflag:s13] =	ssyncadd.s32 $0xFFFFFFD8  }
0xb1: {  	[tilespmem:s23], [sflag:$0x3] =	stream.indirect.gather [hbm4b:s0+s18], $0x80, s21, s18, $0xb8;
	[tilespmem:$0x1D280] =	vst v63  }
0xb2: {  	s24 =	simm.s32 $0x1A680  }
0xb3: {  	[tilespmem:s24], [sflag:$0x4] =	stream.indirect.gather [hbm4b:s7+s18], $0x80, s22, s18, $0xb8;
	[tilespmem:$0x1D280] =	vst v63  }
0xb4: {  	_ =	swait.ge [sflag:s25], $0x1400  }
0xb5: {  	[sflag:s25] =	ssyncset.done $0x0  }
0xb6: {  	[sflag:s25] =	ssyncadd.s32 $0xFFFFEC00  }
0xb7: {  	_ =	swait.ge [sflag:s26], $0x1400  }
0xb8: {  	[sflag:s26] =	ssyncset.done $0x0  }
0xb9: {  	[sflag:s26] =	ssyncadd.s32 $0xFFFFEC00  }
0xba: {  	v21 =	vld [tilespmem:$0x16880]  }
0xbb: {  	v22 =	vld [tilespmem:$0x16890]  }
0xbc: {  	v23 =	vld [tilespmem:$0x16898];
	_ =	sdelay $0x2  }
0xbd: {  	v21 =	vshra.s32 v21, $0x3  }
0xbe: {  	[tilespmem:$0x16A00] =	vst v21;
	v21 =	vshra.s32 v22, $0x3  }
0xbf: {  	s20 =	simm.s32 $0x17F00;
	[tilespmem:$0x16A10] =	vst v21;
	v21 =	vshra.s32 v23, $0x3  }
0xc0: {  	s10 =	simm.s32 $0x1BB00;
	s6 =	simm.s32 $0x0;
	s3 =	simm.s32 $0x16B00;
	[tilespmem:$0x16A18] =	vst v21  }
.LBB2_5:
0xc1: {  	v21 =	vld [tilespmem:s3+$0xFFFFFF80]  }
0xc2: {  	v23 =	vld [tilespmem:s20+$0xFFFFFF80]  }
0xc3: {  	v22 =	vld [tilespmem:s3+$0xFFFFFF90]  }
0xc4: {  	v24 =	vld [tilespmem:s20+$0xFFFFFF90];
	_ =	sdelay $0x2  }
0xc5: {  	v23 =	vadd.f32 v23, v21;
	_ =	sdelay $0x1  }
0xc6: {  	v27 =	vld [tilespmem:s20+$0xFFFFFFA0];
	v24 =	vadd.f32 v24, v22;
	v25 =	vmul.f32 $2.000000030e-01, v23  }
0xc7: {  	v30 =	vld [tilespmem:s3+$0xFFFFFFC0];
	vm9 =	vgt.f32 v23, $0.0e+00  }
0xc8: {  	v31 =	vld [tilespmem:s20+$0xFFFFFFC0];
	v43 =	vmul.f32 $2.000000030e-01, v24;
	v23 =	vsel vm9, v23, v25  }
0xc9: {  	vm9 =	vgt.f32 v24, $0.0e+00;
	v25 =	vld [tilespmem:s3+$0xFFFFFFA0];
	v23 =	vmul.f32 v23, v13  }
0xca: {  	v32 =	vld [tilespmem:s3+$0xFFFFFFD0];
	v24 =	vsel vm9, v24, v43  }
0xcb: {  	v34 =	vld [tilespmem:s20+$0xFFFFFFD0];
	v24 =	vmul.f32 v24, v14;
	v44 =	vperm.xlane v23, v1  }
0xcc: {  	v28 =	vld [tilespmem:s3+$0xFFFFFFB0]  }
0xcd: {  	v47 =	vld [tilespmem:s20+$0xFFFFFFB0];
	v45 =	vperm.xlane v24, v1;
	v23 =	vadd.f32 v23, v44  }
0xce: {  	v27 =	vadd.f32 v27, v25  }
0xcf: {  	v24 =	vadd.f32 v24, v45;
	v26 =	vperm.xlane v23, v2  }
0xd0: {  	v35 =	vld [tilespmem:s3+$0xFFFFFFE0];
	v31 =	vadd.f32 v31, v30;
	v34 =	vadd.f32 v34, v32;
	v49 =	vmul.f32 $2.000000030e-01, v27  }
0xd1: {  	v51 =	vld [tilespmem:s20+$0xFFFFFFE0];
	vm9 =	vgt.f32 v27, $0.0e+00;
	v46 =	vperm.xlane v24, v2;
	v23 =	vadd.f32 v23, v26  }
0xd2: {  	v55 =	vmul.f32 $2.000000030e-01, v31;
	v26 =	vadd.f32 v47, v28;
	v27 =	vsel vm9, v27, v49  }
0xd3: {  	v24 =	vadd.f32 v24, v46;
	v27 =	vmul.f32 v27, v15;
	v29 =	vperm.xlane v23, v3  }
0xd4: {  	v37 =	vld [tilespmem:s3+$0xFFFFFFF0];
	v57 =	vmul.f32 $2.000000030e-01, v34;
	v36 =	vmul.f32 $2.000000030e-01, v26;
	vm9 =	vgt.f32 v26, $0.0e+00  }
0xd5: {  	v52 =	vld [tilespmem:s20+$0xFFFFFFF0];
	v48 =	vperm.xlane v24, v3;
	v38 =	vperm.xlane v27, v1;
	v23 =	vadd.f32 v23, v29  }
0xd6: {  	v26 =	vsel vm9, v26, v36;
	vm9 =	vgt.f32 v31, $0.0e+00;
	v29 =	vadd.f32 v51, v35  }
0xd7: {  	v24 =	vadd.f32 v24, v48;
	v53 =	vmul.f32 v26, v16;
	v54 =	vadd.f32 v27, v38  }
0xd8: {  	v27 =	vsel vm9, v31, v55;
	vm9 =	vgt.f32 v34, $0.0e+00;
	v33 =	vperm.xlane v23, v4  }
0xd9: {  	v27 =	vmul.f32 v27, v17;
	v58 =	vmul.f32 $2.000000030e-01, v29;
	v31 =	vsel vm9, v34, v57  }
0xda: {  	v50 =	vperm.xlane v24, v4;
	v23 =	vadd.f32 v23, v33;
	v33 =	vadd.f32 v52, v37  }
0xdb: {  	vm9 =	vgt.f32 v29, $0.0e+00;
	v56 =	vperm.xlane v53, v1;
	v31 =	vmul.f32 v31, v18  }
0xdc: {  	v29 =	vsel vm9, v29, v58;
	v60 =	vperm.xlane v27, v1;
	v59 =	vmul.f32 $2.000000030e-01, v33  }
0xdd: {  	v24 =	vadd.f32 v24, v50;
	v29 =	vmul.f32 v29, v19;
	vm9 =	vgt.f32 v33, $0.0e+00  }
0xde: {  	v61 =	vperm.xlane v31, v1;
	v23 =	vnsel vm0, $0x0, v23;
	v33 =	vsel vm9, v33, v59  }
0xdf: {  	v23 =	vsel vm1, v23, v24;
	v24 =	vadd.f32 v53, v56;
	v33 =	vmul.f32 v33, v20  }
0xe0: {  	v62 =	vperm.xlane v54, v2;
	v27 =	vadd.f32 v27, v60;
	v63 =	vperm.xlane v29, v1  }
0xe1: {  	v31 =	vadd.f32 v31, v61;
	v39 =	vperm.xlane v24, v2;
	v40 =	vperm.xlane v33, v1  }
0xe2: {  	v26 =	vadd.f32 v54, v62;
	v41 =	vperm.xlane v27, v2;
	v29 =	vadd.f32 v29, v63  }
0xe3: {  	v42 =	vperm.xlane v31, v2;
	v24 =	vadd.f32 v24, v39;
	v33 =	vadd.f32 v33, v40  }
0xe4: {  	v43 =	vperm.xlane v26, v3;
	v27 =	vadd.f32 v27, v41;
	v44 =	vperm.xlane v29, v2  }
0xe5: {  	v31 =	vadd.f32 v31, v42;
	v39 =	vperm.xlane v24, v3;
	v45 =	vperm.xlane v33, v2  }
0xe6: {  	v26 =	vadd.f32 v26, v43;
	v46 =	vperm.xlane v27, v3;
	v29 =	vadd.f32 v29, v44  }
0xe7: {  	v47 =	vperm.xlane v31, v3;
	v24 =	vadd.f32 v24, v39;
	v33 =	vadd.f32 v33, v45  }
0xe8: {  	v48 =	vperm.xlane v26, v4;
	v27 =	vadd.f32 v27, v46;
	v49 =	vperm.xlane v29, v3  }
0xe9: {  	v31 =	vadd.f32 v31, v47;
	v39 =	vperm.xlane v24, v4;
	v50 =	vperm.xlane v33, v3  }
0xea: {  	v26 =	vadd.f32 v26, v48;
	v51 =	vperm.xlane v27, v4;
	v29 =	vadd.f32 v29, v49  }
0xeb: {  	v52 =	vperm.xlane v31, v4;
	v24 =	vadd.f32 v24, v39;
	v33 =	vadd.f32 v33, v50  }
0xec: {  	v23 =	vsel vm2, v23, v26;
	v53 =	vadd.f32 v27, v51;
	v54 =	vperm.xlane v29, v4  }
0xed: {  	v55 =	vadd.f32 v31, v52;
	v23 =	vsel vm3, v23, v24;
	v56 =	vperm.xlane v33, v4  }
0xee: {  	v57 =	vadd.f32 v29, v54;
	v23 =	vsel vm4, v23, v53  }
0xef: {  	v23 =	vsel vm5, v23, v55;
	v58 =	vadd.f32 v33, v56  }
0xf0: {  	v23 =	vsel vm6, v23, v57  }
0xf1: {  	v23 =	vsel vm7, v23, v58  }
0xf2: {  	v23 =	vmul.f32 $1.442695020e+00, v23;
	_ =	sdelay $0x1  }
0xf3: {  	(erf) = vpow2.f32 v23;
	_ =	sdelay $0x8  }
0xf4: {  	v23 =	vpop (erf)  }
0xf5: {  	v23 =	vnsel vm8, $0x0, v23  }
0xf6: {  	v59 =	vperm.xlane v23, v5  }
0xf7: {  	v60 =	vperm.xlane v23, v6  }
0xf8: {  	v61 =	vperm.xlane v23, v7;
	v21 =	vmul.f32 v59, v21  }
0xf9: {  	v62 =	vperm.xlane v23, v8;
	v22 =	vmul.f32 v60, v22  }
0xfa: {  	v63 =	vperm.xlane v23, v9;
	[tilespmem:s3+$0xFFFFFF80] =	vst v21;
	v21 =	vmul.f32 v61, v25  }
0xfb: {  	[tilespmem:s3+$0xFFFFFF90] =	vst v22;
	v22 =	vmul.f32 v62, v28;
	v28 =	vperm.xlane v23, v10  }
0xfc: {  	v29 =	vperm.xlane v23, v11;
	[tilespmem:s3+$0xFFFFFFA0] =	vst v21;
	v21 =	vmul.f32 v63, v30  }
0xfd: {  	[tilespmem:s3+$0xFFFFFFB0] =	vst v22;
	v22 =	vmul.f32 v28, v32;
	v30 =	vperm.xlane v23, v12  }
0xfe: {  	[tilespmem:s3+$0xFFFFFFC0] =	vst v21;
	v21 =	vmul.f32 v29, v35  }
0xff: {  	[tilespmem:s3+$0xFFFFFFD0] =	vst v22;
	v22 =	vmul.f32 v30, v37  }
0x100: {  	s19 =	sand.u32 $0x30, s6;
	[tilespmem:s3+$0xFFFFFFE0] =	vst v21  }
0x101: {  	s24 =	smin.u32 s19, $0x18;
	[tilespmem:s3+$0xFFFFFFF0] =	vst v22  }
0x102: {  	v21 =	vld [tilespmem:s24+$0x16880]  }
0x103: {  	s19 =	sand.u32 $0xFFFFFFF0, s6  }
0x104: {  	s19 =	smin.u32 s19, $0x18  }
0x105: {  	s19 =	ssub.s32 s6, s19  }
0x106: {  	v22 =	vmov s19  }
0x107: {  	v21 =	vperm.xlane v21, v22;
	_ =	sdelay $0x1  }
0x108: {  	v21 =	vand.u32 $0x7, v21  }
0x109: {  	v21 =	vcvt.s32.f32 v21;
	_ =	sdelay $0x1  }
0x10a: {  	v31 =	vadd.f32 $-1.000000000e+00, v21;
	v32 =	vadd.f32 $-2.000000000e+00, v21  }
0x10b: {  	v33 =	vadd.f32 $-3.000000000e+00, v21;
	v34 =	vadd.f32 $-4.000000000e+00, v21  }
0x10c: {  	v22 =	vmul.f32 v21, v21;
	v35 =	vadd.f32 $-5.000000000e+00, v21;
	v36 =	vadd.f32 $-6.000000000e+00, v21  }
0x10d: {  	v21 =	vadd.f32 $-7.000000000e+00, v21;
	v24 =	vmul.f32 v31, v31;
	v25 =	vmul.f32 v32, v32  }
0x10e: {  	v22 =	vsub.f32 $1.000000000e+00, v22;
	v26 =	vmul.f32 v33, v33;
	v27 =	vmul.f32 v34, v34  }
0x10f: {  	v28 =	vmul.f32 v35, v35;
	v29 =	vmul.f32 v36, v36;
	v24 =	vsub.f32 $1.000000000e+00, v24  }
0x110: {  	v21 =	vmul.f32 v21, v21;
	v22 =	vmax.f32 v22, $0.0e+00;
	v25 =	vsub.f32 $1.000000000e+00, v25  }
0x111: {  	v39 =	vsub.f32 $1.000000000e+00, v29;
	v22 =	vmul.f32 v22, v23;
	v24 =	vmax.f32 v24, $0.0e+00  }
0x112: {  	v21 =	vsub.f32 $1.000000000e+00, v21;
	v25 =	vmax.f32 v25, $0.0e+00;
	v24 =	vmul.f32 v24, v23  }
0x113: {  	v26 =	vsub.f32 $1.000000000e+00, v26;
	v41 =	vmax.f32 v39, $0.0e+00;
	v25 =	vmul.f32 v25, v23;
	[tilespmem:s10+$0xFFFFFF80] =	vst v22  }
0x114: {  	v27 =	vsub.f32 $1.000000000e+00, v27;
	v21 =	vmax.f32 v21, $0.0e+00;
	v42 =	vmul.f32 v41, v23;
	[tilespmem:s10+$0xFFFFFF90] =	vst v24  }
0x115: {  	v37 =	vsub.f32 $1.000000000e+00, v28;
	v22 =	vmax.f32 v26, $0.0e+00;
	v21 =	vmul.f32 v21, v23;
	[tilespmem:s10+$0xFFFFFFA0] =	vst v25  }
0x116: {  	v38 =	vmax.f32 v27, $0.0e+00;
	v22 =	vmul.f32 v22, v23;
	[tilespmem:s10+$0xFFFFFFE0] =	vst v42  }
0x117: {  	v40 =	vmax.f32 v37, $0.0e+00;
	v24 =	vmul.f32 v38, v23;
	[tilespmem:s10+$0xFFFFFFF0] =	vst v21  }
0x118: {  	[tilespmem:s10+$0xFFFFFFB0] =	vst v22;
	v22 =	vmul.f32 v40, v23  }
0x119: {  	[tilespmem:s10+$0xFFFFFFC0] =	vst v24  }
0x11a: {  	[tilespmem:s10+$0xFFFFFFD0] =	vst v22  }
0x11b: {  	v21 =	vld [tilespmem:s3+$0x0]  }
0x11c: {  	v23 =	vld [tilespmem:s20+$0x0]  }
0x11d: {  	v22 =	vld [tilespmem:s3+$0x10]  }
0x11e: {  	v24 =	vld [tilespmem:s20+$0x10]  }
0x11f: {  	v25 =	vld [tilespmem:s3+$0x20]  }
0x120: {  	v48 =	vld [tilespmem:s20+$0x20]  }
0x121: {  	v28 =	vld [tilespmem:s3+$0x30]  }
0x122: {  	v51 =	vld [tilespmem:s20+$0x30]  }
0x123: {  	v30 =	vld [tilespmem:s3+$0x40]  }
0x124: {  	v53 =	vld [tilespmem:s20+$0x40]  }
0x125: {  	v32 =	vld [tilespmem:s3+$0x50]  }
0x126: {  	v56 =	vld [tilespmem:s20+$0x50];
	v23 =	vadd.f32 v23, v21  }
0x127: {  	v35 =	vld [tilespmem:s3+$0x60];
	v24 =	vadd.f32 v24, v22  }
0x128: {  	v58 =	vld [tilespmem:s20+$0x60];
	v43 =	vmul.f32 $2.000000030e-01, v23  }
0x129: {  	v37 =	vld [tilespmem:s3+$0x70];
	vm9 =	vgt.f32 v23, $0.0e+00;
	v44 =	vmul.f32 $2.000000030e-01, v24  }
0x12a: {  	v60 =	vld [tilespmem:s20+$0x70];
	v23 =	vsel vm9, v23, v43;
	vm9 =	vgt.f32 v24, $0.0e+00  }
0x12b: {  	v23 =	vmul.f32 v23, v13;
	v24 =	vsel vm9, v24, v44  }
0x12c: {  	v27 =	vadd.f32 v48, v25;
	v24 =	vmul.f32 v24, v14  }
0x12d: {  	v26 =	vadd.f32 v51, v28;
	v31 =	vadd.f32 v53, v30;
	v45 =	vperm.xlane v23, v1  }
0x12e: {  	v34 =	vadd.f32 v56, v32;
	v29 =	vadd.f32 v58, v35;
	v46 =	vperm.xlane v24, v1  }
0x12f: {  	v33 =	vadd.f32 v60, v37;
	v55 =	vmul.f32 $2.000000030e-01, v27;
	v23 =	vadd.f32 v23, v45  }
0x130: {  	v59 =	vmul.f32 $2.000000030e-01, v26;
	v41 =	vmul.f32 $2.000000030e-01, v31;
	v24 =	vadd.f32 v24, v46  }
0x131: {  	v43 =	vmul.f32 $2.000000030e-01, v34;
	vm9 =	vgt.f32 v27, $0.0e+00;
	v47 =	vperm.xlane v23, v2  }
0x132: {  	v27 =	vsel vm9, v27, v55;
	vm9 =	vgt.f32 v26, $0.0e+00;
	v49 =	vperm.xlane v24, v2  }
0x133: {  	v27 =	vmul.f32 v27, v15;
	v26 =	vsel vm9, v26, v59;
	v23 =	vadd.f32 v23, v47  }
0x134: {  	v44 =	vmul.f32 $2.000000030e-01, v29;
	v62 =	vmul.f32 v26, v16;
	v24 =	vadd.f32 v24, v49  }
0x135: {  	v61 =	vperm.xlane v27, v1;
	v50 =	vperm.xlane v23, v3  }
0x136: {  	vm9 =	vgt.f32 v31, $0.0e+00;
	v45 =	vmul.f32 $2.000000030e-01, v33;
	v52 =	vperm.xlane v24, v3  }
0x137: {  	v42 =	vperm.xlane v62, v1;
	v63 =	vadd.f32 v27, v61;
	v23 =	vadd.f32 v23, v50  }
0x138: {  	v27 =	vsel vm9, v31, v41;
	vm9 =	vgt.f32 v34, $0.0e+00;
	v24 =	vadd.f32 v24, v52  }
0x139: {  	v27 =	vmul.f32 v27, v17;
	v31 =	vsel vm9, v34, v43;
	v54 =	vperm.xlane v23, v4  }
0x13a: {  	vm9 =	vgt.f32 v29, $0.0e+00;
	v31 =	vmul.f32 v31, v18;
	v57 =	vperm.xlane v24, v4  }
0x13b: {  	v29 =	vsel vm9, v29, v44;
	vm9 =	vgt.f32 v33, $0.0e+00;
	v23 =	vadd.f32 v23, v54  }
0x13c: {  	v46 =	vperm.xlane v27, v1;
	v29 =	vmul.f32 v29, v19;
	v24 =	vadd.f32 v24, v57  }
0x13d: {  	v33 =	vsel vm9, v33, v45;
	v47 =	vperm.xlane v31, v1;
	v23 =	vnsel vm0, $0x0, v23  }
0x13e: {  	v33 =	vmul.f32 v33, v20;
	v23 =	vsel vm1, v23, v24;
	v24 =	vadd.f32 v62, v42  }
0x13f: {  	v48 =	vperm.xlane v63, v2;
	v27 =	vadd.f32 v27, v46;
	v49 =	vperm.xlane v29, v1  }
0x140: {  	v31 =	vadd.f32 v31, v47;
	v51 =	vperm.xlane v33, v1;
	v50 =	vperm.xlane v24, v2  }
0x141: {  	v26 =	vadd.f32 v63, v48;
	v52 =	vperm.xlane v27, v2;
	v29 =	vadd.f32 v29, v49  }
0x142: {  	v53 =	vperm.xlane v31, v2;
	v33 =	vadd.f32 v33, v51;
	v24 =	vadd.f32 v24, v50  }
0x143: {  	v27 =	vadd.f32 v27, v52;
	v55 =	vperm.xlane v29, v2;
	v54 =	vperm.xlane v26, v3  }
0x144: {  	v31 =	vadd.f32 v31, v53;
	v56 =	vperm.xlane v33, v2;
	v39 =	vperm.xlane v24, v3  }
0x145: {  	v57 =	vperm.xlane v27, v3;
	v29 =	vadd.f32 v29, v55;
	v26 =	vadd.f32 v26, v54  }
0x146: {  	v58 =	vperm.xlane v31, v3;
	v33 =	vadd.f32 v33, v56;
	v24 =	vadd.f32 v24, v39  }
0x147: {  	v27 =	vadd.f32 v27, v57;
	v60 =	vperm.xlane v29, v3;
	v59 =	vperm.xlane v26, v4  }
0x148: {  	v31 =	vadd.f32 v31, v58;
	v61 =	vperm.xlane v33, v3;
	v39 =	vperm.xlane v24, v4  }
0x149: {  	v29 =	vadd.f32 v29, v60;
	v62 =	vperm.xlane v27, v4;
	v26 =	vadd.f32 v26, v59  }
0x14a: {  	v33 =	vadd.f32 v33, v61;
	v63 =	vperm.xlane v31, v4;
	v24 =	vadd.f32 v24, v39  }
0x14b: {  	v38 =	vadd.f32 v27, v62;
	v23 =	vsel vm2, v23, v26;
	v39 =	vperm.xlane v29, v4  }
0x14c: {  	v40 =	vadd.f32 v31, v63;
	v41 =	vperm.xlane v33, v4;
	v23 =	vsel vm3, v23, v24  }
0x14d: {  	v42 =	vadd.f32 v29, v39;
	v23 =	vsel vm4, v23, v38  }
0x14e: {  	v43 =	vadd.f32 v33, v41;
	v23 =	vsel vm5, v23, v40  }
0x14f: {  	v23 =	vsel vm6, v23, v42  }
0x150: {  	v23 =	vsel vm7, v23, v43  }
0x151: {  	v23 =	vmul.f32 $1.442695020e+00, v23;
	_ =	sdelay $0x1  }
0x152: {  	(erf) = vpow2.f32 v23;
	_ =	sdelay $0x8  }
0x153: {  	v23 =	vpop (erf)  }
0x154: {  	v23 =	vnsel vm8, $0x0, v23  }
0x155: {  	v44 =	vperm.xlane v23, v5  }
0x156: {  	v45 =	vperm.xlane v23, v6  }
0x157: {  	v46 =	vperm.xlane v23, v7;
	v21 =	vmul.f32 v44, v21  }
0x158: {  	v47 =	vperm.xlane v23, v8;
	v22 =	vmul.f32 v45, v22  }
0x159: {  	v48 =	vperm.xlane v23, v9;
	[tilespmem:s3+$0x0] =	vst v21;
	v21 =	vmul.f32 v46, v25  }
0x15a: {  	v49 =	vperm.xlane v23, v10;
	[tilespmem:s3+$0x10] =	vst v22;
	v22 =	vmul.f32 v47, v28  }
0x15b: {  	v50 =	vperm.xlane v23, v11;
	[tilespmem:s3+$0x20] =	vst v21;
	v21 =	vmul.f32 v48, v30  }
0x15c: {  	v51 =	vperm.xlane v23, v12;
	[tilespmem:s3+$0x30] =	vst v22;
	v22 =	vmul.f32 v49, v32  }
0x15d: {  	[tilespmem:s3+$0x40] =	vst v21;
	v21 =	vmul.f32 v50, v35  }
0x15e: {  	[tilespmem:s3+$0x50] =	vst v22;
	v22 =	vmul.f32 v51, v37  }
0x15f: {  	[tilespmem:s3+$0x60] =	vst v21  }
0x160: {  	[tilespmem:s3+$0x70] =	vst v22  }
0x161: {  	v21 =	vld [tilespmem:s24+$0x16880];
	_ =	sdelay $0x2  }
0x162: {  	s19 =	sadd.s32 $0x1, s19  }
0x163: {  	v22 =	vmov s19  }
0x164: {  	v21 =	vperm.xlane v21, v22;
	_ =	sdelay $0x1  }
0x165: {  	v21 =	vand.u32 $0x7, v21  }
0x166: {  	v21 =	vcvt.s32.f32 v21;
	_ =	sdelay $0x1  }
0x167: {  	v52 =	vadd.f32 $-1.000000000e+00, v21;
	v53 =	vadd.f32 $-2.000000000e+00, v21  }
0x168: {  	v54 =	vadd.f32 $-3.000000000e+00, v21;
	v55 =	vadd.f32 $-4.000000000e+00, v21  }
0x169: {  	v22 =	vmul.f32 v21, v21;
	v56 =	vadd.f32 $-5.000000000e+00, v21;
	v57 =	vadd.f32 $-6.000000000e+00, v21  }
0x16a: {  	v21 =	vadd.f32 $-7.000000000e+00, v21;
	v24 =	vmul.f32 v52, v52;
	v25 =	vmul.f32 v53, v53  }
0x16b: {  	v22 =	vsub.f32 $1.000000000e+00, v22;
	v26 =	vmul.f32 v54, v54;
	v27 =	vmul.f32 v55, v55  }
0x16c: {  	v28 =	vmul.f32 v56, v56;
	v29 =	vmul.f32 v57, v57;
	v24 =	vsub.f32 $1.000000000e+00, v24  }
0x16d: {  	v21 =	vmul.f32 v21, v21;
	v22 =	vmax.f32 v22, $0.0e+00;
	v25 =	vsub.f32 $1.000000000e+00, v25  }
0x16e: {  	v60 =	vsub.f32 $1.000000000e+00, v29;
	v22 =	vmul.f32 v22, v23;
	v24 =	vmax.f32 v24, $0.0e+00  }
0x16f: {  	v21 =	vsub.f32 $1.000000000e+00, v21;
	v25 =	vmax.f32 v25, $0.0e+00;
	v24 =	vmul.f32 v24, v23  }
0x170: {  	v26 =	vsub.f32 $1.000000000e+00, v26;
	v62 =	vmax.f32 v60, $0.0e+00;
	v25 =	vmul.f32 v25, v23;
	[tilespmem:s10+$0x0] =	vst v22  }
0x171: {  	v27 =	vsub.f32 $1.000000000e+00, v27;
	v21 =	vmax.f32 v21, $0.0e+00;
	v63 =	vmul.f32 v62, v23;
	[tilespmem:s10+$0x10] =	vst v24  }
0x172: {  	p0 =	sne.s32 s6, $0x26;
	v58 =	vsub.f32 $1.000000000e+00, v28;
	v22 =	vmax.f32 v26, $0.0e+00;
	v21 =	vmul.f32 v21, v23;
	[tilespmem:s10+$0x20] =	vst v25  }
.Ltmp1:
0x173: {  	v59 =	vmax.f32 v27, $0.0e+00;
	v22 =	vmul.f32 v22, v23;
	[tilespmem:s10+$0x60] =	vst v63;
	(pc) =	sbr.rel @p0 .LBB2_5-.Ltmp1, $4  }
0x174: {  	v61 =	vmax.f32 v58, $0.0e+00;
	v24 =	vmul.f32 v59, v23;
	[tilespmem:s10+$0x70] =	vst v21  }
0x175: {  	[tilespmem:s10+$0x30] =	vst v22;
	v22 =	vmul.f32 v61, v23  }
0x176: {  	s6 =	sadd.s32 $0x2, s6;
	[tilespmem:s10+$0x40] =	vst v24  }
0x177: {  	s20 =	sadd.s32 $0x100, s20;
	s3 =	sadd.s32 $0x100, s3;
	[tilespmem:s10+$0x50] =	vst v22;
	s10 =	sadd.s32 $0x100, s10  }
0x178: {  	[spmem:s4] =	stream.indirect.scatter.add.f32 [tilespmem:s12], [sflag:$0x5], $0x80, s16, s18, $0xb8;
	[tilespmem:$0x1D280] =	vst v63  }
0x179: {  	_ =	swait.ge [sflag:s13], $0x1400  }
0x17a: {  	p0 =	seq.s32 s2, $0x7C;
	s1 =	sadd.s32 $0x50, s1;
	[sflag:s13] =	ssyncset.done $0x0  }
0x17b: {  	s1 =	simm.s32 @p0 $0x0;
	[sflag:s13] =	ssyncadd.s32 $0xFFFFEC00  }
0x17c: {  	[spmem:s5] =	stream.indirect.scatter.add.f32 [tilespmem:s14], [sflag:$0x5], $0x80, s28, s18, $0xb8;
	[tilespmem:$0x1D280] =	vst v63  }
0x17d: {  	s1 =	sadd.s32 s17, s1;
	_ =	swait.ge [sflag:s13], $0x1400  }
0x17e: {  	s3 =	sshrl.u32 s1, $0x3;
	[sflag:s13] =	ssyncset.done $0x0  }
0x17f: {  	s1 =	simm.s32 $0x0;
	s6 =	sadd.s32 s8, s3;
	[sflag:s13] =	ssyncadd.s32 $0xFFFFEC00  }
0x180: {  	[tilespmem:s15], [sflag:$0x5] =	stream.linear.gather [hbm4b:s6+s1], $0x28, $0x38;
	[tilespmem:$0x1D280] =	vst v63  }
0x181: {  	_ =	swait.ge [sflag:s13], $0x28  }
0x182: {  	[sflag:s13] =	ssyncset.done $0x0  }
0x183: {  	s3 =	sadd.s32 s9, s3;
	[sflag:s13] =	ssyncadd.s32 $0xFFFFFFD8  }
0x184: {  	[tilespmem:s16], [sflag:$0x5] =	stream.linear.gather [hbm4b:s3+s1], $0x28, $0x38;
	[tilespmem:$0x1D280] =	vst v63  }
0x185: {  	_ =	swait.ge [sflag:s13], $0x28  }
0x186: {  	[sflag:s13] =	ssyncset.done $0x0  }
0x187: {  	[sflag:s13] =	ssyncadd.s32 $0xFFFFFFD8  }
0x188: {  	[tilespmem:s12], [sflag:$0x1] =	stream.indirect.gather [hbm4b:s0+s18], $0x80, s15, s18, $0xb8;
	[tilespmem:$0x1D280] =	vst v63  }
0x189: {  	s24 =	simm.s32 $0x17E80  }
0x18a: {  	[tilespmem:s24], [sflag:$0x2] =	stream.indirect.gather [hbm4b:s7+s18], $0x80, s16, s18, $0xb8;
	[tilespmem:$0x1D280] =	vst v63  }
0x18b: {  	_ =	swait.ge [sflag:s29], $0x1400  }
0x18c: {  	[sflag:s29] =	ssyncset.done $0x0  }
0x18d: {  	[sflag:s29] =	ssyncadd.s32 $0xFFFFEC00  }
0x18e: {  	_ =	swait.ge [sflag:s30], $0x1400  }
0x18f: {  	[sflag:s30] =	ssyncset.done $0x0  }
0x190: {  	[sflag:s30] =	ssyncadd.s32 $0xFFFFEC00  }
0x191: {  	v21 =	vld [tilespmem:$0x16980]  }
0x192: {  	v22 =	vld [tilespmem:$0x16990]  }
0x193: {  	v23 =	vld [tilespmem:$0x16998];
	_ =	sdelay $0x2  }
0x194: {  	v21 =	vshra.s32 v21, $0x3  }
0x195: {  	[tilespmem:$0x16A00] =	vst v21;
	v21 =	vshra.s32 v22, $0x3  }
0x196: {  	[tilespmem:$0x16A10] =	vst v21;
	v21 =	vshra.s32 v23, $0x3  }
0x197: {  	s10 =	simm.s32 $0x1A700;
	s6 =	simm.s32 $0x1BB00;
	s3 =	simm.s32 $0x19300;
	[tilespmem:$0x16A18] =	vst v21  }
.LBB2_7:
0x198: {  	v21 =	vld [tilespmem:s3+$0xFFFFFF80]  }
0x199: {  	v23 =	vld [tilespmem:s10+$0xFFFFFF80]  }
0x19a: {  	v22 =	vld [tilespmem:s3+$0xFFFFFF90]  }
0x19b: {  	v24 =	vld [tilespmem:s10+$0xFFFFFF90];
	_ =	sdelay $0x2  }
0x19c: {  	v23 =	vadd.f32 v23, v21;
	_ =	sdelay $0x1  }
0x19d: {  	v27 =	vld [tilespmem:s10+$0xFFFFFFA0];
	v24 =	vadd.f32 v24, v22;
	v25 =	vmul.f32 $2.000000030e-01, v23  }
0x19e: {  	v30 =	vld [tilespmem:s3+$0xFFFFFFC0];
	vm9 =	vgt.f32 v23, $0.0e+00  }
0x19f: {  	v31 =	vld [tilespmem:s10+$0xFFFFFFC0];
	v43 =	vmul.f32 $2.000000030e-01, v24;
	v23 =	vsel vm9, v23, v25  }
0x1a0: {  	vm9 =	vgt.f32 v24, $0.0e+00;
	v25 =	vld [tilespmem:s3+$0xFFFFFFA0];
	v23 =	vmul.f32 v23, v13  }
0x1a1: {  	v32 =	vld [tilespmem:s3+$0xFFFFFFD0];
	v24 =	vsel vm9, v24, v43  }
0x1a2: {  	v34 =	vld [tilespmem:s10+$0xFFFFFFD0];
	v24 =	vmul.f32 v24, v14;
	v44 =	vperm.xlane v23, v1  }
0x1a3: {  	v28 =	vld [tilespmem:s3+$0xFFFFFFB0]  }
0x1a4: {  	v47 =	vld [tilespmem:s10+$0xFFFFFFB0];
	v45 =	vperm.xlane v24, v1;
	v23 =	vadd.f32 v23, v44  }
0x1a5: {  	v27 =	vadd.f32 v27, v25  }
0x1a6: {  	v24 =	vadd.f32 v24, v45;
	v26 =	vperm.xlane v23, v2  }
0x1a7: {  	v35 =	vld [tilespmem:s3+$0xFFFFFFE0];
	v31 =	vadd.f32 v31, v30;
	v34 =	vadd.f32 v34, v32;
	v49 =	vmul.f32 $2.000000030e-01, v27  }
0x1a8: {  	v51 =	vld [tilespmem:s10+$0xFFFFFFE0];
	vm9 =	vgt.f32 v27, $0.0e+00;
	v46 =	vperm.xlane v24, v2;
	v23 =	vadd.f32 v23, v26  }
0x1a9: {  	v55 =	vmul.f32 $2.000000030e-01, v31;
	v26 =	vadd.f32 v47, v28;
	v27 =	vsel vm9, v27, v49  }
0x1aa: {  	v24 =	vadd.f32 v24, v46;
	v27 =	vmul.f32 v27, v15;
	v29 =	vperm.xlane v23, v3  }
0x1ab: {  	v37 =	vld [tilespmem:s3+$0xFFFFFFF0];
	v57 =	vmul.f32 $2.000000030e-01, v34;
	v36 =	vmul.f32 $2.000000030e-01, v26;
	vm9 =	vgt.f32 v26, $0.0e+00  }
0x1ac: {  	v52 =	vld [tilespmem:s10+$0xFFFFFFF0];
	v48 =	vperm.xlane v24, v3;
	v38 =	vperm.xlane v27, v1;
	v23 =	vadd.f32 v23, v29  }
0x1ad: {  	v26 =	vsel vm9, v26, v36;
	vm9 =	vgt.f32 v31, $0.0e+00;
	v29 =	vadd.f32 v51, v35  }
0x1ae: {  	v24 =	vadd.f32 v24, v48;
	v53 =	vmul.f32 v26, v16;
	v54 =	vadd.f32 v27, v38  }
0x1af: {  	v27 =	vsel vm9, v31, v55;
	vm9 =	vgt.f32 v34, $0.0e+00;
	v33 =	vperm.xlane v23, v4  }
0x1b0: {  	v27 =	vmul.f32 v27, v17;
	v58 =	vmul.f32 $2.000000030e-01, v29;
	v31 =	vsel vm9, v34, v57  }
0x1b1: {  	v50 =	vperm.xlane v24, v4;
	v23 =	vadd.f32 v23, v33;
	v33 =	vadd.f32 v52, v37  }
0x1b2: {  	vm9 =	vgt.f32 v29, $0.0e+00;
	v56 =	vperm.xlane v53, v1;
	v31 =	vmul.f32 v31, v18  }
0x1b3: {  	v29 =	vsel vm9, v29, v58;
	v60 =	vperm.xlane v27, v1;
	v59 =	vmul.f32 $2.000000030e-01, v33  }
0x1b4: {  	v24 =	vadd.f32 v24, v50;
	v29 =	vmul.f32 v29, v19;
	vm9 =	vgt.f32 v33, $0.0e+00  }
0x1b5: {  	v61 =	vperm.xlane v31, v1;
	v23 =	vnsel vm0, $0x0, v23;
	v33 =	vsel vm9, v33, v59  }
0x1b6: {  	v23 =	vsel vm1, v23, v24;
	v24 =	vadd.f32 v53, v56;
	v33 =	vmul.f32 v33, v20  }
0x1b7: {  	v62 =	vperm.xlane v54, v2;
	v27 =	vadd.f32 v27, v60;
	v63 =	vperm.xlane v29, v1  }
0x1b8: {  	v31 =	vadd.f32 v31, v61;
	v39 =	vperm.xlane v24, v2;
	v40 =	vperm.xlane v33, v1  }
0x1b9: {  	v26 =	vadd.f32 v54, v62;
	v41 =	vperm.xlane v27, v2;
	v29 =	vadd.f32 v29, v63  }
0x1ba: {  	v42 =	vperm.xlane v31, v2;
	v24 =	vadd.f32 v24, v39;
	v33 =	vadd.f32 v33, v40  }
0x1bb: {  	v43 =	vperm.xlane v26, v3;
	v27 =	vadd.f32 v27, v41;
	v44 =	vperm.xlane v29, v2  }
0x1bc: {  	v31 =	vadd.f32 v31, v42;
	v39 =	vperm.xlane v24, v3;
	v45 =	vperm.xlane v33, v2  }
0x1bd: {  	v26 =	vadd.f32 v26, v43;
	v46 =	vperm.xlane v27, v3;
	v29 =	vadd.f32 v29, v44  }
0x1be: {  	v47 =	vperm.xlane v31, v3;
	v24 =	vadd.f32 v24, v39;
	v33 =	vadd.f32 v33, v45  }
0x1bf: {  	v48 =	vperm.xlane v26, v4;
	v27 =	vadd.f32 v27, v46;
	v49 =	vperm.xlane v29, v3  }
0x1c0: {  	v31 =	vadd.f32 v31, v47;
	v39 =	vperm.xlane v24, v4;
	v50 =	vperm.xlane v33, v3  }
0x1c1: {  	v26 =	vadd.f32 v26, v48;
	v51 =	vperm.xlane v27, v4;
	v29 =	vadd.f32 v29, v49  }
0x1c2: {  	v52 =	vperm.xlane v31, v4;
	v24 =	vadd.f32 v24, v39;
	v33 =	vadd.f32 v33, v50  }
0x1c3: {  	v23 =	vsel vm2, v23, v26;
	v53 =	vadd.f32 v27, v51;
	v54 =	vperm.xlane v29, v4  }
0x1c4: {  	v55 =	vadd.f32 v31, v52;
	v23 =	vsel vm3, v23, v24;
	v56 =	vperm.xlane v33, v4  }
0x1c5: {  	v57 =	vadd.f32 v29, v54;
	v23 =	vsel vm4, v23, v53  }
0x1c6: {  	v23 =	vsel vm5, v23, v55;
	v58 =	vadd.f32 v33, v56  }
0x1c7: {  	v23 =	vsel vm6, v23, v57  }
0x1c8: {  	v23 =	vsel vm7, v23, v58  }
0x1c9: {  	v23 =	vmul.f32 $1.442695020e+00, v23;
	_ =	sdelay $0x1  }
0x1ca: {  	(erf) = vpow2.f32 v23;
	_ =	sdelay $0x8  }
0x1cb: {  	v23 =	vpop (erf)  }
0x1cc: {  	v23 =	vnsel vm8, $0x0, v23  }
0x1cd: {  	v59 =	vperm.xlane v23, v5  }
0x1ce: {  	v60 =	vperm.xlane v23, v6  }
0x1cf: {  	v61 =	vperm.xlane v23, v7;
	v21 =	vmul.f32 v59, v21  }
0x1d0: {  	v62 =	vperm.xlane v23, v8;
	v22 =	vmul.f32 v60, v22  }
0x1d1: {  	v63 =	vperm.xlane v23, v9;
	[tilespmem:s3+$0xFFFFFF80] =	vst v21;
	v21 =	vmul.f32 v61, v25  }
0x1d2: {  	[tilespmem:s3+$0xFFFFFF90] =	vst v22;
	v22 =	vmul.f32 v62, v28;
	v28 =	vperm.xlane v23, v10  }
0x1d3: {  	v29 =	vperm.xlane v23, v11;
	[tilespmem:s3+$0xFFFFFFA0] =	vst v21;
	v21 =	vmul.f32 v63, v30  }
0x1d4: {  	[tilespmem:s3+$0xFFFFFFB0] =	vst v22;
	v22 =	vmul.f32 v28, v32;
	v30 =	vperm.xlane v23, v12  }
0x1d5: {  	[tilespmem:s3+$0xFFFFFFC0] =	vst v21;
	v21 =	vmul.f32 v29, v35  }
0x1d6: {  	[tilespmem:s3+$0xFFFFFFD0] =	vst v22;
	v22 =	vmul.f32 v30, v37  }
0x1d7: {  	s19 =	sand.u32 $0x30, s1;
	[tilespmem:s3+$0xFFFFFFE0] =	vst v21  }
0x1d8: {  	s20 =	smin.u32 s19, $0x18;
	[tilespmem:s3+$0xFFFFFFF0] =	vst v22  }
0x1d9: {  	v21 =	vld [tilespmem:s20+$0x16980]  }
0x1da: {  	s24 =	sand.u32 $0xFFFFFFF0, s1  }
0x1db: {  	s19 =	smin.u32 s24, $0x18  }
0x1dc: {  	s19 =	ssub.s32 s1, s19  }
0x1dd: {  	v22 =	vmov s19  }
0x1de: {  	v21 =	vperm.xlane v21, v22;
	_ =	sdelay $0x1  }
0x1df: {  	v21 =	vand.u32 $0x7, v21  }
0x1e0: {  	v21 =	vcvt.s32.f32 v21;
	_ =	sdelay $0x1  }
0x1e1: {  	v31 =	vadd.f32 $-1.000000000e+00, v21;
	v32 =	vadd.f32 $-2.000000000e+00, v21  }
0x1e2: {  	v33 =	vadd.f32 $-3.000000000e+00, v21;
	v34 =	vadd.f32 $-4.000000000e+00, v21  }
0x1e3: {  	v22 =	vmul.f32 v21, v21;
	v35 =	vadd.f32 $-5.000000000e+00, v21;
	v36 =	vadd.f32 $-6.000000000e+00, v21  }
0x1e4: {  	v21 =	vadd.f32 $-7.000000000e+00, v21;
	v24 =	vmul.f32 v31, v31;
	v25 =	vmul.f32 v32, v32  }
0x1e5: {  	v22 =	vsub.f32 $1.000000000e+00, v22;
	v26 =	vmul.f32 v33, v33;
	v27 =	vmul.f32 v34, v34  }
0x1e6: {  	v28 =	vmul.f32 v35, v35;
	v29 =	vmul.f32 v36, v36;
	v24 =	vsub.f32 $1.000000000e+00, v24  }
0x1e7: {  	v21 =	vmul.f32 v21, v21;
	v22 =	vmax.f32 v22, $0.0e+00;
	v25 =	vsub.f32 $1.000000000e+00, v25  }
0x1e8: {  	v39 =	vsub.f32 $1.000000000e+00, v29;
	v22 =	vmul.f32 v22, v23;
	v24 =	vmax.f32 v24, $0.0e+00  }
0x1e9: {  	v21 =	vsub.f32 $1.000000000e+00, v21;
	v25 =	vmax.f32 v25, $0.0e+00;
	v24 =	vmul.f32 v24, v23  }
0x1ea: {  	v26 =	vsub.f32 $1.000000000e+00, v26;
	v41 =	vmax.f32 v39, $0.0e+00;
	v25 =	vmul.f32 v25, v23;
	[tilespmem:s6+$0xFFFFFF80] =	vst v22  }
0x1eb: {  	v27 =	vsub.f32 $1.000000000e+00, v27;
	v21 =	vmax.f32 v21, $0.0e+00;
	v42 =	vmul.f32 v41, v23;
	[tilespmem:s6+$0xFFFFFF90] =	vst v24  }
0x1ec: {  	v37 =	vsub.f32 $1.000000000e+00, v28;
	v22 =	vmax.f32 v26, $0.0e+00;
	v21 =	vmul.f32 v21, v23;
	[tilespmem:s6+$0xFFFFFFA0] =	vst v25  }
0x1ed: {  	v38 =	vmax.f32 v27, $0.0e+00;
	v22 =	vmul.f32 v22, v23;
	[tilespmem:s6+$0xFFFFFFE0] =	vst v42  }
0x1ee: {  	v40 =	vmax.f32 v37, $0.0e+00;
	v24 =	vmul.f32 v38, v23;
	[tilespmem:s6+$0xFFFFFFF0] =	vst v21  }
0x1ef: {  	[tilespmem:s6+$0xFFFFFFB0] =	vst v22;
	v22 =	vmul.f32 v40, v23  }
0x1f0: {  	[tilespmem:s6+$0xFFFFFFC0] =	vst v24  }
0x1f1: {  	[tilespmem:s6+$0xFFFFFFD0] =	vst v22  }
0x1f2: {  	v21 =	vld [tilespmem:s3+$0x0]  }
0x1f3: {  	v23 =	vld [tilespmem:s10+$0x0]  }
0x1f4: {  	v22 =	vld [tilespmem:s3+$0x10]  }
0x1f5: {  	v24 =	vld [tilespmem:s10+$0x10]  }
0x1f6: {  	v25 =	vld [tilespmem:s3+$0x20]  }
0x1f7: {  	v48 =	vld [tilespmem:s10+$0x20]  }
0x1f8: {  	v28 =	vld [tilespmem:s3+$0x30]  }
0x1f9: {  	v51 =	vld [tilespmem:s10+$0x30]  }
0x1fa: {  	v30 =	vld [tilespmem:s3+$0x40]  }
0x1fb: {  	v53 =	vld [tilespmem:s10+$0x40]  }
0x1fc: {  	v32 =	vld [tilespmem:s3+$0x50]  }
0x1fd: {  	v56 =	vld [tilespmem:s10+$0x50];
	v23 =	vadd.f32 v23, v21  }
0x1fe: {  	v35 =	vld [tilespmem:s3+$0x60];
	v24 =	vadd.f32 v24, v22  }
0x1ff: {  	v58 =	vld [tilespmem:s10+$0x60];
	v43 =	vmul.f32 $2.000000030e-01, v23  }
0x200: {  	v37 =	vld [tilespmem:s3+$0x70];
	vm9 =	vgt.f32 v23, $0.0e+00;
	v44 =	vmul.f32 $2.000000030e-01, v24  }
0x201: {  	v60 =	vld [tilespmem:s10+$0x70];
	v23 =	vsel vm9, v23, v43;
	vm9 =	vgt.f32 v24, $0.0e+00  }
0x202: {  	v23 =	vmul.f32 v23, v13;
	v24 =	vsel vm9, v24, v44  }
0x203: {  	v27 =	vadd.f32 v48, v25;
	v24 =	vmul.f32 v24, v14  }
0x204: {  	v26 =	vadd.f32 v51, v28;
	v31 =	vadd.f32 v53, v30;
	v45 =	vperm.xlane v23, v1  }
0x205: {  	v34 =	vadd.f32 v56, v32;
	v29 =	vadd.f32 v58, v35;
	v46 =	vperm.xlane v24, v1  }
0x206: {  	v33 =	vadd.f32 v60, v37;
	v55 =	vmul.f32 $2.000000030e-01, v27;
	v23 =	vadd.f32 v23, v45  }
0x207: {  	v59 =	vmul.f32 $2.000000030e-01, v26;
	v41 =	vmul.f32 $2.000000030e-01, v31;
	v24 =	vadd.f32 v24, v46  }
0x208: {  	v43 =	vmul.f32 $2.000000030e-01, v34;
	vm9 =	vgt.f32 v27, $0.0e+00;
	v47 =	vperm.xlane v23, v2  }
0x209: {  	v27 =	vsel vm9, v27, v55;
	vm9 =	vgt.f32 v26, $0.0e+00;
	v49 =	vperm.xlane v24, v2  }
0x20a: {  	v27 =	vmul.f32 v27, v15;
	v26 =	vsel vm9, v26, v59;
	v23 =	vadd.f32 v23, v47  }
0x20b: {  	v44 =	vmul.f32 $2.000000030e-01, v29;
	v62 =	vmul.f32 v26, v16;
	v24 =	vadd.f32 v24, v49  }
0x20c: {  	v61 =	vperm.xlane v27, v1;
	v50 =	vperm.xlane v23, v3  }
0x20d: {  	vm9 =	vgt.f32 v31, $0.0e+00;
	v45 =	vmul.f32 $2.000000030e-01, v33;
	v52 =	vperm.xlane v24, v3  }
0x20e: {  	v42 =	vperm.xlane v62, v1;
	v63 =	vadd.f32 v27, v61;
	v23 =	vadd.f32 v23, v50  }
0x20f: {  	v27 =	vsel vm9, v31, v41;
	vm9 =	vgt.f32 v34, $0.0e+00;
	v24 =	vadd.f32 v24, v52  }
0x210: {  	v27 =	vmul.f32 v27, v17;
	v31 =	vsel vm9, v34, v43;
	v54 =	vperm.xlane v23, v4  }
0x211: {  	vm9 =	vgt.f32 v29, $0.0e+00;
	v31 =	vmul.f32 v31, v18;
	v57 =	vperm.xlane v24, v4  }
0x212: {  	v29 =	vsel vm9, v29, v44;
	vm9 =	vgt.f32 v33, $0.0e+00;
	v23 =	vadd.f32 v23, v54  }
0x213: {  	v46 =	vperm.xlane v27, v1;
	v29 =	vmul.f32 v29, v19;
	v24 =	vadd.f32 v24, v57  }
0x214: {  	v33 =	vsel vm9, v33, v45;
	v47 =	vperm.xlane v31, v1;
	v23 =	vnsel vm0, $0x0, v23  }
0x215: {  	v33 =	vmul.f32 v33, v20;
	v23 =	vsel vm1, v23, v24;
	v24 =	vadd.f32 v62, v42  }
0x216: {  	v48 =	vperm.xlane v63, v2;
	v27 =	vadd.f32 v27, v46;
	v49 =	vperm.xlane v29, v1  }
0x217: {  	v31 =	vadd.f32 v31, v47;
	v51 =	vperm.xlane v33, v1;
	v50 =	vperm.xlane v24, v2  }
0x218: {  	v26 =	vadd.f32 v63, v48;
	v52 =	vperm.xlane v27, v2;
	v29 =	vadd.f32 v29, v49  }
0x219: {  	v53 =	vperm.xlane v31, v2;
	v33 =	vadd.f32 v33, v51;
	v24 =	vadd.f32 v24, v50  }
0x21a: {  	v27 =	vadd.f32 v27, v52;
	v55 =	vperm.xlane v29, v2;
	v54 =	vperm.xlane v26, v3  }
0x21b: {  	v31 =	vadd.f32 v31, v53;
	v56 =	vperm.xlane v33, v2;
	v39 =	vperm.xlane v24, v3  }
0x21c: {  	v57 =	vperm.xlane v27, v3;
	v29 =	vadd.f32 v29, v55;
	v26 =	vadd.f32 v26, v54  }
0x21d: {  	v58 =	vperm.xlane v31, v3;
	v33 =	vadd.f32 v33, v56;
	v24 =	vadd.f32 v24, v39  }
0x21e: {  	v27 =	vadd.f32 v27, v57;
	v60 =	vperm.xlane v29, v3;
	v59 =	vperm.xlane v26, v4  }
0x21f: {  	v31 =	vadd.f32 v31, v58;
	v61 =	vperm.xlane v33, v3;
	v39 =	vperm.xlane v24, v4  }
0x220: {  	v29 =	vadd.f32 v29, v60;
	v62 =	vperm.xlane v27, v4;
	v26 =	vadd.f32 v26, v59  }
0x221: {  	v33 =	vadd.f32 v33, v61;
	v63 =	vperm.xlane v31, v4;
	v24 =	vadd.f32 v24, v39  }
0x222: {  	v38 =	vadd.f32 v27, v62;
	v23 =	vsel vm2, v23, v26;
	v39 =	vperm.xlane v29, v4  }
0x223: {  	v40 =	vadd.f32 v31, v63;
	v41 =	vperm.xlane v33, v4;
	v23 =	vsel vm3, v23, v24  }
0x224: {  	v42 =	vadd.f32 v29, v39;
	v23 =	vsel vm4, v23, v38  }
0x225: {  	v43 =	vadd.f32 v33, v41;
	v23 =	vsel vm5, v23, v40  }
0x226: {  	v23 =	vsel vm6, v23, v42  }
0x227: {  	v23 =	vsel vm7, v23, v43  }
0x228: {  	v23 =	vmul.f32 $1.442695020e+00, v23;
	_ =	sdelay $0x1  }
0x229: {  	(erf) = vpow2.f32 v23;
	_ =	sdelay $0x8  }
0x22a: {  	v23 =	vpop (erf)  }
0x22b: {  	v23 =	vnsel vm8, $0x0, v23  }
0x22c: {  	v44 =	vperm.xlane v23, v5  }
0x22d: {  	v45 =	vperm.xlane v23, v6  }
0x22e: {  	v46 =	vperm.xlane v23, v7;
	v21 =	vmul.f32 v44, v21  }
0x22f: {  	v47 =	vperm.xlane v23, v8;
	v22 =	vmul.f32 v45, v22  }
0x230: {  	v48 =	vperm.xlane v23, v9;
	[tilespmem:s3+$0x0] =	vst v21;
	v21 =	vmul.f32 v46, v25  }
0x231: {  	v49 =	vperm.xlane v23, v10;
	[tilespmem:s3+$0x10] =	vst v22;
	v22 =	vmul.f32 v47, v28  }
0x232: {  	v50 =	vperm.xlane v23, v11;
	[tilespmem:s3+$0x20] =	vst v21;
	v21 =	vmul.f32 v48, v30  }
0x233: {  	v51 =	vperm.xlane v23, v12;
	[tilespmem:s3+$0x30] =	vst v22;
	v22 =	vmul.f32 v49, v32  }
0x234: {  	[tilespmem:s3+$0x40] =	vst v21;
	v21 =	vmul.f32 v50, v35  }
0x235: {  	[tilespmem:s3+$0x50] =	vst v22;
	v22 =	vmul.f32 v51, v37  }
0x236: {  	[tilespmem:s3+$0x60] =	vst v21  }
0x237: {  	[tilespmem:s3+$0x70] =	vst v22  }
0x238: {  	v21 =	vld [tilespmem:s20+$0x16980];
	_ =	sdelay $0x2  }
0x239: {  	s19 =	sadd.s32 $0x1, s19  }
0x23a: {  	v22 =	vmov s19  }
0x23b: {  	v21 =	vperm.xlane v21, v22;
	_ =	sdelay $0x1  }
0x23c: {  	v21 =	vand.u32 $0x7, v21  }
0x23d: {  	v21 =	vcvt.s32.f32 v21;
	_ =	sdelay $0x1  }
0x23e: {  	v52 =	vadd.f32 $-1.000000000e+00, v21;
	v53 =	vadd.f32 $-2.000000000e+00, v21  }
0x23f: {  	v54 =	vadd.f32 $-3.000000000e+00, v21;
	v55 =	vadd.f32 $-4.000000000e+00, v21  }
0x240: {  	v22 =	vmul.f32 v21, v21;
	v56 =	vadd.f32 $-5.000000000e+00, v21;
	v57 =	vadd.f32 $-6.000000000e+00, v21  }
0x241: {  	v21 =	vadd.f32 $-7.000000000e+00, v21;
	v24 =	vmul.f32 v52, v52;
	v25 =	vmul.f32 v53, v53  }
0x242: {  	v22 =	vsub.f32 $1.000000000e+00, v22;
	v26 =	vmul.f32 v54, v54;
	v27 =	vmul.f32 v55, v55  }
0x243: {  	v28 =	vmul.f32 v56, v56;
	v29 =	vmul.f32 v57, v57;
	v24 =	vsub.f32 $1.000000000e+00, v24  }
0x244: {  	v21 =	vmul.f32 v21, v21;
	v22 =	vmax.f32 v22, $0.0e+00;
	v25 =	vsub.f32 $1.000000000e+00, v25  }
0x245: {  	v60 =	vsub.f32 $1.000000000e+00, v29;
	v22 =	vmul.f32 v22, v23;
	v24 =	vmax.f32 v24, $0.0e+00  }
0x246: {  	v21 =	vsub.f32 $1.000000000e+00, v21;
	v25 =	vmax.f32 v25, $0.0e+00;
	v24 =	vmul.f32 v24, v23  }
0x247: {  	v26 =	vsub.f32 $1.000000000e+00, v26;
	v62 =	vmax.f32 v60, $0.0e+00;
	v25 =	vmul.f32 v25, v23;
	[tilespmem:s6+$0x0] =	vst v22  }
0x248: {  	v27 =	vsub.f32 $1.000000000e+00, v27;
	v21 =	vmax.f32 v21, $0.0e+00;
	v63 =	vmul.f32 v62, v23;
	[tilespmem:s6+$0x10] =	vst v24  }
0x249: {  	p0 =	sne.s32 s1, $0x26;
	v58 =	vsub.f32 $1.000000000e+00, v28;
	v22 =	vmax.f32 v26, $0.0e+00;
	v21 =	vmul.f32 v21, v23;
	[tilespmem:s6+$0x20] =	vst v25  }
.Ltmp2:
0x24a: {  	v59 =	vmax.f32 v27, $0.0e+00;
	v22 =	vmul.f32 v22, v23;
	[tilespmem:s6+$0x60] =	vst v63;
	(pc) =	sbr.rel @p0 .LBB2_7-.Ltmp2, $4  }
0x24b: {  	v61 =	vmax.f32 v58, $0.0e+00;
	v24 =	vmul.f32 v59, v23;
	[tilespmem:s6+$0x70] =	vst v21  }
0x24c: {  	[tilespmem:s6+$0x30] =	vst v22;
	v22 =	vmul.f32 v61, v23  }
0x24d: {  	s1 =	sadd.s32 $0x2, s1;
	[tilespmem:s6+$0x40] =	vst v24  }
0x24e: {  	s10 =	sadd.s32 $0x100, s10;
	s3 =	sadd.s32 $0x100, s3;
	[tilespmem:s6+$0x50] =	vst v22;
	s6 =	sadd.s32 $0x100, s6  }
0x24f: {  	[spmem:s4] =	stream.indirect.scatter.add.f32 [tilespmem:s23], [sflag:$0x5], $0x80, s22, s18, $0xb8;
	[tilespmem:$0x1D280] =	vst v63  }
0x250: {  	s2 =	sadd.s32 $0x1, s2;
	_ =	swait.ge [sflag:s13], $0x1400  }
0x251: {  	p0 =	sne.s32 s2, $0x7D;
	[sflag:s13] =	ssyncset.done $0x0  }
.Ltmp3:
0x252: {  	[sflag:s13] =	ssyncadd.s32 $0xFFFFEC00;
	(pc) =	sbr.rel @p0 .LBB2_4-.Ltmp3, $4  }
0x253: {  	[spmem:s5] =	stream.indirect.scatter.add.f32 [tilespmem:s14], [sflag:$0x5], $0x80, s28, s18, $0xb8;
	[tilespmem:$0x1D280] =	vst v63  }
0x254: {  	_ =	swait.ge [sflag:s13], $0x1400  }
0x255: {  	[sflag:s13] =	ssyncset.done $0x0  }
0x256: {  	[sflag:s13] =	ssyncadd.s32 $0xFFFFEC00  }
0x257: {  	_ =	swait.ge [sflag:s25], $0x1400  }
0x258: {  	[sflag:s25] =	ssyncset.done $0x0  }
0x259: {  	[sflag:s25] =	ssyncadd.s32 $0xFFFFEC00  }
0x25a: {  	_ =	swait.ge [sflag:s26], $0x1400  }
0x25b: {  	[sflag:s26] =	ssyncset.done $0x0  }
0x25c: {  	[sflag:s26] =	ssyncadd.s32 $0xFFFFEC00  }
0x25d: {  	s1 =	stileid.u32;
	[bflag:$0x0] =	sbarrier.arrive $0xFFFF  }
0x25e: {  	s1 =	sshll.u32 s1, $0x6;
	s20 =	rddreg [dreg:$0x7]  }
0x25f: {  	s1 =	sor.u32 $0x1C05, s1;
	s3 =	rddreg [dreg:$0x13];
	s2 =	sshrl.u32 s20, $0x3  }
0x260: {  	[hbm:s3], [sflag:s1] =	dma.local [spmem:s2], $0x2800  }
0x261: {  	_ =	swait.ge [sflag:s13], $0x2800  }
0x262: {  	[sflag:s13] =	ssyncset.done $0x0;
	s24 =	rddreg [dreg:$0x10]  }
0x263: {  	s6 =	rddreg [dreg:$0x14];
	[sflag:s13] =	ssyncadd.s32 $0xFFFFD800;
	s3 =	sshrl.u32 s24, $0x3  }
0x264: {  	[hbm:s6], [sflag:s1] =	dma.local [spmem:s3], $0x500  }
0x265: {  	_ =	swait.ge [sflag:s13], $0x500  }
0x266: {  	s19 =	rddreg [dreg:$0x6]  }
0x267: {  	s10 =	rddreg [dreg:$0x15];
	s19 =	sadd.s32 $0x1, s19  }
0x268: {  	p0 =	sne.s32 s19, s10  }
.Ltmp4:
0x269: {  	_ = 	snop;
	(pc) =	sbr.rel @p0 .LBB2_1-.Ltmp4, $3  }
0x26a: {  	_ =	sdelay $0x1  }
0x26b: {  	[sflag:s13] =	ssyncset.done $0x0  }
0x26c: {  	[sflag:s13] =	ssyncadd.s32 $0xFFFFFB00  }
0x26d: {  	_ =	sfence.sel $0x180000  }
0x26e: {  	[bflag:$0x0] =	sbarrier.arrive $0xFFFF  }
0x26f: {  	_ =	strace $0x90000047  }
0x270: {  	s0 =	stileid.u32;
	[bflag:$0x2] =	sbarrier.arrive $0xFFFF  }
0x271: {  	p0 =	sne.s32 s0, $0x0;
	s0 =	rddreg [dreg:$0x5]  }
0x272: {  	s0 =	sadd.s32 @!p0 $0x100000, s0  }
0x273: {  	[sflag:s0] =	ssyncadd.tile.s32 @!p0 $0x1;
	_ =	shalt  }
.Lfunc_end2:
_tile_overlayer_lowered:
.L_overlay_start_2:
0x274: {  	(tag) =	ssettag $0x2  }
0x275: {  	s0 =	rddreg [dreg:$0x0];
	s2 =	stileid.u32  }
0x276: {  	s1 =	rddreg [dreg:$0x1];
	p0 =	sne.s32 s2, $0x0  }
0x277: {  	s3 =	rddreg [dreg:$0x2];
	[bflag:$0x3] =	sbarrier.arrive $0xFFFF;
	s2 =	simm.s32 @!p0 $0x1C05  }
0x278: {  	[timem:s3], [sflag:s2] =	dma.local @!p0 [hbm:s0], s1  }
0x279: {  	s0 =	simm.s32 @!p0 $0x5  }
0x27a: {  	_ =	swait.ge @!p0 [sflag:s0], s1  }
0x27b: {  	s1 =	ssub.s32 @!p0 $0x0, s1;
	[sflag:s0] =	ssyncset.done @!p0 $0x0  }
0x27c: {  	[sflag:s0] =	ssyncadd.s32 @!p0 s1  }
0x27d: {  	[bflag:$0x3] =	sbarrier.arrive $0xFFFF  }
0x27e: {  	_ =	shalt  }

</sc_bundles>
